<compile_context>
chip_gen: v7x
topology: tpu7x:2x2x1
jax: 0.10.2.dev20260603
libtpu: 0.0.44.dev20260713+nightly
codegen_flags: <defaults>
</compile_context>

<pallas_src>
import functools

import jax
import jax.numpy as jnp
from jax import lax
from jax.experimental import pallas as pl
from jax.experimental.pallas import tpu as pltpu
from jax.experimental.pallas import tpu_sc as plsc

_D = 64
_G = 128
_SCALE = 8.0
_SPLIT = 500224


def _pair_table(table):
    left = table[:_SPLIT]
    right = jnp.pad(table[_SPLIT:], ((0, 2 * _SPLIT - 1000000), (0, 0)))
    return jnp.concatenate([left, right], axis=1)


def _permute16(x, idx):
    dnums = lax.GatherDimensionNumbers(
        offset_dims=(), collapsed_slice_dims=(0,), start_index_map=(0,)
    )
    return lax.gather(
        x,
        idx[:, None],
        dimension_numbers=dnums,
        slice_sizes=(1,),
        mode=lax.GatherScatterMode.PROMISE_IN_BOUNDS,
    )


def _lane_sum16(x):
    i = lax.iota(jnp.int32, 16)
    for k in (8, 4, 2, 1):
        x = x + _permute16(x, i ^ k)
    return x


def _rsqrt16(s):
    xi = lax.bitcast_convert_type(s, jnp.int32)
    yi = jnp.int32(0x5F3759DF) - lax.shift_right_logical(xi, 1)
    y = lax.bitcast_convert_type(yi, jnp.float32)
    xh = s * 0.5
    for _ in range(2):
        y = y * (1.5 - xh * y * y)
    return y


@functools.partial(jax.jit, static_argnames=("n_rows", "per_w"))
def _lookup_normalize(idx_flat, table, *, n_rows, per_w):
    mesh = plsc.VectorSubcoreMesh(core_axis_name="c", subcore_axis_name="s")
    info = plsc.get_sparse_core_info()
    nc = info.num_cores
    n_groups = per_w // _G

    nbuf = 4
    assert n_groups % nbuf == 0 and n_groups >= 2 * nbuf

    @functools.partial(
        pl.kernel,
        mesh=mesh,
        out_type=jax.ShapeDtypeStruct((n_rows, _D), jnp.float32),
        compiler_params=pltpu.CompilerParams(use_tc_tiling_on_sc=False),
        scratch_types=[
            pltpu.VMEM((per_w,), jnp.int32),
            pltpu.VMEM((nbuf, _G, _D), jnp.float32),
            pltpu.SemaphoreType.DMA((nbuf,)),
            pltpu.SemaphoreType.DMA((nbuf,)),
        ],
    )
    def body(idx_hbm, table_hbm, out_hbm, idx_v, buf_v, gsem, ssem):
        wid = lax.axis_index("s") * nc + lax.axis_index("c")
        base = wid * per_w
        pltpu.sync_copy(idx_hbm.at[pl.ds(base, per_w)], idx_v)

        def ixform(i, c2):
            v = idx_v[pl.ds(i * 16, 16)]
            v2 = v + v
            idx_v[pl.ds(i * 16, 16)] = jnp.where(
                v >= _SPLIT, v2 - (2 * _SPLIT - 1), v2
            )
            return c2

        lax.fori_loop(0, per_w // 16, ixform, 0)

        def gcopy(g, b):
            return pltpu.make_async_copy(
                table_hbm.at[idx_v.at[pl.ds(g * _G, _G)]],
                buf_v.at[b],
                gsem.at[b],
            )

        def scopy(g, b):
            return pltpu.make_async_copy(
                buf_v.at[b],
                out_hbm.at[pl.ds(base + g * _G, _G)],
                ssem.at[b],
            )

        def normalize_group(bref):
            def rows4(r4, c):
                for k in range(4):
                    r = r4 * 4 + k
                    v0 = bref[r, pl.ds(0, 16)]
                    v1 = bref[r, pl.ds(16, 16)]
                    v2 = bref[r, pl.ds(32, 16)]
                    v3 = bref[r, pl.ds(48, 16)]
                    acc = v0 * v0 + v1 * v1 + v2 * v2 + v3 * v3
                    ssq = jnp.maximum(_lane_sum16(acc), 1e-24)
                    scale = _rsqrt16(ssq) * _SCALE
                    bref[r, pl.ds(0, 16)] = v0 * scale
                    bref[r, pl.ds(16, 16)] = v1 * scale
                    bref[r, pl.ds(32, 16)] = v2 * scale
                    bref[r, pl.ds(48, 16)] = v3 * scale
                return c

            lax.fori_loop(0, _G // 4, rows4, 0)

        gcopy(0, 0).start()
        gcopy(1, 1).start()

        def outer(q, carry):
            for b in range(nbuf):
                g = q * nbuf + b
                nb = (b + 2) % nbuf

                @pl.when(g + 2 < n_groups)
                def _prefetch():
                    @pl.when(g >= 2)
                    def _drain_store():
                        scopy(g - 2, nb).wait()

                    gcopy(g + 2, nb).start()

                gcopy(g, b).wait()
                normalize_group(buf_v.at[b])
                scopy(g, b).start()
            return carry

        lax.fori_loop(0, n_groups // nbuf, outer, 0)
        scopy(n_groups - 2, (n_groups - 2) % nbuf).wait()
        scopy(n_groups - 1, (n_groups - 1) % nbuf).wait()

    return body(idx_flat, table)


def kernel(x, raw_embedding):
    b, s = x.shape
    n_rows = b * s
    info = plsc.get_sparse_core_info()
    nw = info.num_cores * info.num_subcores
    per_w = n_rows // nw
    assert per_w * nw == n_rows and per_w % _G == 0
    idx_flat = x.reshape(-1).astype(jnp.int32)
    table2v = _pair_table(raw_embedding).reshape(2 * _SPLIT, _D)
    out = _lookup_normalize(idx_flat, table2v, n_rows=n_rows, per_w=per_w)
    return out.reshape(b, s, _D)

# --- scband reference (transcript-rebuilt; emitter-appended) ---
"""Pipeline reference for scband-cdcdembedding-76355928588971 (READ-ONLY COPY).

The authoritative reference and input builder live on the scoring server;
editing this copy changes nothing except your own understanding.
"""

import jax, jax.numpy as jnp
import numpy as np
import math

NUM_EMBEDDINGS = 1000000
EMBEDDING_DIM = 64
SIGMA = 0.001


def setup_inputs(seed: int = 0) -> dict:
    key = jax.random.key(seed)
    k_idx, k_emb = jax.random.split(key)
    x = jax.random.randint(k_idx, (16384, 50), 0, NUM_EMBEDDINGS, dtype=jnp.int64 if jax.config.jax_enable_x64 else jnp.int32)
    raw_embedding = jax.random.normal(k_emb, (NUM_EMBEDDINGS, EMBEDDING_DIM), dtype=jnp.float32) * SIGMA
    return {"x": x, "raw_embedding": raw_embedding}


def _normalize_embeddings(emb):
    scale = math.sqrt(emb.shape[-1])
    norm = jnp.linalg.norm(emb, ord=2, axis=-1, keepdims=True)
    normalized = emb / jnp.maximum(norm, 1e-12)
    return normalized * scale


def reference(x, raw_embedding):
    emb = jnp.take(raw_embedding, x, axis=0)
    return _normalize_embeddings(emb)

if __name__ == "__main__":
    import jax
    _d = setup_inputs()
    print(jax.jit(kernel)(*tuple(_d.values())))

</pallas_src>

<mosaic_0001>
#map = affine_map<(d0, d1) -> (0)>
#map1 = affine_map<(d0, d1) -> (0, 0)>
module attributes {stable_mosaic.version = 14 : i64} {
  func.func @body(%arg0: i32, %arg1: i32, %arg2: memref<819200xi32, #tpu.memory_space<hbm>>, %arg3: memref<1000448x64xf32, #tpu.memory_space<hbm>>, %arg4: memref<819200x64xf32, #tpu.memory_space<hbm>>, %arg5: memref<25600xi32, #tpu.memory_space<vmem>>, %arg6: memref<4x128x64xf32, #tpu.memory_space<vmem>>, %arg7: memref<4x!tpu.dma_semaphore, #tpu.memory_space<semaphore_mem>>, %arg8: memref<4x!tpu.dma_semaphore, #tpu.memory_space<semaphore_mem>>) attributes {dimension_semantics = [#tpu.dimension_semantics<core_parallel>, #tpu.dimension_semantics<subcore_parallel>], iteration_bounds = array<i64: 2, 16>, scalar_prefetch = 0 : i64, scratch_operands = 4 : i64, tpu.core_type = #tpu.core_type<sc_vector_subcore>, window_params = [{transform_indices = #map}, {transform_indices = #map1}, {transform_indices = #map1}]} {
    %mul3A = arith.constant 2 : i32
    %mul3A_0 = arith.muli %arg1, %mul3A : i32
    %add3A = arith.addi %mul3A_0, %arg0 : i32
    %mul3A_1 = arith.constant 25600 : i32
    %mul3A_2 = arith.muli %add3A, %mul3A_1 : i32
    "tpu.region"() ({
      %run_scoped3A = tpu.sem_alloc : memref<!tpu.dma_semaphore, #tpu.memory_space<semaphore_mem>>
      %dma_start3A_74 = tpu.memref_slice %arg2[%mul3A_2] : memref<819200xi32, #tpu.memory_space<hbm>> -> memref<25600xi32, #tpu.memory_space<hbm>>
      %dma_start3A_75 = tpu.memref_slice %arg2[%mul3A_2] : memref<819200xi32, #tpu.memory_space<hbm>> -> memref<25600xi32, #tpu.memory_space<hbm>>
      tpu.enqueue_dma source(%dma_start3A_75 : memref<25600xi32, #tpu.memory_space<hbm>>) target(%arg5 : memref<25600xi32, #tpu.memory_space<vmem>>) target_semaphore(%run_scoped3A : memref<!tpu.dma_semaphore, #tpu.memory_space<semaphore_mem>>)
      %dma_wait3A_76 = tpu.memref_slice %arg2[%mul3A_2] : memref<819200xi32, #tpu.memory_space<hbm>> -> memref<25600xi32, #tpu.memory_space<hbm>>
      %dma_wait3A_77 = tpu.memref_slice %arg2[%mul3A_2] : memref<819200xi32, #tpu.memory_space<hbm>> -> memref<25600xi32, #tpu.memory_space<hbm>>
      tpu.wait_dma2 semaphore(%run_scoped3A : memref<!tpu.dma_semaphore, #tpu.memory_space<semaphore_mem>>) src(%dma_wait3A_77 : memref<25600xi32, #tpu.memory_space<hbm>>) dst(%arg5 : memref<25600xi32, #tpu.memory_space<vmem>>)
      tpu.yield
    }) : () -> ()
    %scan3A = arith.constant 0 : i32
    %scan3A_3 = arith.constant 0 : i32
    %scan3A_4 = arith.constant 1600 : i32
    %scan3A_5 = arith.addi %scan3A_3, %scan3A_4 : i32
    %scan3A_6 = arith.constant 1 : i32
    scf.for %scan3A_74 = %scan3A_3 to %scan3A_5 step %scan3A_6  : i32 {
      %mul3A_75 = arith.constant 16 : i32
      %mul3A_76 = arith.muli %scan3A_74, %mul3A_75 : i32
      %get3A = arith.index_cast %mul3A_76 : i32 to index
      %get3A_77 = tpu.vector_load %arg5[%get3A] {strides = array<i32>} : memref<25600xi32, #tpu.memory_space<vmem>>, vector<16xi32>,
      %get3A_78 = vector.shape_cast %get3A_77 : vector<16xi32> to vector<16xi32>
      %add3A_79 = arith.addi %get3A_78, %get3A_78 : vector<16xi32>
      %ge3A = arith.constant 500224 : i32
      %ge3A_80 = vector.broadcast %ge3A : i32 to vector<16xi32>
      %ge3A_81 = arith.cmpi sge, %get3A_78, %ge3A_80 : vector<16xi32>
      %sub3A = arith.constant 1000447 : i32
      %sub3A_82 = vector.broadcast %sub3A : i32 to vector<16xi32>
      %sub3A_83 = arith.subi %add3A_79, %sub3A_82 : vector<16xi32>
      %select_n3A = arith.select %ge3A_81, %sub3A_83, %add3A_79 : vector<16xi1>, vector<16xi32>
      %mul3A_84 = arith.constant 16 : i32
      %mul3A_85 = arith.muli %scan3A_74, %mul3A_84 : i32
      %swap3A = arith.index_cast %mul3A_85 : i32 to index
      %swap3A_86 = tpu.vector_load %arg5[%swap3A] {strides = array<i32>} : memref<25600xi32, #tpu.memory_space<vmem>>, vector<16xi32>,
      %swap3A_87 = vector.shape_cast %swap3A_86 : vector<16xi32> to vector<16xi32>
      %swap3A_88 = vector.shape_cast %select_n3A : vector<16xi32> to vector<16xi32>
      tpu.vector_store %arg5[%swap3A], %swap3A_88 {strides = array<i32>} : memref<25600xi32, #tpu.memory_space<vmem>>, vector<16xi32>,
    }
    %scan3A_7 = arith.constant 1600 : i32
    %dma_start3A = arith.constant 0 : i32
    %dma_start3A_8 = arith.constant 0 : i32
    %dma_start3A_9 = arith.constant 0 : i32
    %dma_start3A_10 = arith.constant 0 : i32
    %dma_start3A_11 = tpu.memref_slice %arg6[%dma_start3A, %dma_start3A_9, %dma_start3A_10] : memref<4x128x64xf32, #tpu.memory_space<vmem>> -> memref<1x128x64xf32, #tpu.memory_space<vmem>>
    %dma_start3A_12 = tpu.memref_squeeze %dma_start3A_11 : memref<1x128x64xf32, #tpu.memory_space<vmem>> -> memref<128x64xf32, #tpu.memory_space<vmem>>
    %dma_start3A_13 = arith.constant 0 : i32
    %dma_start3A_14 = tpu.memref_slice %arg5[%dma_start3A_13] : memref<25600xi32, #tpu.memory_space<vmem>> -> memref<128xi32, #tpu.memory_space<vmem>>
    %dma_start3A_15 = arith.constant 0 : i32
    %dma_start3A_16 = arith.constant 0 : i32
    %dma_start3A_17 = tpu.memref_slice %arg3[%dma_start3A_15, %dma_start3A_16] : memref<1000448x64xf32, #tpu.memory_space<hbm>> -> memref<1000448x64xf32, #tpu.memory_space<hbm>>
    %dma_start3A_18 = tpu.memref_slice %arg7[%dma_start3A_8] : memref<4x!tpu.dma_semaphore, #tpu.memory_space<semaphore_mem>> -> memref<1x!tpu.dma_semaphore, #tpu.memory_space<semaphore_mem>>
    %dma_start3A_19 = tpu.memref_squeeze %dma_start3A_18 : memref<1x!tpu.dma_semaphore, #tpu.memory_space<semaphore_mem>> -> memref<!tpu.dma_semaphore, #tpu.memory_space<semaphore_mem>>
    tpu.enqueue_indirect_dma source(%dma_start3A_17 : memref<1000448x64xf32, #tpu.memory_space<hbm>>) target(%dma_start3A_12 : memref<128x64xf32, #tpu.memory_space<vmem>>) offsets(%dma_start3A_14 : memref<128xi32, #tpu.memory_space<vmem>>) semaphore(%dma_start3A_19 : memref<!tpu.dma_semaphore, #tpu.memory_space<semaphore_mem>>)
    %dma_start3A_20 = arith.constant 1 : i32
    %dma_start3A_21 = arith.constant 1 : i32
    %dma_start3A_22 = arith.constant 0 : i32
    %dma_start3A_23 = arith.constant 0 : i32
    %dma_start3A_24 = tpu.memref_slice %arg6[%dma_start3A_20, %dma_start3A_22, %dma_start3A_23] : memref<4x128x64xf32, #tpu.memory_space<vmem>> -> memref<1x128x64xf32, #tpu.memory_space<vmem>>
    %dma_start3A_25 = tpu.memref_squeeze %dma_start3A_24 : memref<1x128x64xf32, #tpu.memory_space<vmem>> -> memref<128x64xf32, #tpu.memory_space<vmem>>
    %dma_start3A_26 = arith.constant 128 : i32
    %dma_start3A_27 = tpu.memref_slice %arg5[%dma_start3A_26] : memref<25600xi32, #tpu.memory_space<vmem>> -> memref<128xi32, #tpu.memory_space<vmem>>
    %dma_start3A_28 = arith.constant 0 : i32
    %dma_start3A_29 = arith.constant 0 : i32
    %dma_start3A_30 = tpu.memref_slice %arg3[%dma_start3A_28, %dma_start3A_29] : memref<1000448x64xf32, #tpu.memory_space<hbm>> -> memref<1000448x64xf32, #tpu.memory_space<hbm>>
    %dma_start3A_31 = tpu.memref_slice %arg7[%dma_start3A_21] : memref<4x!tpu.dma_semaphore, #tpu.memory_space<semaphore_mem>> -> memref<1x!tpu.dma_semaphore, #tpu.memory_space<semaphore_mem>>
    %dma_start3A_32 = tpu.memref_squeeze %dma_start3A_31 : memref<1x!tpu.dma_semaphore, #tpu.memory_space<semaphore_mem>> -> memref<!tpu.dma_semaphore, #tpu.memory_space<semaphore_mem>>
    tpu.enqueue_indirect_dma source(%dma_start3A_30 : memref<1000448x64xf32, #tpu.memory_space<hbm>>) target(%dma_start3A_25 : memref<128x64xf32, #tpu.memory_space<vmem>>) offsets(%dma_start3A_27 : memref<128xi32, #tpu.memory_space<vmem>>) semaphore(%dma_start3A_32 : memref<!tpu.dma_semaphore, #tpu.memory_space<semaphore_mem>>)
    %scan3A_33 = arith.constant 0 : i32
    %scan3A_34 = arith.constant 0 : i32
    %scan3A_35 = arith.constant 50 : i32
    %scan3A_36 = arith.addi %scan3A_34, %scan3A_35 : i32
    %scan3A_37 = arith.constant 1 : i32
    scf.for %scan3A_74 = %scan3A_34 to %scan3A_36 step %scan3A_37  : i32 {
      %mul3A_75 = arith.constant 4 : i32
      %mul3A_76 = arith.muli %scan3A_74, %mul3A_75 : i32
      %add3A_77 = arith.constant 0 : i32
      %add3A_78 = arith.addi %mul3A_76, %add3A_77 : i32
      %add3A_79 = arith.constant 2 : i32
      %add3A_80 = arith.addi %add3A_78, %add3A_79 : i32
      %lt3A = arith.constant 200 : i32
      %lt3A_81 = arith.cmpi slt, %add3A_80, %lt3A : i32
      %convert_element_type3A = arith.extui %lt3A_81 : i1 to i32
      %cond3A = arith.constant 0 : i32
      %cond3A_82 = arith.cmpi ne, %convert_element_type3A, %cond3A : i32
      scf.if %cond3A_82 {
        %ge3A = arith.constant 2 : i32
        %ge3A_276 = arith.cmpi sge, %add3A_78, %ge3A : i32
        %convert_element_type3A_277 = arith.extui %ge3A_276 : i1 to i32
        %cond3A_278 = arith.constant 0 : i32
        %cond3A_279 = arith.cmpi ne, %convert_element_type3A_277, %cond3A_278 : i32
        scf.if %cond3A_279 {
          %sub3A = arith.constant 2 : i32
          %sub3A_296 = arith.subi %add3A_78, %sub3A : i32
          %mul3A_297 = arith.constant 128 : i32
          %mul3A_298 = arith.muli %sub3A_296, %mul3A_297 : i32
          %add3A_299 = arith.addi %mul3A_2, %mul3A_298 : i32
          %dma_wait3A_300 = arith.constant 2 : i32
          %dma_wait3A_301 = arith.constant 2 : i32
          %dma_wait3A_302 = arith.constant 0 : i32
          %dma_wait3A_303 = arith.constant 0 : i32
          %dma_wait3A_304 = tpu.memref_slice %arg6[%dma_wait3A_300, %dma_wait3A_302, %dma_wait3A_303] : memref<4x128x64xf32, #tpu.memory_space<vmem>> -> memref<1x128x64xf32, #tpu.memory_space<vmem>>
          %dma_wait3A_305 = tpu.memref_squeeze %dma_wait3A_304 : memref<1x128x64xf32, #tpu.memory_space<vmem>> -> memref<128x64xf32, #tpu.memory_space<vmem>>
          %dma_wait3A_306 = arith.constant 0 : i32
          %dma_wait3A_307 = tpu.memref_slice %arg4[%add3A_299, %dma_wait3A_306] : memref<819200x64xf32, #tpu.memory_space<hbm>> -> memref<128x64xf32, #tpu.memory_space<hbm>>
          %dma_wait3A_308 = tpu.memref_slice %arg8[%dma_wait3A_301] : memref<4x!tpu.dma_semaphore, #tpu.memory_space<semaphore_mem>> -> memref<1x!tpu.dma_semaphore, #tpu.memory_space<semaphore_mem>>
          %dma_wait3A_309 = tpu.memref_squeeze %dma_wait3A_308 : memref<1x!tpu.dma_semaphore, #tpu.memory_space<semaphore_mem>> -> memref<!tpu.dma_semaphore, #tpu.memory_space<semaphore_mem>>
          %dma_wait3A_310 = arith.constant 0 : i32
          %dma_wait3A_311 = tpu.memref_slice %arg4[%add3A_299, %dma_wait3A_310] : memref<819200x64xf32, #tpu.memory_space<hbm>> -> memref<128x64xf32, #tpu.memory_space<hbm>>
          %dma_wait3A_312 = arith.constant 0 : i32
          %dma_wait3A_313 = arith.constant 0 : i32
          %dma_wait3A_314 = tpu.memref_slice %arg6[%dma_wait3A_300, %dma_wait3A_312, %dma_wait3A_313] : memref<4x128x64xf32, #tpu.memory_space<vmem>> -> memref<1x128x64xf32, #tpu.memory_space<vmem>>
          %dma_wait3A_315 = tpu.memref_squeeze %dma_wait3A_314 : memref<1x128x64xf32, #tpu.memory_space<vmem>> -> memref<128x64xf32, #tpu.memory_space<vmem>>
          tpu.wait_dma2 semaphore(%dma_wait3A_309 : memref<!tpu.dma_semaphore, #tpu.memory_space<semaphore_mem>>) src(%dma_wait3A_315 : memref<128x64xf32, #tpu.memory_space<vmem>>) dst(%dma_wait3A_311 : memref<128x64xf32, #tpu.memory_space<hbm>>)
        } else {
        }
        %add3A_280 = arith.constant 2 : i32
        %add3A_281 = arith.addi %add3A_78, %add3A_280 : i32
        %mul3A_282 = arith.constant 128 : i32
        %mul3A_283 = arith.muli %add3A_281, %mul3A_282 : i32
        %dma_start3A_284 = arith.constant 2 : i32
        %dma_start3A_285 = arith.constant 2 : i32
        %dma_start3A_286 = arith.constant 0 : i32
        %dma_start3A_287 = arith.constant 0 : i32
        %dma_start3A_288 = tpu.memref_slice %arg6[%dma_start3A_284, %dma_start3A_286, %dma_start3A_287] : memref<4x128x64xf32, #tpu.memory_space<vmem>> -> memref<1x128x64xf32, #tpu.memory_space<vmem>>
        %dma_start3A_289 = tpu.memref_squeeze %dma_start3A_288 : memref<1x128x64xf32, #tpu.memory_space<vmem>> -> memref<128x64xf32, #tpu.memory_space<vmem>>
        %dma_start3A_290 = tpu.memref_slice %arg5[%mul3A_283] : memref<25600xi32, #tpu.memory_space<vmem>> -> memref<128xi32, #tpu.memory_space<vmem>>
        %dma_start3A_291 = arith.constant 0 : i32
        %dma_start3A_292 = arith.constant 0 : i32
        %dma_start3A_293 = tpu.memref_slice %arg3[%dma_start3A_291, %dma_start3A_292] : memref<1000448x64xf32, #tpu.memory_space<hbm>> -> memref<1000448x64xf32, #tpu.memory_space<hbm>>
        %dma_start3A_294 = tpu.memref_slice %arg7[%dma_start3A_285] : memref<4x!tpu.dma_semaphore, #tpu.memory_space<semaphore_mem>> -> memref<1x!tpu.dma_semaphore, #tpu.memory_space<semaphore_mem>>
        %dma_start3A_295 = tpu.memref_squeeze %dma_start3A_294 : memref<1x!tpu.dma_semaphore, #tpu.memory_space<semaphore_mem>> -> memref<!tpu.dma_semaphore, #tpu.memory_space<semaphore_mem>>
        tpu.enqueue_indirect_dma source(%dma_start3A_293 : memref<1000448x64xf32, #tpu.memory_space<hbm>>) target(%dma_start3A_289 : memref<128x64xf32, #tpu.memory_space<vmem>>) offsets(%dma_start3A_290 : memref<128xi32, #tpu.memory_space<vmem>>) semaphore(%dma_start3A_295 : memref<!tpu.dma_semaphore, #tpu.memory_space<semaphore_mem>>)
      } else {
      }
      %mul3A_83 = arith.constant 128 : i32
      %mul3A_84 = arith.muli %add3A_78, %mul3A_83 : i32
      %dma_wait3A_85 = arith.constant 0 : i32
      %dma_wait3A_86 = arith.constant 0 : i32
      %dma_wait3A_87 = arith.constant 0 : i32
      %dma_wait3A_88 = arith.constant 0 : i32
      %dma_wait3A_89 = tpu.memref_slice %arg6[%dma_wait3A_85, %dma_wait3A_87, %dma_wait3A_88] : memref<4x128x64xf32, #tpu.memory_space<vmem>> -> memref<1x128x64xf32, #tpu.memory_space<vmem>>
      %dma_wait3A_90 = tpu.memref_squeeze %dma_wait3A_89 : memref<1x128x64xf32, #tpu.memory_space<vmem>> -> memref<128x64xf32, #tpu.memory_space<vmem>>
      %dma_wait3A_91 = tpu.memref_slice %arg5[%mul3A_84] : memref<25600xi32, #tpu.memory_space<vmem>> -> memref<128xi32, #tpu.memory_space<vmem>>
      %dma_wait3A_92 = arith.constant 0 : i32
      %dma_wait3A_93 = arith.constant 0 : i32
      %dma_wait3A_94 = tpu.memref_slice %arg3[%dma_wait3A_92, %dma_wait3A_93] : memref<1000448x64xf32, #tpu.memory_space<hbm>> -> memref<1000448x64xf32, #tpu.memory_space<hbm>>
      %dma_wait3A_95 = tpu.memref_slice %arg7[%dma_wait3A_86] : memref<4x!tpu.dma_semaphore, #tpu.memory_space<semaphore_mem>> -> memref<1x!tpu.dma_semaphore, #tpu.memory_space<semaphore_mem>>
      %dma_wait3A_96 = tpu.memref_squeeze %dma_wait3A_95 : memref<1x!tpu.dma_semaphore, #tpu.memory_space<semaphore_mem>> -> memref<!tpu.dma_semaphore, #tpu.memory_space<semaphore_mem>>
      tpu.wait_indirect_dma semaphore(%dma_wait3A_96 : memref<!tpu.dma_semaphore, #tpu.memory_space<semaphore_mem>>) src(%dma_wait3A_94 : memref<1000448x64xf32, #tpu.memory_space<hbm>>) dst(%dma_wait3A_90 : memref<128x64xf32, #tpu.memory_space<vmem>>)
      %scan3A_97 = arith.constant 0 : i32
      %scan3A_98 = arith.constant 0 : i32
      %scan3A_99 = arith.constant 0 : i32
      %scan3A_100 = arith.constant 32 : i32
      %scan3A_101 = arith.addi %scan3A_99, %scan3A_100 : i32
      %scan3A_102 = arith.constant 1 : i32
      scf.for %scan3A_276 = %scan3A_99 to %scan3A_101 step %scan3A_102  : i32 {
        %mul3A_277 = arith.constant 4 : i32
        %mul3A_278 = arith.muli %scan3A_276, %mul3A_277 : i32
        %add3A_279 = arith.constant 0 : i32
        %add3A_280 = arith.addi %mul3A_278, %add3A_279 : i32
        %get3A = arith.constant 0 : i32
        %get3A_281 = arith.constant 0 : i32
        %get3A_282 = tpu.memref_slice %arg6[%scan3A_98, %get3A, %get3A_281] : memref<4x128x64xf32, #tpu.memory_space<vmem>> -> memref<1x128x64xf32, #tpu.memory_space<vmem>>
        %get3A_283 = tpu.memref_squeeze %get3A_282 : memref<1x128x64xf32, #tpu.memory_space<vmem>> -> memref<128x64xf32, #tpu.memory_space<vmem>>
        %get3A_284 = arith.index_cast %add3A_280 : i32 to index
        %get3A_285 = arith.constant 0 : index
        %get3A_286 = tpu.vector_load %get3A_283[%get3A_284, %get3A_285] {strides = array<i32>} : memref<128x64xf32, #tpu.memory_space<vmem>>, vector<1x16xf32>,
        %get3A_287 = vector.shape_cast %get3A_286 : vector<1x16xf32> to vector<16xf32>
        %get3A_288 = arith.constant 0 : i32
        %get3A_289 = arith.constant 0 : i32
        %get3A_290 = tpu.memref_slice %arg6[%scan3A_98, %get3A_288, %get3A_289] : memref<4x128x64xf32, #tpu.memory_space<vmem>> -> memref<1x128x64xf32, #tpu.memory_space<vmem>>
        %get3A_291 = tpu.memref_squeeze %get3A_290 : memref<1x128x64xf32, #tpu.memory_space<vmem>> -> memref<128x64xf32, #tpu.memory_space<vmem>>
        %get3A_292 = arith.index_cast %add3A_280 : i32 to index
        %get3A_293 = arith.constant 16 : index
        %get3A_294 = tpu.vector_load %get3A_291[%get3A_292, %get3A_293] {strides = array<i32>} : memref<128x64xf32, #tpu.memory_space<vmem>>, vector<1x16xf32>,
        %get3A_295 = vector.shape_cast %get3A_294 : vector<1x16xf32> to vector<16xf32>
        %get3A_296 = arith.constant 0 : i32
        %get3A_297 = arith.constant 0 : i32
        %get3A_298 = tpu.memref_slice %arg6[%scan3A_98, %get3A_296, %get3A_297] : memref<4x128x64xf32, #tpu.memory_space<vmem>> -> memref<1x128x64xf32, #tpu.memory_space<vmem>>
        %get3A_299 = tpu.memref_squeeze %get3A_298 : memref<1x128x64xf32, #tpu.memory_space<vmem>> -> memref<128x64xf32, #tpu.memory_space<vmem>>
        %get3A_300 = arith.index_cast %add3A_280 : i32 to index
        %get3A_301 = arith.constant 32 : index
        %get3A_302 = tpu.vector_load %get3A_299[%get3A_300, %get3A_301] {strides = array<i32>} : memref<128x64xf32, #tpu.memory_space<vmem>>, vector<1x16xf32>,
        %get3A_303 = vector.shape_cast %get3A_302 : vector<1x16xf32> to vector<16xf32>
        %get3A_304 = arith.constant 0 : i32
        %get3A_305 = arith.constant 0 : i32
        %get3A_306 = tpu.memref_slice %arg6[%scan3A_98, %get3A_304, %get3A_305] : memref<4x128x64xf32, #tpu.memory_space<vmem>> -> memref<1x128x64xf32, #tpu.memory_space<vmem>>
        %get3A_307 = tpu.memref_squeeze %get3A_306 : memref<1x128x64xf32, #tpu.memory_space<vmem>> -> memref<128x64xf32, #tpu.memory_space<vmem>>
        %get3A_308 = arith.index_cast %add3A_280 : i32 to index
        %get3A_309 = arith.constant 48 : index
        %get3A_310 = tpu.vector_load %get3A_307[%get3A_308, %get3A_309] {strides = array<i32>} : memref<128x64xf32, #tpu.memory_space<vmem>>, vector<1x16xf32>,
        %get3A_311 = vector.shape_cast %get3A_310 : vector<1x16xf32> to vector<16xf32>
        %mul3A_312 = arith.mulf %get3A_287, %get3A_287 : vector<16xf32>
        %mul3A_313 = arith.mulf %get3A_295, %get3A_295 : vector<16xf32>
        %add3A_314 = arith.addf %mul3A_312, %mul3A_313 : vector<16xf32>
        %mul3A_315 = arith.mulf %get3A_303, %get3A_303 : vector<16xf32>
        %add3A_316 = arith.addf %add3A_314, %mul3A_315 : vector<16xf32>
        %mul3A_317 = arith.mulf %get3A_311, %get3A_311 : vector<16xf32>
        %add3A_318 = arith.addf %add3A_316, %mul3A_317 : vector<16xf32>
        %iota3A = tpu.iota {dimensions = array<i32: 0>} : vector<16xi32>
        %xor3A = arith.constant 8 : i32
        %xor3A_319 = vector.broadcast %xor3A : i32 to vector<16xi32>
        %xor3A_320 = arith.xori %iota3A, %xor3A_319 : vector<16xi32>
        %broadcast_in_dim3A = vector.shape_cast %xor3A_320 : vector<16xi32> to vector<16x1xi32>
        %gather3A = vector.shape_cast %broadcast_in_dim3A : vector<16x1xi32> to vector<16xi32>
        %gather3A_321 = tpu.dynamic_gather %add3A_318[%gather3A] in [0] : vector<16xf32>, vector<16xi32> -> vector<16xf32>
        %add3A_322 = arith.addf %add3A_318, %gather3A_321 : vector<16xf32>
        %xor3A_323 = arith.constant 4 : i32
        %xor3A_324 = vector.broadcast %xor3A_323 : i32 to vector<16xi32>
        %xor3A_325 = arith.xori %iota3A, %xor3A_324 : vector<16xi32>
        %broadcast_in_dim3A_326 = vector.shape_cast %xor3A_325 : vector<16xi32> to vector<16x1xi32>
        %gather3A_327 = vector.shape_cast %broadcast_in_dim3A_326 : vector<16x1xi32> to vector<16xi32>
        %gather3A_328 = tpu.dynamic_gather %add3A_322[%gather3A_327] in [0] : vector<16xf32>, vector<16xi32> -> vector<16xf32>
        %add3A_329 = arith.addf %add3A_322, %gather3A_328 : vector<16xf32>
        %xor3A_330 = arith.constant 2 : i32
        %xor3A_331 = vector.broadcast %xor3A_330 : i32 to vector<16xi32>
        %xor3A_332 = arith.xori %iota3A, %xor3A_331 : vector<16xi32>
        %broadcast_in_dim3A_333 = vector.shape_cast %xor3A_332 : vector<16xi32> to vector<16x1xi32>
        %gather3A_334 = vector.shape_cast %broadcast_in_dim3A_333 : vector<16x1xi32> to vector<16xi32>
        %gather3A_335 = tpu.dynamic_gather %add3A_329[%gather3A_334] in [0] : vector<16xf32>, vector<16xi32> -> vector<16xf32>
        %add3A_336 = arith.addf %add3A_329, %gather3A_335 : vector<16xf32>
        %xor3A_337 = arith.constant 1 : i32
        %xor3A_338 = vector.broadcast %xor3A_337 : i32 to vector<16xi32>
        %xor3A_339 = arith.xori %iota3A, %xor3A_338 : vector<16xi32>
        %broadcast_in_dim3A_340 = vector.shape_cast %xor3A_339 : vector<16xi32> to vector<16x1xi32>
        %gather3A_341 = vector.shape_cast %broadcast_in_dim3A_340 : vector<16x1xi32> to vector<16xi32>
        %gather3A_342 = tpu.dynamic_gather %add3A_336[%gather3A_341] in [0] : vector<16xf32>, vector<16xi32> -> vector<16xf32>
        %add3A_343 = arith.addf %add3A_336, %gather3A_342 : vector<16xf32>
        %max3A = arith.constant 1.000000e-24 : f32
        %max3A_344 = vector.broadcast %max3A : f32 to vector<16xf32>
        %max3A_345 = arith.maximumf %add3A_343, %max3A_344 : vector<16xf32>
        %bitcast_convert_type3A = tpu.bitcast %max3A_345 : vector<16xf32> -> vector<16xi32>
        %shift_right_logical3A = arith.constant 1 : i32
        %shift_right_logical3A_346 = vector.broadcast %shift_right_logical3A : i32 to vector<16xi32>
        %shift_right_logical3A_347 = arith.shrui %bitcast_convert_type3A, %shift_right_logical3A_346 : vector<16xi32>
        %sub3A = arith.constant 1597463007 : i32
        %sub3A_348 = vector.broadcast %sub3A : i32 to vector<16xi32>
        %sub3A_349 = arith.subi %sub3A_348, %shift_right_logical3A_347 : vector<16xi32>
        %bitcast_convert_type3A_350 = tpu.bitcast %sub3A_349 : vector<16xi32> -> vector<16xf32>
        %mul3A_351 = arith.constant 5.000000e-01 : f32
        %mul3A_352 = vector.broadcast %mul3A_351 : f32 to vector<16xf32>
        %mul3A_353 = arith.mulf %max3A_345, %mul3A_352 : vector<16xf32>
        %mul3A_354 = arith.mulf %mul3A_353, %bitcast_convert_type3A_350 : vector<16xf32>
        %mul3A_355 = arith.mulf %mul3A_354, %bitcast_convert_type3A_350 : vector<16xf32>
        %sub3A_356 = arith.constant 1.500000e+00 : f32
        %sub3A_357 = vector.broadcast %sub3A_356 : f32 to vector<16xf32>
        %sub3A_358 = arith.subf %sub3A_357, %mul3A_355 : vector<16xf32>
        %mul3A_359 = arith.mulf %bitcast_convert_type3A_350, %sub3A_358 : vector<16xf32>
        %mul3A_360 = arith.mulf %mul3A_353, %mul3A_359 : vector<16xf32>
        %mul3A_361 = arith.mulf %mul3A_360, %mul3A_359 : vector<16xf32>
        %sub3A_362 = arith.constant 1.500000e+00 : f32
        %sub3A_363 = vector.broadcast %sub3A_362 : f32 to vector<16xf32>
        %sub3A_364 = arith.subf %sub3A_363, %mul3A_361 : vector<16xf32>
        %mul3A_365 = arith.mulf %mul3A_359, %sub3A_364 : vector<16xf32>
        %mul3A_366 = arith.constant 8.000000e+00 : f32
        %mul3A_367 = vector.broadcast %mul3A_366 : f32 to vector<16xf32>
        %mul3A_368 = arith.mulf %mul3A_365, %mul3A_367 : vector<16xf32>
        %mul3A_369 = arith.mulf %get3A_287, %mul3A_368 : vector<16xf32>
        %swap3A = arith.constant 0 : i32
        %swap3A_370 = arith.constant 0 : i32
        %swap3A_371 = tpu.memref_slice %arg6[%scan3A_98, %swap3A, %swap3A_370] : memref<4x128x64xf32, #tpu.memory_space<vmem>> -> memref<1x128x64xf32, #tpu.memory_space<vmem>>
        %swap3A_372 = tpu.memref_squeeze %swap3A_371 : memref<1x128x64xf32, #tpu.memory_space<vmem>> -> memref<128x64xf32, #tpu.memory_space<vmem>>
        %swap3A_373 = arith.index_cast %add3A_280 : i32 to index
        %swap3A_374 = arith.constant 0 : index
        %swap3A_375 = tpu.vector_load %swap3A_372[%swap3A_373, %swap3A_374] {strides = array<i32>} : memref<128x64xf32, #tpu.memory_space<vmem>>, vector<1x16xf32>,
        %swap3A_376 = vector.shape_cast %swap3A_375 : vector<1x16xf32> to vector<16xf32>
        %swap3A_377 = vector.shape_cast %mul3A_369 : vector<16xf32> to vector<1x16xf32>
        tpu.vector_store %swap3A_372[%swap3A_373, %swap3A_374], %swap3A_377 {strides = array<i32>} : memref<128x64xf32, #tpu.memory_space<vmem>>, vector<1x16xf32>,
        %mul3A_378 = arith.mulf %get3A_295, %mul3A_368 : vector<16xf32>
        %swap3A_379 = arith.constant 0 : i32
        %swap3A_380 = arith.constant 0 : i32
        %swap3A_381 = tpu.memref_slice %arg6[%scan3A_98, %swap3A_379, %swap3A_380] : memref<4x128x64xf32, #tpu.memory_space<vmem>> -> memref<1x128x64xf32, #tpu.memory_space<vmem>>
        %swap3A_382 = tpu.memref_squeeze %swap3A_381 : memref<1x128x64xf32, #tpu.memory_space<vmem>> -> memref<128x64xf32, #tpu.memory_space<vmem>>
        %swap3A_383 = arith.index_cast %add3A_280 : i32 to index
        %swap3A_384 = arith.constant 16 : index
        %swap3A_385 = tpu.vector_load %swap3A_382[%swap3A_383, %swap3A_384] {strides = array<i32>} : memref<128x64xf32, #tpu.memory_space<vmem>>, vector<1x16xf32>,
        %swap3A_386 = vector.shape_cast %swap3A_385 : vector<1x16xf32> to vector<16xf32>
        %swap3A_387 = vector.shape_cast %mul3A_378 : vector<16xf32> to vector<1x16xf32>
        tpu.vector_store %swap3A_382[%swap3A_383, %swap3A_384], %swap3A_387 {strides = array<i32>} : memref<128x64xf32, #tpu.memory_space<vmem>>, vector<1x16xf32>,
        %mul3A_388 = arith.mulf %get3A_303, %mul3A_368 : vector<16xf32>
        %swap3A_389 = arith.constant 0 : i32
        %swap3A_390 = arith.constant 0 : i32
        %swap3A_391 = tpu.memref_slice %arg6[%scan3A_98, %swap3A_389, %swap3A_390] : memref<4x128x64xf32, #tpu.memory_space<vmem>> -> memref<1x128x64xf32, #tpu.memory_space<vmem>>
        %swap3A_392 = tpu.memref_squeeze %swap3A_391 : memref<1x128x64xf32, #tpu.memory_space<vmem>> -> memref<128x64xf32, #tpu.memory_space<vmem>>
        %swap3A_393 = arith.index_cast %add3A_280 : i32 to index
        %swap3A_394 = arith.constant 32 : index
        %swap3A_395 = tpu.vector_load %swap3A_392[%swap3A_393, %swap3A_394] {strides = array<i32>} : memref<128x64xf32, #tpu.memory_space<vmem>>, vector<1x16xf32>,
        %swap3A_396 = vector.shape_cast %swap3A_395 : vector<1x16xf32> to vector<16xf32>
        %swap3A_397 = vector.shape_cast %mul3A_388 : vector<16xf32> to vector<1x16xf32>
        tpu.vector_store %swap3A_392[%swap3A_393, %swap3A_394], %swap3A_397 {strides = array<i32>} : memref<128x64xf32, #tpu.memory_space<vmem>>, vector<1x16xf32>,
        %mul3A_398 = arith.mulf %get3A_311, %mul3A_368 : vector<16xf32>
        %swap3A_399 = arith.constant 0 : i32
        %swap3A_400 = arith.constant 0 : i32
        %swap3A_401 = tpu.memref_slice %arg6[%scan3A_98, %swap3A_399, %swap3A_400] : memref<4x128x64xf32, #tpu.memory_space<vmem>> -> memref<1x128x64xf32, #tpu.memory_space<vmem>>
        %swap3A_402 = tpu.memref_squeeze %swap3A_401 : memref<1x128x64xf32, #tpu.memory_space<vmem>> -> memref<128x64xf32, #tpu.memory_space<vmem>>
        %swap3A_403 = arith.index_cast %add3A_280 : i32 to index
        %swap3A_404 = arith.constant 48 : index
        %swap3A_405 = tpu.vector_load %swap3A_402[%swap3A_403, %swap3A_404] {strides = array<i32>} : memref<128x64xf32, #tpu.memory_space<vmem>>, vector<1x16xf32>,
        %swap3A_406 = vector.shape_cast %swap3A_405 : vector<1x16xf32> to vector<16xf32>
        %swap3A_407 = vector.shape_cast %mul3A_398 : vector<16xf32> to vector<1x16xf32>
        tpu.vector_store %swap3A_402[%swap3A_403, %swap3A_404], %swap3A_407 {strides = array<i32>} : memref<128x64xf32, #tpu.memory_space<vmem>>, vector<1x16xf32>,
        %mul3A_408 = arith.constant 4 : i32
        %mul3A_409 = arith.muli %scan3A_276, %mul3A_408 : i32
        %add3A_410 = arith.constant 1 : i32
        %add3A_411 = arith.addi %mul3A_409, %add3A_410 : i32
        %get3A_412 = arith.constant 0 : i32
        %get3A_413 = arith.constant 0 : i32
        %get3A_414 = tpu.memref_slice %arg6[%scan3A_98, %get3A_412, %get3A_413] : memref<4x128x64xf32, #tpu.memory_space<vmem>> -> memref<1x128x64xf32, #tpu.memory_space<vmem>>
        %get3A_415 = tpu.memref_squeeze %get3A_414 : memref<1x128x64xf32, #tpu.memory_space<vmem>> -> memref<128x64xf32, #tpu.memory_space<vmem>>
        %get3A_416 = arith.index_cast %add3A_411 : i32 to index
        %get3A_417 = arith.constant 0 : index
        %get3A_418 = tpu.vector_load %get3A_415[%get3A_416, %get3A_417] {strides = array<i32>} : memref<128x64xf32, #tpu.memory_space<vmem>>, vector<1x16xf32>,
        %get3A_419 = vector.shape_cast %get3A_418 : vector<1x16xf32> to vector<16xf32>
        %get3A_420 = arith.constant 0 : i32
        %get3A_421 = arith.constant 0 : i32
        %get3A_422 = tpu.memref_slice %arg6[%scan3A_98, %get3A_420, %get3A_421] : memref<4x128x64xf32, #tpu.memory_space<vmem>> -> memref<1x128x64xf32, #tpu.memory_space<vmem>>
        %get3A_423 = tpu.memref_squeeze %get3A_422 : memref<1x128x64xf32, #tpu.memory_space<vmem>> -> memref<128x64xf32, #tpu.memory_space<vmem>>
        %get3A_424 = arith.index_cast %add3A_411 : i32 to index
        %get3A_425 = arith.constant 16 : index
        %get3A_426 = tpu.vector_load %get3A_423[%get3A_424, %get3A_425] {strides = array<i32>} : memref<128x64xf32, #tpu.memory_space<vmem>>, vector<1x16xf32>,
        %get3A_427 = vector.shape_cast %get3A_426 : vector<1x16xf32> to vector<16xf32>
        %get3A_428 = arith.constant 0 : i32
        %get3A_429 = arith.constant 0 : i32
        %get3A_430 = tpu.memref_slice %arg6[%scan3A_98, %get3A_428, %get3A_429] : memref<4x128x64xf32, #tpu.memory_space<vmem>> -> memref<1x128x64xf32, #tpu.memory_space<vmem>>
        %get3A_431 = tpu.memref_squeeze %get3A_430 : memref<1x128x64xf32, #tpu.memory_space<vmem>> -> memref<128x64xf32, #tpu.memory_space<vmem>>
        %get3A_432 = arith.index_cast %add3A_411 : i32 to index
        %get3A_433 = arith.constant 32 : index
        %get3A_434 = tpu.vector_load %get3A_431[%get3A_432, %get3A_433] {strides = array<i32>} : memref<128x64xf32, #tpu.memory_space<vmem>>, vector<1x16xf32>,
        %get3A_435 = vector.shape_cast %get3A_434 : vector<1x16xf32> to vector<16xf32>
        %get3A_436 = arith.constant 0 : i32
        %get3A_437 = arith.constant 0 : i32
        %get3A_438 = tpu.memref_slice %arg6[%scan3A_98, %get3A_436, %get3A_437] : memref<4x128x64xf32, #tpu.memory_space<vmem>> -> memref<1x128x64xf32, #tpu.memory_space<vmem>>
        %get3A_439 = tpu.memref_squeeze %get3A_438 : memref<1x128x64xf32, #tpu.memory_space<vmem>> -> memref<128x64xf32, #tpu.memory_space<vmem>>
        %get3A_440 = arith.index_cast %add3A_411 : i32 to index
        %get3A_441 = arith.constant 48 : index
        %get3A_442 = tpu.vector_load %get3A_439[%get3A_440, %get3A_441] {strides = array<i32>} : memref<128x64xf32, #tpu.memory_space<vmem>>, vector<1x16xf32>,
        %get3A_443 = vector.shape_cast %get3A_442 : vector<1x16xf32> to vector<16xf32>
        %mul3A_444 = arith.mulf %get3A_419, %get3A_419 : vector<16xf32>
        %mul3A_445 = arith.mulf %get3A_427, %get3A_427 : vector<16xf32>
        %add3A_446 = arith.addf %mul3A_444, %mul3A_445 : vector<16xf32>
        %mul3A_447 = arith.mulf %get3A_435, %get3A_435 : vector<16xf32>
        %add3A_448 = arith.addf %add3A_446, %mul3A_447 : vector<16xf32>
        %mul3A_449 = arith.mulf %get3A_443, %get3A_443 : vector<16xf32>
        %add3A_450 = arith.addf %add3A_448, %mul3A_449 : vector<16xf32>
        %iota3A_451 = tpu.iota {dimensions = array<i32: 0>} : vector<16xi32>
        %xor3A_452 = arith.constant 8 : i32
        %xor3A_453 = vector.broadcast %xor3A_452 : i32 to vector<16xi32>
        %xor3A_454 = arith.xori %iota3A_451, %xor3A_453 : vector<16xi32>
        %broadcast_in_dim3A_455 = vector.shape_cast %xor3A_454 : vector<16xi32> to vector<16x1xi32>
        %gather3A_456 = vector.shape_cast %broadcast_in_dim3A_455 : vector<16x1xi32> to vector<16xi32>
        %gather3A_457 = tpu.dynamic_gather %add3A_450[%gather3A_456] in [0] : vector<16xf32>, vector<16xi32> -> vector<16xf32>
        %add3A_458 = arith.addf %add3A_450, %gather3A_457 : vector<16xf32>
        %xor3A_459 = arith.constant 4 : i32
        %xor3A_460 = vector.broadcast %xor3A_459 : i32 to vector<16xi32>
        %xor3A_461 = arith.xori %iota3A_451, %xor3A_460 : vector<16xi32>
        %broadcast_in_dim3A_462 = vector.shape_cast %xor3A_461 : vector<16xi32> to vector<16x1xi32>
        %gather3A_463 = vector.shape_cast %broadcast_in_dim3A_462 : vector<16x1xi32> to vector<16xi32>
        %gather3A_464 = tpu.dynamic_gather %add3A_458[%gather3A_463] in [0] : vector<16xf32>, vector<16xi32> -> vector<16xf32>
        %add3A_465 = arith.addf %add3A_458, %gather3A_464 : vector<16xf32>
        %xor3A_466 = arith.constant 2 : i32
        %xor3A_467 = vector.broadcast %xor3A_466 : i32 to vector<16xi32>
        %xor3A_468 = arith.xori %iota3A_451, %xor3A_467 : vector<16xi32>
        %broadcast_in_dim3A_469 = vector.shape_cast %xor3A_468 : vector<16xi32> to vector<16x1xi32>
        %gather3A_470 = vector.shape_cast %broadcast_in_dim3A_469 : vector<16x1xi32> to vector<16xi32>
        %gather3A_471 = tpu.dynamic_gather %add3A_465[%gather3A_470] in [0] : vector<16xf32>, vector<16xi32> -> vector<16xf32>
        %add3A_472 = arith.addf %add3A_465, %gather3A_471 : vector<16xf32>
        %xor3A_473 = arith.constant 1 : i32
        %xor3A_474 = vector.broadcast %xor3A_473 : i32 to vector<16xi32>
        %xor3A_475 = arith.xori %iota3A_451, %xor3A_474 : vector<16xi32>
        %broadcast_in_dim3A_476 = vector.shape_cast %xor3A_475 : vector<16xi32> to vector<16x1xi32>
        %gather3A_477 = vector.shape_cast %broadcast_in_dim3A_476 : vector<16x1xi32> to vector<16xi32>
        %gather3A_478 = tpu.dynamic_gather %add3A_472[%gather3A_477] in [0] : vector<16xf32>, vector<16xi32> -> vector<16xf32>
        %add3A_479 = arith.addf %add3A_472, %gather3A_478 : vector<16xf32>
        %max3A_480 = arith.constant 1.000000e-24 : f32
        %max3A_481 = vector.broadcast %max3A_480 : f32 to vector<16xf32>
        %max3A_482 = arith.maximumf %add3A_479, %max3A_481 : vector<16xf32>
        %bitcast_convert_type3A_483 = tpu.bitcast %max3A_482 : vector<16xf32> -> vector<16xi32>
        %shift_right_logical3A_484 = arith.constant 1 : i32
        %shift_right_logical3A_485 = vector.broadcast %shift_right_logical3A_484 : i32 to vector<16xi32>
        %shift_right_logical3A_486 = arith.shrui %bitcast_convert_type3A_483, %shift_right_logical3A_485 : vector<16xi32>
        %sub3A_487 = arith.constant 1597463007 : i32
        %sub3A_488 = vector.broadcast %sub3A_487 : i32 to vector<16xi32>
        %sub3A_489 = arith.subi %sub3A_488, %shift_right_logical3A_486 : vector<16xi32>
        %bitcast_convert_type3A_490 = tpu.bitcast %sub3A_489 : vector<16xi32> -> vector<16xf32>
        %mul3A_491 = arith.constant 5.000000e-01 : f32
        %mul3A_492 = vector.broadcast %mul3A_491 : f32 to vector<16xf32>
        %mul3A_493 = arith.mulf %max3A_482, %mul3A_492 : vector<16xf32>
        %mul3A_494 = arith.mulf %mul3A_493, %bitcast_convert_type3A_490 : vector<16xf32>
        %mul3A_495 = arith.mulf %mul3A_494, %bitcast_convert_type3A_490 : vector<16xf32>
        %sub3A_496 = arith.constant 1.500000e+00 : f32
        %sub3A_497 = vector.broadcast %sub3A_496 : f32 to vector<16xf32>
        %sub3A_498 = arith.subf %sub3A_497, %mul3A_495 : vector<16xf32>
        %mul3A_499 = arith.mulf %bitcast_convert_type3A_490, %sub3A_498 : vector<16xf32>
        %mul3A_500 = arith.mulf %mul3A_493, %mul3A_499 : vector<16xf32>
        %mul3A_501 = arith.mulf %mul3A_500, %mul3A_499 : vector<16xf32>
        %sub3A_502 = arith.constant 1.500000e+00 : f32
        %sub3A_503 = vector.broadcast %sub3A_502 : f32 to vector<16xf32>
        %sub3A_504 = arith.subf %sub3A_503, %mul3A_501 : vector<16xf32>
        %mul3A_505 = arith.mulf %mul3A_499, %sub3A_504 : vector<16xf32>
        %mul3A_506 = arith.constant 8.000000e+00 : f32
        %mul3A_507 = vector.broadcast %mul3A_506 : f32 to vector<16xf32>
        %mul3A_508 = arith.mulf %mul3A_505, %mul3A_507 : vector<16xf32>
        %mul3A_509 = arith.mulf %get3A_419, %mul3A_508 : vector<16xf32>
        %swap3A_510 = arith.constant 0 : i32
        %swap3A_511 = arith.constant 0 : i32
        %swap3A_512 = tpu.memref_slice %arg6[%scan3A_98, %swap3A_510, %swap3A_511] : memref<4x128x64xf32, #tpu.memory_space<vmem>> -> memref<1x128x64xf32, #tpu.memory_space<vmem>>
        %swap3A_513 = tpu.memref_squeeze %swap3A_512 : memref<1x128x64xf32, #tpu.memory_space<vmem>> -> memref<128x64xf32, #tpu.memory_space<vmem>>
        %swap3A_514 = arith.index_cast %add3A_411 : i32 to index
        %swap3A_515 = arith.constant 0 : index
        %swap3A_516 = tpu.vector_load %swap3A_513[%swap3A_514, %swap3A_515] {strides = array<i32>} : memref<128x64xf32, #tpu.memory_space<vmem>>, vector<1x16xf32>,
        %swap3A_517 = vector.shape_cast %swap3A_516 : vector<1x16xf32> to vector<16xf32>
        %swap3A_518 = vector.shape_cast %mul3A_509 : vector<16xf32> to vector<1x16xf32>
        tpu.vector_store %swap3A_513[%swap3A_514, %swap3A_515], %swap3A_518 {strides = array<i32>} : memref<128x64xf32, #tpu.memory_space<vmem>>, vector<1x16xf32>,
        %mul3A_519 = arith.mulf %get3A_427, %mul3A_508 : vector<16xf32>
        %swap3A_520 = arith.constant 0 : i32
        %swap3A_521 = arith.constant 0 : i32
        %swap3A_522 = tpu.memref_slice %arg6[%scan3A_98, %swap3A_520, %swap3A_521] : memref<4x128x64xf32, #tpu.memory_space<vmem>> -> memref<1x128x64xf32, #tpu.memory_space<vmem>>
        %swap3A_523 = tpu.memref_squeeze %swap3A_522 : memref<1x128x64xf32, #tpu.memory_space<vmem>> -> memref<128x64xf32, #tpu.memory_space<vmem>>
        %swap3A_524 = arith.index_cast %add3A_411 : i32 to index
        %swap3A_525 = arith.constant 16 : index
        %swap3A_526 = tpu.vector_load %swap3A_523[%swap3A_524, %swap3A_525] {strides = array<i32>} : memref<128x64xf32, #tpu.memory_space<vmem>>, vector<1x16xf32>,
        %swap3A_527 = vector.shape_cast %swap3A_526 : vector<1x16xf32> to vector<16xf32>
        %swap3A_528 = vector.shape_cast %mul3A_519 : vector<16xf32> to vector<1x16xf32>
        tpu.vector_store %swap3A_523[%swap3A_524, %swap3A_525], %swap3A_528 {strides = array<i32>} : memref<128x64xf32, #tpu.memory_space<vmem>>, vector<1x16xf32>,
        %mul3A_529 = arith.mulf %get3A_435, %mul3A_508 : vector<16xf32>
        %swap3A_530 = arith.constant 0 : i32
        %swap3A_531 = arith.constant 0 : i32
        %swap3A_532 = tpu.memref_slice %arg6[%scan3A_98, %swap3A_530, %swap3A_531] : memref<4x128x64xf32, #tpu.memory_space<vmem>> -> memref<1x128x64xf32, #tpu.memory_space<vmem>>
        %swap3A_533 = tpu.memref_squeeze %swap3A_532 : memref<1x128x64xf32, #tpu.memory_space<vmem>> -> memref<128x64xf32, #tpu.memory_space<vmem>>
        %swap3A_534 = arith.index_cast %add3A_411 : i32 to index
        %swap3A_535 = arith.constant 32 : index
        %swap3A_536 = tpu.vector_load %swap3A_533[%swap3A_534, %swap3A_535] {strides = array<i32>} : memref<128x64xf32, #tpu.memory_space<vmem>>, vector<1x16xf32>,
        %swap3A_537 = vector.shape_cast %swap3A_536 : vector<1x16xf32> to vector<16xf32>
        %swap3A_538 = vector.shape_cast %mul3A_529 : vector<16xf32> to vector<1x16xf32>
        tpu.vector_store %swap3A_533[%swap3A_534, %swap3A_535], %swap3A_538 {strides = array<i32>} : memref<128x64xf32, #tpu.memory_space<vmem>>, vector<1x16xf32>,
        %mul3A_539 = arith.mulf %get3A_443, %mul3A_508 : vector<16xf32>
        %swap3A_540 = arith.constant 0 : i32
        %swap3A_541 = arith.constant 0 : i32
        %swap3A_542 = tpu.memref_slice %arg6[%scan3A_98, %swap3A_540, %swap3A_541] : memref<4x128x64xf32, #tpu.memory_space<vmem>> -> memref<1x128x64xf32, #tpu.memory_space<vmem>>
        %swap3A_543 = tpu.memref_squeeze %swap3A_542 : memref<1x128x64xf32, #tpu.memory_space<vmem>> -> memref<128x64xf32, #tpu.memory_space<vmem>>
        %swap3A_544 = arith.index_cast %add3A_411 : i32 to index
        %swap3A_545 = arith.constant 48 : index
        %swap3A_546 = tpu.vector_load %swap3A_543[%swap3A_544, %swap3A_545] {strides = array<i32>} : memref<128x64xf32, #tpu.memory_space<vmem>>, vector<1x16xf32>,
        %swap3A_547 = vector.shape_cast %swap3A_546 : vector<1x16xf32> to vector<16xf32>
        %swap3A_548 = vector.shape_cast %mul3A_539 : vector<16xf32> to vector<1x16xf32>
        tpu.vector_store %swap3A_543[%swap3A_544, %swap3A_545], %swap3A_548 {strides = array<i32>} : memref<128x64xf32, #tpu.memory_space<vmem>>, vector<1x16xf32>,
        %mul3A_549 = arith.constant 4 : i32
        %mul3A_550 = arith.muli %scan3A_276, %mul3A_549 : i32
        %add3A_551 = arith.constant 2 : i32
        %add3A_552 = arith.addi %mul3A_550, %add3A_551 : i32
        %get3A_553 = arith.constant 0 : i32
        %get3A_554 = arith.constant 0 : i32
        %get3A_555 = tpu.memref_slice %arg6[%scan3A_98, %get3A_553, %get3A_554] : memref<4x128x64xf32, #tpu.memory_space<vmem>> -> memref<1x128x64xf32, #tpu.memory_space<vmem>>
        %get3A_556 = tpu.memref_squeeze %get3A_555 : memref<1x128x64xf32, #tpu.memory_space<vmem>> -> memref<128x64xf32, #tpu.memory_space<vmem>>
        %get3A_557 = arith.index_cast %add3A_552 : i32 to index
        %get3A_558 = arith.constant 0 : index
        %get3A_559 = tpu.vector_load %get3A_556[%get3A_557, %get3A_558] {strides = array<i32>} : memref<128x64xf32, #tpu.memory_space<vmem>>, vector<1x16xf32>,
        %get3A_560 = vector.shape_cast %get3A_559 : vector<1x16xf32> to vector<16xf32>
        %get3A_561 = arith.constant 0 : i32
        %get3A_562 = arith.constant 0 : i32
        %get3A_563 = tpu.memref_slice %arg6[%scan3A_98, %get3A_561, %get3A_562] : memref<4x128x64xf32, #tpu.memory_space<vmem>> -> memref<1x128x64xf32, #tpu.memory_space<vmem>>
        %get3A_564 = tpu.memref_squeeze %get3A_563 : memref<1x128x64xf32, #tpu.memory_space<vmem>> -> memref<128x64xf32, #tpu.memory_space<vmem>>
        %get3A_565 = arith.index_cast %add3A_552 : i32 to index
        %get3A_566 = arith.constant 16 : index
        %get3A_567 = tpu.vector_load %get3A_564[%get3A_565, %get3A_566] {strides = array<i32>} : memref<128x64xf32, #tpu.memory_space<vmem>>, vector<1x16xf32>,
        %get3A_568 = vector.shape_cast %get3A_567 : vector<1x16xf32> to vector<16xf32>
        %get3A_569 = arith.constant 0 : i32
        %get3A_570 = arith.constant 0 : i32
        %get3A_571 = tpu.memref_slice %arg6[%scan3A_98, %get3A_569, %get3A_570] : memref<4x128x64xf32, #tpu.memory_space<vmem>> -> memref<1x128x64xf32, #tpu.memory_space<vmem>>
        %get3A_572 = tpu.memref_squeeze %get3A_571 : memref<1x128x64xf32, #tpu.memory_space<vmem>> -> memref<128x64xf32, #tpu.memory_space<vmem>>
        %get3A_573 = arith.index_cast %add3A_552 : i32 to index
        %get3A_574 = arith.constant 32 : index
        %get3A_575 = tpu.vector_load %get3A_572[%get3A_573, %get3A_574] {strides = array<i32>} : memref<128x64xf32, #tpu.memory_space<vmem>>, vector<1x16xf32>,
        %get3A_576 = vector.shape_cast %get3A_575 : vector<1x16xf32> to vector<16xf32>
        %get3A_577 = arith.constant 0 : i32
        %get3A_578 = arith.constant 0 : i32
        %get3A_579 = tpu.memref_slice %arg6[%scan3A_98, %get3A_577, %get3A_578] : memref<4x128x64xf32, #tpu.memory_space<vmem>> -> memref<1x128x64xf32, #tpu.memory_space<vmem>>
        %get3A_580 = tpu.memref_squeeze %get3A_579 : memref<1x128x64xf32, #tpu.memory_space<vmem>> -> memref<128x64xf32, #tpu.memory_space<vmem>>
        %get3A_581 = arith.index_cast %add3A_552 : i32 to index
        %get3A_582 = arith.constant 48 : index
        %get3A_583 = tpu.vector_load %get3A_580[%get3A_581, %get3A_582] {strides = array<i32>} : memref<128x64xf32, #tpu.memory_space<vmem>>, vector<1x16xf32>,
        %get3A_584 = vector.shape_cast %get3A_583 : vector<1x16xf32> to vector<16xf32>
        %mul3A_585 = arith.mulf %get3A_560, %get3A_560 : vector<16xf32>
        %mul3A_586 = arith.mulf %get3A_568, %get3A_568 : vector<16xf32>
        %add3A_587 = arith.addf %mul3A_585, %mul3A_586 : vector<16xf32>
        %mul3A_588 = arith.mulf %get3A_576, %get3A_576 : vector<16xf32>
        %add3A_589 = arith.addf %add3A_587, %mul3A_588 : vector<16xf32>
        %mul3A_590 = arith.mulf %get3A_584, %get3A_584 : vector<16xf32>
        %add3A_591 = arith.addf %add3A_589, %mul3A_590 : vector<16xf32>
        %iota3A_592 = tpu.iota {dimensions = array<i32: 0>} : vector<16xi32>
        %xor3A_593 = arith.constant 8 : i32
        %xor3A_594 = vector.broadcast %xor3A_593 : i32 to vector<16xi32>
        %xor3A_595 = arith.xori %iota3A_592, %xor3A_594 : vector<16xi32>
        %broadcast_in_dim3A_596 = vector.shape_cast %xor3A_595 : vector<16xi32> to vector<16x1xi32>
        %gather3A_597 = vector.shape_cast %broadcast_in_dim3A_596 : vector<16x1xi32> to vector<16xi32>
        %gather3A_598 = tpu.dynamic_gather %add3A_591[%gather3A_597] in [0] : vector<16xf32>, vector<16xi32> -> vector<16xf32>
        %add3A_599 = arith.addf %add3A_591, %gather3A_598 : vector<16xf32>
        %xor3A_600 = arith.constant 4 : i32
        %xor3A_601 = vector.broadcast %xor3A_600 : i32 to vector<16xi32>
        %xor3A_602 = arith.xori %iota3A_592, %xor3A_601 : vector<16xi32>
        %broadcast_in_dim3A_603 = vector.shape_cast %xor3A_602 : vector<16xi32> to vector<16x1xi32>
        %gather3A_604 = vector.shape_cast %broadcast_in_dim3A_603 : vector<16x1xi32> to vector<16xi32>
        %gather3A_605 = tpu.dynamic_gather %add3A_599[%gather3A_604] in [0] : vector<16xf32>, vector<16xi32> -> vector<16xf32>
        %add3A_606 = arith.addf %add3A_599, %gather3A_605 : vector<16xf32>
        %xor3A_607 = arith.constant 2 : i32
        %xor3A_608 = vector.broadcast %xor3A_607 : i32 to vector<16xi32>
        %xor3A_609 = arith.xori %iota3A_592, %xor3A_608 : vector<16xi32>
        %broadcast_in_dim3A_610 = vector.shape_cast %xor3A_609 : vector<16xi32> to vector<16x1xi32>
        %gather3A_611 = vector.shape_cast %broadcast_in_dim3A_610 : vector<16x1xi32> to vector<16xi32>
        %gather3A_612 = tpu.dynamic_gather %add3A_606[%gather3A_611] in [0] : vector<16xf32>, vector<16xi32> -> vector<16xf32>
        %add3A_613 = arith.addf %add3A_606, %gather3A_612 : vector<16xf32>
        %xor3A_614 = arith.constant 1 : i32
        %xor3A_615 = vector.broadcast %xor3A_614 : i32 to vector<16xi32>
        %xor3A_616 = arith.xori %iota3A_592, %xor3A_615 : vector<16xi32>
        %broadcast_in_dim3A_617 = vector.shape_cast %xor3A_616 : vector<16xi32> to vector<16x1xi32>
        %gather3A_618 = vector.shape_cast %broadcast_in_dim3A_617 : vector<16x1xi32> to vector<16xi32>
        %gather3A_619 = tpu.dynamic_gather %add3A_613[%gather3A_618] in [0] : vector<16xf32>, vector<16xi32> -> vector<16xf32>
        %add3A_620 = arith.addf %add3A_613, %gather3A_619 : vector<16xf32>
        %max3A_621 = arith.constant 1.000000e-24 : f32
        %max3A_622 = vector.broadcast %max3A_621 : f32 to vector<16xf32>
        %max3A_623 = arith.maximumf %add3A_620, %max3A_622 : vector<16xf32>
        %bitcast_convert_type3A_624 = tpu.bitcast %max3A_623 : vector<16xf32> -> vector<16xi32>
        %shift_right_logical3A_625 = arith.constant 1 : i32
        %shift_right_logical3A_626 = vector.broadcast %shift_right_logical3A_625 : i32 to vector<16xi32>
        %shift_right_logical3A_627 = arith.shrui %bitcast_convert_type3A_624, %shift_right_logical3A_626 : vector<16xi32>
        %sub3A_628 = arith.constant 1597463007 : i32
        %sub3A_629 = vector.broadcast %sub3A_628 : i32 to vector<16xi32>
        %sub3A_630 = arith.subi %sub3A_629, %shift_right_logical3A_627 : vector<16xi32>
        %bitcast_convert_type3A_631 = tpu.bitcast %sub3A_630 : vector<16xi32> -> vector<16xf32>
        %mul3A_632 = arith.constant 5.000000e-01 : f32
        %mul3A_633 = vector.broadcast %mul3A_632 : f32 to vector<16xf32>
        %mul3A_634 = arith.mulf %max3A_623, %mul3A_633 : vector<16xf32>
        %mul3A_635 = arith.mulf %mul3A_634, %bitcast_convert_type3A_631 : vector<16xf32>
        %mul3A_636 = arith.mulf %mul3A_635, %bitcast_convert_type3A_631 : vector<16xf32>
        %sub3A_637 = arith.constant 1.500000e+00 : f32
        %sub3A_638 = vector.broadcast %sub3A_637 : f32 to vector<16xf32>
        %sub3A_639 = arith.subf %sub3A_638, %mul3A_636 : vector<16xf32>
        %mul3A_640 = arith.mulf %bitcast_convert_type3A_631, %sub3A_639 : vector<16xf32>
        %mul3A_641 = arith.mulf %mul3A_634, %mul3A_640 : vector<16xf32>
        %mul3A_642 = arith.mulf %mul3A_641, %mul3A_640 : vector<16xf32>
        %sub3A_643 = arith.constant 1.500000e+00 : f32
        %sub3A_644 = vector.broadcast %sub3A_643 : f32 to vector<16xf32>
        %sub3A_645 = arith.subf %sub3A_644, %mul3A_642 : vector<16xf32>
        %mul3A_646 = arith.mulf %mul3A_640, %sub3A_645 : vector<16xf32>
        %mul3A_647 = arith.constant 8.000000e+00 : f32
        %mul3A_648 = vector.broadcast %mul3A_647 : f32 to vector<16xf32>
        %mul3A_649 = arith.mulf %mul3A_646, %mul3A_648 : vector<16xf32>
        %mul3A_650 = arith.mulf %get3A_560, %mul3A_649 : vector<16xf32>
        %swap3A_651 = arith.constant 0 : i32
        %swap3A_652 = arith.constant 0 : i32
        %swap3A_653 = tpu.memref_slice %arg6[%scan3A_98, %swap3A_651, %swap3A_652] : memref<4x128x64xf32, #tpu.memory_space<vmem>> -> memref<1x128x64xf32, #tpu.memory_space<vmem>>
        %swap3A_654 = tpu.memref_squeeze %swap3A_653 : memref<1x128x64xf32, #tpu.memory_space<vmem>> -> memref<128x64xf32, #tpu.memory_space<vmem>>
        %swap3A_655 = arith.index_cast %add3A_552 : i32 to index
        %swap3A_656 = arith.constant 0 : index
        %swap3A_657 = tpu.vector_load %swap3A_654[%swap3A_655, %swap3A_656] {strides = array<i32>} : memref<128x64xf32, #tpu.memory_space<vmem>>, vector<1x16xf32>,
        %swap3A_658 = vector.shape_cast %swap3A_657 : vector<1x16xf32> to vector<16xf32>
        %swap3A_659 = vector.shape_cast %mul3A_650 : vector<16xf32> to vector<1x16xf32>
        tpu.vector_store %swap3A_654[%swap3A_655, %swap3A_656], %swap3A_659 {strides = array<i32>} : memref<128x64xf32, #tpu.memory_space<vmem>>, vector<1x16xf32>,
        %mul3A_660 = arith.mulf %get3A_568, %mul3A_649 : vector<16xf32>
        %swap3A_661 = arith.constant 0 : i32
        %swap3A_662 = arith.constant 0 : i32
        %swap3A_663 = tpu.memref_slice %arg6[%scan3A_98, %swap3A_661, %swap3A_662] : memref<4x128x64xf32, #tpu.memory_space<vmem>> -> memref<1x128x64xf32, #tpu.memory_space<vmem>>
        %swap3A_664 = tpu.memref_squeeze %swap3A_663 : memref<1x128x64xf32, #tpu.memory_space<vmem>> -> memref<128x64xf32, #tpu.memory_space<vmem>>
        %swap3A_665 = arith.index_cast %add3A_552 : i32 to index
        %swap3A_666 = arith.constant 16 : index
        %swap3A_667 = tpu.vector_load %swap3A_664[%swap3A_665, %swap3A_666] {strides = array<i32>} : memref<128x64xf32, #tpu.memory_space<vmem>>, vector<1x16xf32>,
        %swap3A_668 = vector.shape_cast %swap3A_667 : vector<1x16xf32> to vector<16xf32>
        %swap3A_669 = vector.shape_cast %mul3A_660 : vector<16xf32> to vector<1x16xf32>
        tpu.vector_store %swap3A_664[%swap3A_665, %swap3A_666], %swap3A_669 {strides = array<i32>} : memref<128x64xf32, #tpu.memory_space<vmem>>, vector<1x16xf32>,
        %mul3A_670 = arith.mulf %get3A_576, %mul3A_649 : vector<16xf32>
        %swap3A_671 = arith.constant 0 : i32
        %swap3A_672 = arith.constant 0 : i32
        %swap3A_673 = tpu.memref_slice %arg6[%scan3A_98, %swap3A_671, %swap3A_672] : memref<4x128x64xf32, #tpu.memory_space<vmem>> -> memref<1x128x64xf32, #tpu.memory_space<vmem>>
        %swap3A_674 = tpu.memref_squeeze %swap3A_673 : memref<1x128x64xf32, #tpu.memory_space<vmem>> -> memref<128x64xf32, #tpu.memory_space<vmem>>
        %swap3A_675 = arith.index_cast %add3A_552 : i32 to index
        %swap3A_676 = arith.constant 32 : index
        %swap3A_677 = tpu.vector_load %swap3A_674[%swap3A_675, %swap3A_676] {strides = array<i32>} : memref<128x64xf32, #tpu.memory_space<vmem>>, vector<1x16xf32>,
        %swap3A_678 = vector.shape_cast %swap3A_677 : vector<1x16xf32> to vector<16xf32>
        %swap3A_679 = vector.shape_cast %mul3A_670 : vector<16xf32> to vector<1x16xf32>
        tpu.vector_store %swap3A_674[%swap3A_675, %swap3A_676], %swap3A_679 {strides = array<i32>} : memref<128x64xf32, #tpu.memory_space<vmem>>, vector<1x16xf32>,
        %mul3A_680 = arith.mulf %get3A_584, %mul3A_649 : vector<16xf32>
        %swap3A_681 = arith.constant 0 : i32
        %swap3A_682 = arith.constant 0 : i32
        %swap3A_683 = tpu.memref_slice %arg6[%scan3A_98, %swap3A_681, %swap3A_682] : memref<4x128x64xf32, #tpu.memory_space<vmem>> -> memref<1x128x64xf32, #tpu.memory_space<vmem>>
        %swap3A_684 = tpu.memref_squeeze %swap3A_683 : memref<1x128x64xf32, #tpu.memory_space<vmem>> -> memref<128x64xf32, #tpu.memory_space<vmem>>
        %swap3A_685 = arith.index_cast %add3A_552 : i32 to index
        %swap3A_686 = arith.constant 48 : index
        %swap3A_687 = tpu.vector_load %swap3A_684[%swap3A_685, %swap3A_686] {strides = array<i32>} : memref<128x64xf32, #tpu.memory_space<vmem>>, vector<1x16xf32>,
        %swap3A_688 = vector.shape_cast %swap3A_687 : vector<1x16xf32> to vector<16xf32>
        %swap3A_689 = vector.shape_cast %mul3A_680 : vector<16xf32> to vector<1x16xf32>
        tpu.vector_store %swap3A_684[%swap3A_685, %swap3A_686], %swap3A_689 {strides = array<i32>} : memref<128x64xf32, #tpu.memory_space<vmem>>, vector<1x16xf32>,
        %mul3A_690 = arith.constant 4 : i32
        %mul3A_691 = arith.muli %scan3A_276, %mul3A_690 : i32
        %add3A_692 = arith.constant 3 : i32
        %add3A_693 = arith.addi %mul3A_691, %add3A_692 : i32
        %get3A_694 = arith.constant 0 : i32
        %get3A_695 = arith.constant 0 : i32
        %get3A_696 = tpu.memref_slice %arg6[%scan3A_98, %get3A_694, %get3A_695] : memref<4x128x64xf32, #tpu.memory_space<vmem>> -> memref<1x128x64xf32, #tpu.memory_space<vmem>>
        %get3A_697 = tpu.memref_squeeze %get3A_696 : memref<1x128x64xf32, #tpu.memory_space<vmem>> -> memref<128x64xf32, #tpu.memory_space<vmem>>
        %get3A_698 = arith.index_cast %add3A_693 : i32 to index
        %get3A_699 = arith.constant 0 : index
        %get3A_700 = tpu.vector_load %get3A_697[%get3A_698, %get3A_699] {strides = array<i32>} : memref<128x64xf32, #tpu.memory_space<vmem>>, vector<1x16xf32>,
        %get3A_701 = vector.shape_cast %get3A_700 : vector<1x16xf32> to vector<16xf32>
        %get3A_702 = arith.constant 0 : i32
        %get3A_703 = arith.constant 0 : i32
        %get3A_704 = tpu.memref_slice %arg6[%scan3A_98, %get3A_702, %get3A_703] : memref<4x128x64xf32, #tpu.memory_space<vmem>> -> memref<1x128x64xf32, #tpu.memory_space<vmem>>
        %get3A_705 = tpu.memref_squeeze %get3A_704 : memref<1x128x64xf32, #tpu.memory_space<vmem>> -> memref<128x64xf32, #tpu.memory_space<vmem>>
        %get3A_706 = arith.index_cast %add3A_693 : i32 to index
        %get3A_707 = arith.constant 16 : index
        %get3A_708 = tpu.vector_load %get3A_705[%get3A_706, %get3A_707] {strides = array<i32>} : memref<128x64xf32, #tpu.memory_space<vmem>>, vector<1x16xf32>,
        %get3A_709 = vector.shape_cast %get3A_708 : vector<1x16xf32> to vector<16xf32>
        %get3A_710 = arith.constant 0 : i32
        %get3A_711 = arith.constant 0 : i32
        %get3A_712 = tpu.memref_slice %arg6[%scan3A_98, %get3A_710, %get3A_711] : memref<4x128x64xf32, #tpu.memory_space<vmem>> -> memref<1x128x64xf32, #tpu.memory_space<vmem>>
        %get3A_713 = tpu.memref_squeeze %get3A_712 : memref<1x128x64xf32, #tpu.memory_space<vmem>> -> memref<128x64xf32, #tpu.memory_space<vmem>>
        %get3A_714 = arith.index_cast %add3A_693 : i32 to index
        %get3A_715 = arith.constant 32 : index
        %get3A_716 = tpu.vector_load %get3A_713[%get3A_714, %get3A_715] {strides = array<i32>} : memref<128x64xf32, #tpu.memory_space<vmem>>, vector<1x16xf32>,
        %get3A_717 = vector.shape_cast %get3A_716 : vector<1x16xf32> to vector<16xf32>
        %get3A_718 = arith.constant 0 : i32
        %get3A_719 = arith.constant 0 : i32
        %get3A_720 = tpu.memref_slice %arg6[%scan3A_98, %get3A_718, %get3A_719] : memref<4x128x64xf32, #tpu.memory_space<vmem>> -> memref<1x128x64xf32, #tpu.memory_space<vmem>>
        %get3A_721 = tpu.memref_squeeze %get3A_720 : memref<1x128x64xf32, #tpu.memory_space<vmem>> -> memref<128x64xf32, #tpu.memory_space<vmem>>
        %get3A_722 = arith.index_cast %add3A_693 : i32 to index
        %get3A_723 = arith.constant 48 : index
        %get3A_724 = tpu.vector_load %get3A_721[%get3A_722, %get3A_723] {strides = array<i32>} : memref<128x64xf32, #tpu.memory_space<vmem>>, vector<1x16xf32>,
        %get3A_725 = vector.shape_cast %get3A_724 : vector<1x16xf32> to vector<16xf32>
        %mul3A_726 = arith.mulf %get3A_701, %get3A_701 : vector<16xf32>
        %mul3A_727 = arith.mulf %get3A_709, %get3A_709 : vector<16xf32>
        %add3A_728 = arith.addf %mul3A_726, %mul3A_727 : vector<16xf32>
        %mul3A_729 = arith.mulf %get3A_717, %get3A_717 : vector<16xf32>
        %add3A_730 = arith.addf %add3A_728, %mul3A_729 : vector<16xf32>
        %mul3A_731 = arith.mulf %get3A_725, %get3A_725 : vector<16xf32>
        %add3A_732 = arith.addf %add3A_730, %mul3A_731 : vector<16xf32>
        %iota3A_733 = tpu.iota {dimensions = array<i32: 0>} : vector<16xi32>
        %xor3A_734 = arith.constant 8 : i32
        %xor3A_735 = vector.broadcast %xor3A_734 : i32 to vector<16xi32>
        %xor3A_736 = arith.xori %iota3A_733, %xor3A_735 : vector<16xi32>
        %broadcast_in_dim3A_737 = vector.shape_cast %xor3A_736 : vector<16xi32> to vector<16x1xi32>
        %gather3A_738 = vector.shape_cast %broadcast_in_dim3A_737 : vector<16x1xi32> to vector<16xi32>
        %gather3A_739 = tpu.dynamic_gather %add3A_732[%gather3A_738] in [0] : vector<16xf32>, vector<16xi32> -> vector<16xf32>
        %add3A_740 = arith.addf %add3A_732, %gather3A_739 : vector<16xf32>
        %xor3A_741 = arith.constant 4 : i32
        %xor3A_742 = vector.broadcast %xor3A_741 : i32 to vector<16xi32>
        %xor3A_743 = arith.xori %iota3A_733, %xor3A_742 : vector<16xi32>
        %broadcast_in_dim3A_744 = vector.shape_cast %xor3A_743 : vector<16xi32> to vector<16x1xi32>
        %gather3A_745 = vector.shape_cast %broadcast_in_dim3A_744 : vector<16x1xi32> to vector<16xi32>
        %gather3A_746 = tpu.dynamic_gather %add3A_740[%gather3A_745] in [0] : vector<16xf32>, vector<16xi32> -> vector<16xf32>
        %add3A_747 = arith.addf %add3A_740, %gather3A_746 : vector<16xf32>
        %xor3A_748 = arith.constant 2 : i32
        %xor3A_749 = vector.broadcast %xor3A_748 : i32 to vector<16xi32>
        %xor3A_750 = arith.xori %iota3A_733, %xor3A_749 : vector<16xi32>
        %broadcast_in_dim3A_751 = vector.shape_cast %xor3A_750 : vector<16xi32> to vector<16x1xi32>
        %gather3A_752 = vector.shape_cast %broadcast_in_dim3A_751 : vector<16x1xi32> to vector<16xi32>
        %gather3A_753 = tpu.dynamic_gather %add3A_747[%gather3A_752] in [0] : vector<16xf32>, vector<16xi32> -> vector<16xf32>
        %add3A_754 = arith.addf %add3A_747, %gather3A_753 : vector<16xf32>
        %xor3A_755 = arith.constant 1 : i32
        %xor3A_756 = vector.broadcast %xor3A_755 : i32 to vector<16xi32>
        %xor3A_757 = arith.xori %iota3A_733, %xor3A_756 : vector<16xi32>
        %broadcast_in_dim3A_758 = vector.shape_cast %xor3A_757 : vector<16xi32> to vector<16x1xi32>
        %gather3A_759 = vector.shape_cast %broadcast_in_dim3A_758 : vector<16x1xi32> to vector<16xi32>
        %gather3A_760 = tpu.dynamic_gather %add3A_754[%gather3A_759] in [0] : vector<16xf32>, vector<16xi32> -> vector<16xf32>
        %add3A_761 = arith.addf %add3A_754, %gather3A_760 : vector<16xf32>
        %max3A_762 = arith.constant 1.000000e-24 : f32
        %max3A_763 = vector.broadcast %max3A_762 : f32 to vector<16xf32>
        %max3A_764 = arith.maximumf %add3A_761, %max3A_763 : vector<16xf32>
        %bitcast_convert_type3A_765 = tpu.bitcast %max3A_764 : vector<16xf32> -> vector<16xi32>
        %shift_right_logical3A_766 = arith.constant 1 : i32
        %shift_right_logical3A_767 = vector.broadcast %shift_right_logical3A_766 : i32 to vector<16xi32>
        %shift_right_logical3A_768 = arith.shrui %bitcast_convert_type3A_765, %shift_right_logical3A_767 : vector<16xi32>
        %sub3A_769 = arith.constant 1597463007 : i32
        %sub3A_770 = vector.broadcast %sub3A_769 : i32 to vector<16xi32>
        %sub3A_771 = arith.subi %sub3A_770, %shift_right_logical3A_768 : vector<16xi32>
        %bitcast_convert_type3A_772 = tpu.bitcast %sub3A_771 : vector<16xi32> -> vector<16xf32>
        %mul3A_773 = arith.constant 5.000000e-01 : f32
        %mul3A_774 = vector.broadcast %mul3A_773 : f32 to vector<16xf32>
        %mul3A_775 = arith.mulf %max3A_764, %mul3A_774 : vector<16xf32>
        %mul3A_776 = arith.mulf %mul3A_775, %bitcast_convert_type3A_772 : vector<16xf32>
        %mul3A_777 = arith.mulf %mul3A_776, %bitcast_convert_type3A_772 : vector<16xf32>
        %sub3A_778 = arith.constant 1.500000e+00 : f32
        %sub3A_779 = vector.broadcast %sub3A_778 : f32 to vector<16xf32>
        %sub3A_780 = arith.subf %sub3A_779, %mul3A_777 : vector<16xf32>
        %mul3A_781 = arith.mulf %bitcast_convert_type3A_772, %sub3A_780 : vector<16xf32>
        %mul3A_782 = arith.mulf %mul3A_775, %mul3A_781 : vector<16xf32>
        %mul3A_783 = arith.mulf %mul3A_782, %mul3A_781 : vector<16xf32>
        %sub3A_784 = arith.constant 1.500000e+00 : f32
        %sub3A_785 = vector.broadcast %sub3A_784 : f32 to vector<16xf32>
        %sub3A_786 = arith.subf %sub3A_785, %mul3A_783 : vector<16xf32>
        %mul3A_787 = arith.mulf %mul3A_781, %sub3A_786 : vector<16xf32>
        %mul3A_788 = arith.constant 8.000000e+00 : f32
        %mul3A_789 = vector.broadcast %mul3A_788 : f32 to vector<16xf32>
        %mul3A_790 = arith.mulf %mul3A_787, %mul3A_789 : vector<16xf32>
        %mul3A_791 = arith.mulf %get3A_701, %mul3A_790 : vector<16xf32>
        %swap3A_792 = arith.constant 0 : i32
        %swap3A_793 = arith.constant 0 : i32
        %swap3A_794 = tpu.memref_slice %arg6[%scan3A_98, %swap3A_792, %swap3A_793] : memref<4x128x64xf32, #tpu.memory_space<vmem>> -> memref<1x128x64xf32, #tpu.memory_space<vmem>>
        %swap3A_795 = tpu.memref_squeeze %swap3A_794 : memref<1x128x64xf32, #tpu.memory_space<vmem>> -> memref<128x64xf32, #tpu.memory_space<vmem>>
        %swap3A_796 = arith.index_cast %add3A_693 : i32 to index
        %swap3A_797 = arith.constant 0 : index
        %swap3A_798 = tpu.vector_load %swap3A_795[%swap3A_796, %swap3A_797] {strides = array<i32>} : memref<128x64xf32, #tpu.memory_space<vmem>>, vector<1x16xf32>,
        %swap3A_799 = vector.shape_cast %swap3A_798 : vector<1x16xf32> to vector<16xf32>
        %swap3A_800 = vector.shape_cast %mul3A_791 : vector<16xf32> to vector<1x16xf32>
        tpu.vector_store %swap3A_795[%swap3A_796, %swap3A_797], %swap3A_800 {strides = array<i32>} : memref<128x64xf32, #tpu.memory_space<vmem>>, vector<1x16xf32>,
        %mul3A_801 = arith.mulf %get3A_709, %mul3A_790 : vector<16xf32>
        %swap3A_802 = arith.constant 0 : i32
        %swap3A_803 = arith.constant 0 : i32
        %swap3A_804 = tpu.memref_slice %arg6[%scan3A_98, %swap3A_802, %swap3A_803] : memref<4x128x64xf32, #tpu.memory_space<vmem>> -> memref<1x128x64xf32, #tpu.memory_space<vmem>>
        %swap3A_805 = tpu.memref_squeeze %swap3A_804 : memref<1x128x64xf32, #tpu.memory_space<vmem>> -> memref<128x64xf32, #tpu.memory_space<vmem>>
        %swap3A_806 = arith.index_cast %add3A_693 : i32 to index
        %swap3A_807 = arith.constant 16 : index
        %swap3A_808 = tpu.vector_load %swap3A_805[%swap3A_806, %swap3A_807] {strides = array<i32>} : memref<128x64xf32, #tpu.memory_space<vmem>>, vector<1x16xf32>,
        %swap3A_809 = vector.shape_cast %swap3A_808 : vector<1x16xf32> to vector<16xf32>
        %swap3A_810 = vector.shape_cast %mul3A_801 : vector<16xf32> to vector<1x16xf32>
        tpu.vector_store %swap3A_805[%swap3A_806, %swap3A_807], %swap3A_810 {strides = array<i32>} : memref<128x64xf32, #tpu.memory_space<vmem>>, vector<1x16xf32>,
        %mul3A_811 = arith.mulf %get3A_717, %mul3A_790 : vector<16xf32>
        %swap3A_812 = arith.constant 0 : i32
        %swap3A_813 = arith.constant 0 : i32
        %swap3A_814 = tpu.memref_slice %arg6[%scan3A_98, %swap3A_812, %swap3A_813] : memref<4x128x64xf32, #tpu.memory_space<vmem>> -> memref<1x128x64xf32, #tpu.memory_space<vmem>>
        %swap3A_815 = tpu.memref_squeeze %swap3A_814 : memref<1x128x64xf32, #tpu.memory_space<vmem>> -> memref<128x64xf32, #tpu.memory_space<vmem>>
        %swap3A_816 = arith.index_cast %add3A_693 : i32 to index
        %swap3A_817 = arith.constant 32 : index
        %swap3A_818 = tpu.vector_load %swap3A_815[%swap3A_816, %swap3A_817] {strides = array<i32>} : memref<128x64xf32, #tpu.memory_space<vmem>>, vector<1x16xf32>,
        %swap3A_819 = vector.shape_cast %swap3A_818 : vector<1x16xf32> to vector<16xf32>
        %swap3A_820 = vector.shape_cast %mul3A_811 : vector<16xf32> to vector<1x16xf32>
        tpu.vector_store %swap3A_815[%swap3A_816, %swap3A_817], %swap3A_820 {strides = array<i32>} : memref<128x64xf32, #tpu.memory_space<vmem>>, vector<1x16xf32>,
        %mul3A_821 = arith.mulf %get3A_725, %mul3A_790 : vector<16xf32>
        %swap3A_822 = arith.constant 0 : i32
        %swap3A_823 = arith.constant 0 : i32
        %swap3A_824 = tpu.memref_slice %arg6[%scan3A_98, %swap3A_822, %swap3A_823] : memref<4x128x64xf32, #tpu.memory_space<vmem>> -> memref<1x128x64xf32, #tpu.memory_space<vmem>>
        %swap3A_825 = tpu.memref_squeeze %swap3A_824 : memref<1x128x64xf32, #tpu.memory_space<vmem>> -> memref<128x64xf32, #tpu.memory_space<vmem>>
        %swap3A_826 = arith.index_cast %add3A_693 : i32 to index
        %swap3A_827 = arith.constant 48 : index
        %swap3A_828 = tpu.vector_load %swap3A_825[%swap3A_826, %swap3A_827] {strides = array<i32>} : memref<128x64xf32, #tpu.memory_space<vmem>>, vector<1x16xf32>,
        %swap3A_829 = vector.shape_cast %swap3A_828 : vector<1x16xf32> to vector<16xf32>
        %swap3A_830 = vector.shape_cast %mul3A_821 : vector<16xf32> to vector<1x16xf32>
        tpu.vector_store %swap3A_825[%swap3A_826, %swap3A_827], %swap3A_830 {strides = array<i32>} : memref<128x64xf32, #tpu.memory_space<vmem>>, vector<1x16xf32>,
      }
      %scan3A_103 = arith.constant 32 : i32
      %mul3A_104 = arith.constant 128 : i32
      %mul3A_105 = arith.muli %add3A_78, %mul3A_104 : i32
      %add3A_106 = arith.addi %mul3A_2, %mul3A_105 : i32
      %dma_start3A_107 = arith.constant 0 : i32
      %dma_start3A_108 = arith.constant 0 : i32
      %dma_start3A_109 = arith.constant 0 : i32
      %dma_start3A_110 = arith.constant 0 : i32
      %dma_start3A_111 = tpu.memref_slice %arg6[%dma_start3A_107, %dma_start3A_109, %dma_start3A_110] : memref<4x128x64xf32, #tpu.memory_space<vmem>> -> memref<1x128x64xf32, #tpu.memory_space<vmem>>
      %dma_start3A_112 = tpu.memref_squeeze %dma_start3A_111 : memref<1x128x64xf32, #tpu.memory_space<vmem>> -> memref<128x64xf32, #tpu.memory_space<vmem>>
      %dma_start3A_113 = arith.constant 0 : i32
      %dma_start3A_114 = tpu.memref_slice %arg4[%add3A_106, %dma_start3A_113] : memref<819200x64xf32, #tpu.memory_space<hbm>> -> memref<128x64xf32, #tpu.memory_space<hbm>>
      %dma_start3A_115 = tpu.memref_slice %arg8[%dma_start3A_108] : memref<4x!tpu.dma_semaphore, #tpu.memory_space<semaphore_mem>> -> memref<1x!tpu.dma_semaphore, #tpu.memory_space<semaphore_mem>>
      %dma_start3A_116 = tpu.memref_squeeze %dma_start3A_115 : memref<1x!tpu.dma_semaphore, #tpu.memory_space<semaphore_mem>> -> memref<!tpu.dma_semaphore, #tpu.memory_space<semaphore_mem>>
      %dma_start3A_117 = arith.constant 0 : i32
      %dma_start3A_118 = tpu.memref_slice %arg4[%add3A_106, %dma_start3A_117] : memref<819200x64xf32, #tpu.memory_space<hbm>> -> memref<128x64xf32, #tpu.memory_space<hbm>>
      %dma_start3A_119 = arith.constant 0 : i32
      %dma_start3A_120 = arith.constant 0 : i32
      %dma_start3A_121 = tpu.memref_slice %arg6[%dma_start3A_107, %dma_start3A_119, %dma_start3A_120] : memref<4x128x64xf32, #tpu.memory_space<vmem>> -> memref<1x128x64xf32, #tpu.memory_space<vmem>>
      %dma_start3A_122 = tpu.memref_squeeze %dma_start3A_121 : memref<1x128x64xf32, #tpu.memory_space<vmem>> -> memref<128x64xf32, #tpu.memory_space<vmem>>
      tpu.enqueue_dma source(%dma_start3A_122 : memref<128x64xf32, #tpu.memory_space<vmem>>) target(%dma_start3A_118 : memref<128x64xf32, #tpu.memory_space<hbm>>) target_semaphore(%dma_start3A_116 : memref<!tpu.dma_semaphore, #tpu.memory_space<semaphore_mem>>)
      %mul3A_123 = arith.constant 4 : i32
      %mul3A_124 = arith.muli %scan3A_74, %mul3A_123 : i32
      %add3A_125 = arith.constant 1 : i32
      %add3A_126 = arith.addi %mul3A_124, %add3A_125 : i32
      %add3A_127 = arith.constant 2 : i32
      %add3A_128 = arith.addi %add3A_126, %add3A_127 : i32
      %lt3A_129 = arith.constant 200 : i32
      %lt3A_130 = arith.cmpi slt, %add3A_128, %lt3A_129 : i32
      %convert_element_type3A_131 = arith.extui %lt3A_130 : i1 to i32
      %cond3A_132 = arith.constant 0 : i32
      %cond3A_133 = arith.cmpi ne, %convert_element_type3A_131, %cond3A_132 : i32
      scf.if %cond3A_133 {
        %ge3A = arith.constant 2 : i32
        %ge3A_276 = arith.cmpi sge, %add3A_126, %ge3A : i32
        %convert_element_type3A_277 = arith.extui %ge3A_276 : i1 to i32
        %cond3A_278 = arith.constant 0 : i32
        %cond3A_279 = arith.cmpi ne, %convert_element_type3A_277, %cond3A_278 : i32
        scf.if %cond3A_279 {
          %sub3A = arith.constant 2 : i32
          %sub3A_296 = arith.subi %add3A_126, %sub3A : i32
          %mul3A_297 = arith.constant 128 : i32
          %mul3A_298 = arith.muli %sub3A_296, %mul3A_297 : i32
          %add3A_299 = arith.addi %mul3A_2, %mul3A_298 : i32
          %dma_wait3A_300 = arith.constant 3 : i32
          %dma_wait3A_301 = arith.constant 3 : i32
          %dma_wait3A_302 = arith.constant 0 : i32
          %dma_wait3A_303 = arith.constant 0 : i32
          %dma_wait3A_304 = tpu.memref_slice %arg6[%dma_wait3A_300, %dma_wait3A_302, %dma_wait3A_303] : memref<4x128x64xf32, #tpu.memory_space<vmem>> -> memref<1x128x64xf32, #tpu.memory_space<vmem>>
          %dma_wait3A_305 = tpu.memref_squeeze %dma_wait3A_304 : memref<1x128x64xf32, #tpu.memory_space<vmem>> -> memref<128x64xf32, #tpu.memory_space<vmem>>
          %dma_wait3A_306 = arith.constant 0 : i32
          %dma_wait3A_307 = tpu.memref_slice %arg4[%add3A_299, %dma_wait3A_306] : memref<819200x64xf32, #tpu.memory_space<hbm>> -> memref<128x64xf32, #tpu.memory_space<hbm>>
          %dma_wait3A_308 = tpu.memref_slice %arg8[%dma_wait3A_301] : memref<4x!tpu.dma_semaphore, #tpu.memory_space<semaphore_mem>> -> memref<1x!tpu.dma_semaphore, #tpu.memory_space<semaphore_mem>>
          %dma_wait3A_309 = tpu.memref_squeeze %dma_wait3A_308 : memref<1x!tpu.dma_semaphore, #tpu.memory_space<semaphore_mem>> -> memref<!tpu.dma_semaphore, #tpu.memory_space<semaphore_mem>>
          %dma_wait3A_310 = arith.constant 0 : i32
          %dma_wait3A_311 = tpu.memref_slice %arg4[%add3A_299, %dma_wait3A_310] : memref<819200x64xf32, #tpu.memory_space<hbm>> -> memref<128x64xf32, #tpu.memory_space<hbm>>
          %dma_wait3A_312 = arith.constant 0 : i32
          %dma_wait3A_313 = arith.constant 0 : i32
          %dma_wait3A_314 = tpu.memref_slice %arg6[%dma_wait3A_300, %dma_wait3A_312, %dma_wait3A_313] : memref<4x128x64xf32, #tpu.memory_space<vmem>> -> memref<1x128x64xf32, #tpu.memory_space<vmem>>
          %dma_wait3A_315 = tpu.memref_squeeze %dma_wait3A_314 : memref<1x128x64xf32, #tpu.memory_space<vmem>> -> memref<128x64xf32, #tpu.memory_space<vmem>>
          tpu.wait_dma2 semaphore(%dma_wait3A_309 : memref<!tpu.dma_semaphore, #tpu.memory_space<semaphore_mem>>) src(%dma_wait3A_315 : memref<128x64xf32, #tpu.memory_space<vmem>>) dst(%dma_wait3A_311 : memref<128x64xf32, #tpu.memory_space<hbm>>)
        } else {
        }
        %add3A_280 = arith.constant 2 : i32
        %add3A_281 = arith.addi %add3A_126, %add3A_280 : i32
        %mul3A_282 = arith.constant 128 : i32
        %mul3A_283 = arith.muli %add3A_281, %mul3A_282 : i32
        %dma_start3A_284 = arith.constant 3 : i32
        %dma_start3A_285 = arith.constant 3 : i32
        %dma_start3A_286 = arith.constant 0 : i32
        %dma_start3A_287 = arith.constant 0 : i32
        %dma_start3A_288 = tpu.memref_slice %arg6[%dma_start3A_284, %dma_start3A_286, %dma_start3A_287] : memref<4x128x64xf32, #tpu.memory_space<vmem>> -> memref<1x128x64xf32, #tpu.memory_space<vmem>>
        %dma_start3A_289 = tpu.memref_squeeze %dma_start3A_288 : memref<1x128x64xf32, #tpu.memory_space<vmem>> -> memref<128x64xf32, #tpu.memory_space<vmem>>
        %dma_start3A_290 = tpu.memref_slice %arg5[%mul3A_283] : memref<25600xi32, #tpu.memory_space<vmem>> -> memref<128xi32, #tpu.memory_space<vmem>>
        %dma_start3A_291 = arith.constant 0 : i32
        %dma_start3A_292 = arith.constant 0 : i32
        %dma_start3A_293 = tpu.memref_slice %arg3[%dma_start3A_291, %dma_start3A_292] : memref<1000448x64xf32, #tpu.memory_space<hbm>> -> memref<1000448x64xf32, #tpu.memory_space<hbm>>
        %dma_start3A_294 = tpu.memref_slice %arg7[%dma_start3A_285] : memref<4x!tpu.dma_semaphore, #tpu.memory_space<semaphore_mem>> -> memref<1x!tpu.dma_semaphore, #tpu.memory_space<semaphore_mem>>
        %dma_start3A_295 = tpu.memref_squeeze %dma_start3A_294 : memref<1x!tpu.dma_semaphore, #tpu.memory_space<semaphore_mem>> -> memref<!tpu.dma_semaphore, #tpu.memory_space<semaphore_mem>>
        tpu.enqueue_indirect_dma source(%dma_start3A_293 : memref<1000448x64xf32, #tpu.memory_space<hbm>>) target(%dma_start3A_289 : memref<128x64xf32, #tpu.memory_space<vmem>>) offsets(%dma_start3A_290 : memref<128xi32, #tpu.memory_space<vmem>>) semaphore(%dma_start3A_295 : memref<!tpu.dma_semaphore, #tpu.memory_space<semaphore_mem>>)
      } else {
      }
      %mul3A_134 = arith.constant 128 : i32
      %mul3A_135 = arith.muli %add3A_126, %mul3A_134 : i32
      %dma_wait3A_136 = arith.constant 1 : i32
      %dma_wait3A_137 = arith.constant 1 : i32
      %dma_wait3A_138 = arith.constant 0 : i32
      %dma_wait3A_139 = arith.constant 0 : i32
      %dma_wait3A_140 = tpu.memref_slice %arg6[%dma_wait3A_136, %dma_wait3A_138, %dma_wait3A_139] : memref<4x128x64xf32, #tpu.memory_space<vmem>> -> memref<1x128x64xf32, #tpu.memory_space<vmem>>
      %dma_wait3A_141 = tpu.memref_squeeze %dma_wait3A_140 : memref<1x128x64xf32, #tpu.memory_space<vmem>> -> memref<128x64xf32, #tpu.memory_space<vmem>>
      %dma_wait3A_142 = tpu.memref_slice %arg5[%mul3A_135] : memref<25600xi32, #tpu.memory_space<vmem>> -> memref<128xi32, #tpu.memory_space<vmem>>
      %dma_wait3A_143 = arith.constant 0 : i32
      %dma_wait3A_144 = arith.constant 0 : i32
      %dma_wait3A_145 = tpu.memref_slice %arg3[%dma_wait3A_143, %dma_wait3A_144] : memref<1000448x64xf32, #tpu.memory_space<hbm>> -> memref<1000448x64xf32, #tpu.memory_space<hbm>>
      %dma_wait3A_146 = tpu.memref_slice %arg7[%dma_wait3A_137] : memref<4x!tpu.dma_semaphore, #tpu.memory_space<semaphore_mem>> -> memref<1x!tpu.dma_semaphore, #tpu.memory_space<semaphore_mem>>
      %dma_wait3A_147 = tpu.memref_squeeze %dma_wait3A_146 : memref<1x!tpu.dma_semaphore, #tpu.memory_space<semaphore_mem>> -> memref<!tpu.dma_semaphore, #tpu.memory_space<semaphore_mem>>
      tpu.wait_indirect_dma semaphore(%dma_wait3A_147 : memref<!tpu.dma_semaphore, #tpu.memory_space<semaphore_mem>>) src(%dma_wait3A_145 : memref<1000448x64xf32, #tpu.memory_space<hbm>>) dst(%dma_wait3A_141 : memref<128x64xf32, #tpu.memory_space<vmem>>)
      %scan3A_148 = arith.constant 0 : i32
      %scan3A_149 = arith.constant 1 : i32
      %scan3A_150 = arith.constant 0 : i32
      %scan3A_151 = arith.constant 32 : i32
      %scan3A_152 = arith.addi %scan3A_150, %scan3A_151 : i32
      %scan3A_153 = arith.constant 1 : i32
      scf.for %scan3A_276 = %scan3A_150 to %scan3A_152 step %scan3A_153  : i32 {
        %mul3A_277 = arith.constant 4 : i32
        %mul3A_278 = arith.muli %scan3A_276, %mul3A_277 : i32
        %add3A_279 = arith.constant 0 : i32
        %add3A_280 = arith.addi %mul3A_278, %add3A_279 : i32
        %get3A = arith.constant 0 : i32
        %get3A_281 = arith.constant 0 : i32
        %get3A_282 = tpu.memref_slice %arg6[%scan3A_149, %get3A, %get3A_281] : memref<4x128x64xf32, #tpu.memory_space<vmem>> -> memref<1x128x64xf32, #tpu.memory_space<vmem>>
        %get3A_283 = tpu.memref_squeeze %get3A_282 : memref<1x128x64xf32, #tpu.memory_space<vmem>> -> memref<128x64xf32, #tpu.memory_space<vmem>>
        %get3A_284 = arith.index_cast %add3A_280 : i32 to index
        %get3A_285 = arith.constant 0 : index
        %get3A_286 = tpu.vector_load %get3A_283[%get3A_284, %get3A_285] {strides = array<i32>} : memref<128x64xf32, #tpu.memory_space<vmem>>, vector<1x16xf32>,
        %get3A_287 = vector.shape_cast %get3A_286 : vector<1x16xf32> to vector<16xf32>
        %get3A_288 = arith.constant 0 : i32
        %get3A_289 = arith.constant 0 : i32
        %get3A_290 = tpu.memref_slice %arg6[%scan3A_149, %get3A_288, %get3A_289] : memref<4x128x64xf32, #tpu.memory_space<vmem>> -> memref<1x128x64xf32, #tpu.memory_space<vmem>>
        %get3A_291 = tpu.memref_squeeze %get3A_290 : memref<1x128x64xf32, #tpu.memory_space<vmem>> -> memref<128x64xf32, #tpu.memory_space<vmem>>
        %get3A_292 = arith.index_cast %add3A_280 : i32 to index
        %get3A_293 = arith.constant 16 : index
        %get3A_294 = tpu.vector_load %get3A_291[%get3A_292, %get3A_293] {strides = array<i32>} : memref<128x64xf32, #tpu.memory_space<vmem>>, vector<1x16xf32>,
        %get3A_295 = vector.shape_cast %get3A_294 : vector<1x16xf32> to vector<16xf32>
        %get3A_296 = arith.constant 0 : i32
        %get3A_297 = arith.constant 0 : i32
        %get3A_298 = tpu.memref_slice %arg6[%scan3A_149, %get3A_296, %get3A_297] : memref<4x128x64xf32, #tpu.memory_space<vmem>> -> memref<1x128x64xf32, #tpu.memory_space<vmem>>
        %get3A_299 = tpu.memref_squeeze %get3A_298 : memref<1x128x64xf32, #tpu.memory_space<vmem>> -> memref<128x64xf32, #tpu.memory_space<vmem>>
        %get3A_300 = arith.index_cast %add3A_280 : i32 to index
        %get3A_301 = arith.constant 32 : index
        %get3A_302 = tpu.vector_load %get3A_299[%get3A_300, %get3A_301] {strides = array<i32>} : memref<128x64xf32, #tpu.memory_space<vmem>>, vector<1x16xf32>,
        %get3A_303 = vector.shape_cast %get3A_302 : vector<1x16xf32> to vector<16xf32>
        %get3A_304 = arith.constant 0 : i32
        %get3A_305 = arith.constant 0 : i32
        %get3A_306 = tpu.memref_slice %arg6[%scan3A_149, %get3A_304, %get3A_305] : memref<4x128x64xf32, #tpu.memory_space<vmem>> -> memref<1x128x64xf32, #tpu.memory_space<vmem>>
        %get3A_307 = tpu.memref_squeeze %get3A_306 : memref<1x128x64xf32, #tpu.memory_space<vmem>> -> memref<128x64xf32, #tpu.memory_space<vmem>>
        %get3A_308 = arith.index_cast %add3A_280 : i32 to index
        %get3A_309 = arith.constant 48 : index
        %get3A_310 = tpu.vector_load %get3A_307[%get3A_308, %get3A_309] {strides = array<i32>} : memref<128x64xf32, #tpu.memory_space<vmem>>, vector<1x16xf32>,
        %get3A_311 = vector.shape_cast %get3A_310 : vector<1x16xf32> to vector<16xf32>
        %mul3A_312 = arith.mulf %get3A_287, %get3A_287 : vector<16xf32>
        %mul3A_313 = arith.mulf %get3A_295, %get3A_295 : vector<16xf32>
        %add3A_314 = arith.addf %mul3A_312, %mul3A_313 : vector<16xf32>
        %mul3A_315 = arith.mulf %get3A_303, %get3A_303 : vector<16xf32>
        %add3A_316 = arith.addf %add3A_314, %mul3A_315 : vector<16xf32>
        %mul3A_317 = arith.mulf %get3A_311, %get3A_311 : vector<16xf32>
        %add3A_318 = arith.addf %add3A_316, %mul3A_317 : vector<16xf32>
        %iota3A = tpu.iota {dimensions = array<i32: 0>} : vector<16xi32>
        %xor3A = arith.constant 8 : i32
        %xor3A_319 = vector.broadcast %xor3A : i32 to vector<16xi32>
        %xor3A_320 = arith.xori %iota3A, %xor3A_319 : vector<16xi32>
        %broadcast_in_dim3A = vector.shape_cast %xor3A_320 : vector<16xi32> to vector<16x1xi32>
        %gather3A = vector.shape_cast %broadcast_in_dim3A : vector<16x1xi32> to vector<16xi32>
        %gather3A_321 = tpu.dynamic_gather %add3A_318[%gather3A] in [0] : vector<16xf32>, vector<16xi32> -> vector<16xf32>
        %add3A_322 = arith.addf %add3A_318, %gather3A_321 : vector<16xf32>
        %xor3A_323 = arith.constant 4 : i32
        %xor3A_324 = vector.broadcast %xor3A_323 : i32 to vector<16xi32>
        %xor3A_325 = arith.xori %iota3A, %xor3A_324 : vector<16xi32>
        %broadcast_in_dim3A_326 = vector.shape_cast %xor3A_325 : vector<16xi32> to vector<16x1xi32>
        %gather3A_327 = vector.shape_cast %broadcast_in_dim3A_326 : vector<16x1xi32> to vector<16xi32>
        %gather3A_328 = tpu.dynamic_gather %add3A_322[%gather3A_327] in [0] : vector<16xf32>, vector<16xi32> -> vector<16xf32>
        %add3A_329 = arith.addf %add3A_322, %gather3A_328 : vector<16xf32>
        %xor3A_330 = arith.constant 2 : i32
        %xor3A_331 = vector.broadcast %xor3A_330 : i32 to vector<16xi32>
        %xor3A_332 = arith.xori %iota3A, %xor3A_331 : vector<16xi32>
        %broadcast_in_dim3A_333 = vector.shape_cast %xor3A_332 : vector<16xi32> to vector<16x1xi32>
        %gather3A_334 = vector.shape_cast %broadcast_in_dim3A_333 : vector<16x1xi32> to vector<16xi32>
        %gather3A_335 = tpu.dynamic_gather %add3A_329[%gather3A_334] in [0] : vector<16xf32>, vector<16xi32> -> vector<16xf32>
        %add3A_336 = arith.addf %add3A_329, %gather3A_335 : vector<16xf32>
        %xor3A_337 = arith.constant 1 : i32
        %xor3A_338 = vector.broadcast %xor3A_337 : i32 to vector<16xi32>
        %xor3A_339 = arith.xori %iota3A, %xor3A_338 : vector<16xi32>
        %broadcast_in_dim3A_340 = vector.shape_cast %xor3A_339 : vector<16xi32> to vector<16x1xi32>
        %gather3A_341 = vector.shape_cast %broadcast_in_dim3A_340 : vector<16x1xi32> to vector<16xi32>
        %gather3A_342 = tpu.dynamic_gather %add3A_336[%gather3A_341] in [0] : vector<16xf32>, vector<16xi32> -> vector<16xf32>
        %add3A_343 = arith.addf %add3A_336, %gather3A_342 : vector<16xf32>
        %max3A = arith.constant 1.000000e-24 : f32
        %max3A_344 = vector.broadcast %max3A : f32 to vector<16xf32>
        %max3A_345 = arith.maximumf %add3A_343, %max3A_344 : vector<16xf32>
        %bitcast_convert_type3A = tpu.bitcast %max3A_345 : vector<16xf32> -> vector<16xi32>
        %shift_right_logical3A = arith.constant 1 : i32
        %shift_right_logical3A_346 = vector.broadcast %shift_right_logical3A : i32 to vector<16xi32>
        %shift_right_logical3A_347 = arith.shrui %bitcast_convert_type3A, %shift_right_logical3A_346 : vector<16xi32>
        %sub3A = arith.constant 1597463007 : i32
        %sub3A_348 = vector.broadcast %sub3A : i32 to vector<16xi32>
        %sub3A_349 = arith.subi %sub3A_348, %shift_right_logical3A_347 : vector<16xi32>
        %bitcast_convert_type3A_350 = tpu.bitcast %sub3A_349 : vector<16xi32> -> vector<16xf32>
        %mul3A_351 = arith.constant 5.000000e-01 : f32
        %mul3A_352 = vector.broadcast %mul3A_351 : f32 to vector<16xf32>
        %mul3A_353 = arith.mulf %max3A_345, %mul3A_352 : vector<16xf32>
        %mul3A_354 = arith.mulf %mul3A_353, %bitcast_convert_type3A_350 : vector<16xf32>
        %mul3A_355 = arith.mulf %mul3A_354, %bitcast_convert_type3A_350 : vector<16xf32>
        %sub3A_356 = arith.constant 1.500000e+00 : f32
        %sub3A_357 = vector.broadcast %sub3A_356 : f32 to vector<16xf32>
        %sub3A_358 = arith.subf %sub3A_357, %mul3A_355 : vector<16xf32>
        %mul3A_359 = arith.mulf %bitcast_convert_type3A_350, %sub3A_358 : vector<16xf32>
        %mul3A_360 = arith.mulf %mul3A_353, %mul3A_359 : vector<16xf32>
        %mul3A_361 = arith.mulf %mul3A_360, %mul3A_359 : vector<16xf32>
        %sub3A_362 = arith.constant 1.500000e+00 : f32
        %sub3A_363 = vector.broadcast %sub3A_362 : f32 to vector<16xf32>
        %sub3A_364 = arith.subf %sub3A_363, %mul3A_361 : vector<16xf32>
        %mul3A_365 = arith.mulf %mul3A_359, %sub3A_364 : vector<16xf32>
        %mul3A_366 = arith.constant 8.000000e+00 : f32
        %mul3A_367 = vector.broadcast %mul3A_366 : f32 to vector<16xf32>
        %mul3A_368 = arith.mulf %mul3A_365, %mul3A_367 : vector<16xf32>
        %mul3A_369 = arith.mulf %get3A_287, %mul3A_368 : vector<16xf32>
        %swap3A = arith.constant 0 : i32
        %swap3A_370 = arith.constant 0 : i32
        %swap3A_371 = tpu.memref_slice %arg6[%scan3A_149, %swap3A, %swap3A_370] : memref<4x128x64xf32, #tpu.memory_space<vmem>> -> memref<1x128x64xf32, #tpu.memory_space<vmem>>
        %swap3A_372 = tpu.memref_squeeze %swap3A_371 : memref<1x128x64xf32, #tpu.memory_space<vmem>> -> memref<128x64xf32, #tpu.memory_space<vmem>>
        %swap3A_373 = arith.index_cast %add3A_280 : i32 to index
        %swap3A_374 = arith.constant 0 : index
        %swap3A_375 = tpu.vector_load %swap3A_372[%swap3A_373, %swap3A_374] {strides = array<i32>} : memref<128x64xf32, #tpu.memory_space<vmem>>, vector<1x16xf32>,
        %swap3A_376 = vector.shape_cast %swap3A_375 : vector<1x16xf32> to vector<16xf32>
        %swap3A_377 = vector.shape_cast %mul3A_369 : vector<16xf32> to vector<1x16xf32>
        tpu.vector_store %swap3A_372[%swap3A_373, %swap3A_374], %swap3A_377 {strides = array<i32>} : memref<128x64xf32, #tpu.memory_space<vmem>>, vector<1x16xf32>,
        %mul3A_378 = arith.mulf %get3A_295, %mul3A_368 : vector<16xf32>
        %swap3A_379 = arith.constant 0 : i32
        %swap3A_380 = arith.constant 0 : i32
        %swap3A_381 = tpu.memref_slice %arg6[%scan3A_149, %swap3A_379, %swap3A_380] : memref<4x128x64xf32, #tpu.memory_space<vmem>> -> memref<1x128x64xf32, #tpu.memory_space<vmem>>
        %swap3A_382 = tpu.memref_squeeze %swap3A_381 : memref<1x128x64xf32, #tpu.memory_space<vmem>> -> memref<128x64xf32, #tpu.memory_space<vmem>>
        %swap3A_383 = arith.index_cast %add3A_280 : i32 to index
        %swap3A_384 = arith.constant 16 : index
        %swap3A_385 = tpu.vector_load %swap3A_382[%swap3A_383, %swap3A_384] {strides = array<i32>} : memref<128x64xf32, #tpu.memory_space<vmem>>, vector<1x16xf32>,
        %swap3A_386 = vector.shape_cast %swap3A_385 : vector<1x16xf32> to vector<16xf32>
        %swap3A_387 = vector.shape_cast %mul3A_378 : vector<16xf32> to vector<1x16xf32>
        tpu.vector_store %swap3A_382[%swap3A_383, %swap3A_384], %swap3A_387 {strides = array<i32>} : memref<128x64xf32, #tpu.memory_space<vmem>>, vector<1x16xf32>,
        %mul3A_388 = arith.mulf %get3A_303, %mul3A_368 : vector<16xf32>
        %swap3A_389 = arith.constant 0 : i32
        %swap3A_390 = arith.constant 0 : i32
        %swap3A_391 = tpu.memref_slice %arg6[%scan3A_149, %swap3A_389, %swap3A_390] : memref<4x128x64xf32, #tpu.memory_space<vmem>> -> memref<1x128x64xf32, #tpu.memory_space<vmem>>
        %swap3A_392 = tpu.memref_squeeze %swap3A_391 : memref<1x128x64xf32, #tpu.memory_space<vmem>> -> memref<128x64xf32, #tpu.memory_space<vmem>>
        %swap3A_393 = arith.index_cast %add3A_280 : i32 to index
        %swap3A_394 = arith.constant 32 : index
        %swap3A_395 = tpu.vector_load %swap3A_392[%swap3A_393, %swap3A_394] {strides = array<i32>} : memref<128x64xf32, #tpu.memory_space<vmem>>, vector<1x16xf32>,
        %swap3A_396 = vector.shape_cast %swap3A_395 : vector<1x16xf32> to vector<16xf32>
        %swap3A_397 = vector.shape_cast %mul3A_388 : vector<16xf32> to vector<1x16xf32>
        tpu.vector_store %swap3A_392[%swap3A_393, %swap3A_394], %swap3A_397 {strides = array<i32>} : memref<128x64xf32, #tpu.memory_space<vmem>>, vector<1x16xf32>,
        %mul3A_398 = arith.mulf %get3A_311, %mul3A_368 : vector<16xf32>
        %swap3A_399 = arith.constant 0 : i32
        %swap3A_400 = arith.constant 0 : i32
        %swap3A_401 = tpu.memref_slice %arg6[%scan3A_149, %swap3A_399, %swap3A_400] : memref<4x128x64xf32, #tpu.memory_space<vmem>> -> memref<1x128x64xf32, #tpu.memory_space<vmem>>
        %swap3A_402 = tpu.memref_squeeze %swap3A_401 : memref<1x128x64xf32, #tpu.memory_space<vmem>> -> memref<128x64xf32, #tpu.memory_space<vmem>>
        %swap3A_403 = arith.index_cast %add3A_280 : i32 to index
        %swap3A_404 = arith.constant 48 : index
        %swap3A_405 = tpu.vector_load %swap3A_402[%swap3A_403, %swap3A_404] {strides = array<i32>} : memref<128x64xf32, #tpu.memory_space<vmem>>, vector<1x16xf32>,
        %swap3A_406 = vector.shape_cast %swap3A_405 : vector<1x16xf32> to vector<16xf32>
        %swap3A_407 = vector.shape_cast %mul3A_398 : vector<16xf32> to vector<1x16xf32>
        tpu.vector_store %swap3A_402[%swap3A_403, %swap3A_404], %swap3A_407 {strides = array<i32>} : memref<128x64xf32, #tpu.memory_space<vmem>>, vector<1x16xf32>,
        %mul3A_408 = arith.constant 4 : i32
        %mul3A_409 = arith.muli %scan3A_276, %mul3A_408 : i32
        %add3A_410 = arith.constant 1 : i32
        %add3A_411 = arith.addi %mul3A_409, %add3A_410 : i32
        %get3A_412 = arith.constant 0 : i32
        %get3A_413 = arith.constant 0 : i32
        %get3A_414 = tpu.memref_slice %arg6[%scan3A_149, %get3A_412, %get3A_413] : memref<4x128x64xf32, #tpu.memory_space<vmem>> -> memref<1x128x64xf32, #tpu.memory_space<vmem>>
        %get3A_415 = tpu.memref_squeeze %get3A_414 : memref<1x128x64xf32, #tpu.memory_space<vmem>> -> memref<128x64xf32, #tpu.memory_space<vmem>>
        %get3A_416 = arith.index_cast %add3A_411 : i32 to index
        %get3A_417 = arith.constant 0 : index
        %get3A_418 = tpu.vector_load %get3A_415[%get3A_416, %get3A_417] {strides = array<i32>} : memref<128x64xf32, #tpu.memory_space<vmem>>, vector<1x16xf32>,
        %get3A_419 = vector.shape_cast %get3A_418 : vector<1x16xf32> to vector<16xf32>
        %get3A_420 = arith.constant 0 : i32
        %get3A_421 = arith.constant 0 : i32
        %get3A_422 = tpu.memref_slice %arg6[%scan3A_149, %get3A_420, %get3A_421] : memref<4x128x64xf32, #tpu.memory_space<vmem>> -> memref<1x128x64xf32, #tpu.memory_space<vmem>>
        %get3A_423 = tpu.memref_squeeze %get3A_422 : memref<1x128x64xf32, #tpu.memory_space<vmem>> -> memref<128x64xf32, #tpu.memory_space<vmem>>
        %get3A_424 = arith.index_cast %add3A_411 : i32 to index
        %get3A_425 = arith.constant 16 : index
        %get3A_426 = tpu.vector_load %get3A_423[%get3A_424, %get3A_425] {strides = array<i32>} : memref<128x64xf32, #tpu.memory_space<vmem>>, vector<1x16xf32>,
        %get3A_427 = vector.shape_cast %get3A_426 : vector<1x16xf32> to vector<16xf32>
        %get3A_428 = arith.constant 0 : i32
        %get3A_429 = arith.constant 0 : i32
        %get3A_430 = tpu.memref_slice %arg6[%scan3A_149, %get3A_428, %get3A_429] : memref<4x128x64xf32, #tpu.memory_space<vmem>> -> memref<1x128x64xf32, #tpu.memory_space<vmem>>
        %get3A_431 = tpu.memref_squeeze %get3A_430 : memref<1x128x64xf32, #tpu.memory_space<vmem>> -> memref<128x64xf32, #tpu.memory_space<vmem>>
        %get3A_432 = arith.index_cast %add3A_411 : i32 to index
        %get3A_433 = arith.constant 32 : index
        %get3A_434 = tpu.vector_load %get3A_431[%get3A_432, %get3A_433] {strides = array<i32>} : memref<128x64xf32, #tpu.memory_space<vmem>>, vector<1x16xf32>,
        %get3A_435 = vector.shape_cast %get3A_434 : vector<1x16xf32> to vector<16xf32>
        %get3A_436 = arith.constant 0 : i32
        %get3A_437 = arith.constant 0 : i32
        %get3A_438 = tpu.memref_slice %arg6[%scan3A_149, %get3A_436, %get3A_437] : memref<4x128x64xf32, #tpu.memory_space<vmem>> -> memref<1x128x64xf32, #tpu.memory_space<vmem>>
        %get3A_439 = tpu.memref_squeeze %get3A_438 : memref<1x128x64xf32, #tpu.memory_space<vmem>> -> memref<128x64xf32, #tpu.memory_space<vmem>>
        %get3A_440 = arith.index_cast %add3A_411 : i32 to index
        %get3A_441 = arith.constant 48 : index
        %get3A_442 = tpu.vector_load %get3A_439[%get3A_440, %get3A_441] {strides = array<i32>} : memref<128x64xf32, #tpu.memory_space<vmem>>, vector<1x16xf32>,
        %get3A_443 = vector.shape_cast %get3A_442 : vector<1x16xf32> to vector<16xf32>
        %mul3A_444 = arith.mulf %get3A_419, %get3A_419 : vector<16xf32>
        %mul3A_445 = arith.mulf %get3A_427, %get3A_427 : vector<16xf32>
        %add3A_446 = arith.addf %mul3A_444, %mul3A_445 : vector<16xf32>
        %mul3A_447 = arith.mulf %get3A_435, %get3A_435 : vector<16xf32>
        %add3A_448 = arith.addf %add3A_446, %mul3A_447 : vector<16xf32>
        %mul3A_449 = arith.mulf %get3A_443, %get3A_443 : vector<16xf32>
        %add3A_450 = arith.addf %add3A_448, %mul3A_449 : vector<16xf32>
        %iota3A_451 = tpu.iota {dimensions = array<i32: 0>} : vector<16xi32>
        %xor3A_452 = arith.constant 8 : i32
        %xor3A_453 = vector.broadcast %xor3A_452 : i32 to vector<16xi32>
        %xor3A_454 = arith.xori %iota3A_451, %xor3A_453 : vector<16xi32>
        %broadcast_in_dim3A_455 = vector.shape_cast %xor3A_454 : vector<16xi32> to vector<16x1xi32>
        %gather3A_456 = vector.shape_cast %broadcast_in_dim3A_455 : vector<16x1xi32> to vector<16xi32>
        %gather3A_457 = tpu.dynamic_gather %add3A_450[%gather3A_456] in [0] : vector<16xf32>, vector<16xi32> -> vector<16xf32>
        %add3A_458 = arith.addf %add3A_450, %gather3A_457 : vector<16xf32>
        %xor3A_459 = arith.constant 4 : i32
        %xor3A_460 = vector.broadcast %xor3A_459 : i32 to vector<16xi32>
        %xor3A_461 = arith.xori %iota3A_451, %xor3A_460 : vector<16xi32>
        %broadcast_in_dim3A_462 = vector.shape_cast %xor3A_461 : vector<16xi32> to vector<16x1xi32>
        %gather3A_463 = vector.shape_cast %broadcast_in_dim3A_462 : vector<16x1xi32> to vector<16xi32>
        %gather3A_464 = tpu.dynamic_gather %add3A_458[%gather3A_463] in [0] : vector<16xf32>, vector<16xi32> -> vector<16xf32>
        %add3A_465 = arith.addf %add3A_458, %gather3A_464 : vector<16xf32>
        %xor3A_466 = arith.constant 2 : i32
        %xor3A_467 = vector.broadcast %xor3A_466 : i32 to vector<16xi32>
        %xor3A_468 = arith.xori %iota3A_451, %xor3A_467 : vector<16xi32>
        %broadcast_in_dim3A_469 = vector.shape_cast %xor3A_468 : vector<16xi32> to vector<16x1xi32>
        %gather3A_470 = vector.shape_cast %broadcast_in_dim3A_469 : vector<16x1xi32> to vector<16xi32>
        %gather3A_471 = tpu.dynamic_gather %add3A_465[%gather3A_470] in [0] : vector<16xf32>, vector<16xi32> -> vector<16xf32>
        %add3A_472 = arith.addf %add3A_465, %gather3A_471 : vector<16xf32>
        %xor3A_473 = arith.constant 1 : i32
        %xor3A_474 = vector.broadcast %xor3A_473 : i32 to vector<16xi32>
        %xor3A_475 = arith.xori %iota3A_451, %xor3A_474 : vector<16xi32>
        %broadcast_in_dim3A_476 = vector.shape_cast %xor3A_475 : vector<16xi32> to vector<16x1xi32>
        %gather3A_477 = vector.shape_cast %broadcast_in_dim3A_476 : vector<16x1xi32> to vector<16xi32>
        %gather3A_478 = tpu.dynamic_gather %add3A_472[%gather3A_477] in [0] : vector<16xf32>, vector<16xi32> -> vector<16xf32>
        %add3A_479 = arith.addf %add3A_472, %gather3A_478 : vector<16xf32>
        %max3A_480 = arith.constant 1.000000e-24 : f32
        %max3A_481 = vector.broadcast %max3A_480 : f32 to vector<16xf32>
        %max3A_482 = arith.maximumf %add3A_479, %max3A_481 : vector<16xf32>
        %bitcast_convert_type3A_483 = tpu.bitcast %max3A_482 : vector<16xf32> -> vector<16xi32>
        %shift_right_logical3A_484 = arith.constant 1 : i32
        %shift_right_logical3A_485 = vector.broadcast %shift_right_logical3A_484 : i32 to vector<16xi32>
        %shift_right_logical3A_486 = arith.shrui %bitcast_convert_type3A_483, %shift_right_logical3A_485 : vector<16xi32>
        %sub3A_487 = arith.constant 1597463007 : i32
        %sub3A_488 = vector.broadcast %sub3A_487 : i32 to vector<16xi32>
        %sub3A_489 = arith.subi %sub3A_488, %shift_right_logical3A_486 : vector<16xi32>
        %bitcast_convert_type3A_490 = tpu.bitcast %sub3A_489 : vector<16xi32> -> vector<16xf32>
        %mul3A_491 = arith.constant 5.000000e-01 : f32
        %mul3A_492 = vector.broadcast %mul3A_491 : f32 to vector<16xf32>
        %mul3A_493 = arith.mulf %max3A_482, %mul3A_492 : vector<16xf32>
        %mul3A_494 = arith.mulf %mul3A_493, %bitcast_convert_type3A_490 : vector<16xf32>
        %mul3A_495 = arith.mulf %mul3A_494, %bitcast_convert_type3A_490 : vector<16xf32>
        %sub3A_496 = arith.constant 1.500000e+00 : f32
        %sub3A_497 = vector.broadcast %sub3A_496 : f32 to vector<16xf32>
        %sub3A_498 = arith.subf %sub3A_497, %mul3A_495 : vector<16xf32>
        %mul3A_499 = arith.mulf %bitcast_convert_type3A_490, %sub3A_498 : vector<16xf32>
        %mul3A_500 = arith.mulf %mul3A_493, %mul3A_499 : vector<16xf32>
        %mul3A_501 = arith.mulf %mul3A_500, %mul3A_499 : vector<16xf32>
        %sub3A_502 = arith.constant 1.500000e+00 : f32
        %sub3A_503 = vector.broadcast %sub3A_502 : f32 to vector<16xf32>
        %sub3A_504 = arith.subf %sub3A_503, %mul3A_501 : vector<16xf32>
        %mul3A_505 = arith.mulf %mul3A_499, %sub3A_504 : vector<16xf32>
        %mul3A_506 = arith.constant 8.000000e+00 : f32
        %mul3A_507 = vector.broadcast %mul3A_506 : f32 to vector<16xf32>
        %mul3A_508 = arith.mulf %mul3A_505, %mul3A_507 : vector<16xf32>
        %mul3A_509 = arith.mulf %get3A_419, %mul3A_508 : vector<16xf32>
        %swap3A_510 = arith.constant 0 : i32
        %swap3A_511 = arith.constant 0 : i32
        %swap3A_512 = tpu.memref_slice %arg6[%scan3A_149, %swap3A_510, %swap3A_511] : memref<4x128x64xf32, #tpu.memory_space<vmem>> -> memref<1x128x64xf32, #tpu.memory_space<vmem>>
        %swap3A_513 = tpu.memref_squeeze %swap3A_512 : memref<1x128x64xf32, #tpu.memory_space<vmem>> -> memref<128x64xf32, #tpu.memory_space<vmem>>
        %swap3A_514 = arith.index_cast %add3A_411 : i32 to index
        %swap3A_515 = arith.constant 0 : index
        %swap3A_516 = tpu.vector_load %swap3A_513[%swap3A_514, %swap3A_515] {strides = array<i32>} : memref<128x64xf32, #tpu.memory_space<vmem>>, vector<1x16xf32>,
        %swap3A_517 = vector.shape_cast %swap3A_516 : vector<1x16xf32> to vector<16xf32>
        %swap3A_518 = vector.shape_cast %mul3A_509 : vector<16xf32> to vector<1x16xf32>
        tpu.vector_store %swap3A_513[%swap3A_514, %swap3A_515], %swap3A_518 {strides = array<i32>} : memref<128x64xf32, #tpu.memory_space<vmem>>, vector<1x16xf32>,
        %mul3A_519 = arith.mulf %get3A_427, %mul3A_508 : vector<16xf32>
        %swap3A_520 = arith.constant 0 : i32
        %swap3A_521 = arith.constant 0 : i32
        %swap3A_522 = tpu.memref_slice %arg6[%scan3A_149, %swap3A_520, %swap3A_521] : memref<4x128x64xf32, #tpu.memory_space<vmem>> -> memref<1x128x64xf32, #tpu.memory_space<vmem>>
        %swap3A_523 = tpu.memref_squeeze %swap3A_522 : memref<1x128x64xf32, #tpu.memory_space<vmem>> -> memref<128x64xf32, #tpu.memory_space<vmem>>
        %swap3A_524 = arith.index_cast %add3A_411 : i32 to index
        %swap3A_525 = arith.constant 16 : index
        %swap3A_526 = tpu.vector_load %swap3A_523[%swap3A_524, %swap3A_525] {strides = array<i32>} : memref<128x64xf32, #tpu.memory_space<vmem>>, vector<1x16xf32>,
        %swap3A_527 = vector.shape_cast %swap3A_526 : vector<1x16xf32> to vector<16xf32>
        %swap3A_528 = vector.shape_cast %mul3A_519 : vector<16xf32> to vector<1x16xf32>
        tpu.vector_store %swap3A_523[%swap3A_524, %swap3A_525], %swap3A_528 {strides = array<i32>} : memref<128x64xf32, #tpu.memory_space<vmem>>, vector<1x16xf32>,
        %mul3A_529 = arith.mulf %get3A_435, %mul3A_508 : vector<16xf32>
        %swap3A_530 = arith.constant 0 : i32
        %swap3A_531 = arith.constant 0 : i32
        %swap3A_532 = tpu.memref_slice %arg6[%scan3A_149, %swap3A_530, %swap3A_531] : memref<4x128x64xf32, #tpu.memory_space<vmem>> -> memref<1x128x64xf32, #tpu.memory_space<vmem>>
        %swap3A_533 = tpu.memref_squeeze %swap3A_532 : memref<1x128x64xf32, #tpu.memory_space<vmem>> -> memref<128x64xf32, #tpu.memory_space<vmem>>
        %swap3A_534 = arith.index_cast %add3A_411 : i32 to index
        %swap3A_535 = arith.constant 32 : index
        %swap3A_536 = tpu.vector_load %swap3A_533[%swap3A_534, %swap3A_535] {strides = array<i32>} : memref<128x64xf32, #tpu.memory_space<vmem>>, vector<1x16xf32>,
        %swap3A_537 = vector.shape_cast %swap3A_536 : vector<1x16xf32> to vector<16xf32>
        %swap3A_538 = vector.shape_cast %mul3A_529 : vector<16xf32> to vector<1x16xf32>
        tpu.vector_store %swap3A_533[%swap3A_534, %swap3A_535], %swap3A_538 {strides = array<i32>} : memref<128x64xf32, #tpu.memory_space<vmem>>, vector<1x16xf32>,
        %mul3A_539 = arith.mulf %get3A_443, %mul3A_508 : vector<16xf32>
        %swap3A_540 = arith.constant 0 : i32
        %swap3A_541 = arith.constant 0 : i32
        %swap3A_542 = tpu.memref_slice %arg6[%scan3A_149, %swap3A_540, %swap3A_541] : memref<4x128x64xf32, #tpu.memory_space<vmem>> -> memref<1x128x64xf32, #tpu.memory_space<vmem>>
        %swap3A_543 = tpu.memref_squeeze %swap3A_542 : memref<1x128x64xf32, #tpu.memory_space<vmem>> -> memref<128x64xf32, #tpu.memory_space<vmem>>
        %swap3A_544 = arith.index_cast %add3A_411 : i32 to index
        %swap3A_545 = arith.constant 48 : index
        %swap3A_546 = tpu.vector_load %swap3A_543[%swap3A_544, %swap3A_545] {strides = array<i32>} : memref<128x64xf32, #tpu.memory_space<vmem>>, vector<1x16xf32>,
        %swap3A_547 = vector.shape_cast %swap3A_546 : vector<1x16xf32> to vector<16xf32>
        %swap3A_548 = vector.shape_cast %mul3A_539 : vector<16xf32> to vector<1x16xf32>
        tpu.vector_store %swap3A_543[%swap3A_544, %swap3A_545], %swap3A_548 {strides = array<i32>} : memref<128x64xf32, #tpu.memory_space<vmem>>, vector<1x16xf32>,
        %mul3A_549 = arith.constant 4 : i32
        %mul3A_550 = arith.muli %scan3A_276, %mul3A_549 : i32
        %add3A_551 = arith.constant 2 : i32
        %add3A_552 = arith.addi %mul3A_550, %add3A_551 : i32
        %get3A_553 = arith.constant 0 : i32
        %get3A_554 = arith.constant 0 : i32
        %get3A_555 = tpu.memref_slice %arg6[%scan3A_149, %get3A_553, %get3A_554] : memref<4x128x64xf32, #tpu.memory_space<vmem>> -> memref<1x128x64xf32, #tpu.memory_space<vmem>>
        %get3A_556 = tpu.memref_squeeze %get3A_555 : memref<1x128x64xf32, #tpu.memory_space<vmem>> -> memref<128x64xf32, #tpu.memory_space<vmem>>
        %get3A_557 = arith.index_cast %add3A_552 : i32 to index
        %get3A_558 = arith.constant 0 : index
        %get3A_559 = tpu.vector_load %get3A_556[%get3A_557, %get3A_558] {strides = array<i32>} : memref<128x64xf32, #tpu.memory_space<vmem>>, vector<1x16xf32>,
        %get3A_560 = vector.shape_cast %get3A_559 : vector<1x16xf32> to vector<16xf32>
        %get3A_561 = arith.constant 0 : i32
        %get3A_562 = arith.constant 0 : i32
        %get3A_563 = tpu.memref_slice %arg6[%scan3A_149, %get3A_561, %get3A_562] : memref<4x128x64xf32, #tpu.memory_space<vmem>> -> memref<1x128x64xf32, #tpu.memory_space<vmem>>
        %get3A_564 = tpu.memref_squeeze %get3A_563 : memref<1x128x64xf32, #tpu.memory_space<vmem>> -> memref<128x64xf32, #tpu.memory_space<vmem>>
        %get3A_565 = arith.index_cast %add3A_552 : i32 to index
        %get3A_566 = arith.constant 16 : index
        %get3A_567 = tpu.vector_load %get3A_564[%get3A_565, %get3A_566] {strides = array<i32>} : memref<128x64xf32, #tpu.memory_space<vmem>>, vector<1x16xf32>,
        %get3A_568 = vector.shape_cast %get3A_567 : vector<1x16xf32> to vector<16xf32>
        %get3A_569 = arith.constant 0 : i32
        %get3A_570 = arith.constant 0 : i32
        %get3A_571 = tpu.memref_slice %arg6[%scan3A_149, %get3A_569, %get3A_570] : memref<4x128x64xf32, #tpu.memory_space<vmem>> -> memref<1x128x64xf32, #tpu.memory_space<vmem>>
        %get3A_572 = tpu.memref_squeeze %get3A_571 : memref<1x128x64xf32, #tpu.memory_space<vmem>> -> memref<128x64xf32, #tpu.memory_space<vmem>>
        %get3A_573 = arith.index_cast %add3A_552 : i32 to index
        %get3A_574 = arith.constant 32 : index
        %get3A_575 = tpu.vector_load %get3A_572[%get3A_573, %get3A_574] {strides = array<i32>} : memref<128x64xf32, #tpu.memory_space<vmem>>, vector<1x16xf32>,
        %get3A_576 = vector.shape_cast %get3A_575 : vector<1x16xf32> to vector<16xf32>
        %get3A_577 = arith.constant 0 : i32
        %get3A_578 = arith.constant 0 : i32
        %get3A_579 = tpu.memref_slice %arg6[%scan3A_149, %get3A_577, %get3A_578] : memref<4x128x64xf32, #tpu.memory_space<vmem>> -> memref<1x128x64xf32, #tpu.memory_space<vmem>>
        %get3A_580 = tpu.memref_squeeze %get3A_579 : memref<1x128x64xf32, #tpu.memory_space<vmem>> -> memref<128x64xf32, #tpu.memory_space<vmem>>
        %get3A_581 = arith.index_cast %add3A_552 : i32 to index
        %get3A_582 = arith.constant 48 : index
        %get3A_583 = tpu.vector_load %get3A_580[%get3A_581, %get3A_582] {strides = array<i32>} : memref<128x64xf32, #tpu.memory_space<vmem>>, vector<1x16xf32>,
        %get3A_584 = vector.shape_cast %get3A_583 : vector<1x16xf32> to vector<16xf32>
        %mul3A_585 = arith.mulf %get3A_560, %get3A_560 : vector<16xf32>
        %mul3A_586 = arith.mulf %get3A_568, %get3A_568 : vector<16xf32>
        %add3A_587 = arith.addf %mul3A_585, %mul3A_586 : vector<16xf32>
        %mul3A_588 = arith.mulf %get3A_576, %get3A_576 : vector<16xf32>
        %add3A_589 = arith.addf %add3A_587, %mul3A_588 : vector<16xf32>
        %mul3A_590 = arith.mulf %get3A_584, %get3A_584 : vector<16xf32>
        %add3A_591 = arith.addf %add3A_589, %mul3A_590 : vector<16xf32>
        %iota3A_592 = tpu.iota {dimensions = array<i32: 0>} : vector<16xi32>
        %xor3A_593 = arith.constant 8 : i32
        %xor3A_594 = vector.broadcast %xor3A_593 : i32 to vector<16xi32>
        %xor3A_595 = arith.xori %iota3A_592, %xor3A_594 : vector<16xi32>
        %broadcast_in_dim3A_596 = vector.shape_cast %xor3A_595 : vector<16xi32> to vector<16x1xi32>
        %gather3A_597 = vector.shape_cast %broadcast_in_dim3A_596 : vector<16x1xi32> to vector<16xi32>
        %gather3A_598 = tpu.dynamic_gather %add3A_591[%gather3A_597] in [0] : vector<16xf32>, vector<16xi32> -> vector<16xf32>
        %add3A_599 = arith.addf %add3A_591, %gather3A_598 : vector<16xf32>
        %xor3A_600 = arith.constant 4 : i32
        %xor3A_601 = vector.broadcast %xor3A_600 : i32 to vector<16xi32>
        %xor3A_602 = arith.xori %iota3A_592, %xor3A_601 : vector<16xi32>
        %broadcast_in_dim3A_603 = vector.shape_cast %xor3A_602 : vector<16xi32> to vector<16x1xi32>
        %gather3A_604 = vector.shape_cast %broadcast_in_dim3A_603 : vector<16x1xi32> to vector<16xi32>
        %gather3A_605 = tpu.dynamic_gather %add3A_599[%gather3A_604] in [0] : vector<16xf32>, vector<16xi32> -> vector<16xf32>
        %add3A_606 = arith.addf %add3A_599, %gather3A_605 : vector<16xf32>
        %xor3A_607 = arith.constant 2 : i32
        %xor3A_608 = vector.broadcast %xor3A_607 : i32 to vector<16xi32>
        %xor3A_609 = arith.xori %iota3A_592, %xor3A_608 : vector<16xi32>
        %broadcast_in_dim3A_610 = vector.shape_cast %xor3A_609 : vector<16xi32> to vector<16x1xi32>
        %gather3A_611 = vector.shape_cast %broadcast_in_dim3A_610 : vector<16x1xi32> to vector<16xi32>
        %gather3A_612 = tpu.dynamic_gather %add3A_606[%gather3A_611] in [0] : vector<16xf32>, vector<16xi32> -> vector<16xf32>
        %add3A_613 = arith.addf %add3A_606, %gather3A_612 : vector<16xf32>
        %xor3A_614 = arith.constant 1 : i32
        %xor3A_615 = vector.broadcast %xor3A_614 : i32 to vector<16xi32>
        %xor3A_616 = arith.xori %iota3A_592, %xor3A_615 : vector<16xi32>
        %broadcast_in_dim3A_617 = vector.shape_cast %xor3A_616 : vector<16xi32> to vector<16x1xi32>
        %gather3A_618 = vector.shape_cast %broadcast_in_dim3A_617 : vector<16x1xi32> to vector<16xi32>
        %gather3A_619 = tpu.dynamic_gather %add3A_613[%gather3A_618] in [0] : vector<16xf32>, vector<16xi32> -> vector<16xf32>
        %add3A_620 = arith.addf %add3A_613, %gather3A_619 : vector<16xf32>
        %max3A_621 = arith.constant 1.000000e-24 : f32
        %max3A_622 = vector.broadcast %max3A_621 : f32 to vector<16xf32>
        %max3A_623 = arith.maximumf %add3A_620, %max3A_622 : vector<16xf32>
        %bitcast_convert_type3A_624 = tpu.bitcast %max3A_623 : vector<16xf32> -> vector<16xi32>
        %shift_right_logical3A_625 = arith.constant 1 : i32
        %shift_right_logical3A_626 = vector.broadcast %shift_right_logical3A_625 : i32 to vector<16xi32>
        %shift_right_logical3A_627 = arith.shrui %bitcast_convert_type3A_624, %shift_right_logical3A_626 : vector<16xi32>
        %sub3A_628 = arith.constant 1597463007 : i32
        %sub3A_629 = vector.broadcast %sub3A_628 : i32 to vector<16xi32>
        %sub3A_630 = arith.subi %sub3A_629, %shift_right_logical3A_627 : vector<16xi32>
        %bitcast_convert_type3A_631 = tpu.bitcast %sub3A_630 : vector<16xi32> -> vector<16xf32>
        %mul3A_632 = arith.constant 5.000000e-01 : f32
        %mul3A_633 = vector.broadcast %mul3A_632 : f32 to vector<16xf32>
        %mul3A_634 = arith.mulf %max3A_623, %mul3A_633 : vector<16xf32>
        %mul3A_635 = arith.mulf %mul3A_634, %bitcast_convert_type3A_631 : vector<16xf32>
        %mul3A_636 = arith.mulf %mul3A_635, %bitcast_convert_type3A_631 : vector<16xf32>
        %sub3A_637 = arith.constant 1.500000e+00 : f32
        %sub3A_638 = vector.broadcast %sub3A_637 : f32 to vector<16xf32>
        %sub3A_639 = arith.subf %sub3A_638, %mul3A_636 : vector<16xf32>
        %mul3A_640 = arith.mulf %bitcast_convert_type3A_631, %sub3A_639 : vector<16xf32>
        %mul3A_641 = arith.mulf %mul3A_634, %mul3A_640 : vector<16xf32>
        %mul3A_642 = arith.mulf %mul3A_641, %mul3A_640 : vector<16xf32>
        %sub3A_643 = arith.constant 1.500000e+00 : f32
        %sub3A_644 = vector.broadcast %sub3A_643 : f32 to vector<16xf32>
        %sub3A_645 = arith.subf %sub3A_644, %mul3A_642 : vector<16xf32>
        %mul3A_646 = arith.mulf %mul3A_640, %sub3A_645 : vector<16xf32>
        %mul3A_647 = arith.constant 8.000000e+00 : f32
        %mul3A_648 = vector.broadcast %mul3A_647 : f32 to vector<16xf32>
        %mul3A_649 = arith.mulf %mul3A_646, %mul3A_648 : vector<16xf32>
        %mul3A_650 = arith.mulf %get3A_560, %mul3A_649 : vector<16xf32>
        %swap3A_651 = arith.constant 0 : i32
        %swap3A_652 = arith.constant 0 : i32
        %swap3A_653 = tpu.memref_slice %arg6[%scan3A_149, %swap3A_651, %swap3A_652] : memref<4x128x64xf32, #tpu.memory_space<vmem>> -> memref<1x128x64xf32, #tpu.memory_space<vmem>>
        %swap3A_654 = tpu.memref_squeeze %swap3A_653 : memref<1x128x64xf32, #tpu.memory_space<vmem>> -> memref<128x64xf32, #tpu.memory_space<vmem>>
        %swap3A_655 = arith.index_cast %add3A_552 : i32 to index
        %swap3A_656 = arith.constant 0 : index
        %swap3A_657 = tpu.vector_load %swap3A_654[%swap3A_655, %swap3A_656] {strides = array<i32>} : memref<128x64xf32, #tpu.memory_space<vmem>>, vector<1x16xf32>,
        %swap3A_658 = vector.shape_cast %swap3A_657 : vector<1x16xf32> to vector<16xf32>
        %swap3A_659 = vector.shape_cast %mul3A_650 : vector<16xf32> to vector<1x16xf32>
        tpu.vector_store %swap3A_654[%swap3A_655, %swap3A_656], %swap3A_659 {strides = array<i32>} : memref<128x64xf32, #tpu.memory_space<vmem>>, vector<1x16xf32>,
        %mul3A_660 = arith.mulf %get3A_568, %mul3A_649 : vector<16xf32>
        %swap3A_661 = arith.constant 0 : i32
        %swap3A_662 = arith.constant 0 : i32
        %swap3A_663 = tpu.memref_slice %arg6[%scan3A_149, %swap3A_661, %swap3A_662] : memref<4x128x64xf32, #tpu.memory_space<vmem>> -> memref<1x128x64xf32, #tpu.memory_space<vmem>>
        %swap3A_664 = tpu.memref_squeeze %swap3A_663 : memref<1x128x64xf32, #tpu.memory_space<vmem>> -> memref<128x64xf32, #tpu.memory_space<vmem>>
        %swap3A_665 = arith.index_cast %add3A_552 : i32 to index
        %swap3A_666 = arith.constant 16 : index
        %swap3A_667 = tpu.vector_load %swap3A_664[%swap3A_665, %swap3A_666] {strides = array<i32>} : memref<128x64xf32, #tpu.memory_space<vmem>>, vector<1x16xf32>,
        %swap3A_668 = vector.shape_cast %swap3A_667 : vector<1x16xf32> to vector<16xf32>
        %swap3A_669 = vector.shape_cast %mul3A_660 : vector<16xf32> to vector<1x16xf32>
        tpu.vector_store %swap3A_664[%swap3A_665, %swap3A_666], %swap3A_669 {strides = array<i32>} : memref<128x64xf32, #tpu.memory_space<vmem>>, vector<1x16xf32>,
        %mul3A_670 = arith.mulf %get3A_576, %mul3A_649 : vector<16xf32>
        %swap3A_671 = arith.constant 0 : i32
        %swap3A_672 = arith.constant 0 : i32
        %swap3A_673 = tpu.memref_slice %arg6[%scan3A_149, %swap3A_671, %swap3A_672] : memref<4x128x64xf32, #tpu.memory_space<vmem>> -> memref<1x128x64xf32, #tpu.memory_space<vmem>>
        %swap3A_674 = tpu.memref_squeeze %swap3A_673 : memref<1x128x64xf32, #tpu.memory_space<vmem>> -> memref<128x64xf32, #tpu.memory_space<vmem>>
        %swap3A_675 = arith.index_cast %add3A_552 : i32 to index
        %swap3A_676 = arith.constant 32 : index
        %swap3A_677 = tpu.vector_load %swap3A_674[%swap3A_675, %swap3A_676] {strides = array<i32>} : memref<128x64xf32, #tpu.memory_space<vmem>>, vector<1x16xf32>,
        %swap3A_678 = vector.shape_cast %swap3A_677 : vector<1x16xf32> to vector<16xf32>
        %swap3A_679 = vector.shape_cast %mul3A_670 : vector<16xf32> to vector<1x16xf32>
        tpu.vector_store %swap3A_674[%swap3A_675, %swap3A_676], %swap3A_679 {strides = array<i32>} : memref<128x64xf32, #tpu.memory_space<vmem>>, vector<1x16xf32>,
        %mul3A_680 = arith.mulf %get3A_584, %mul3A_649 : vector<16xf32>
        %swap3A_681 = arith.constant 0 : i32
        %swap3A_682 = arith.constant 0 : i32
        %swap3A_683 = tpu.memref_slice %arg6[%scan3A_149, %swap3A_681, %swap3A_682] : memref<4x128x64xf32, #tpu.memory_space<vmem>> -> memref<1x128x64xf32, #tpu.memory_space<vmem>>
        %swap3A_684 = tpu.memref_squeeze %swap3A_683 : memref<1x128x64xf32, #tpu.memory_space<vmem>> -> memref<128x64xf32, #tpu.memory_space<vmem>>
        %swap3A_685 = arith.index_cast %add3A_552 : i32 to index
        %swap3A_686 = arith.constant 48 : index
        %swap3A_687 = tpu.vector_load %swap3A_684[%swap3A_685, %swap3A_686] {strides = array<i32>} : memref<128x64xf32, #tpu.memory_space<vmem>>, vector<1x16xf32>,
        %swap3A_688 = vector.shape_cast %swap3A_687 : vector<1x16xf32> to vector<16xf32>
        %swap3A_689 = vector.shape_cast %mul3A_680 : vector<16xf32> to vector<1x16xf32>
        tpu.vector_store %swap3A_684[%swap3A_685, %swap3A_686], %swap3A_689 {strides = array<i32>} : memref<128x64xf32, #tpu.memory_space<vmem>>, vector<1x16xf32>,
        %mul3A_690 = arith.constant 4 : i32
        %mul3A_691 = arith.muli %scan3A_276, %mul3A_690 : i32
        %add3A_692 = arith.constant 3 : i32
        %add3A_693 = arith.addi %mul3A_691, %add3A_692 : i32
        %get3A_694 = arith.constant 0 : i32
        %get3A_695 = arith.constant 0 : i32
        %get3A_696 = tpu.memref_slice %arg6[%scan3A_149, %get3A_694, %get3A_695] : memref<4x128x64xf32, #tpu.memory_space<vmem>> -> memref<1x128x64xf32, #tpu.memory_space<vmem>>
        %get3A_697 = tpu.memref_squeeze %get3A_696 : memref<1x128x64xf32, #tpu.memory_space<vmem>> -> memref<128x64xf32, #tpu.memory_space<vmem>>
        %get3A_698 = arith.index_cast %add3A_693 : i32 to index
        %get3A_699 = arith.constant 0 : index
        %get3A_700 = tpu.vector_load %get3A_697[%get3A_698, %get3A_699] {strides = array<i32>} : memref<128x64xf32, #tpu.memory_space<vmem>>, vector<1x16xf32>,
        %get3A_701 = vector.shape_cast %get3A_700 : vector<1x16xf32> to vector<16xf32>
        %get3A_702 = arith.constant 0 : i32
        %get3A_703 = arith.constant 0 : i32
        %get3A_704 = tpu.memref_slice %arg6[%scan3A_149, %get3A_702, %get3A_703] : memref<4x128x64xf32, #tpu.memory_space<vmem>> -> memref<1x128x64xf32, #tpu.memory_space<vmem>>
        %get3A_705 = tpu.memref_squeeze %get3A_704 : memref<1x128x64xf32, #tpu.memory_space<vmem>> -> memref<128x64xf32, #tpu.memory_space<vmem>>
        %get3A_706 = arith.index_cast %add3A_693 : i32 to index
        %get3A_707 = arith.constant 16 : index
        %get3A_708 = tpu.vector_load %get3A_705[%get3A_706, %get3A_707] {strides = array<i32>} : memref<128x64xf32, #tpu.memory_space<vmem>>, vector<1x16xf32>,
        %get3A_709 = vector.shape_cast %get3A_708 : vector<1x16xf32> to vector<16xf32>
        %get3A_710 = arith.constant 0 : i32
        %get3A_711 = arith.constant 0 : i32
        %get3A_712 = tpu.memref_slice %arg6[%scan3A_149, %get3A_710, %get3A_711] : memref<4x128x64xf32, #tpu.memory_space<vmem>> -> memref<1x128x64xf32, #tpu.memory_space<vmem>>
        %get3A_713 = tpu.memref_squeeze %get3A_712 : memref<1x128x64xf32, #tpu.memory_space<vmem>> -> memref<128x64xf32, #tpu.memory_space<vmem>>
        %get3A_714 = arith.index_cast %add3A_693 : i32 to index
        %get3A_715 = arith.constant 32 : index
        %get3A_716 = tpu.vector_load %get3A_713[%get3A_714, %get3A_715] {strides = array<i32>} : memref<128x64xf32, #tpu.memory_space<vmem>>, vector<1x16xf32>,
        %get3A_717 = vector.shape_cast %get3A_716 : vector<1x16xf32> to vector<16xf32>
        %get3A_718 = arith.constant 0 : i32
        %get3A_719 = arith.constant 0 : i32
        %get3A_720 = tpu.memref_slice %arg6[%scan3A_149, %get3A_718, %get3A_719] : memref<4x128x64xf32, #tpu.memory_space<vmem>> -> memref<1x128x64xf32, #tpu.memory_space<vmem>>
        %get3A_721 = tpu.memref_squeeze %get3A_720 : memref<1x128x64xf32, #tpu.memory_space<vmem>> -> memref<128x64xf32, #tpu.memory_space<vmem>>
        %get3A_722 = arith.index_cast %add3A_693 : i32 to index
        %get3A_723 = arith.constant 48 : index
        %get3A_724 = tpu.vector_load %get3A_721[%get3A_722, %get3A_723] {strides = array<i32>} : memref<128x64xf32, #tpu.memory_space<vmem>>, vector<1x16xf32>,
        %get3A_725 = vector.shape_cast %get3A_724 : vector<1x16xf32> to vector<16xf32>
        %mul3A_726 = arith.mulf %get3A_701, %get3A_701 : vector<16xf32>
        %mul3A_727 = arith.mulf %get3A_709, %get3A_709 : vector<16xf32>
        %add3A_728 = arith.addf %mul3A_726, %mul3A_727 : vector<16xf32>
        %mul3A_729 = arith.mulf %get3A_717, %get3A_717 : vector<16xf32>
        %add3A_730 = arith.addf %add3A_728, %mul3A_729 : vector<16xf32>
        %mul3A_731 = arith.mulf %get3A_725, %get3A_725 : vector<16xf32>
        %add3A_732 = arith.addf %add3A_730, %mul3A_731 : vector<16xf32>
        %iota3A_733 = tpu.iota {dimensions = array<i32: 0>} : vector<16xi32>
        %xor3A_734 = arith.constant 8 : i32
        %xor3A_735 = vector.broadcast %xor3A_734 : i32 to vector<16xi32>
        %xor3A_736 = arith.xori %iota3A_733, %xor3A_735 : vector<16xi32>
        %broadcast_in_dim3A_737 = vector.shape_cast %xor3A_736 : vector<16xi32> to vector<16x1xi32>
        %gather3A_738 = vector.shape_cast %broadcast_in_dim3A_737 : vector<16x1xi32> to vector<16xi32>
        %gather3A_739 = tpu.dynamic_gather %add3A_732[%gather3A_738] in [0] : vector<16xf32>, vector<16xi32> -> vector<16xf32>
        %add3A_740 = arith.addf %add3A_732, %gather3A_739 : vector<16xf32>
        %xor3A_741 = arith.constant 4 : i32
        %xor3A_742 = vector.broadcast %xor3A_741 : i32 to vector<16xi32>
        %xor3A_743 = arith.xori %iota3A_733, %xor3A_742 : vector<16xi32>
        %broadcast_in_dim3A_744 = vector.shape_cast %xor3A_743 : vector<16xi32> to vector<16x1xi32>
        %gather3A_745 = vector.shape_cast %broadcast_in_dim3A_744 : vector<16x1xi32> to vector<16xi32>
        %gather3A_746 = tpu.dynamic_gather %add3A_740[%gather3A_745] in [0] : vector<16xf32>, vector<16xi32> -> vector<16xf32>
        %add3A_747 = arith.addf %add3A_740, %gather3A_746 : vector<16xf32>
        %xor3A_748 = arith.constant 2 : i32
        %xor3A_749 = vector.broadcast %xor3A_748 : i32 to vector<16xi32>
        %xor3A_750 = arith.xori %iota3A_733, %xor3A_749 : vector<16xi32>
        %broadcast_in_dim3A_751 = vector.shape_cast %xor3A_750 : vector<16xi32> to vector<16x1xi32>
        %gather3A_752 = vector.shape_cast %broadcast_in_dim3A_751 : vector<16x1xi32> to vector<16xi32>
        %gather3A_753 = tpu.dynamic_gather %add3A_747[%gather3A_752] in [0] : vector<16xf32>, vector<16xi32> -> vector<16xf32>
        %add3A_754 = arith.addf %add3A_747, %gather3A_753 : vector<16xf32>
        %xor3A_755 = arith.constant 1 : i32
        %xor3A_756 = vector.broadcast %xor3A_755 : i32 to vector<16xi32>
        %xor3A_757 = arith.xori %iota3A_733, %xor3A_756 : vector<16xi32>
        %broadcast_in_dim3A_758 = vector.shape_cast %xor3A_757 : vector<16xi32> to vector<16x1xi32>
        %gather3A_759 = vector.shape_cast %broadcast_in_dim3A_758 : vector<16x1xi32> to vector<16xi32>
        %gather3A_760 = tpu.dynamic_gather %add3A_754[%gather3A_759] in [0] : vector<16xf32>, vector<16xi32> -> vector<16xf32>
        %add3A_761 = arith.addf %add3A_754, %gather3A_760 : vector<16xf32>
        %max3A_762 = arith.constant 1.000000e-24 : f32
        %max3A_763 = vector.broadcast %max3A_762 : f32 to vector<16xf32>
        %max3A_764 = arith.maximumf %add3A_761, %max3A_763 : vector<16xf32>
        %bitcast_convert_type3A_765 = tpu.bitcast %max3A_764 : vector<16xf32> -> vector<16xi32>
        %shift_right_logical3A_766 = arith.constant 1 : i32
        %shift_right_logical3A_767 = vector.broadcast %shift_right_logical3A_766 : i32 to vector<16xi32>
        %shift_right_logical3A_768 = arith.shrui %bitcast_convert_type3A_765, %shift_right_logical3A_767 : vector<16xi32>
        %sub3A_769 = arith.constant 1597463007 : i32
        %sub3A_770 = vector.broadcast %sub3A_769 : i32 to vector<16xi32>
        %sub3A_771 = arith.subi %sub3A_770, %shift_right_logical3A_768 : vector<16xi32>
        %bitcast_convert_type3A_772 = tpu.bitcast %sub3A_771 : vector<16xi32> -> vector<16xf32>
        %mul3A_773 = arith.constant 5.000000e-01 : f32
        %mul3A_774 = vector.broadcast %mul3A_773 : f32 to vector<16xf32>
        %mul3A_775 = arith.mulf %max3A_764, %mul3A_774 : vector<16xf32>
        %mul3A_776 = arith.mulf %mul3A_775, %bitcast_convert_type3A_772 : vector<16xf32>
        %mul3A_777 = arith.mulf %mul3A_776, %bitcast_convert_type3A_772 : vector<16xf32>
        %sub3A_778 = arith.constant 1.500000e+00 : f32
        %sub3A_779 = vector.broadcast %sub3A_778 : f32 to vector<16xf32>
        %sub3A_780 = arith.subf %sub3A_779, %mul3A_777 : vector<16xf32>
        %mul3A_781 = arith.mulf %bitcast_convert_type3A_772, %sub3A_780 : vector<16xf32>
        %mul3A_782 = arith.mulf %mul3A_775, %mul3A_781 : vector<16xf32>
        %mul3A_783 = arith.mulf %mul3A_782, %mul3A_781 : vector<16xf32>
        %sub3A_784 = arith.constant 1.500000e+00 : f32
        %sub3A_785 = vector.broadcast %sub3A_784 : f32 to vector<16xf32>
        %sub3A_786 = arith.subf %sub3A_785, %mul3A_783 : vector<16xf32>
        %mul3A_787 = arith.mulf %mul3A_781, %sub3A_786 : vector<16xf32>
        %mul3A_788 = arith.constant 8.000000e+00 : f32
        %mul3A_789 = vector.broadcast %mul3A_788 : f32 to vector<16xf32>
        %mul3A_790 = arith.mulf %mul3A_787, %mul3A_789 : vector<16xf32>
        %mul3A_791 = arith.mulf %get3A_701, %mul3A_790 : vector<16xf32>
        %swap3A_792 = arith.constant 0 : i32
        %swap3A_793 = arith.constant 0 : i32
        %swap3A_794 = tpu.memref_slice %arg6[%scan3A_149, %swap3A_792, %swap3A_793] : memref<4x128x64xf32, #tpu.memory_space<vmem>> -> memref<1x128x64xf32, #tpu.memory_space<vmem>>
        %swap3A_795 = tpu.memref_squeeze %swap3A_794 : memref<1x128x64xf32, #tpu.memory_space<vmem>> -> memref<128x64xf32, #tpu.memory_space<vmem>>
        %swap3A_796 = arith.index_cast %add3A_693 : i32 to index
        %swap3A_797 = arith.constant 0 : index
        %swap3A_798 = tpu.vector_load %swap3A_795[%swap3A_796, %swap3A_797] {strides = array<i32>} : memref<128x64xf32, #tpu.memory_space<vmem>>, vector<1x16xf32>,
        %swap3A_799 = vector.shape_cast %swap3A_798 : vector<1x16xf32> to vector<16xf32>
        %swap3A_800 = vector.shape_cast %mul3A_791 : vector<16xf32> to vector<1x16xf32>
        tpu.vector_store %swap3A_795[%swap3A_796, %swap3A_797], %swap3A_800 {strides = array<i32>} : memref<128x64xf32, #tpu.memory_space<vmem>>, vector<1x16xf32>,
        %mul3A_801 = arith.mulf %get3A_709, %mul3A_790 : vector<16xf32>
        %swap3A_802 = arith.constant 0 : i32
        %swap3A_803 = arith.constant 0 : i32
        %swap3A_804 = tpu.memref_slice %arg6[%scan3A_149, %swap3A_802, %swap3A_803] : memref<4x128x64xf32, #tpu.memory_space<vmem>> -> memref<1x128x64xf32, #tpu.memory_space<vmem>>
        %swap3A_805 = tpu.memref_squeeze %swap3A_804 : memref<1x128x64xf32, #tpu.memory_space<vmem>> -> memref<128x64xf32, #tpu.memory_space<vmem>>
        %swap3A_806 = arith.index_cast %add3A_693 : i32 to index
        %swap3A_807 = arith.constant 16 : index
        %swap3A_808 = tpu.vector_load %swap3A_805[%swap3A_806, %swap3A_807] {strides = array<i32>} : memref<128x64xf32, #tpu.memory_space<vmem>>, vector<1x16xf32>,
        %swap3A_809 = vector.shape_cast %swap3A_808 : vector<1x16xf32> to vector<16xf32>
        %swap3A_810 = vector.shape_cast %mul3A_801 : vector<16xf32> to vector<1x16xf32>
        tpu.vector_store %swap3A_805[%swap3A_806, %swap3A_807], %swap3A_810 {strides = array<i32>} : memref<128x64xf32, #tpu.memory_space<vmem>>, vector<1x16xf32>,
        %mul3A_811 = arith.mulf %get3A_717, %mul3A_790 : vector<16xf32>
        %swap3A_812 = arith.constant 0 : i32
        %swap3A_813 = arith.constant 0 : i32
        %swap3A_814 = tpu.memref_slice %arg6[%scan3A_149, %swap3A_812, %swap3A_813] : memref<4x128x64xf32, #tpu.memory_space<vmem>> -> memref<1x128x64xf32, #tpu.memory_space<vmem>>
        %swap3A_815 = tpu.memref_squeeze %swap3A_814 : memref<1x128x64xf32, #tpu.memory_space<vmem>> -> memref<128x64xf32, #tpu.memory_space<vmem>>
        %swap3A_816 = arith.index_cast %add3A_693 : i32 to index
        %swap3A_817 = arith.constant 32 : index
        %swap3A_818 = tpu.vector_load %swap3A_815[%swap3A_816, %swap3A_817] {strides = array<i32>} : memref<128x64xf32, #tpu.memory_space<vmem>>, vector<1x16xf32>,
        %swap3A_819 = vector.shape_cast %swap3A_818 : vector<1x16xf32> to vector<16xf32>
        %swap3A_820 = vector.shape_cast %mul3A_811 : vector<16xf32> to vector<1x16xf32>
        tpu.vector_store %swap3A_815[%swap3A_816, %swap3A_817], %swap3A_820 {strides = array<i32>} : memref<128x64xf32, #tpu.memory_space<vmem>>, vector<1x16xf32>,
        %mul3A_821 = arith.mulf %get3A_725, %mul3A_790 : vector<16xf32>
        %swap3A_822 = arith.constant 0 : i32
        %swap3A_823 = arith.constant 0 : i32
        %swap3A_824 = tpu.memref_slice %arg6[%scan3A_149, %swap3A_822, %swap3A_823] : memref<4x128x64xf32, #tpu.memory_space<vmem>> -> memref<1x128x64xf32, #tpu.memory_space<vmem>>
        %swap3A_825 = tpu.memref_squeeze %swap3A_824 : memref<1x128x64xf32, #tpu.memory_space<vmem>> -> memref<128x64xf32, #tpu.memory_space<vmem>>
        %swap3A_826 = arith.index_cast %add3A_693 : i32 to index
        %swap3A_827 = arith.constant 48 : index
        %swap3A_828 = tpu.vector_load %swap3A_825[%swap3A_826, %swap3A_827] {strides = array<i32>} : memref<128x64xf32, #tpu.memory_space<vmem>>, vector<1x16xf32>,
        %swap3A_829 = vector.shape_cast %swap3A_828 : vector<1x16xf32> to vector<16xf32>
        %swap3A_830 = vector.shape_cast %mul3A_821 : vector<16xf32> to vector<1x16xf32>
        tpu.vector_store %swap3A_825[%swap3A_826, %swap3A_827], %swap3A_830 {strides = array<i32>} : memref<128x64xf32, #tpu.memory_space<vmem>>, vector<1x16xf32>,
      }
      %scan3A_154 = arith.constant 32 : i32
      %mul3A_155 = arith.constant 128 : i32
      %mul3A_156 = arith.muli %add3A_126, %mul3A_155 : i32
      %add3A_157 = arith.addi %mul3A_2, %mul3A_156 : i32
      %dma_start3A_158 = arith.constant 1 : i32
      %dma_start3A_159 = arith.constant 1 : i32
      %dma_start3A_160 = arith.constant 0 : i32
      %dma_start3A_161 = arith.constant 0 : i32
      %dma_start3A_162 = tpu.memref_slice %arg6[%dma_start3A_158, %dma_start3A_160, %dma_start3A_161] : memref<4x128x64xf32, #tpu.memory_space<vmem>> -> memref<1x128x64xf32, #tpu.memory_space<vmem>>
      %dma_start3A_163 = tpu.memref_squeeze %dma_start3A_162 : memref<1x128x64xf32, #tpu.memory_space<vmem>> -> memref<128x64xf32, #tpu.memory_space<vmem>>
      %dma_start3A_164 = arith.constant 0 : i32
      %dma_start3A_165 = tpu.memref_slice %arg4[%add3A_157, %dma_start3A_164] : memref<819200x64xf32, #tpu.memory_space<hbm>> -> memref<128x64xf32, #tpu.memory_space<hbm>>
      %dma_start3A_166 = tpu.memref_slice %arg8[%dma_start3A_159] : memref<4x!tpu.dma_semaphore, #tpu.memory_space<semaphore_mem>> -> memref<1x!tpu.dma_semaphore, #tpu.memory_space<semaphore_mem>>
      %dma_start3A_167 = tpu.memref_squeeze %dma_start3A_166 : memref<1x!tpu.dma_semaphore, #tpu.memory_space<semaphore_mem>> -> memref<!tpu.dma_semaphore, #tpu.memory_space<semaphore_mem>>
      %dma_start3A_168 = arith.constant 0 : i32
      %dma_start3A_169 = tpu.memref_slice %arg4[%add3A_157, %dma_start3A_168] : memref<819200x64xf32, #tpu.memory_space<hbm>> -> memref<128x64xf32, #tpu.memory_space<hbm>>
      %dma_start3A_170 = arith.constant 0 : i32
      %dma_start3A_171 = arith.constant 0 : i32
      %dma_start3A_172 = tpu.memref_slice %arg6[%dma_start3A_158, %dma_start3A_170, %dma_start3A_171] : memref<4x128x64xf32, #tpu.memory_space<vmem>> -> memref<1x128x64xf32, #tpu.memory_space<vmem>>
      %dma_start3A_173 = tpu.memref_squeeze %dma_start3A_172 : memref<1x128x64xf32, #tpu.memory_space<vmem>> -> memref<128x64xf32, #tpu.memory_space<vmem>>
      tpu.enqueue_dma source(%dma_start3A_173 : memref<128x64xf32, #tpu.memory_space<vmem>>) target(%dma_start3A_169 : memref<128x64xf32, #tpu.memory_space<hbm>>) target_semaphore(%dma_start3A_167 : memref<!tpu.dma_semaphore, #tpu.memory_space<semaphore_mem>>)
      %mul3A_174 = arith.constant 4 : i32
      %mul3A_175 = arith.muli %scan3A_74, %mul3A_174 : i32
      %add3A_176 = arith.constant 2 : i32
      %add3A_177 = arith.addi %mul3A_175, %add3A_176 : i32
      %add3A_178 = arith.constant 2 : i32
      %add3A_179 = arith.addi %add3A_177, %add3A_178 : i32
      %lt3A_180 = arith.constant 200 : i32
      %lt3A_181 = arith.cmpi slt, %add3A_179, %lt3A_180 : i32
      %convert_element_type3A_182 = arith.extui %lt3A_181 : i1 to i32
      %cond3A_183 = arith.constant 0 : i32
      %cond3A_184 = arith.cmpi ne, %convert_element_type3A_182, %cond3A_183 : i32
      scf.if %cond3A_184 {
        %ge3A = arith.constant 2 : i32
        %ge3A_276 = arith.cmpi sge, %add3A_177, %ge3A : i32
        %convert_element_type3A_277 = arith.extui %ge3A_276 : i1 to i32
        %cond3A_278 = arith.constant 0 : i32
        %cond3A_279 = arith.cmpi ne, %convert_element_type3A_277, %cond3A_278 : i32
        scf.if %cond3A_279 {
          %sub3A = arith.constant 2 : i32
          %sub3A_296 = arith.subi %add3A_177, %sub3A : i32
          %mul3A_297 = arith.constant 128 : i32
          %mul3A_298 = arith.muli %sub3A_296, %mul3A_297 : i32
          %add3A_299 = arith.addi %mul3A_2, %mul3A_298 : i32
          %dma_wait3A_300 = arith.constant 0 : i32
          %dma_wait3A_301 = arith.constant 0 : i32
          %dma_wait3A_302 = arith.constant 0 : i32
          %dma_wait3A_303 = arith.constant 0 : i32
          %dma_wait3A_304 = tpu.memref_slice %arg6[%dma_wait3A_300, %dma_wait3A_302, %dma_wait3A_303] : memref<4x128x64xf32, #tpu.memory_space<vmem>> -> memref<1x128x64xf32, #tpu.memory_space<vmem>>
          %dma_wait3A_305 = tpu.memref_squeeze %dma_wait3A_304 : memref<1x128x64xf32, #tpu.memory_space<vmem>> -> memref<128x64xf32, #tpu.memory_space<vmem>>
          %dma_wait3A_306 = arith.constant 0 : i32
          %dma_wait3A_307 = tpu.memref_slice %arg4[%add3A_299, %dma_wait3A_306] : memref<819200x64xf32, #tpu.memory_space<hbm>> -> memref<128x64xf32, #tpu.memory_space<hbm>>
          %dma_wait3A_308 = tpu.memref_slice %arg8[%dma_wait3A_301] : memref<4x!tpu.dma_semaphore, #tpu.memory_space<semaphore_mem>> -> memref<1x!tpu.dma_semaphore, #tpu.memory_space<semaphore_mem>>
          %dma_wait3A_309 = tpu.memref_squeeze %dma_wait3A_308 : memref<1x!tpu.dma_semaphore, #tpu.memory_space<semaphore_mem>> -> memref<!tpu.dma_semaphore, #tpu.memory_space<semaphore_mem>>
          %dma_wait3A_310 = arith.constant 0 : i32
          %dma_wait3A_311 = tpu.memref_slice %arg4[%add3A_299, %dma_wait3A_310] : memref<819200x64xf32, #tpu.memory_space<hbm>> -> memref<128x64xf32, #tpu.memory_space<hbm>>
          %dma_wait3A_312 = arith.constant 0 : i32
          %dma_wait3A_313 = arith.constant 0 : i32
          %dma_wait3A_314 = tpu.memref_slice %arg6[%dma_wait3A_300, %dma_wait3A_312, %dma_wait3A_313] : memref<4x128x64xf32, #tpu.memory_space<vmem>> -> memref<1x128x64xf32, #tpu.memory_space<vmem>>
          %dma_wait3A_315 = tpu.memref_squeeze %dma_wait3A_314 : memref<1x128x64xf32, #tpu.memory_space<vmem>> -> memref<128x64xf32, #tpu.memory_space<vmem>>
          tpu.wait_dma2 semaphore(%dma_wait3A_309 : memref<!tpu.dma_semaphore, #tpu.memory_space<semaphore_mem>>) src(%dma_wait3A_315 : memref<128x64xf32, #tpu.memory_space<vmem>>) dst(%dma_wait3A_311 : memref<128x64xf32, #tpu.memory_space<hbm>>)
        } else {
        }
        %add3A_280 = arith.constant 2 : i32
        %add3A_281 = arith.addi %add3A_177, %add3A_280 : i32
        %mul3A_282 = arith.constant 128 : i32
        %mul3A_283 = arith.muli %add3A_281, %mul3A_282 : i32
        %dma_start3A_284 = arith.constant 0 : i32
        %dma_start3A_285 = arith.constant 0 : i32
        %dma_start3A_286 = arith.constant 0 : i32
        %dma_start3A_287 = arith.constant 0 : i32
        %dma_start3A_288 = tpu.memref_slice %arg6[%dma_start3A_284, %dma_start3A_286, %dma_start3A_287] : memref<4x128x64xf32, #tpu.memory_space<vmem>> -> memref<1x128x64xf32, #tpu.memory_space<vmem>>
        %dma_start3A_289 = tpu.memref_squeeze %dma_start3A_288 : memref<1x128x64xf32, #tpu.memory_space<vmem>> -> memref<128x64xf32, #tpu.memory_space<vmem>>
        %dma_start3A_290 = tpu.memref_slice %arg5[%mul3A_283] : memref<25600xi32, #tpu.memory_space<vmem>> -> memref<128xi32, #tpu.memory_space<vmem>>
        %dma_start3A_291 = arith.constant 0 : i32
        %dma_start3A_292 = arith.constant 0 : i32
        %dma_start3A_293 = tpu.memref_slice %arg3[%dma_start3A_291, %dma_start3A_292] : memref<1000448x64xf32, #tpu.memory_space<hbm>> -> memref<1000448x64xf32, #tpu.memory_space<hbm>>
        %dma_start3A_294 = tpu.memref_slice %arg7[%dma_start3A_285] : memref<4x!tpu.dma_semaphore, #tpu.memory_space<semaphore_mem>> -> memref<1x!tpu.dma_semaphore, #tpu.memory_space<semaphore_mem>>
        %dma_start3A_295 = tpu.memref_squeeze %dma_start3A_294 : memref<1x!tpu.dma_semaphore, #tpu.memory_space<semaphore_mem>> -> memref<!tpu.dma_semaphore, #tpu.memory_space<semaphore_mem>>
        tpu.enqueue_indirect_dma source(%dma_start3A_293 : memref<1000448x64xf32, #tpu.memory_space<hbm>>) target(%dma_start3A_289 : memref<128x64xf32, #tpu.memory_space<vmem>>) offsets(%dma_start3A_290 : memref<128xi32, #tpu.memory_space<vmem>>) semaphore(%dma_start3A_295 : memref<!tpu.dma_semaphore, #tpu.memory_space<semaphore_mem>>)
      } else {
      }
      %mul3A_185 = arith.constant 128 : i32
      %mul3A_186 = arith.muli %add3A_177, %mul3A_185 : i32
      %dma_wait3A_187 = arith.constant 2 : i32
      %dma_wait3A_188 = arith.constant 2 : i32
      %dma_wait3A_189 = arith.constant 0 : i32
      %dma_wait3A_190 = arith.constant 0 : i32
      %dma_wait3A_191 = tpu.memref_slice %arg6[%dma_wait3A_187, %dma_wait3A_189, %dma_wait3A_190] : memref<4x128x64xf32, #tpu.memory_space<vmem>> -> memref<1x128x64xf32, #tpu.memory_space<vmem>>
      %dma_wait3A_192 = tpu.memref_squeeze %dma_wait3A_191 : memref<1x128x64xf32, #tpu.memory_space<vmem>> -> memref<128x64xf32, #tpu.memory_space<vmem>>
      %dma_wait3A_193 = tpu.memref_slice %arg5[%mul3A_186] : memref<25600xi32, #tpu.memory_space<vmem>> -> memref<128xi32, #tpu.memory_space<vmem>>
      %dma_wait3A_194 = arith.constant 0 : i32
      %dma_wait3A_195 = arith.constant 0 : i32
      %dma_wait3A_196 = tpu.memref_slice %arg3[%dma_wait3A_194, %dma_wait3A_195] : memref<1000448x64xf32, #tpu.memory_space<hbm>> -> memref<1000448x64xf32, #tpu.memory_space<hbm>>
      %dma_wait3A_197 = tpu.memref_slice %arg7[%dma_wait3A_188] : memref<4x!tpu.dma_semaphore, #tpu.memory_space<semaphore_mem>> -> memref<1x!tpu.dma_semaphore, #tpu.memory_space<semaphore_mem>>
      %dma_wait3A_198 = tpu.memref_squeeze %dma_wait3A_197 : memref<1x!tpu.dma_semaphore, #tpu.memory_space<semaphore_mem>> -> memref<!tpu.dma_semaphore, #tpu.memory_space<semaphore_mem>>
      tpu.wait_indirect_dma semaphore(%dma_wait3A_198 : memref<!tpu.dma_semaphore, #tpu.memory_space<semaphore_mem>>) src(%dma_wait3A_196 : memref<1000448x64xf32, #tpu.memory_space<hbm>>) dst(%dma_wait3A_192 : memref<128x64xf32, #tpu.memory_space<vmem>>)
      %scan3A_199 = arith.constant 0 : i32
      %scan3A_200 = arith.constant 2 : i32
      %scan3A_201 = arith.constant 0 : i32
      %scan3A_202 = arith.constant 32 : i32
      %scan3A_203 = arith.addi %scan3A_201, %scan3A_202 : i32
      %scan3A_204 = arith.constant 1 : i32
      scf.for %scan3A_276 = %scan3A_201 to %scan3A_203 step %scan3A_204  : i32 {
        %mul3A_277 = arith.constant 4 : i32
        %mul3A_278 = arith.muli %scan3A_276, %mul3A_277 : i32
        %add3A_279 = arith.constant 0 : i32
        %add3A_280 = arith.addi %mul3A_278, %add3A_279 : i32
        %get3A = arith.constant 0 : i32
        %get3A_281 = arith.constant 0 : i32
        %get3A_282 = tpu.memref_slice %arg6[%scan3A_200, %get3A, %get3A_281] : memref<4x128x64xf32, #tpu.memory_space<vmem>> -> memref<1x128x64xf32, #tpu.memory_space<vmem>>
        %get3A_283 = tpu.memref_squeeze %get3A_282 : memref<1x128x64xf32, #tpu.memory_space<vmem>> -> memref<128x64xf32, #tpu.memory_space<vmem>>
        %get3A_284 = arith.index_cast %add3A_280 : i32 to index
        %get3A_285 = arith.constant 0 : index
        %get3A_286 = tpu.vector_load %get3A_283[%get3A_284, %get3A_285] {strides = array<i32>} : memref<128x64xf32, #tpu.memory_space<vmem>>, vector<1x16xf32>,
        %get3A_287 = vector.shape_cast %get3A_286 : vector<1x16xf32> to vector<16xf32>
        %get3A_288 = arith.constant 0 : i32
        %get3A_289 = arith.constant 0 : i32
        %get3A_290 = tpu.memref_slice %arg6[%scan3A_200, %get3A_288, %get3A_289] : memref<4x128x64xf32, #tpu.memory_space<vmem>> -> memref<1x128x64xf32, #tpu.memory_space<vmem>>
        %get3A_291 = tpu.memref_squeeze %get3A_290 : memref<1x128x64xf32, #tpu.memory_space<vmem>> -> memref<128x64xf32, #tpu.memory_space<vmem>>
        %get3A_292 = arith.index_cast %add3A_280 : i32 to index
        %get3A_293 = arith.constant 16 : index
        %get3A_294 = tpu.vector_load %get3A_291[%get3A_292, %get3A_293] {strides = array<i32>} : memref<128x64xf32, #tpu.memory_space<vmem>>, vector<1x16xf32>,
        %get3A_295 = vector.shape_cast %get3A_294 : vector<1x16xf32> to vector<16xf32>
        %get3A_296 = arith.constant 0 : i32
        %get3A_297 = arith.constant 0 : i32
        %get3A_298 = tpu.memref_slice %arg6[%scan3A_200, %get3A_296, %get3A_297] : memref<4x128x64xf32, #tpu.memory_space<vmem>> -> memref<1x128x64xf32, #tpu.memory_space<vmem>>
        %get3A_299 = tpu.memref_squeeze %get3A_298 : memref<1x128x64xf32, #tpu.memory_space<vmem>> -> memref<128x64xf32, #tpu.memory_space<vmem>>
        %get3A_300 = arith.index_cast %add3A_280 : i32 to index
        %get3A_301 = arith.constant 32 : index
        %get3A_302 = tpu.vector_load %get3A_299[%get3A_300, %get3A_301] {strides = array<i32>} : memref<128x64xf32, #tpu.memory_space<vmem>>, vector<1x16xf32>,
        %get3A_303 = vector.shape_cast %get3A_302 : vector<1x16xf32> to vector<16xf32>
        %get3A_304 = arith.constant 0 : i32
        %get3A_305 = arith.constant 0 : i32
        %get3A_306 = tpu.memref_slice %arg6[%scan3A_200, %get3A_304, %get3A_305] : memref<4x128x64xf32, #tpu.memory_space<vmem>> -> memref<1x128x64xf32, #tpu.memory_space<vmem>>
        %get3A_307 = tpu.memref_squeeze %get3A_306 : memref<1x128x64xf32, #tpu.memory_space<vmem>> -> memref<128x64xf32, #tpu.memory_space<vmem>>
        %get3A_308 = arith.index_cast %add3A_280 : i32 to index
        %get3A_309 = arith.constant 48 : index
        %get3A_310 = tpu.vector_load %get3A_307[%get3A_308, %get3A_309] {strides = array<i32>} : memref<128x64xf32, #tpu.memory_space<vmem>>, vector<1x16xf32>,
        %get3A_311 = vector.shape_cast %get3A_310 : vector<1x16xf32> to vector<16xf32>
        %mul3A_312 = arith.mulf %get3A_287, %get3A_287 : vector<16xf32>
        %mul3A_313 = arith.mulf %get3A_295, %get3A_295 : vector<16xf32>
        %add3A_314 = arith.addf %mul3A_312, %mul3A_313 : vector<16xf32>
        %mul3A_315 = arith.mulf %get3A_303, %get3A_303 : vector<16xf32>
        %add3A_316 = arith.addf %add3A_314, %mul3A_315 : vector<16xf32>
        %mul3A_317 = arith.mulf %get3A_311, %get3A_311 : vector<16xf32>
        %add3A_318 = arith.addf %add3A_316, %mul3A_317 : vector<16xf32>
        %iota3A = tpu.iota {dimensions = array<i32: 0>} : vector<16xi32>
        %xor3A = arith.constant 8 : i32
        %xor3A_319 = vector.broadcast %xor3A : i32 to vector<16xi32>
        %xor3A_320 = arith.xori %iota3A, %xor3A_319 : vector<16xi32>
        %broadcast_in_dim3A = vector.shape_cast %xor3A_320 : vector<16xi32> to vector<16x1xi32>
        %gather3A = vector.shape_cast %broadcast_in_dim3A : vector<16x1xi32> to vector<16xi32>
        %gather3A_321 = tpu.dynamic_gather %add3A_318[%gather3A] in [0] : vector<16xf32>, vector<16xi32> -> vector<16xf32>
        %add3A_322 = arith.addf %add3A_318, %gather3A_321 : vector<16xf32>
        %xor3A_323 = arith.constant 4 : i32
        %xor3A_324 = vector.broadcast %xor3A_323 : i32 to vector<16xi32>
        %xor3A_325 = arith.xori %iota3A, %xor3A_324 : vector<16xi32>
        %broadcast_in_dim3A_326 = vector.shape_cast %xor3A_325 : vector<16xi32> to vector<16x1xi32>
        %gather3A_327 = vector.shape_cast %broadcast_in_dim3A_326 : vector<16x1xi32> to vector<16xi32>
        %gather3A_328 = tpu.dynamic_gather %add3A_322[%gather3A_327] in [0] : vector<16xf32>, vector<16xi32> -> vector<16xf32>
        %add3A_329 = arith.addf %add3A_322, %gather3A_328 : vector<16xf32>
        %xor3A_330 = arith.constant 2 : i32
        %xor3A_331 = vector.broadcast %xor3A_330 : i32 to vector<16xi32>
        %xor3A_332 = arith.xori %iota3A, %xor3A_331 : vector<16xi32>
        %broadcast_in_dim3A_333 = vector.shape_cast %xor3A_332 : vector<16xi32> to vector<16x1xi32>
        %gather3A_334 = vector.shape_cast %broadcast_in_dim3A_333 : vector<16x1xi32> to vector<16xi32>
        %gather3A_335 = tpu.dynamic_gather %add3A_329[%gather3A_334] in [0] : vector<16xf32>, vector<16xi32> -> vector<16xf32>
        %add3A_336 = arith.addf %add3A_329, %gather3A_335 : vector<16xf32>
        %xor3A_337 = arith.constant 1 : i32
        %xor3A_338 = vector.broadcast %xor3A_337 : i32 to vector<16xi32>
        %xor3A_339 = arith.xori %iota3A, %xor3A_338 : vector<16xi32>
        %broadcast_in_dim3A_340 = vector.shape_cast %xor3A_339 : vector<16xi32> to vector<16x1xi32>
        %gather3A_341 = vector.shape_cast %broadcast_in_dim3A_340 : vector<16x1xi32> to vector<16xi32>
        %gather3A_342 = tpu.dynamic_gather %add3A_336[%gather3A_341] in [0] : vector<16xf32>, vector<16xi32> -> vector<16xf32>
        %add3A_343 = arith.addf %add3A_336, %gather3A_342 : vector<16xf32>
        %max3A = arith.constant 1.000000e-24 : f32
        %max3A_344 = vector.broadcast %max3A : f32 to vector<16xf32>
        %max3A_345 = arith.maximumf %add3A_343, %max3A_344 : vector<16xf32>
        %bitcast_convert_type3A = tpu.bitcast %max3A_345 : vector<16xf32> -> vector<16xi32>
        %shift_right_logical3A = arith.constant 1 : i32
        %shift_right_logical3A_346 = vector.broadcast %shift_right_logical3A : i32 to vector<16xi32>
        %shift_right_logical3A_347 = arith.shrui %bitcast_convert_type3A, %shift_right_logical3A_346 : vector<16xi32>
        %sub3A = arith.constant 1597463007 : i32
        %sub3A_348 = vector.broadcast %sub3A : i32 to vector<16xi32>
        %sub3A_349 = arith.subi %sub3A_348, %shift_right_logical3A_347 : vector<16xi32>
        %bitcast_convert_type3A_350 = tpu.bitcast %sub3A_349 : vector<16xi32> -> vector<16xf32>
        %mul3A_351 = arith.constant 5.000000e-01 : f32
        %mul3A_352 = vector.broadcast %mul3A_351 : f32 to vector<16xf32>
        %mul3A_353 = arith.mulf %max3A_345, %mul3A_352 : vector<16xf32>
        %mul3A_354 = arith.mulf %mul3A_353, %bitcast_convert_type3A_350 : vector<16xf32>
        %mul3A_355 = arith.mulf %mul3A_354, %bitcast_convert_type3A_350 : vector<16xf32>
        %sub3A_356 = arith.constant 1.500000e+00 : f32
        %sub3A_357 = vector.broadcast %sub3A_356 : f32 to vector<16xf32>
        %sub3A_358 = arith.subf %sub3A_357, %mul3A_355 : vector<16xf32>
        %mul3A_359 = arith.mulf %bitcast_convert_type3A_350, %sub3A_358 : vector<16xf32>
        %mul3A_360 = arith.mulf %mul3A_353, %mul3A_359 : vector<16xf32>
        %mul3A_361 = arith.mulf %mul3A_360, %mul3A_359 : vector<16xf32>
        %sub3A_362 = arith.constant 1.500000e+00 : f32
        %sub3A_363 = vector.broadcast %sub3A_362 : f32 to vector<16xf32>
        %sub3A_364 = arith.subf %sub3A_363, %mul3A_361 : vector<16xf32>
        %mul3A_365 = arith.mulf %mul3A_359, %sub3A_364 : vector<16xf32>
        %mul3A_366 = arith.constant 8.000000e+00 : f32
        %mul3A_367 = vector.broadcast %mul3A_366 : f32 to vector<16xf32>
        %mul3A_368 = arith.mulf %mul3A_365, %mul3A_367 : vector<16xf32>
        %mul3A_369 = arith.mulf %get3A_287, %mul3A_368 : vector<16xf32>
        %swap3A = arith.constant 0 : i32
        %swap3A_370 = arith.constant 0 : i32
        %swap3A_371 = tpu.memref_slice %arg6[%scan3A_200, %swap3A, %swap3A_370] : memref<4x128x64xf32, #tpu.memory_space<vmem>> -> memref<1x128x64xf32, #tpu.memory_space<vmem>>
        %swap3A_372 = tpu.memref_squeeze %swap3A_371 : memref<1x128x64xf32, #tpu.memory_space<vmem>> -> memref<128x64xf32, #tpu.memory_space<vmem>>
        %swap3A_373 = arith.index_cast %add3A_280 : i32 to index
        %swap3A_374 = arith.constant 0 : index
        %swap3A_375 = tpu.vector_load %swap3A_372[%swap3A_373, %swap3A_374] {strides = array<i32>} : memref<128x64xf32, #tpu.memory_space<vmem>>, vector<1x16xf32>,
        %swap3A_376 = vector.shape_cast %swap3A_375 : vector<1x16xf32> to vector<16xf32>
        %swap3A_377 = vector.shape_cast %mul3A_369 : vector<16xf32> to vector<1x16xf32>
        tpu.vector_store %swap3A_372[%swap3A_373, %swap3A_374], %swap3A_377 {strides = array<i32>} : memref<128x64xf32, #tpu.memory_space<vmem>>, vector<1x16xf32>,
        %mul3A_378 = arith.mulf %get3A_295, %mul3A_368 : vector<16xf32>
        %swap3A_379 = arith.constant 0 : i32
        %swap3A_380 = arith.constant 0 : i32
        %swap3A_381 = tpu.memref_slice %arg6[%scan3A_200, %swap3A_379, %swap3A_380] : memref<4x128x64xf32, #tpu.memory_space<vmem>> -> memref<1x128x64xf32, #tpu.memory_space<vmem>>
        %swap3A_382 = tpu.memref_squeeze %swap3A_381 : memref<1x128x64xf32, #tpu.memory_space<vmem>> -> memref<128x64xf32, #tpu.memory_space<vmem>>
        %swap3A_383 = arith.index_cast %add3A_280 : i32 to index
        %swap3A_384 = arith.constant 16 : index
        %swap3A_385 = tpu.vector_load %swap3A_382[%swap3A_383, %swap3A_384] {strides = array<i32>} : memref<128x64xf32, #tpu.memory_space<vmem>>, vector<1x16xf32>,
        %swap3A_386 = vector.shape_cast %swap3A_385 : vector<1x16xf32> to vector<16xf32>
        %swap3A_387 = vector.shape_cast %mul3A_378 : vector<16xf32> to vector<1x16xf32>
        tpu.vector_store %swap3A_382[%swap3A_383, %swap3A_384], %swap3A_387 {strides = array<i32>} : memref<128x64xf32, #tpu.memory_space<vmem>>, vector<1x16xf32>,
        %mul3A_388 = arith.mulf %get3A_303, %mul3A_368 : vector<16xf32>
        %swap3A_389 = arith.constant 0 : i32
        %swap3A_390 = arith.constant 0 : i32
        %swap3A_391 = tpu.memref_slice %arg6[%scan3A_200, %swap3A_389, %swap3A_390] : memref<4x128x64xf32, #tpu.memory_space<vmem>> -> memref<1x128x64xf32, #tpu.memory_space<vmem>>
        %swap3A_392 = tpu.memref_squeeze %swap3A_391 : memref<1x128x64xf32, #tpu.memory_space<vmem>> -> memref<128x64xf32, #tpu.memory_space<vmem>>
        %swap3A_393 = arith.index_cast %add3A_280 : i32 to index
        %swap3A_394 = arith.constant 32 : index
        %swap3A_395 = tpu.vector_load %swap3A_392[%swap3A_393, %swap3A_394] {strides = array<i32>} : memref<128x64xf32, #tpu.memory_space<vmem>>, vector<1x16xf32>,
        %swap3A_396 = vector.shape_cast %swap3A_395 : vector<1x16xf32> to vector<16xf32>
        %swap3A_397 = vector.shape_cast %mul3A_388 : vector<16xf32> to vector<1x16xf32>
        tpu.vector_store %swap3A_392[%swap3A_393, %swap3A_394], %swap3A_397 {strides = array<i32>} : memref<128x64xf32, #tpu.memory_space<vmem>>, vector<1x16xf32>,
        %mul3A_398 = arith.mulf %get3A_311, %mul3A_368 : vector<16xf32>
        %swap3A_399 = arith.constant 0 : i32
        %swap3A_400 = arith.constant 0 : i32
        %swap3A_401 = tpu.memref_slice %arg6[%scan3A_200, %swap3A_399, %swap3A_400] : memref<4x128x64xf32, #tpu.memory_space<vmem>> -> memref<1x128x64xf32, #tpu.memory_space<vmem>>
        %swap3A_402 = tpu.memref_squeeze %swap3A_401 : memref<1x128x64xf32, #tpu.memory_space<vmem>> -> memref<128x64xf32, #tpu.memory_space<vmem>>
        %swap3A_403 = arith.index_cast %add3A_280 : i32 to index
        %swap3A_404 = arith.constant 48 : index
        %swap3A_405 = tpu.vector_load %swap3A_402[%swap3A_403, %swap3A_404] {strides = array<i32>} : memref<128x64xf32, #tpu.memory_space<vmem>>, vector<1x16xf32>,
        %swap3A_406 = vector.shape_cast %swap3A_405 : vector<1x16xf32> to vector<16xf32>
        %swap3A_407 = vector.shape_cast %mul3A_398 : vector<16xf32> to vector<1x16xf32>
        tpu.vector_store %swap3A_402[%swap3A_403, %swap3A_404], %swap3A_407 {strides = array<i32>} : memref<128x64xf32, #tpu.memory_space<vmem>>, vector<1x16xf32>,
        %mul3A_408 = arith.constant 4 : i32
        %mul3A_409 = arith.muli %scan3A_276, %mul3A_408 : i32
        %add3A_410 = arith.constant 1 : i32
        %add3A_411 = arith.addi %mul3A_409, %add3A_410 : i32
        %get3A_412 = arith.constant 0 : i32
        %get3A_413 = arith.constant 0 : i32
        %get3A_414 = tpu.memref_slice %arg6[%scan3A_200, %get3A_412, %get3A_413] : memref<4x128x64xf32, #tpu.memory_space<vmem>> -> memref<1x128x64xf32, #tpu.memory_space<vmem>>
        %get3A_415 = tpu.memref_squeeze %get3A_414 : memref<1x128x64xf32, #tpu.memory_space<vmem>> -> memref<128x64xf32, #tpu.memory_space<vmem>>
        %get3A_416 = arith.index_cast %add3A_411 : i32 to index
        %get3A_417 = arith.constant 0 : index
        %get3A_418 = tpu.vector_load %get3A_415[%get3A_416, %get3A_417] {strides = array<i32>} : memref<128x64xf32, #tpu.memory_space<vmem>>, vector<1x16xf32>,
        %get3A_419 = vector.shape_cast %get3A_418 : vector<1x16xf32> to vector<16xf32>
        %get3A_420 = arith.constant 0 : i32
        %get3A_421 = arith.constant 0 : i32
        %get3A_422 = tpu.memref_slice %arg6[%scan3A_200, %get3A_420, %get3A_421] : memref<4x128x64xf32, #tpu.memory_space<vmem>> -> memref<1x128x64xf32, #tpu.memory_space<vmem>>
        %get3A_423 = tpu.memref_squeeze %get3A_422 : memref<1x128x64xf32, #tpu.memory_space<vmem>> -> memref<128x64xf32, #tpu.memory_space<vmem>>
        %get3A_424 = arith.index_cast %add3A_411 : i32 to index
        %get3A_425 = arith.constant 16 : index
        %get3A_426 = tpu.vector_load %get3A_423[%get3A_424, %get3A_425] {strides = array<i32>} : memref<128x64xf32, #tpu.memory_space<vmem>>, vector<1x16xf32>,
        %get3A_427 = vector.shape_cast %get3A_426 : vector<1x16xf32> to vector<16xf32>
        %get3A_428 = arith.constant 0 : i32
        %get3A_429 = arith.constant 0 : i32
        %get3A_430 = tpu.memref_slice %arg6[%scan3A_200, %get3A_428, %get3A_429] : memref<4x128x64xf32, #tpu.memory_space<vmem>> -> memref<1x128x64xf32, #tpu.memory_space<vmem>>
        %get3A_431 = tpu.memref_squeeze %get3A_430 : memref<1x128x64xf32, #tpu.memory_space<vmem>> -> memref<128x64xf32, #tpu.memory_space<vmem>>
        %get3A_432 = arith.index_cast %add3A_411 : i32 to index
        %get3A_433 = arith.constant 32 : index
        %get3A_434 = tpu.vector_load %get3A_431[%get3A_432, %get3A_433] {strides = array<i32>} : memref<128x64xf32, #tpu.memory_space<vmem>>, vector<1x16xf32>,
        %get3A_435 = vector.shape_cast %get3A_434 : vector<1x16xf32> to vector<16xf32>
        %get3A_436 = arith.constant 0 : i32
        %get3A_437 = arith.constant 0 : i32
        %get3A_438 = tpu.memref_slice %arg6[%scan3A_200, %get3A_436, %get3A_437] : memref<4x128x64xf32, #tpu.memory_space<vmem>> -> memref<1x128x64xf32, #tpu.memory_space<vmem>>
        %get3A_439 = tpu.memref_squeeze %get3A_438 : memref<1x128x64xf32, #tpu.memory_space<vmem>> -> memref<128x64xf32, #tpu.memory_space<vmem>>
        %get3A_440 = arith.index_cast %add3A_411 : i32 to index
        %get3A_441 = arith.constant 48 : index
        %get3A_442 = tpu.vector_load %get3A_439[%get3A_440, %get3A_441] {strides = array<i32>} : memref<128x64xf32, #tpu.memory_space<vmem>>, vector<1x16xf32>,
        %get3A_443 = vector.shape_cast %get3A_442 : vector<1x16xf32> to vector<16xf32>
        %mul3A_444 = arith.mulf %get3A_419, %get3A_419 : vector<16xf32>
        %mul3A_445 = arith.mulf %get3A_427, %get3A_427 : vector<16xf32>
        %add3A_446 = arith.addf %mul3A_444, %mul3A_445 : vector<16xf32>
        %mul3A_447 = arith.mulf %get3A_435, %get3A_435 : vector<16xf32>
        %add3A_448 = arith.addf %add3A_446, %mul3A_447 : vector<16xf32>
        %mul3A_449 = arith.mulf %get3A_443, %get3A_443 : vector<16xf32>
        %add3A_450 = arith.addf %add3A_448, %mul3A_449 : vector<16xf32>
        %iota3A_451 = tpu.iota {dimensions = array<i32: 0>} : vector<16xi32>
        %xor3A_452 = arith.constant 8 : i32
        %xor3A_453 = vector.broadcast %xor3A_452 : i32 to vector<16xi32>
        %xor3A_454 = arith.xori %iota3A_451, %xor3A_453 : vector<16xi32>
        %broadcast_in_dim3A_455 = vector.shape_cast %xor3A_454 : vector<16xi32> to vector<16x1xi32>
        %gather3A_456 = vector.shape_cast %broadcast_in_dim3A_455 : vector<16x1xi32> to vector<16xi32>
        %gather3A_457 = tpu.dynamic_gather %add3A_450[%gather3A_456] in [0] : vector<16xf32>, vector<16xi32> -> vector<16xf32>
        %add3A_458 = arith.addf %add3A_450, %gather3A_457 : vector<16xf32>
        %xor3A_459 = arith.constant 4 : i32
        %xor3A_460 = vector.broadcast %xor3A_459 : i32 to vector<16xi32>
        %xor3A_461 = arith.xori %iota3A_451, %xor3A_460 : vector<16xi32>
        %broadcast_in_dim3A_462 = vector.shape_cast %xor3A_461 : vector<16xi32> to vector<16x1xi32>
        %gather3A_463 = vector.shape_cast %broadcast_in_dim3A_462 : vector<16x1xi32> to vector<16xi32>
        %gather3A_464 = tpu.dynamic_gather %add3A_458[%gather3A_463] in [0] : vector<16xf32>, vector<16xi32> -> vector<16xf32>
        %add3A_465 = arith.addf %add3A_458, %gather3A_464 : vector<16xf32>
        %xor3A_466 = arith.constant 2 : i32
        %xor3A_467 = vector.broadcast %xor3A_466 : i32 to vector<16xi32>
        %xor3A_468 = arith.xori %iota3A_451, %xor3A_467 : vector<16xi32>
        %broadcast_in_dim3A_469 = vector.shape_cast %xor3A_468 : vector<16xi32> to vector<16x1xi32>
        %gather3A_470 = vector.shape_cast %broadcast_in_dim3A_469 : vector<16x1xi32> to vector<16xi32>
        %gather3A_471 = tpu.dynamic_gather %add3A_465[%gather3A_470] in [0] : vector<16xf32>, vector<16xi32> -> vector<16xf32>
        %add3A_472 = arith.addf %add3A_465, %gather3A_471 : vector<16xf32>
        %xor3A_473 = arith.constant 1 : i32
        %xor3A_474 = vector.broadcast %xor3A_473 : i32 to vector<16xi32>
        %xor3A_475 = arith.xori %iota3A_451, %xor3A_474 : vector<16xi32>
        %broadcast_in_dim3A_476 = vector.shape_cast %xor3A_475 : vector<16xi32> to vector<16x1xi32>
        %gather3A_477 = vector.shape_cast %broadcast_in_dim3A_476 : vector<16x1xi32> to vector<16xi32>
        %gather3A_478 = tpu.dynamic_gather %add3A_472[%gather3A_477] in [0] : vector<16xf32>, vector<16xi32> -> vector<16xf32>
        %add3A_479 = arith.addf %add3A_472, %gather3A_478 : vector<16xf32>
        %max3A_480 = arith.constant 1.000000e-24 : f32
        %max3A_481 = vector.broadcast %max3A_480 : f32 to vector<16xf32>
        %max3A_482 = arith.maximumf %add3A_479, %max3A_481 : vector<16xf32>
        %bitcast_convert_type3A_483 = tpu.bitcast %max3A_482 : vector<16xf32> -> vector<16xi32>
        %shift_right_logical3A_484 = arith.constant 1 : i32
        %shift_right_logical3A_485 = vector.broadcast %shift_right_logical3A_484 : i32 to vector<16xi32>
        %shift_right_logical3A_486 = arith.shrui %bitcast_convert_type3A_483, %shift_right_logical3A_485 : vector<16xi32>
        %sub3A_487 = arith.constant 1597463007 : i32
        %sub3A_488 = vector.broadcast %sub3A_487 : i32 to vector<16xi32>
        %sub3A_489 = arith.subi %sub3A_488, %shift_right_logical3A_486 : vector<16xi32>
        %bitcast_convert_type3A_490 = tpu.bitcast %sub3A_489 : vector<16xi32> -> vector<16xf32>
        %mul3A_491 = arith.constant 5.000000e-01 : f32
        %mul3A_492 = vector.broadcast %mul3A_491 : f32 to vector<16xf32>
        %mul3A_493 = arith.mulf %max3A_482, %mul3A_492 : vector<16xf32>
        %mul3A_494 = arith.mulf %mul3A_493, %bitcast_convert_type3A_490 : vector<16xf32>
        %mul3A_495 = arith.mulf %mul3A_494, %bitcast_convert_type3A_490 : vector<16xf32>
        %sub3A_496 = arith.constant 1.500000e+00 : f32
        %sub3A_497 = vector.broadcast %sub3A_496 : f32 to vector<16xf32>
        %sub3A_498 = arith.subf %sub3A_497, %mul3A_495 : vector<16xf32>
        %mul3A_499 = arith.mulf %bitcast_convert_type3A_490, %sub3A_498 : vector<16xf32>
        %mul3A_500 = arith.mulf %mul3A_493, %mul3A_499 : vector<16xf32>
        %mul3A_501 = arith.mulf %mul3A_500, %mul3A_499 : vector<16xf32>
        %sub3A_502 = arith.constant 1.500000e+00 : f32
        %sub3A_503 = vector.broadcast %sub3A_502 : f32 to vector<16xf32>
        %sub3A_504 = arith.subf %sub3A_503, %mul3A_501 : vector<16xf32>
        %mul3A_505 = arith.mulf %mul3A_499, %sub3A_504 : vector<16xf32>
        %mul3A_506 = arith.constant 8.000000e+00 : f32
        %mul3A_507 = vector.broadcast %mul3A_506 : f32 to vector<16xf32>
        %mul3A_508 = arith.mulf %mul3A_505, %mul3A_507 : vector<16xf32>
        %mul3A_509 = arith.mulf %get3A_419, %mul3A_508 : vector<16xf32>
        %swap3A_510 = arith.constant 0 : i32
        %swap3A_511 = arith.constant 0 : i32
        %swap3A_512 = tpu.memref_slice %arg6[%scan3A_200, %swap3A_510, %swap3A_511] : memref<4x128x64xf32, #tpu.memory_space<vmem>> -> memref<1x128x64xf32, #tpu.memory_space<vmem>>
        %swap3A_513 = tpu.memref_squeeze %swap3A_512 : memref<1x128x64xf32, #tpu.memory_space<vmem>> -> memref<128x64xf32, #tpu.memory_space<vmem>>
        %swap3A_514 = arith.index_cast %add3A_411 : i32 to index
        %swap3A_515 = arith.constant 0 : index
        %swap3A_516 = tpu.vector_load %swap3A_513[%swap3A_514, %swap3A_515] {strides = array<i32>} : memref<128x64xf32, #tpu.memory_space<vmem>>, vector<1x16xf32>,
        %swap3A_517 = vector.shape_cast %swap3A_516 : vector<1x16xf32> to vector<16xf32>
        %swap3A_518 = vector.shape_cast %mul3A_509 : vector<16xf32> to vector<1x16xf32>
        tpu.vector_store %swap3A_513[%swap3A_514, %swap3A_515], %swap3A_518 {strides = array<i32>} : memref<128x64xf32, #tpu.memory_space<vmem>>, vector<1x16xf32>,
        %mul3A_519 = arith.mulf %get3A_427, %mul3A_508 : vector<16xf32>
        %swap3A_520 = arith.constant 0 : i32
        %swap3A_521 = arith.constant 0 : i32
        %swap3A_522 = tpu.memref_slice %arg6[%scan3A_200, %swap3A_520, %swap3A_521] : memref<4x128x64xf32, #tpu.memory_space<vmem>> -> memref<1x128x64xf32, #tpu.memory_space<vmem>>
        %swap3A_523 = tpu.memref_squeeze %swap3A_522 : memref<1x128x64xf32, #tpu.memory_space<vmem>> -> memref<128x64xf32, #tpu.memory_space<vmem>>
        %swap3A_524 = arith.index_cast %add3A_411 : i32 to index
        %swap3A_525 = arith.constant 16 : index
        %swap3A_526 = tpu.vector_load %swap3A_523[%swap3A_524, %swap3A_525] {strides = array<i32>} : memref<128x64xf32, #tpu.memory_space<vmem>>, vector<1x16xf32>,
        %swap3A_527 = vector.shape_cast %swap3A_526 : vector<1x16xf32> to vector<16xf32>
        %swap3A_528 = vector.shape_cast %mul3A_519 : vector<16xf32> to vector<1x16xf32>
        tpu.vector_store %swap3A_523[%swap3A_524, %swap3A_525], %swap3A_528 {strides = array<i32>} : memref<128x64xf32, #tpu.memory_space<vmem>>, vector<1x16xf32>,
        %mul3A_529 = arith.mulf %get3A_435, %mul3A_508 : vector<16xf32>
        %swap3A_530 = arith.constant 0 : i32
        %swap3A_531 = arith.constant 0 : i32
        %swap3A_532 = tpu.memref_slice %arg6[%scan3A_200, %swap3A_530, %swap3A_531] : memref<4x128x64xf32, #tpu.memory_space<vmem>> -> memref<1x128x64xf32, #tpu.memory_space<vmem>>
        %swap3A_533 = tpu.memref_squeeze %swap3A_532 : memref<1x128x64xf32, #tpu.memory_space<vmem>> -> memref<128x64xf32, #tpu.memory_space<vmem>>
        %swap3A_534 = arith.index_cast %add3A_411 : i32 to index
        %swap3A_535 = arith.constant 32 : index
        %swap3A_536 = tpu.vector_load %swap3A_533[%swap3A_534, %swap3A_535] {strides = array<i32>} : memref<128x64xf32, #tpu.memory_space<vmem>>, vector<1x16xf32>,
        %swap3A_537 = vector.shape_cast %swap3A_536 : vector<1x16xf32> to vector<16xf32>
        %swap3A_538 = vector.shape_cast %mul3A_529 : vector<16xf32> to vector<1x16xf32>
        tpu.vector_store %swap3A_533[%swap3A_534, %swap3A_535], %swap3A_538 {strides = array<i32>} : memref<128x64xf32, #tpu.memory_space<vmem>>, vector<1x16xf32>,
        %mul3A_539 = arith.mulf %get3A_443, %mul3A_508 : vector<16xf32>
        %swap3A_540 = arith.constant 0 : i32
        %swap3A_541 = arith.constant 0 : i32
        %swap3A_542 = tpu.memref_slice %arg6[%scan3A_200, %swap3A_540, %swap3A_541] : memref<4x128x64xf32, #tpu.memory_space<vmem>> -> memref<1x128x64xf32, #tpu.memory_space<vmem>>
        %swap3A_543 = tpu.memref_squeeze %swap3A_542 : memref<1x128x64xf32, #tpu.memory_space<vmem>> -> memref<128x64xf32, #tpu.memory_space<vmem>>
        %swap3A_544 = arith.index_cast %add3A_411 : i32 to index
        %swap3A_545 = arith.constant 48 : index
        %swap3A_546 = tpu.vector_load %swap3A_543[%swap3A_544, %swap3A_545] {strides = array<i32>} : memref<128x64xf32, #tpu.memory_space<vmem>>, vector<1x16xf32>,
        %swap3A_547 = vector.shape_cast %swap3A_546 : vector<1x16xf32> to vector<16xf32>
        %swap3A_548 = vector.shape_cast %mul3A_539 : vector<16xf32> to vector<1x16xf32>
        tpu.vector_store %swap3A_543[%swap3A_544, %swap3A_545], %swap3A_548 {strides = array<i32>} : memref<128x64xf32, #tpu.memory_space<vmem>>, vector<1x16xf32>,
        %mul3A_549 = arith.constant 4 : i32
        %mul3A_550 = arith.muli %scan3A_276, %mul3A_549 : i32
        %add3A_551 = arith.constant 2 : i32
        %add3A_552 = arith.addi %mul3A_550, %add3A_551 : i32
        %get3A_553 = arith.constant 0 : i32
        %get3A_554 = arith.constant 0 : i32
        %get3A_555 = tpu.memref_slice %arg6[%scan3A_200, %get3A_553, %get3A_554] : memref<4x128x64xf32, #tpu.memory_space<vmem>> -> memref<1x128x64xf32, #tpu.memory_space<vmem>>
        %get3A_556 = tpu.memref_squeeze %get3A_555 : memref<1x128x64xf32, #tpu.memory_space<vmem>> -> memref<128x64xf32, #tpu.memory_space<vmem>>
        %get3A_557 = arith.index_cast %add3A_552 : i32 to index
        %get3A_558 = arith.constant 0 : index
        %get3A_559 = tpu.vector_load %get3A_556[%get3A_557, %get3A_558] {strides = array<i32>} : memref<128x64xf32, #tpu.memory_space<vmem>>, vector<1x16xf32>,
        %get3A_560 = vector.shape_cast %get3A_559 : vector<1x16xf32> to vector<16xf32>
        %get3A_561 = arith.constant 0 : i32
        %get3A_562 = arith.constant 0 : i32
        %get3A_563 = tpu.memref_slice %arg6[%scan3A_200, %get3A_561, %get3A_562] : memref<4x128x64xf32, #tpu.memory_space<vmem>> -> memref<1x128x64xf32, #tpu.memory_space<vmem>>
        %get3A_564 = tpu.memref_squeeze %get3A_563 : memref<1x128x64xf32, #tpu.memory_space<vmem>> -> memref<128x64xf32, #tpu.memory_space<vmem>>
        %get3A_565 = arith.index_cast %add3A_552 : i32 to index
        %get3A_566 = arith.constant 16 : index
        %get3A_567 = tpu.vector_load %get3A_564[%get3A_565, %get3A_566] {strides = array<i32>} : memref<128x64xf32, #tpu.memory_space<vmem>>, vector<1x16xf32>,
        %get3A_568 = vector.shape_cast %get3A_567 : vector<1x16xf32> to vector<16xf32>
        %get3A_569 = arith.constant 0 : i32
        %get3A_570 = arith.constant 0 : i32
        %get3A_571 = tpu.memref_slice %arg6[%scan3A_200, %get3A_569, %get3A_570] : memref<4x128x64xf32, #tpu.memory_space<vmem>> -> memref<1x128x64xf32, #tpu.memory_space<vmem>>
        %get3A_572 = tpu.memref_squeeze %get3A_571 : memref<1x128x64xf32, #tpu.memory_space<vmem>> -> memref<128x64xf32, #tpu.memory_space<vmem>>
        %get3A_573 = arith.index_cast %add3A_552 : i32 to index
        %get3A_574 = arith.constant 32 : index
        %get3A_575 = tpu.vector_load %get3A_572[%get3A_573, %get3A_574] {strides = array<i32>} : memref<128x64xf32, #tpu.memory_space<vmem>>, vector<1x16xf32>,
        %get3A_576 = vector.shape_cast %get3A_575 : vector<1x16xf32> to vector<16xf32>
        %get3A_577 = arith.constant 0 : i32
        %get3A_578 = arith.constant 0 : i32
        %get3A_579 = tpu.memref_slice %arg6[%scan3A_200, %get3A_577, %get3A_578] : memref<4x128x64xf32, #tpu.memory_space<vmem>> -> memref<1x128x64xf32, #tpu.memory_space<vmem>>
        %get3A_580 = tpu.memref_squeeze %get3A_579 : memref<1x128x64xf32, #tpu.memory_space<vmem>> -> memref<128x64xf32, #tpu.memory_space<vmem>>
        %get3A_581 = arith.index_cast %add3A_552 : i32 to index
        %get3A_582 = arith.constant 48 : index
        %get3A_583 = tpu.vector_load %get3A_580[%get3A_581, %get3A_582] {strides = array<i32>} : memref<128x64xf32, #tpu.memory_space<vmem>>, vector<1x16xf32>,
        %get3A_584 = vector.shape_cast %get3A_583 : vector<1x16xf32> to vector<16xf32>
        %mul3A_585 = arith.mulf %get3A_560, %get3A_560 : vector<16xf32>
        %mul3A_586 = arith.mulf %get3A_568, %get3A_568 : vector<16xf32>
        %add3A_587 = arith.addf %mul3A_585, %mul3A_586 : vector<16xf32>
        %mul3A_588 = arith.mulf %get3A_576, %get3A_576 : vector<16xf32>
        %add3A_589 = arith.addf %add3A_587, %mul3A_588 : vector<16xf32>
        %mul3A_590 = arith.mulf %get3A_584, %get3A_584 : vector<16xf32>
        %add3A_591 = arith.addf %add3A_589, %mul3A_590 : vector<16xf32>
        %iota3A_592 = tpu.iota {dimensions = array<i32: 0>} : vector<16xi32>
        %xor3A_593 = arith.constant 8 : i32
        %xor3A_594 = vector.broadcast %xor3A_593 : i32 to vector<16xi32>
        %xor3A_595 = arith.xori %iota3A_592, %xor3A_594 : vector<16xi32>
        %broadcast_in_dim3A_596 = vector.shape_cast %xor3A_595 : vector<16xi32> to vector<16x1xi32>
        %gather3A_597 = vector.shape_cast %broadcast_in_dim3A_596 : vector<16x1xi32> to vector<16xi32>
        %gather3A_598 = tpu.dynamic_gather %add3A_591[%gather3A_597] in [0] : vector<16xf32>, vector<16xi32> -> vector<16xf32>
        %add3A_599 = arith.addf %add3A_591, %gather3A_598 : vector<16xf32>
        %xor3A_600 = arith.constant 4 : i32
        %xor3A_601 = vector.broadcast %xor3A_600 : i32 to vector<16xi32>
        %xor3A_602 = arith.xori %iota3A_592, %xor3A_601 : vector<16xi32>
        %broadcast_in_dim3A_603 = vector.shape_cast %xor3A_602 : vector<16xi32> to vector<16x1xi32>
        %gather3A_604 = vector.shape_cast %broadcast_in_dim3A_603 : vector<16x1xi32> to vector<16xi32>
        %gather3A_605 = tpu.dynamic_gather %add3A_599[%gather3A_604] in [0] : vector<16xf32>, vector<16xi32> -> vector<16xf32>
        %add3A_606 = arith.addf %add3A_599, %gather3A_605 : vector<16xf32>
        %xor3A_607 = arith.constant 2 : i32
        %xor3A_608 = vector.broadcast %xor3A_607 : i32 to vector<16xi32>
        %xor3A_609 = arith.xori %iota3A_592, %xor3A_608 : vector<16xi32>
        %broadcast_in_dim3A_610 = vector.shape_cast %xor3A_609 : vector<16xi32> to vector<16x1xi32>
        %gather3A_611 = vector.shape_cast %broadcast_in_dim3A_610 : vector<16x1xi32> to vector<16xi32>
        %gather3A_612 = tpu.dynamic_gather %add3A_606[%gather3A_611] in [0] : vector<16xf32>, vector<16xi32> -> vector<16xf32>
        %add3A_613 = arith.addf %add3A_606, %gather3A_612 : vector<16xf32>
        %xor3A_614 = arith.constant 1 : i32
        %xor3A_615 = vector.broadcast %xor3A_614 : i32 to vector<16xi32>
        %xor3A_616 = arith.xori %iota3A_592, %xor3A_615 : vector<16xi32>
        %broadcast_in_dim3A_617 = vector.shape_cast %xor3A_616 : vector<16xi32> to vector<16x1xi32>
        %gather3A_618 = vector.shape_cast %broadcast_in_dim3A_617 : vector<16x1xi32> to vector<16xi32>
        %gather3A_619 = tpu.dynamic_gather %add3A_613[%gather3A_618] in [0] : vector<16xf32>, vector<16xi32> -> vector<16xf32>
        %add3A_620 = arith.addf %add3A_613, %gather3A_619 : vector<16xf32>
        %max3A_621 = arith.constant 1.000000e-24 : f32
        %max3A_622 = vector.broadcast %max3A_621 : f32 to vector<16xf32>
        %max3A_623 = arith.maximumf %add3A_620, %max3A_622 : vector<16xf32>
        %bitcast_convert_type3A_624 = tpu.bitcast %max3A_623 : vector<16xf32> -> vector<16xi32>
        %shift_right_logical3A_625 = arith.constant 1 : i32
        %shift_right_logical3A_626 = vector.broadcast %shift_right_logical3A_625 : i32 to vector<16xi32>
        %shift_right_logical3A_627 = arith.shrui %bitcast_convert_type3A_624, %shift_right_logical3A_626 : vector<16xi32>
        %sub3A_628 = arith.constant 1597463007 : i32
        %sub3A_629 = vector.broadcast %sub3A_628 : i32 to vector<16xi32>
        %sub3A_630 = arith.subi %sub3A_629, %shift_right_logical3A_627 : vector<16xi32>
        %bitcast_convert_type3A_631 = tpu.bitcast %sub3A_630 : vector<16xi32> -> vector<16xf32>
        %mul3A_632 = arith.constant 5.000000e-01 : f32
        %mul3A_633 = vector.broadcast %mul3A_632 : f32 to vector<16xf32>
        %mul3A_634 = arith.mulf %max3A_623, %mul3A_633 : vector<16xf32>
        %mul3A_635 = arith.mulf %mul3A_634, %bitcast_convert_type3A_631 : vector<16xf32>
        %mul3A_636 = arith.mulf %mul3A_635, %bitcast_convert_type3A_631 : vector<16xf32>
        %sub3A_637 = arith.constant 1.500000e+00 : f32
        %sub3A_638 = vector.broadcast %sub3A_637 : f32 to vector<16xf32>
        %sub3A_639 = arith.subf %sub3A_638, %mul3A_636 : vector<16xf32>
        %mul3A_640 = arith.mulf %bitcast_convert_type3A_631, %sub3A_639 : vector<16xf32>
        %mul3A_641 = arith.mulf %mul3A_634, %mul3A_640 : vector<16xf32>
        %mul3A_642 = arith.mulf %mul3A_641, %mul3A_640 : vector<16xf32>
        %sub3A_643 = arith.constant 1.500000e+00 : f32
        %sub3A_644 = vector.broadcast %sub3A_643 : f32 to vector<16xf32>
        %sub3A_645 = arith.subf %sub3A_644, %mul3A_642 : vector<16xf32>
        %mul3A_646 = arith.mulf %mul3A_640, %sub3A_645 : vector<16xf32>
        %mul3A_647 = arith.constant 8.000000e+00 : f32
        %mul3A_648 = vector.broadcast %mul3A_647 : f32 to vector<16xf32>
        %mul3A_649 = arith.mulf %mul3A_646, %mul3A_648 : vector<16xf32>
        %mul3A_650 = arith.mulf %get3A_560, %mul3A_649 : vector<16xf32>
        %swap3A_651 = arith.constant 0 : i32
        %swap3A_652 = arith.constant 0 : i32
        %swap3A_653 = tpu.memref_slice %arg6[%scan3A_200, %swap3A_651, %swap3A_652] : memref<4x128x64xf32, #tpu.memory_space<vmem>> -> memref<1x128x64xf32, #tpu.memory_space<vmem>>
        %swap3A_654 = tpu.memref_squeeze %swap3A_653 : memref<1x128x64xf32, #tpu.memory_space<vmem>> -> memref<128x64xf32, #tpu.memory_space<vmem>>
        %swap3A_655 = arith.index_cast %add3A_552 : i32 to index
        %swap3A_656 = arith.constant 0 : index
        %swap3A_657 = tpu.vector_load %swap3A_654[%swap3A_655, %swap3A_656] {strides = array<i32>} : memref<128x64xf32, #tpu.memory_space<vmem>>, vector<1x16xf32>,
        %swap3A_658 = vector.shape_cast %swap3A_657 : vector<1x16xf32> to vector<16xf32>
        %swap3A_659 = vector.shape_cast %mul3A_650 : vector<16xf32> to vector<1x16xf32>
        tpu.vector_store %swap3A_654[%swap3A_655, %swap3A_656], %swap3A_659 {strides = array<i32>} : memref<128x64xf32, #tpu.memory_space<vmem>>, vector<1x16xf32>,
        %mul3A_660 = arith.mulf %get3A_568, %mul3A_649 : vector<16xf32>
        %swap3A_661 = arith.constant 0 : i32
        %swap3A_662 = arith.constant 0 : i32
        %swap3A_663 = tpu.memref_slice %arg6[%scan3A_200, %swap3A_661, %swap3A_662] : memref<4x128x64xf32, #tpu.memory_space<vmem>> -> memref<1x128x64xf32, #tpu.memory_space<vmem>>
        %swap3A_664 = tpu.memref_squeeze %swap3A_663 : memref<1x128x64xf32, #tpu.memory_space<vmem>> -> memref<128x64xf32, #tpu.memory_space<vmem>>
        %swap3A_665 = arith.index_cast %add3A_552 : i32 to index
        %swap3A_666 = arith.constant 16 : index
        %swap3A_667 = tpu.vector_load %swap3A_664[%swap3A_665, %swap3A_666] {strides = array<i32>} : memref<128x64xf32, #tpu.memory_space<vmem>>, vector<1x16xf32>,
        %swap3A_668 = vector.shape_cast %swap3A_667 : vector<1x16xf32> to vector<16xf32>
        %swap3A_669 = vector.shape_cast %mul3A_660 : vector<16xf32> to vector<1x16xf32>
        tpu.vector_store %swap3A_664[%swap3A_665, %swap3A_666], %swap3A_669 {strides = array<i32>} : memref<128x64xf32, #tpu.memory_space<vmem>>, vector<1x16xf32>,
        %mul3A_670 = arith.mulf %get3A_576, %mul3A_649 : vector<16xf32>
        %swap3A_671 = arith.constant 0 : i32
        %swap3A_672 = arith.constant 0 : i32
        %swap3A_673 = tpu.memref_slice %arg6[%scan3A_200, %swap3A_671, %swap3A_672] : memref<4x128x64xf32, #tpu.memory_space<vmem>> -> memref<1x128x64xf32, #tpu.memory_space<vmem>>
        %swap3A_674 = tpu.memref_squeeze %swap3A_673 : memref<1x128x64xf32, #tpu.memory_space<vmem>> -> memref<128x64xf32, #tpu.memory_space<vmem>>
        %swap3A_675 = arith.index_cast %add3A_552 : i32 to index
        %swap3A_676 = arith.constant 32 : index
        %swap3A_677 = tpu.vector_load %swap3A_674[%swap3A_675, %swap3A_676] {strides = array<i32>} : memref<128x64xf32, #tpu.memory_space<vmem>>, vector<1x16xf32>,
        %swap3A_678 = vector.shape_cast %swap3A_677 : vector<1x16xf32> to vector<16xf32>
        %swap3A_679 = vector.shape_cast %mul3A_670 : vector<16xf32> to vector<1x16xf32>
        tpu.vector_store %swap3A_674[%swap3A_675, %swap3A_676], %swap3A_679 {strides = array<i32>} : memref<128x64xf32, #tpu.memory_space<vmem>>, vector<1x16xf32>,
        %mul3A_680 = arith.mulf %get3A_584, %mul3A_649 : vector<16xf32>
        %swap3A_681 = arith.constant 0 : i32
        %swap3A_682 = arith.constant 0 : i32
        %swap3A_683 = tpu.memref_slice %arg6[%scan3A_200, %swap3A_681, %swap3A_682] : memref<4x128x64xf32, #tpu.memory_space<vmem>> -> memref<1x128x64xf32, #tpu.memory_space<vmem>>
        %swap3A_684 = tpu.memref_squeeze %swap3A_683 : memref<1x128x64xf32, #tpu.memory_space<vmem>> -> memref<128x64xf32, #tpu.memory_space<vmem>>
        %swap3A_685 = arith.index_cast %add3A_552 : i32 to index
        %swap3A_686 = arith.constant 48 : index
        %swap3A_687 = tpu.vector_load %swap3A_684[%swap3A_685, %swap3A_686] {strides = array<i32>} : memref<128x64xf32, #tpu.memory_space<vmem>>, vector<1x16xf32>,
        %swap3A_688 = vector.shape_cast %swap3A_687 : vector<1x16xf32> to vector<16xf32>
        %swap3A_689 = vector.shape_cast %mul3A_680 : vector<16xf32> to vector<1x16xf32>
        tpu.vector_store %swap3A_684[%swap3A_685, %swap3A_686], %swap3A_689 {strides = array<i32>} : memref<128x64xf32, #tpu.memory_space<vmem>>, vector<1x16xf32>,
        %mul3A_690 = arith.constant 4 : i32
        %mul3A_691 = arith.muli %scan3A_276, %mul3A_690 : i32
        %add3A_692 = arith.constant 3 : i32
        %add3A_693 = arith.addi %mul3A_691, %add3A_692 : i32
        %get3A_694 = arith.constant 0 : i32
        %get3A_695 = arith.constant 0 : i32
        %get3A_696 = tpu.memref_slice %arg6[%scan3A_200, %get3A_694, %get3A_695] : memref<4x128x64xf32, #tpu.memory_space<vmem>> -> memref<1x128x64xf32, #tpu.memory_space<vmem>>
        %get3A_697 = tpu.memref_squeeze %get3A_696 : memref<1x128x64xf32, #tpu.memory_space<vmem>> -> memref<128x64xf32, #tpu.memory_space<vmem>>
        %get3A_698 = arith.index_cast %add3A_693 : i32 to index
        %get3A_699 = arith.constant 0 : index
        %get3A_700 = tpu.vector_load %get3A_697[%get3A_698, %get3A_699] {strides = array<i32>} : memref<128x64xf32, #tpu.memory_space<vmem>>, vector<1x16xf32>,
        %get3A_701 = vector.shape_cast %get3A_700 : vector<1x16xf32> to vector<16xf32>
        %get3A_702 = arith.constant 0 : i32
        %get3A_703 = arith.constant 0 : i32
        %get3A_704 = tpu.memref_slice %arg6[%scan3A_200, %get3A_702, %get3A_703] : memref<4x128x64xf32, #tpu.memory_space<vmem>> -> memref<1x128x64xf32, #tpu.memory_space<vmem>>
        %get3A_705 = tpu.memref_squeeze %get3A_704 : memref<1x128x64xf32, #tpu.memory_space<vmem>> -> memref<128x64xf32, #tpu.memory_space<vmem>>
        %get3A_706 = arith.index_cast %add3A_693 : i32 to index
        %get3A_707 = arith.constant 16 : index
        %get3A_708 = tpu.vector_load %get3A_705[%get3A_706, %get3A_707] {strides = array<i32>} : memref<128x64xf32, #tpu.memory_space<vmem>>, vector<1x16xf32>,
        %get3A_709 = vector.shape_cast %get3A_708 : vector<1x16xf32> to vector<16xf32>
        %get3A_710 = arith.constant 0 : i32
        %get3A_711 = arith.constant 0 : i32
        %get3A_712 = tpu.memref_slice %arg6[%scan3A_200, %get3A_710, %get3A_711] : memref<4x128x64xf32, #tpu.memory_space<vmem>> -> memref<1x128x64xf32, #tpu.memory_space<vmem>>
        %get3A_713 = tpu.memref_squeeze %get3A_712 : memref<1x128x64xf32, #tpu.memory_space<vmem>> -> memref<128x64xf32, #tpu.memory_space<vmem>>
        %get3A_714 = arith.index_cast %add3A_693 : i32 to index
        %get3A_715 = arith.constant 32 : index
        %get3A_716 = tpu.vector_load %get3A_713[%get3A_714, %get3A_715] {strides = array<i32>} : memref<128x64xf32, #tpu.memory_space<vmem>>, vector<1x16xf32>,
        %get3A_717 = vector.shape_cast %get3A_716 : vector<1x16xf32> to vector<16xf32>
        %get3A_718 = arith.constant 0 : i32
        %get3A_719 = arith.constant 0 : i32
        %get3A_720 = tpu.memref_slice %arg6[%scan3A_200, %get3A_718, %get3A_719] : memref<4x128x64xf32, #tpu.memory_space<vmem>> -> memref<1x128x64xf32, #tpu.memory_space<vmem>>
        %get3A_721 = tpu.memref_squeeze %get3A_720 : memref<1x128x64xf32, #tpu.memory_space<vmem>> -> memref<128x64xf32, #tpu.memory_space<vmem>>
        %get3A_722 = arith.index_cast %add3A_693 : i32 to index
        %get3A_723 = arith.constant 48 : index
        %get3A_724 = tpu.vector_load %get3A_721[%get3A_722, %get3A_723] {strides = array<i32>} : memref<128x64xf32, #tpu.memory_space<vmem>>, vector<1x16xf32>,
        %get3A_725 = vector.shape_cast %get3A_724 : vector<1x16xf32> to vector<16xf32>
        %mul3A_726 = arith.mulf %get3A_701, %get3A_701 : vector<16xf32>
        %mul3A_727 = arith.mulf %get3A_709, %get3A_709 : vector<16xf32>
        %add3A_728 = arith.addf %mul3A_726, %mul3A_727 : vector<16xf32>
        %mul3A_729 = arith.mulf %get3A_717, %get3A_717 : vector<16xf32>
        %add3A_730 = arith.addf %add3A_728, %mul3A_729 : vector<16xf32>
        %mul3A_731 = arith.mulf %get3A_725, %get3A_725 : vector<16xf32>
        %add3A_732 = arith.addf %add3A_730, %mul3A_731 : vector<16xf32>
        %iota3A_733 = tpu.iota {dimensions = array<i32: 0>} : vector<16xi32>
        %xor3A_734 = arith.constant 8 : i32
        %xor3A_735 = vector.broadcast %xor3A_734 : i32 to vector<16xi32>
        %xor3A_736 = arith.xori %iota3A_733, %xor3A_735 : vector<16xi32>
        %broadcast_in_dim3A_737 = vector.shape_cast %xor3A_736 : vector<16xi32> to vector<16x1xi32>
        %gather3A_738 = vector.shape_cast %broadcast_in_dim3A_737 : vector<16x1xi32> to vector<16xi32>
        %gather3A_739 = tpu.dynamic_gather %add3A_732[%gather3A_738] in [0] : vector<16xf32>, vector<16xi32> -> vector<16xf32>
        %add3A_740 = arith.addf %add3A_732, %gather3A_739 : vector<16xf32>
        %xor3A_741 = arith.constant 4 : i32
        %xor3A_742 = vector.broadcast %xor3A_741 : i32 to vector<16xi32>
        %xor3A_743 = arith.xori %iota3A_733, %xor3A_742 : vector<16xi32>
        %broadcast_in_dim3A_744 = vector.shape_cast %xor3A_743 : vector<16xi32> to vector<16x1xi32>
        %gather3A_745 = vector.shape_cast %broadcast_in_dim3A_744 : vector<16x1xi32> to vector<16xi32>
        %gather3A_746 = tpu.dynamic_gather %add3A_740[%gather3A_745] in [0] : vector<16xf32>, vector<16xi32> -> vector<16xf32>
        %add3A_747 = arith.addf %add3A_740, %gather3A_746 : vector<16xf32>
        %xor3A_748 = arith.constant 2 : i32
        %xor3A_749 = vector.broadcast %xor3A_748 : i32 to vector<16xi32>
        %xor3A_750 = arith.xori %iota3A_733, %xor3A_749 : vector<16xi32>
        %broadcast_in_dim3A_751 = vector.shape_cast %xor3A_750 : vector<16xi32> to vector<16x1xi32>
        %gather3A_752 = vector.shape_cast %broadcast_in_dim3A_751 : vector<16x1xi32> to vector<16xi32>
        %gather3A_753 = tpu.dynamic_gather %add3A_747[%gather3A_752] in [0] : vector<16xf32>, vector<16xi32> -> vector<16xf32>
        %add3A_754 = arith.addf %add3A_747, %gather3A_753 : vector<16xf32>
        %xor3A_755 = arith.constant 1 : i32
        %xor3A_756 = vector.broadcast %xor3A_755 : i32 to vector<16xi32>
        %xor3A_757 = arith.xori %iota3A_733, %xor3A_756 : vector<16xi32>
        %broadcast_in_dim3A_758 = vector.shape_cast %xor3A_757 : vector<16xi32> to vector<16x1xi32>
        %gather3A_759 = vector.shape_cast %broadcast_in_dim3A_758 : vector<16x1xi32> to vector<16xi32>
        %gather3A_760 = tpu.dynamic_gather %add3A_754[%gather3A_759] in [0] : vector<16xf32>, vector<16xi32> -> vector<16xf32>
        %add3A_761 = arith.addf %add3A_754, %gather3A_760 : vector<16xf32>
        %max3A_762 = arith.constant 1.000000e-24 : f32
        %max3A_763 = vector.broadcast %max3A_762 : f32 to vector<16xf32>
        %max3A_764 = arith.maximumf %add3A_761, %max3A_763 : vector<16xf32>
        %bitcast_convert_type3A_765 = tpu.bitcast %max3A_764 : vector<16xf32> -> vector<16xi32>
        %shift_right_logical3A_766 = arith.constant 1 : i32
        %shift_right_logical3A_767 = vector.broadcast %shift_right_logical3A_766 : i32 to vector<16xi32>
        %shift_right_logical3A_768 = arith.shrui %bitcast_convert_type3A_765, %shift_right_logical3A_767 : vector<16xi32>
        %sub3A_769 = arith.constant 1597463007 : i32
        %sub3A_770 = vector.broadcast %sub3A_769 : i32 to vector<16xi32>
        %sub3A_771 = arith.subi %sub3A_770, %shift_right_logical3A_768 : vector<16xi32>
        %bitcast_convert_type3A_772 = tpu.bitcast %sub3A_771 : vector<16xi32> -> vector<16xf32>
        %mul3A_773 = arith.constant 5.000000e-01 : f32
        %mul3A_774 = vector.broadcast %mul3A_773 : f32 to vector<16xf32>
        %mul3A_775 = arith.mulf %max3A_764, %mul3A_774 : vector<16xf32>
        %mul3A_776 = arith.mulf %mul3A_775, %bitcast_convert_type3A_772 : vector<16xf32>
        %mul3A_777 = arith.mulf %mul3A_776, %bitcast_convert_type3A_772 : vector<16xf32>
        %sub3A_778 = arith.constant 1.500000e+00 : f32
        %sub3A_779 = vector.broadcast %sub3A_778 : f32 to vector<16xf32>
        %sub3A_780 = arith.subf %sub3A_779, %mul3A_777 : vector<16xf32>
        %mul3A_781 = arith.mulf %bitcast_convert_type3A_772, %sub3A_780 : vector<16xf32>
        %mul3A_782 = arith.mulf %mul3A_775, %mul3A_781 : vector<16xf32>
        %mul3A_783 = arith.mulf %mul3A_782, %mul3A_781 : vector<16xf32>
        %sub3A_784 = arith.constant 1.500000e+00 : f32
        %sub3A_785 = vector.broadcast %sub3A_784 : f32 to vector<16xf32>
        %sub3A_786 = arith.subf %sub3A_785, %mul3A_783 : vector<16xf32>
        %mul3A_787 = arith.mulf %mul3A_781, %sub3A_786 : vector<16xf32>
        %mul3A_788 = arith.constant 8.000000e+00 : f32
        %mul3A_789 = vector.broadcast %mul3A_788 : f32 to vector<16xf32>
        %mul3A_790 = arith.mulf %mul3A_787, %mul3A_789 : vector<16xf32>
        %mul3A_791 = arith.mulf %get3A_701, %mul3A_790 : vector<16xf32>
        %swap3A_792 = arith.constant 0 : i32
        %swap3A_793 = arith.constant 0 : i32
        %swap3A_794 = tpu.memref_slice %arg6[%scan3A_200, %swap3A_792, %swap3A_793] : memref<4x128x64xf32, #tpu.memory_space<vmem>> -> memref<1x128x64xf32, #tpu.memory_space<vmem>>
        %swap3A_795 = tpu.memref_squeeze %swap3A_794 : memref<1x128x64xf32, #tpu.memory_space<vmem>> -> memref<128x64xf32, #tpu.memory_space<vmem>>
        %swap3A_796 = arith.index_cast %add3A_693 : i32 to index
        %swap3A_797 = arith.constant 0 : index
        %swap3A_798 = tpu.vector_load %swap3A_795[%swap3A_796, %swap3A_797] {strides = array<i32>} : memref<128x64xf32, #tpu.memory_space<vmem>>, vector<1x16xf32>,
        %swap3A_799 = vector.shape_cast %swap3A_798 : vector<1x16xf32> to vector<16xf32>
        %swap3A_800 = vector.shape_cast %mul3A_791 : vector<16xf32> to vector<1x16xf32>
        tpu.vector_store %swap3A_795[%swap3A_796, %swap3A_797], %swap3A_800 {strides = array<i32>} : memref<128x64xf32, #tpu.memory_space<vmem>>, vector<1x16xf32>,
        %mul3A_801 = arith.mulf %get3A_709, %mul3A_790 : vector<16xf32>
        %swap3A_802 = arith.constant 0 : i32
        %swap3A_803 = arith.constant 0 : i32
        %swap3A_804 = tpu.memref_slice %arg6[%scan3A_200, %swap3A_802, %swap3A_803] : memref<4x128x64xf32, #tpu.memory_space<vmem>> -> memref<1x128x64xf32, #tpu.memory_space<vmem>>
        %swap3A_805 = tpu.memref_squeeze %swap3A_804 : memref<1x128x64xf32, #tpu.memory_space<vmem>> -> memref<128x64xf32, #tpu.memory_space<vmem>>
        %swap3A_806 = arith.index_cast %add3A_693 : i32 to index
        %swap3A_807 = arith.constant 16 : index
        %swap3A_808 = tpu.vector_load %swap3A_805[%swap3A_806, %swap3A_807] {strides = array<i32>} : memref<128x64xf32, #tpu.memory_space<vmem>>, vector<1x16xf32>,
        %swap3A_809 = vector.shape_cast %swap3A_808 : vector<1x16xf32> to vector<16xf32>
        %swap3A_810 = vector.shape_cast %mul3A_801 : vector<16xf32> to vector<1x16xf32>
        tpu.vector_store %swap3A_805[%swap3A_806, %swap3A_807], %swap3A_810 {strides = array<i32>} : memref<128x64xf32, #tpu.memory_space<vmem>>, vector<1x16xf32>,
        %mul3A_811 = arith.mulf %get3A_717, %mul3A_790 : vector<16xf32>
        %swap3A_812 = arith.constant 0 : i32
        %swap3A_813 = arith.constant 0 : i32
        %swap3A_814 = tpu.memref_slice %arg6[%scan3A_200, %swap3A_812, %swap3A_813] : memref<4x128x64xf32, #tpu.memory_space<vmem>> -> memref<1x128x64xf32, #tpu.memory_space<vmem>>
        %swap3A_815 = tpu.memref_squeeze %swap3A_814 : memref<1x128x64xf32, #tpu.memory_space<vmem>> -> memref<128x64xf32, #tpu.memory_space<vmem>>
        %swap3A_816 = arith.index_cast %add3A_693 : i32 to index
        %swap3A_817 = arith.constant 32 : index
        %swap3A_818 = tpu.vector_load %swap3A_815[%swap3A_816, %swap3A_817] {strides = array<i32>} : memref<128x64xf32, #tpu.memory_space<vmem>>, vector<1x16xf32>,
        %swap3A_819 = vector.shape_cast %swap3A_818 : vector<1x16xf32> to vector<16xf32>
        %swap3A_820 = vector.shape_cast %mul3A_811 : vector<16xf32> to vector<1x16xf32>
        tpu.vector_store %swap3A_815[%swap3A_816, %swap3A_817], %swap3A_820 {strides = array<i32>} : memref<128x64xf32, #tpu.memory_space<vmem>>, vector<1x16xf32>,
        %mul3A_821 = arith.mulf %get3A_725, %mul3A_790 : vector<16xf32>
        %swap3A_822 = arith.constant 0 : i32
        %swap3A_823 = arith.constant 0 : i32
        %swap3A_824 = tpu.memref_slice %arg6[%scan3A_200, %swap3A_822, %swap3A_823] : memref<4x128x64xf32, #tpu.memory_space<vmem>> -> memref<1x128x64xf32, #tpu.memory_space<vmem>>
        %swap3A_825 = tpu.memref_squeeze %swap3A_824 : memref<1x128x64xf32, #tpu.memory_space<vmem>> -> memref<128x64xf32, #tpu.memory_space<vmem>>
        %swap3A_826 = arith.index_cast %add3A_693 : i32 to index
        %swap3A_827 = arith.constant 48 : index
        %swap3A_828 = tpu.vector_load %swap3A_825[%swap3A_826, %swap3A_827] {strides = array<i32>} : memref<128x64xf32, #tpu.memory_space<vmem>>, vector<1x16xf32>,
        %swap3A_829 = vector.shape_cast %swap3A_828 : vector<1x16xf32> to vector<16xf32>
        %swap3A_830 = vector.shape_cast %mul3A_821 : vector<16xf32> to vector<1x16xf32>
        tpu.vector_store %swap3A_825[%swap3A_826, %swap3A_827], %swap3A_830 {strides = array<i32>} : memref<128x64xf32, #tpu.memory_space<vmem>>, vector<1x16xf32>,
      }
      %scan3A_205 = arith.constant 32 : i32
      %mul3A_206 = arith.constant 128 : i32
      %mul3A_207 = arith.muli %add3A_177, %mul3A_206 : i32
      %add3A_208 = arith.addi %mul3A_2, %mul3A_207 : i32
      %dma_start3A_209 = arith.constant 2 : i32
      %dma_start3A_210 = arith.constant 2 : i32
      %dma_start3A_211 = arith.constant 0 : i32
      %dma_start3A_212 = arith.constant 0 : i32
      %dma_start3A_213 = tpu.memref_slice %arg6[%dma_start3A_209, %dma_start3A_211, %dma_start3A_212] : memref<4x128x64xf32, #tpu.memory_space<vmem>> -> memref<1x128x64xf32, #tpu.memory_space<vmem>>
      %dma_start3A_214 = tpu.memref_squeeze %dma_start3A_213 : memref<1x128x64xf32, #tpu.memory_space<vmem>> -> memref<128x64xf32, #tpu.memory_space<vmem>>
      %dma_start3A_215 = arith.constant 0 : i32
      %dma_start3A_216 = tpu.memref_slice %arg4[%add3A_208, %dma_start3A_215] : memref<819200x64xf32, #tpu.memory_space<hbm>> -> memref<128x64xf32, #tpu.memory_space<hbm>>
      %dma_start3A_217 = tpu.memref_slice %arg8[%dma_start3A_210] : memref<4x!tpu.dma_semaphore, #tpu.memory_space<semaphore_mem>> -> memref<1x!tpu.dma_semaphore, #tpu.memory_space<semaphore_mem>>
      %dma_start3A_218 = tpu.memref_squeeze %dma_start3A_217 : memref<1x!tpu.dma_semaphore, #tpu.memory_space<semaphore_mem>> -> memref<!tpu.dma_semaphore, #tpu.memory_space<semaphore_mem>>
      %dma_start3A_219 = arith.constant 0 : i32
      %dma_start3A_220 = tpu.memref_slice %arg4[%add3A_208, %dma_start3A_219] : memref<819200x64xf32, #tpu.memory_space<hbm>> -> memref<128x64xf32, #tpu.memory_space<hbm>>
      %dma_start3A_221 = arith.constant 0 : i32
      %dma_start3A_222 = arith.constant 0 : i32
      %dma_start3A_223 = tpu.memref_slice %arg6[%dma_start3A_209, %dma_start3A_221, %dma_start3A_222] : memref<4x128x64xf32, #tpu.memory_space<vmem>> -> memref<1x128x64xf32, #tpu.memory_space<vmem>>
      %dma_start3A_224 = tpu.memref_squeeze %dma_start3A_223 : memref<1x128x64xf32, #tpu.memory_space<vmem>> -> memref<128x64xf32, #tpu.memory_space<vmem>>
      tpu.enqueue_dma source(%dma_start3A_224 : memref<128x64xf32, #tpu.memory_space<vmem>>) target(%dma_start3A_220 : memref<128x64xf32, #tpu.memory_space<hbm>>) target_semaphore(%dma_start3A_218 : memref<!tpu.dma_semaphore, #tpu.memory_space<semaphore_mem>>)
      %mul3A_225 = arith.constant 4 : i32
      %mul3A_226 = arith.muli %scan3A_74, %mul3A_225 : i32
      %add3A_227 = arith.constant 3 : i32
      %add3A_228 = arith.addi %mul3A_226, %add3A_227 : i32
      %add3A_229 = arith.constant 2 : i32
      %add3A_230 = arith.addi %add3A_228, %add3A_229 : i32
      %lt3A_231 = arith.constant 200 : i32
      %lt3A_232 = arith.cmpi slt, %add3A_230, %lt3A_231 : i32
      %convert_element_type3A_233 = arith.extui %lt3A_232 : i1 to i32
      %cond3A_234 = arith.constant 0 : i32
      %cond3A_235 = arith.cmpi ne, %convert_element_type3A_233, %cond3A_234 : i32
      scf.if %cond3A_235 {
        %ge3A = arith.constant 2 : i32
        %ge3A_276 = arith.cmpi sge, %add3A_228, %ge3A : i32
        %convert_element_type3A_277 = arith.extui %ge3A_276 : i1 to i32
        %cond3A_278 = arith.constant 0 : i32
        %cond3A_279 = arith.cmpi ne, %convert_element_type3A_277, %cond3A_278 : i32
        scf.if %cond3A_279 {
          %sub3A = arith.constant 2 : i32
          %sub3A_296 = arith.subi %add3A_228, %sub3A : i32
          %mul3A_297 = arith.constant 128 : i32
          %mul3A_298 = arith.muli %sub3A_296, %mul3A_297 : i32
          %add3A_299 = arith.addi %mul3A_2, %mul3A_298 : i32
          %dma_wait3A_300 = arith.constant 1 : i32
          %dma_wait3A_301 = arith.constant 1 : i32
          %dma_wait3A_302 = arith.constant 0 : i32
          %dma_wait3A_303 = arith.constant 0 : i32
          %dma_wait3A_304 = tpu.memref_slice %arg6[%dma_wait3A_300, %dma_wait3A_302, %dma_wait3A_303] : memref<4x128x64xf32, #tpu.memory_space<vmem>> -> memref<1x128x64xf32, #tpu.memory_space<vmem>>
          %dma_wait3A_305 = tpu.memref_squeeze %dma_wait3A_304 : memref<1x128x64xf32, #tpu.memory_space<vmem>> -> memref<128x64xf32, #tpu.memory_space<vmem>>
          %dma_wait3A_306 = arith.constant 0 : i32
          %dma_wait3A_307 = tpu.memref_slice %arg4[%add3A_299, %dma_wait3A_306] : memref<819200x64xf32, #tpu.memory_space<hbm>> -> memref<128x64xf32, #tpu.memory_space<hbm>>
          %dma_wait3A_308 = tpu.memref_slice %arg8[%dma_wait3A_301] : memref<4x!tpu.dma_semaphore, #tpu.memory_space<semaphore_mem>> -> memref<1x!tpu.dma_semaphore, #tpu.memory_space<semaphore_mem>>
          %dma_wait3A_309 = tpu.memref_squeeze %dma_wait3A_308 : memref<1x!tpu.dma_semaphore, #tpu.memory_space<semaphore_mem>> -> memref<!tpu.dma_semaphore, #tpu.memory_space<semaphore_mem>>
          %dma_wait3A_310 = arith.constant 0 : i32
          %dma_wait3A_311 = tpu.memref_slice %arg4[%add3A_299, %dma_wait3A_310] : memref<819200x64xf32, #tpu.memory_space<hbm>> -> memref<128x64xf32, #tpu.memory_space<hbm>>
          %dma_wait3A_312 = arith.constant 0 : i32
          %dma_wait3A_313 = arith.constant 0 : i32
          %dma_wait3A_314 = tpu.memref_slice %arg6[%dma_wait3A_300, %dma_wait3A_312, %dma_wait3A_313] : memref<4x128x64xf32, #tpu.memory_space<vmem>> -> memref<1x128x64xf32, #tpu.memory_space<vmem>>
          %dma_wait3A_315 = tpu.memref_squeeze %dma_wait3A_314 : memref<1x128x64xf32, #tpu.memory_space<vmem>> -> memref<128x64xf32, #tpu.memory_space<vmem>>
          tpu.wait_dma2 semaphore(%dma_wait3A_309 : memref<!tpu.dma_semaphore, #tpu.memory_space<semaphore_mem>>) src(%dma_wait3A_315 : memref<128x64xf32, #tpu.memory_space<vmem>>) dst(%dma_wait3A_311 : memref<128x64xf32, #tpu.memory_space<hbm>>)
        } else {
        }
        %add3A_280 = arith.constant 2 : i32
        %add3A_281 = arith.addi %add3A_228, %add3A_280 : i32
        %mul3A_282 = arith.constant 128 : i32
        %mul3A_283 = arith.muli %add3A_281, %mul3A_282 : i32
        %dma_start3A_284 = arith.constant 1 : i32
        %dma_start3A_285 = arith.constant 1 : i32
        %dma_start3A_286 = arith.constant 0 : i32
        %dma_start3A_287 = arith.constant 0 : i32
        %dma_start3A_288 = tpu.memref_slice %arg6[%dma_start3A_284, %dma_start3A_286, %dma_start3A_287] : memref<4x128x64xf32, #tpu.memory_space<vmem>> -> memref<1x128x64xf32, #tpu.memory_space<vmem>>
        %dma_start3A_289 = tpu.memref_squeeze %dma_start3A_288 : memref<1x128x64xf32, #tpu.memory_space<vmem>> -> memref<128x64xf32, #tpu.memory_space<vmem>>
        %dma_start3A_290 = tpu.memref_slice %arg5[%mul3A_283] : memref<25600xi32, #tpu.memory_space<vmem>> -> memref<128xi32, #tpu.memory_space<vmem>>
        %dma_start3A_291 = arith.constant 0 : i32
        %dma_start3A_292 = arith.constant 0 : i32
        %dma_start3A_293 = tpu.memref_slice %arg3[%dma_start3A_291, %dma_start3A_292] : memref<1000448x64xf32, #tpu.memory_space<hbm>> -> memref<1000448x64xf32, #tpu.memory_space<hbm>>
        %dma_start3A_294 = tpu.memref_slice %arg7[%dma_start3A_285] : memref<4x!tpu.dma_semaphore, #tpu.memory_space<semaphore_mem>> -> memref<1x!tpu.dma_semaphore, #tpu.memory_space<semaphore_mem>>
        %dma_start3A_295 = tpu.memref_squeeze %dma_start3A_294 : memref<1x!tpu.dma_semaphore, #tpu.memory_space<semaphore_mem>> -> memref<!tpu.dma_semaphore, #tpu.memory_space<semaphore_mem>>
        tpu.enqueue_indirect_dma source(%dma_start3A_293 : memref<1000448x64xf32, #tpu.memory_space<hbm>>) target(%dma_start3A_289 : memref<128x64xf32, #tpu.memory_space<vmem>>) offsets(%dma_start3A_290 : memref<128xi32, #tpu.memory_space<vmem>>) semaphore(%dma_start3A_295 : memref<!tpu.dma_semaphore, #tpu.memory_space<semaphore_mem>>)
      } else {
      }
      %mul3A_236 = arith.constant 128 : i32
      %mul3A_237 = arith.muli %add3A_228, %mul3A_236 : i32
      %dma_wait3A_238 = arith.constant 3 : i32
      %dma_wait3A_239 = arith.constant 3 : i32
      %dma_wait3A_240 = arith.constant 0 : i32
      %dma_wait3A_241 = arith.constant 0 : i32
      %dma_wait3A_242 = tpu.memref_slice %arg6[%dma_wait3A_238, %dma_wait3A_240, %dma_wait3A_241] : memref<4x128x64xf32, #tpu.memory_space<vmem>> -> memref<1x128x64xf32, #tpu.memory_space<vmem>>
      %dma_wait3A_243 = tpu.memref_squeeze %dma_wait3A_242 : memref<1x128x64xf32, #tpu.memory_space<vmem>> -> memref<128x64xf32, #tpu.memory_space<vmem>>
      %dma_wait3A_244 = tpu.memref_slice %arg5[%mul3A_237] : memref<25600xi32, #tpu.memory_space<vmem>> -> memref<128xi32, #tpu.memory_space<vmem>>
      %dma_wait3A_245 = arith.constant 0 : i32
      %dma_wait3A_246 = arith.constant 0 : i32
      %dma_wait3A_247 = tpu.memref_slice %arg3[%dma_wait3A_245, %dma_wait3A_246] : memref<1000448x64xf32, #tpu.memory_space<hbm>> -> memref<1000448x64xf32, #tpu.memory_space<hbm>>
      %dma_wait3A_248 = tpu.memref_slice %arg7[%dma_wait3A_239] : memref<4x!tpu.dma_semaphore, #tpu.memory_space<semaphore_mem>> -> memref<1x!tpu.dma_semaphore, #tpu.memory_space<semaphore_mem>>
      %dma_wait3A_249 = tpu.memref_squeeze %dma_wait3A_248 : memref<1x!tpu.dma_semaphore, #tpu.memory_space<semaphore_mem>> -> memref<!tpu.dma_semaphore, #tpu.memory_space<semaphore_mem>>
      tpu.wait_indirect_dma semaphore(%dma_wait3A_249 : memref<!tpu.dma_semaphore, #tpu.memory_space<semaphore_mem>>) src(%dma_wait3A_247 : memref<1000448x64xf32, #tpu.memory_space<hbm>>) dst(%dma_wait3A_243 : memref<128x64xf32, #tpu.memory_space<vmem>>)
      %scan3A_250 = arith.constant 0 : i32
      %scan3A_251 = arith.constant 3 : i32
      %scan3A_252 = arith.constant 0 : i32
      %scan3A_253 = arith.constant 32 : i32
      %scan3A_254 = arith.addi %scan3A_252, %scan3A_253 : i32
      %scan3A_255 = arith.constant 1 : i32
      scf.for %scan3A_276 = %scan3A_252 to %scan3A_254 step %scan3A_255  : i32 {
        %mul3A_277 = arith.constant 4 : i32
        %mul3A_278 = arith.muli %scan3A_276, %mul3A_277 : i32
        %add3A_279 = arith.constant 0 : i32
        %add3A_280 = arith.addi %mul3A_278, %add3A_279 : i32
        %get3A = arith.constant 0 : i32
        %get3A_281 = arith.constant 0 : i32
        %get3A_282 = tpu.memref_slice %arg6[%scan3A_251, %get3A, %get3A_281] : memref<4x128x64xf32, #tpu.memory_space<vmem>> -> memref<1x128x64xf32, #tpu.memory_space<vmem>>
        %get3A_283 = tpu.memref_squeeze %get3A_282 : memref<1x128x64xf32, #tpu.memory_space<vmem>> -> memref<128x64xf32, #tpu.memory_space<vmem>>
        %get3A_284 = arith.index_cast %add3A_280 : i32 to index
        %get3A_285 = arith.constant 0 : index
        %get3A_286 = tpu.vector_load %get3A_283[%get3A_284, %get3A_285] {strides = array<i32>} : memref<128x64xf32, #tpu.memory_space<vmem>>, vector<1x16xf32>,
        %get3A_287 = vector.shape_cast %get3A_286 : vector<1x16xf32> to vector<16xf32>
        %get3A_288 = arith.constant 0 : i32
        %get3A_289 = arith.constant 0 : i32
        %get3A_290 = tpu.memref_slice %arg6[%scan3A_251, %get3A_288, %get3A_289] : memref<4x128x64xf32, #tpu.memory_space<vmem>> -> memref<1x128x64xf32, #tpu.memory_space<vmem>>
        %get3A_291 = tpu.memref_squeeze %get3A_290 : memref<1x128x64xf32, #tpu.memory_space<vmem>> -> memref<128x64xf32, #tpu.memory_space<vmem>>
        %get3A_292 = arith.index_cast %add3A_280 : i32 to index
        %get3A_293 = arith.constant 16 : index
        %get3A_294 = tpu.vector_load %get3A_291[%get3A_292, %get3A_293] {strides = array<i32>} : memref<128x64xf32, #tpu.memory_space<vmem>>, vector<1x16xf32>,
        %get3A_295 = vector.shape_cast %get3A_294 : vector<1x16xf32> to vector<16xf32>
        %get3A_296 = arith.constant 0 : i32
        %get3A_297 = arith.constant 0 : i32
        %get3A_298 = tpu.memref_slice %arg6[%scan3A_251, %get3A_296, %get3A_297] : memref<4x128x64xf32, #tpu.memory_space<vmem>> -> memref<1x128x64xf32, #tpu.memory_space<vmem>>
        %get3A_299 = tpu.memref_squeeze %get3A_298 : memref<1x128x64xf32, #tpu.memory_space<vmem>> -> memref<128x64xf32, #tpu.memory_space<vmem>>
        %get3A_300 = arith.index_cast %add3A_280 : i32 to index
        %get3A_301 = arith.constant 32 : index
        %get3A_302 = tpu.vector_load %get3A_299[%get3A_300, %get3A_301] {strides = array<i32>} : memref<128x64xf32, #tpu.memory_space<vmem>>, vector<1x16xf32>,
        %get3A_303 = vector.shape_cast %get3A_302 : vector<1x16xf32> to vector<16xf32>
        %get3A_304 = arith.constant 0 : i32
        %get3A_305 = arith.constant 0 : i32
        %get3A_306 = tpu.memref_slice %arg6[%scan3A_251, %get3A_304, %get3A_305] : memref<4x128x64xf32, #tpu.memory_space<vmem>> -> memref<1x128x64xf32, #tpu.memory_space<vmem>>
        %get3A_307 = tpu.memref_squeeze %get3A_306 : memref<1x128x64xf32, #tpu.memory_space<vmem>> -> memref<128x64xf32, #tpu.memory_space<vmem>>
        %get3A_308 = arith.index_cast %add3A_280 : i32 to index
        %get3A_309 = arith.constant 48 : index
        %get3A_310 = tpu.vector_load %get3A_307[%get3A_308, %get3A_309] {strides = array<i32>} : memref<128x64xf32, #tpu.memory_space<vmem>>, vector<1x16xf32>,
        %get3A_311 = vector.shape_cast %get3A_310 : vector<1x16xf32> to vector<16xf32>
        %mul3A_312 = arith.mulf %get3A_287, %get3A_287 : vector<16xf32>
        %mul3A_313 = arith.mulf %get3A_295, %get3A_295 : vector<16xf32>
        %add3A_314 = arith.addf %mul3A_312, %mul3A_313 : vector<16xf32>
        %mul3A_315 = arith.mulf %get3A_303, %get3A_303 : vector<16xf32>
        %add3A_316 = arith.addf %add3A_314, %mul3A_315 : vector<16xf32>
        %mul3A_317 = arith.mulf %get3A_311, %get3A_311 : vector<16xf32>
        %add3A_318 = arith.addf %add3A_316, %mul3A_317 : vector<16xf32>
        %iota3A = tpu.iota {dimensions = array<i32: 0>} : vector<16xi32>
        %xor3A = arith.constant 8 : i32
        %xor3A_319 = vector.broadcast %xor3A : i32 to vector<16xi32>
        %xor3A_320 = arith.xori %iota3A, %xor3A_319 : vector<16xi32>
        %broadcast_in_dim3A = vector.shape_cast %xor3A_320 : vector<16xi32> to vector<16x1xi32>
        %gather3A = vector.shape_cast %broadcast_in_dim3A : vector<16x1xi32> to vector<16xi32>
        %gather3A_321 = tpu.dynamic_gather %add3A_318[%gather3A] in [0] : vector<16xf32>, vector<16xi32> -> vector<16xf32>
        %add3A_322 = arith.addf %add3A_318, %gather3A_321 : vector<16xf32>
        %xor3A_323 = arith.constant 4 : i32
        %xor3A_324 = vector.broadcast %xor3A_323 : i32 to vector<16xi32>
        %xor3A_325 = arith.xori %iota3A, %xor3A_324 : vector<16xi32>
        %broadcast_in_dim3A_326 = vector.shape_cast %xor3A_325 : vector<16xi32> to vector<16x1xi32>
        %gather3A_327 = vector.shape_cast %broadcast_in_dim3A_326 : vector<16x1xi32> to vector<16xi32>
        %gather3A_328 = tpu.dynamic_gather %add3A_322[%gather3A_327] in [0] : vector<16xf32>, vector<16xi32> -> vector<16xf32>
        %add3A_329 = arith.addf %add3A_322, %gather3A_328 : vector<16xf32>
        %xor3A_330 = arith.constant 2 : i32
        %xor3A_331 = vector.broadcast %xor3A_330 : i32 to vector<16xi32>
        %xor3A_332 = arith.xori %iota3A, %xor3A_331 : vector<16xi32>
        %broadcast_in_dim3A_333 = vector.shape_cast %xor3A_332 : vector<16xi32> to vector<16x1xi32>
        %gather3A_334 = vector.shape_cast %broadcast_in_dim3A_333 : vector<16x1xi32> to vector<16xi32>
        %gather3A_335 = tpu.dynamic_gather %add3A_329[%gather3A_334] in [0] : vector<16xf32>, vector<16xi32> -> vector<16xf32>
        %add3A_336 = arith.addf %add3A_329, %gather3A_335 : vector<16xf32>
        %xor3A_337 = arith.constant 1 : i32
        %xor3A_338 = vector.broadcast %xor3A_337 : i32 to vector<16xi32>
        %xor3A_339 = arith.xori %iota3A, %xor3A_338 : vector<16xi32>
        %broadcast_in_dim3A_340 = vector.shape_cast %xor3A_339 : vector<16xi32> to vector<16x1xi32>
        %gather3A_341 = vector.shape_cast %broadcast_in_dim3A_340 : vector<16x1xi32> to vector<16xi32>
        %gather3A_342 = tpu.dynamic_gather %add3A_336[%gather3A_341] in [0] : vector<16xf32>, vector<16xi32> -> vector<16xf32>
        %add3A_343 = arith.addf %add3A_336, %gather3A_342 : vector<16xf32>
        %max3A = arith.constant 1.000000e-24 : f32
        %max3A_344 = vector.broadcast %max3A : f32 to vector<16xf32>
        %max3A_345 = arith.maximumf %add3A_343, %max3A_344 : vector<16xf32>
        %bitcast_convert_type3A = tpu.bitcast %max3A_345 : vector<16xf32> -> vector<16xi32>
        %shift_right_logical3A = arith.constant 1 : i32
        %shift_right_logical3A_346 = vector.broadcast %shift_right_logical3A : i32 to vector<16xi32>
        %shift_right_logical3A_347 = arith.shrui %bitcast_convert_type3A, %shift_right_logical3A_346 : vector<16xi32>
        %sub3A = arith.constant 1597463007 : i32
        %sub3A_348 = vector.broadcast %sub3A : i32 to vector<16xi32>
        %sub3A_349 = arith.subi %sub3A_348, %shift_right_logical3A_347 : vector<16xi32>
        %bitcast_convert_type3A_350 = tpu.bitcast %sub3A_349 : vector<16xi32> -> vector<16xf32>
        %mul3A_351 = arith.constant 5.000000e-01 : f32
        %mul3A_352 = vector.broadcast %mul3A_351 : f32 to vector<16xf32>
        %mul3A_353 = arith.mulf %max3A_345, %mul3A_352 : vector<16xf32>
        %mul3A_354 = arith.mulf %mul3A_353, %bitcast_convert_type3A_350 : vector<16xf32>
        %mul3A_355 = arith.mulf %mul3A_354, %bitcast_convert_type3A_350 : vector<16xf32>
        %sub3A_356 = arith.constant 1.500000e+00 : f32
        %sub3A_357 = vector.broadcast %sub3A_356 : f32 to vector<16xf32>
        %sub3A_358 = arith.subf %sub3A_357, %mul3A_355 : vector<16xf32>
        %mul3A_359 = arith.mulf %bitcast_convert_type3A_350, %sub3A_358 : vector<16xf32>
        %mul3A_360 = arith.mulf %mul3A_353, %mul3A_359 : vector<16xf32>
        %mul3A_361 = arith.mulf %mul3A_360, %mul3A_359 : vector<16xf32>
        %sub3A_362 = arith.constant 1.500000e+00 : f32
        %sub3A_363 = vector.broadcast %sub3A_362 : f32 to vector<16xf32>
        %sub3A_364 = arith.subf %sub3A_363, %mul3A_361 : vector<16xf32>
        %mul3A_365 = arith.mulf %mul3A_359, %sub3A_364 : vector<16xf32>
        %mul3A_366 = arith.constant 8.000000e+00 : f32
        %mul3A_367 = vector.broadcast %mul3A_366 : f32 to vector<16xf32>
        %mul3A_368 = arith.mulf %mul3A_365, %mul3A_367 : vector<16xf32>
        %mul3A_369 = arith.mulf %get3A_287, %mul3A_368 : vector<16xf32>
        %swap3A = arith.constant 0 : i32
        %swap3A_370 = arith.constant 0 : i32
        %swap3A_371 = tpu.memref_slice %arg6[%scan3A_251, %swap3A, %swap3A_370] : memref<4x128x64xf32, #tpu.memory_space<vmem>> -> memref<1x128x64xf32, #tpu.memory_space<vmem>>
        %swap3A_372 = tpu.memref_squeeze %swap3A_371 : memref<1x128x64xf32, #tpu.memory_space<vmem>> -> memref<128x64xf32, #tpu.memory_space<vmem>>
        %swap3A_373 = arith.index_cast %add3A_280 : i32 to index
        %swap3A_374 = arith.constant 0 : index
        %swap3A_375 = tpu.vector_load %swap3A_372[%swap3A_373, %swap3A_374] {strides = array<i32>} : memref<128x64xf32, #tpu.memory_space<vmem>>, vector<1x16xf32>,
        %swap3A_376 = vector.shape_cast %swap3A_375 : vector<1x16xf32> to vector<16xf32>
        %swap3A_377 = vector.shape_cast %mul3A_369 : vector<16xf32> to vector<1x16xf32>
        tpu.vector_store %swap3A_372[%swap3A_373, %swap3A_374], %swap3A_377 {strides = array<i32>} : memref<128x64xf32, #tpu.memory_space<vmem>>, vector<1x16xf32>,
        %mul3A_378 = arith.mulf %get3A_295, %mul3A_368 : vector<16xf32>
        %swap3A_379 = arith.constant 0 : i32
        %swap3A_380 = arith.constant 0 : i32
        %swap3A_381 = tpu.memref_slice %arg6[%scan3A_251, %swap3A_379, %swap3A_380] : memref<4x128x64xf32, #tpu.memory_space<vmem>> -> memref<1x128x64xf32, #tpu.memory_space<vmem>>
        %swap3A_382 = tpu.memref_squeeze %swap3A_381 : memref<1x128x64xf32, #tpu.memory_space<vmem>> -> memref<128x64xf32, #tpu.memory_space<vmem>>
        %swap3A_383 = arith.index_cast %add3A_280 : i32 to index
        %swap3A_384 = arith.constant 16 : index
        %swap3A_385 = tpu.vector_load %swap3A_382[%swap3A_383, %swap3A_384] {strides = array<i32>} : memref<128x64xf32, #tpu.memory_space<vmem>>, vector<1x16xf32>,
        %swap3A_386 = vector.shape_cast %swap3A_385 : vector<1x16xf32> to vector<16xf32>
        %swap3A_387 = vector.shape_cast %mul3A_378 : vector<16xf32> to vector<1x16xf32>
        tpu.vector_store %swap3A_382[%swap3A_383, %swap3A_384], %swap3A_387 {strides = array<i32>} : memref<128x64xf32, #tpu.memory_space<vmem>>, vector<1x16xf32>,
        %mul3A_388 = arith.mulf %get3A_303, %mul3A_368 : vector<16xf32>
        %swap3A_389 = arith.constant 0 : i32
        %swap3A_390 = arith.constant 0 : i32
        %swap3A_391 = tpu.memref_slice %arg6[%scan3A_251, %swap3A_389, %swap3A_390] : memref<4x128x64xf32, #tpu.memory_space<vmem>> -> memref<1x128x64xf32, #tpu.memory_space<vmem>>
        %swap3A_392 = tpu.memref_squeeze %swap3A_391 : memref<1x128x64xf32, #tpu.memory_space<vmem>> -> memref<128x64xf32, #tpu.memory_space<vmem>>
        %swap3A_393 = arith.index_cast %add3A_280 : i32 to index
        %swap3A_394 = arith.constant 32 : index
        %swap3A_395 = tpu.vector_load %swap3A_392[%swap3A_393, %swap3A_394] {strides = array<i32>} : memref<128x64xf32, #tpu.memory_space<vmem>>, vector<1x16xf32>,
        %swap3A_396 = vector.shape_cast %swap3A_395 : vector<1x16xf32> to vector<16xf32>
        %swap3A_397 = vector.shape_cast %mul3A_388 : vector<16xf32> to vector<1x16xf32>
        tpu.vector_store %swap3A_392[%swap3A_393, %swap3A_394], %swap3A_397 {strides = array<i32>} : memref<128x64xf32, #tpu.memory_space<vmem>>, vector<1x16xf32>,
        %mul3A_398 = arith.mulf %get3A_311, %mul3A_368 : vector<16xf32>
        %swap3A_399 = arith.constant 0 : i32
        %swap3A_400 = arith.constant 0 : i32
        %swap3A_401 = tpu.memref_slice %arg6[%scan3A_251, %swap3A_399, %swap3A_400] : memref<4x128x64xf32, #tpu.memory_space<vmem>> -> memref<1x128x64xf32, #tpu.memory_space<vmem>>
        %swap3A_402 = tpu.memref_squeeze %swap3A_401 : memref<1x128x64xf32, #tpu.memory_space<vmem>> -> memref<128x64xf32, #tpu.memory_space<vmem>>
        %swap3A_403 = arith.index_cast %add3A_280 : i32 to index
        %swap3A_404 = arith.constant 48 : index
        %swap3A_405 = tpu.vector_load %swap3A_402[%swap3A_403, %swap3A_404] {strides = array<i32>} : memref<128x64xf32, #tpu.memory_space<vmem>>, vector<1x16xf32>,
        %swap3A_406 = vector.shape_cast %swap3A_405 : vector<1x16xf32> to vector<16xf32>
        %swap3A_407 = vector.shape_cast %mul3A_398 : vector<16xf32> to vector<1x16xf32>
        tpu.vector_store %swap3A_402[%swap3A_403, %swap3A_404], %swap3A_407 {strides = array<i32>} : memref<128x64xf32, #tpu.memory_space<vmem>>, vector<1x16xf32>,
        %mul3A_408 = arith.constant 4 : i32
        %mul3A_409 = arith.muli %scan3A_276, %mul3A_408 : i32
        %add3A_410 = arith.constant 1 : i32
        %add3A_411 = arith.addi %mul3A_409, %add3A_410 : i32
        %get3A_412 = arith.constant 0 : i32
        %get3A_413 = arith.constant 0 : i32
        %get3A_414 = tpu.memref_slice %arg6[%scan3A_251, %get3A_412, %get3A_413] : memref<4x128x64xf32, #tpu.memory_space<vmem>> -> memref<1x128x64xf32, #tpu.memory_space<vmem>>
        %get3A_415 = tpu.memref_squeeze %get3A_414 : memref<1x128x64xf32, #tpu.memory_space<vmem>> -> memref<128x64xf32, #tpu.memory_space<vmem>>
        %get3A_416 = arith.index_cast %add3A_411 : i32 to index
        %get3A_417 = arith.constant 0 : index
        %get3A_418 = tpu.vector_load %get3A_415[%get3A_416, %get3A_417] {strides = array<i32>} : memref<128x64xf32, #tpu.memory_space<vmem>>, vector<1x16xf32>,
        %get3A_419 = vector.shape_cast %get3A_418 : vector<1x16xf32> to vector<16xf32>
        %get3A_420 = arith.constant 0 : i32
        %get3A_421 = arith.constant 0 : i32
        %get3A_422 = tpu.memref_slice %arg6[%scan3A_251, %get3A_420, %get3A_421] : memref<4x128x64xf32, #tpu.memory_space<vmem>> -> memref<1x128x64xf32, #tpu.memory_space<vmem>>
        %get3A_423 = tpu.memref_squeeze %get3A_422 : memref<1x128x64xf32, #tpu.memory_space<vmem>> -> memref<128x64xf32, #tpu.memory_space<vmem>>
        %get3A_424 = arith.index_cast %add3A_411 : i32 to index
        %get3A_425 = arith.constant 16 : index
        %get3A_426 = tpu.vector_load %get3A_423[%get3A_424, %get3A_425] {strides = array<i32>} : memref<128x64xf32, #tpu.memory_space<vmem>>, vector<1x16xf32>,
        %get3A_427 = vector.shape_cast %get3A_426 : vector<1x16xf32> to vector<16xf32>
        %get3A_428 = arith.constant 0 : i32
        %get3A_429 = arith.constant 0 : i32
        %get3A_430 = tpu.memref_slice %arg6[%scan3A_251, %get3A_428, %get3A_429] : memref<4x128x64xf32, #tpu.memory_space<vmem>> -> memref<1x128x64xf32, #tpu.memory_space<vmem>>
        %get3A_431 = tpu.memref_squeeze %get3A_430 : memref<1x128x64xf32, #tpu.memory_space<vmem>> -> memref<128x64xf32, #tpu.memory_space<vmem>>
        %get3A_432 = arith.index_cast %add3A_411 : i32 to index
        %get3A_433 = arith.constant 32 : index
        %get3A_434 = tpu.vector_load %get3A_431[%get3A_432, %get3A_433] {strides = array<i32>} : memref<128x64xf32, #tpu.memory_space<vmem>>, vector<1x16xf32>,
        %get3A_435 = vector.shape_cast %get3A_434 : vector<1x16xf32> to vector<16xf32>
        %get3A_436 = arith.constant 0 : i32
        %get3A_437 = arith.constant 0 : i32
        %get3A_438 = tpu.memref_slice %arg6[%scan3A_251, %get3A_436, %get3A_437] : memref<4x128x64xf32, #tpu.memory_space<vmem>> -> memref<1x128x64xf32, #tpu.memory_space<vmem>>
        %get3A_439 = tpu.memref_squeeze %get3A_438 : memref<1x128x64xf32, #tpu.memory_space<vmem>> -> memref<128x64xf32, #tpu.memory_space<vmem>>
        %get3A_440 = arith.index_cast %add3A_411 : i32 to index
        %get3A_441 = arith.constant 48 : index
        %get3A_442 = tpu.vector_load %get3A_439[%get3A_440, %get3A_441] {strides = array<i32>} : memref<128x64xf32, #tpu.memory_space<vmem>>, vector<1x16xf32>,
        %get3A_443 = vector.shape_cast %get3A_442 : vector<1x16xf32> to vector<16xf32>
        %mul3A_444 = arith.mulf %get3A_419, %get3A_419 : vector<16xf32>
        %mul3A_445 = arith.mulf %get3A_427, %get3A_427 : vector<16xf32>
        %add3A_446 = arith.addf %mul3A_444, %mul3A_445 : vector<16xf32>
        %mul3A_447 = arith.mulf %get3A_435, %get3A_435 : vector<16xf32>
        %add3A_448 = arith.addf %add3A_446, %mul3A_447 : vector<16xf32>
        %mul3A_449 = arith.mulf %get3A_443, %get3A_443 : vector<16xf32>
        %add3A_450 = arith.addf %add3A_448, %mul3A_449 : vector<16xf32>
        %iota3A_451 = tpu.iota {dimensions = array<i32: 0>} : vector<16xi32>
        %xor3A_452 = arith.constant 8 : i32
        %xor3A_453 = vector.broadcast %xor3A_452 : i32 to vector<16xi32>
        %xor3A_454 = arith.xori %iota3A_451, %xor3A_453 : vector<16xi32>
        %broadcast_in_dim3A_455 = vector.shape_cast %xor3A_454 : vector<16xi32> to vector<16x1xi32>
        %gather3A_456 = vector.shape_cast %broadcast_in_dim3A_455 : vector<16x1xi32> to vector<16xi32>
        %gather3A_457 = tpu.dynamic_gather %add3A_450[%gather3A_456] in [0] : vector<16xf32>, vector<16xi32> -> vector<16xf32>
        %add3A_458 = arith.addf %add3A_450, %gather3A_457 : vector<16xf32>
        %xor3A_459 = arith.constant 4 : i32
        %xor3A_460 = vector.broadcast %xor3A_459 : i32 to vector<16xi32>
        %xor3A_461 = arith.xori %iota3A_451, %xor3A_460 : vector<16xi32>
        %broadcast_in_dim3A_462 = vector.shape_cast %xor3A_461 : vector<16xi32> to vector<16x1xi32>
        %gather3A_463 = vector.shape_cast %broadcast_in_dim3A_462 : vector<16x1xi32> to vector<16xi32>
        %gather3A_464 = tpu.dynamic_gather %add3A_458[%gather3A_463] in [0] : vector<16xf32>, vector<16xi32> -> vector<16xf32>
        %add3A_465 = arith.addf %add3A_458, %gather3A_464 : vector<16xf32>
        %xor3A_466 = arith.constant 2 : i32
        %xor3A_467 = vector.broadcast %xor3A_466 : i32 to vector<16xi32>
        %xor3A_468 = arith.xori %iota3A_451, %xor3A_467 : vector<16xi32>
        %broadcast_in_dim3A_469 = vector.shape_cast %xor3A_468 : vector<16xi32> to vector<16x1xi32>
        %gather3A_470 = vector.shape_cast %broadcast_in_dim3A_469 : vector<16x1xi32> to vector<16xi32>
        %gather3A_471 = tpu.dynamic_gather %add3A_465[%gather3A_470] in [0] : vector<16xf32>, vector<16xi32> -> vector<16xf32>
        %add3A_472 = arith.addf %add3A_465, %gather3A_471 : vector<16xf32>
        %xor3A_473 = arith.constant 1 : i32
        %xor3A_474 = vector.broadcast %xor3A_473 : i32 to vector<16xi32>
        %xor3A_475 = arith.xori %iota3A_451, %xor3A_474 : vector<16xi32>
        %broadcast_in_dim3A_476 = vector.shape_cast %xor3A_475 : vector<16xi32> to vector<16x1xi32>
        %gather3A_477 = vector.shape_cast %broadcast_in_dim3A_476 : vector<16x1xi32> to vector<16xi32>
        %gather3A_478 = tpu.dynamic_gather %add3A_472[%gather3A_477] in [0] : vector<16xf32>, vector<16xi32> -> vector<16xf32>
        %add3A_479 = arith.addf %add3A_472, %gather3A_478 : vector<16xf32>
        %max3A_480 = arith.constant 1.000000e-24 : f32
        %max3A_481 = vector.broadcast %max3A_480 : f32 to vector<16xf32>
        %max3A_482 = arith.maximumf %add3A_479, %max3A_481 : vector<16xf32>
        %bitcast_convert_type3A_483 = tpu.bitcast %max3A_482 : vector<16xf32> -> vector<16xi32>
        %shift_right_logical3A_484 = arith.constant 1 : i32
        %shift_right_logical3A_485 = vector.broadcast %shift_right_logical3A_484 : i32 to vector<16xi32>
        %shift_right_logical3A_486 = arith.shrui %bitcast_convert_type3A_483, %shift_right_logical3A_485 : vector<16xi32>
        %sub3A_487 = arith.constant 1597463007 : i32
        %sub3A_488 = vector.broadcast %sub3A_487 : i32 to vector<16xi32>
        %sub3A_489 = arith.subi %sub3A_488, %shift_right_logical3A_486 : vector<16xi32>
        %bitcast_convert_type3A_490 = tpu.bitcast %sub3A_489 : vector<16xi32> -> vector<16xf32>
        %mul3A_491 = arith.constant 5.000000e-01 : f32
        %mul3A_492 = vector.broadcast %mul3A_491 : f32 to vector<16xf32>
        %mul3A_493 = arith.mulf %max3A_482, %mul3A_492 : vector<16xf32>
        %mul3A_494 = arith.mulf %mul3A_493, %bitcast_convert_type3A_490 : vector<16xf32>
        %mul3A_495 = arith.mulf %mul3A_494, %bitcast_convert_type3A_490 : vector<16xf32>
        %sub3A_496 = arith.constant 1.500000e+00 : f32
        %sub3A_497 = vector.broadcast %sub3A_496 : f32 to vector<16xf32>
        %sub3A_498 = arith.subf %sub3A_497, %mul3A_495 : vector<16xf32>
        %mul3A_499 = arith.mulf %bitcast_convert_type3A_490, %sub3A_498 : vector<16xf32>
        %mul3A_500 = arith.mulf %mul3A_493, %mul3A_499 : vector<16xf32>
        %mul3A_501 = arith.mulf %mul3A_500, %mul3A_499 : vector<16xf32>
        %sub3A_502 = arith.constant 1.500000e+00 : f32
        %sub3A_503 = vector.broadcast %sub3A_502 : f32 to vector<16xf32>
        %sub3A_504 = arith.subf %sub3A_503, %mul3A_501 : vector<16xf32>
        %mul3A_505 = arith.mulf %mul3A_499, %sub3A_504 : vector<16xf32>
        %mul3A_506 = arith.constant 8.000000e+00 : f32
        %mul3A_507 = vector.broadcast %mul3A_506 : f32 to vector<16xf32>
        %mul3A_508 = arith.mulf %mul3A_505, %mul3A_507 : vector<16xf32>
        %mul3A_509 = arith.mulf %get3A_419, %mul3A_508 : vector<16xf32>
        %swap3A_510 = arith.constant 0 : i32
        %swap3A_511 = arith.constant 0 : i32
        %swap3A_512 = tpu.memref_slice %arg6[%scan3A_251, %swap3A_510, %swap3A_511] : memref<4x128x64xf32, #tpu.memory_space<vmem>> -> memref<1x128x64xf32, #tpu.memory_space<vmem>>
        %swap3A_513 = tpu.memref_squeeze %swap3A_512 : memref<1x128x64xf32, #tpu.memory_space<vmem>> -> memref<128x64xf32, #tpu.memory_space<vmem>>
        %swap3A_514 = arith.index_cast %add3A_411 : i32 to index
        %swap3A_515 = arith.constant 0 : index
        %swap3A_516 = tpu.vector_load %swap3A_513[%swap3A_514, %swap3A_515] {strides = array<i32>} : memref<128x64xf32, #tpu.memory_space<vmem>>, vector<1x16xf32>,
        %swap3A_517 = vector.shape_cast %swap3A_516 : vector<1x16xf32> to vector<16xf32>
        %swap3A_518 = vector.shape_cast %mul3A_509 : vector<16xf32> to vector<1x16xf32>
        tpu.vector_store %swap3A_513[%swap3A_514, %swap3A_515], %swap3A_518 {strides = array<i32>} : memref<128x64xf32, #tpu.memory_space<vmem>>, vector<1x16xf32>,
        %mul3A_519 = arith.mulf %get3A_427, %mul3A_508 : vector<16xf32>
        %swap3A_520 = arith.constant 0 : i32
        %swap3A_521 = arith.constant 0 : i32
        %swap3A_522 = tpu.memref_slice %arg6[%scan3A_251, %swap3A_520, %swap3A_521] : memref<4x128x64xf32, #tpu.memory_space<vmem>> -> memref<1x128x64xf32, #tpu.memory_space<vmem>>
        %swap3A_523 = tpu.memref_squeeze %swap3A_522 : memref<1x128x64xf32, #tpu.memory_space<vmem>> -> memref<128x64xf32, #tpu.memory_space<vmem>>
        %swap3A_524 = arith.index_cast %add3A_411 : i32 to index
        %swap3A_525 = arith.constant 16 : index
        %swap3A_526 = tpu.vector_load %swap3A_523[%swap3A_524, %swap3A_525] {strides = array<i32>} : memref<128x64xf32, #tpu.memory_space<vmem>>, vector<1x16xf32>,
        %swap3A_527 = vector.shape_cast %swap3A_526 : vector<1x16xf32> to vector<16xf32>
        %swap3A_528 = vector.shape_cast %mul3A_519 : vector<16xf32> to vector<1x16xf32>
        tpu.vector_store %swap3A_523[%swap3A_524, %swap3A_525], %swap3A_528 {strides = array<i32>} : memref<128x64xf32, #tpu.memory_space<vmem>>, vector<1x16xf32>,
        %mul3A_529 = arith.mulf %get3A_435, %mul3A_508 : vector<16xf32>
        %swap3A_530 = arith.constant 0 : i32
        %swap3A_531 = arith.constant 0 : i32
        %swap3A_532 = tpu.memref_slice %arg6[%scan3A_251, %swap3A_530, %swap3A_531] : memref<4x128x64xf32, #tpu.memory_space<vmem>> -> memref<1x128x64xf32, #tpu.memory_space<vmem>>
        %swap3A_533 = tpu.memref_squeeze %swap3A_532 : memref<1x128x64xf32, #tpu.memory_space<vmem>> -> memref<128x64xf32, #tpu.memory_space<vmem>>
        %swap3A_534 = arith.index_cast %add3A_411 : i32 to index
        %swap3A_535 = arith.constant 32 : index
        %swap3A_536 = tpu.vector_load %swap3A_533[%swap3A_534, %swap3A_535] {strides = array<i32>} : memref<128x64xf32, #tpu.memory_space<vmem>>, vector<1x16xf32>,
        %swap3A_537 = vector.shape_cast %swap3A_536 : vector<1x16xf32> to vector<16xf32>
        %swap3A_538 = vector.shape_cast %mul3A_529 : vector<16xf32> to vector<1x16xf32>
        tpu.vector_store %swap3A_533[%swap3A_534, %swap3A_535], %swap3A_538 {strides = array<i32>} : memref<128x64xf32, #tpu.memory_space<vmem>>, vector<1x16xf32>,
        %mul3A_539 = arith.mulf %get3A_443, %mul3A_508 : vector<16xf32>
        %swap3A_540 = arith.constant 0 : i32
        %swap3A_541 = arith.constant 0 : i32
        %swap3A_542 = tpu.memref_slice %arg6[%scan3A_251, %swap3A_540, %swap3A_541] : memref<4x128x64xf32, #tpu.memory_space<vmem>> -> memref<1x128x64xf32, #tpu.memory_space<vmem>>
        %swap3A_543 = tpu.memref_squeeze %swap3A_542 : memref<1x128x64xf32, #tpu.memory_space<vmem>> -> memref<128x64xf32, #tpu.memory_space<vmem>>
        %swap3A_544 = arith.index_cast %add3A_411 : i32 to index
        %swap3A_545 = arith.constant 48 : index
        %swap3A_546 = tpu.vector_load %swap3A_543[%swap3A_544, %swap3A_545] {strides = array<i32>} : memref<128x64xf32, #tpu.memory_space<vmem>>, vector<1x16xf32>,
        %swap3A_547 = vector.shape_cast %swap3A_546 : vector<1x16xf32> to vector<16xf32>
        %swap3A_548 = vector.shape_cast %mul3A_539 : vector<16xf32> to vector<1x16xf32>
        tpu.vector_store %swap3A_543[%swap3A_544, %swap3A_545], %swap3A_548 {strides = array<i32>} : memref<128x64xf32, #tpu.memory_space<vmem>>, vector<1x16xf32>,
        %mul3A_549 = arith.constant 4 : i32
        %mul3A_550 = arith.muli %scan3A_276, %mul3A_549 : i32
        %add3A_551 = arith.constant 2 : i32
        %add3A_552 = arith.addi %mul3A_550, %add3A_551 : i32
        %get3A_553 = arith.constant 0 : i32
        %get3A_554 = arith.constant 0 : i32
        %get3A_555 = tpu.memref_slice %arg6[%scan3A_251, %get3A_553, %get3A_554] : memref<4x128x64xf32, #tpu.memory_space<vmem>> -> memref<1x128x64xf32, #tpu.memory_space<vmem>>
        %get3A_556 = tpu.memref_squeeze %get3A_555 : memref<1x128x64xf32, #tpu.memory_space<vmem>> -> memref<128x64xf32, #tpu.memory_space<vmem>>
        %get3A_557 = arith.index_cast %add3A_552 : i32 to index
        %get3A_558 = arith.constant 0 : index
        %get3A_559 = tpu.vector_load %get3A_556[%get3A_557, %get3A_558] {strides = array<i32>} : memref<128x64xf32, #tpu.memory_space<vmem>>, vector<1x16xf32>,
        %get3A_560 = vector.shape_cast %get3A_559 : vector<1x16xf32> to vector<16xf32>
        %get3A_561 = arith.constant 0 : i32
        %get3A_562 = arith.constant 0 : i32
        %get3A_563 = tpu.memref_slice %arg6[%scan3A_251, %get3A_561, %get3A_562] : memref<4x128x64xf32, #tpu.memory_space<vmem>> -> memref<1x128x64xf32, #tpu.memory_space<vmem>>
        %get3A_564 = tpu.memref_squeeze %get3A_563 : memref<1x128x64xf32, #tpu.memory_space<vmem>> -> memref<128x64xf32, #tpu.memory_space<vmem>>
        %get3A_565 = arith.index_cast %add3A_552 : i32 to index
        %get3A_566 = arith.constant 16 : index
        %get3A_567 = tpu.vector_load %get3A_564[%get3A_565, %get3A_566] {strides = array<i32>} : memref<128x64xf32, #tpu.memory_space<vmem>>, vector<1x16xf32>,
        %get3A_568 = vector.shape_cast %get3A_567 : vector<1x16xf32> to vector<16xf32>
        %get3A_569 = arith.constant 0 : i32
        %get3A_570 = arith.constant 0 : i32
        %get3A_571 = tpu.memref_slice %arg6[%scan3A_251, %get3A_569, %get3A_570] : memref<4x128x64xf32, #tpu.memory_space<vmem>> -> memref<1x128x64xf32, #tpu.memory_space<vmem>>
        %get3A_572 = tpu.memref_squeeze %get3A_571 : memref<1x128x64xf32, #tpu.memory_space<vmem>> -> memref<128x64xf32, #tpu.memory_space<vmem>>
        %get3A_573 = arith.index_cast %add3A_552 : i32 to index
        %get3A_574 = arith.constant 32 : index
        %get3A_575 = tpu.vector_load %get3A_572[%get3A_573, %get3A_574] {strides = array<i32>} : memref<128x64xf32, #tpu.memory_space<vmem>>, vector<1x16xf32>,
        %get3A_576 = vector.shape_cast %get3A_575 : vector<1x16xf32> to vector<16xf32>
        %get3A_577 = arith.constant 0 : i32
        %get3A_578 = arith.constant 0 : i32
        %get3A_579 = tpu.memref_slice %arg6[%scan3A_251, %get3A_577, %get3A_578] : memref<4x128x64xf32, #tpu.memory_space<vmem>> -> memref<1x128x64xf32, #tpu.memory_space<vmem>>
        %get3A_580 = tpu.memref_squeeze %get3A_579 : memref<1x128x64xf32, #tpu.memory_space<vmem>> -> memref<128x64xf32, #tpu.memory_space<vmem>>
        %get3A_581 = arith.index_cast %add3A_552 : i32 to index
        %get3A_582 = arith.constant 48 : index
        %get3A_583 = tpu.vector_load %get3A_580[%get3A_581, %get3A_582] {strides = array<i32>} : memref<128x64xf32, #tpu.memory_space<vmem>>, vector<1x16xf32>,
        %get3A_584 = vector.shape_cast %get3A_583 : vector<1x16xf32> to vector<16xf32>
        %mul3A_585 = arith.mulf %get3A_560, %get3A_560 : vector<16xf32>
        %mul3A_586 = arith.mulf %get3A_568, %get3A_568 : vector<16xf32>
        %add3A_587 = arith.addf %mul3A_585, %mul3A_586 : vector<16xf32>
        %mul3A_588 = arith.mulf %get3A_576, %get3A_576 : vector<16xf32>
        %add3A_589 = arith.addf %add3A_587, %mul3A_588 : vector<16xf32>
        %mul3A_590 = arith.mulf %get3A_584, %get3A_584 : vector<16xf32>
        %add3A_591 = arith.addf %add3A_589, %mul3A_590 : vector<16xf32>
        %iota3A_592 = tpu.iota {dimensions = array<i32: 0>} : vector<16xi32>
        %xor3A_593 = arith.constant 8 : i32
        %xor3A_594 = vector.broadcast %xor3A_593 : i32 to vector<16xi32>
        %xor3A_595 = arith.xori %iota3A_592, %xor3A_594 : vector<16xi32>
        %broadcast_in_dim3A_596 = vector.shape_cast %xor3A_595 : vector<16xi32> to vector<16x1xi32>
        %gather3A_597 = vector.shape_cast %broadcast_in_dim3A_596 : vector<16x1xi32> to vector<16xi32>
        %gather3A_598 = tpu.dynamic_gather %add3A_591[%gather3A_597] in [0] : vector<16xf32>, vector<16xi32> -> vector<16xf32>
        %add3A_599 = arith.addf %add3A_591, %gather3A_598 : vector<16xf32>
        %xor3A_600 = arith.constant 4 : i32
        %xor3A_601 = vector.broadcast %xor3A_600 : i32 to vector<16xi32>
        %xor3A_602 = arith.xori %iota3A_592, %xor3A_601 : vector<16xi32>
        %broadcast_in_dim3A_603 = vector.shape_cast %xor3A_602 : vector<16xi32> to vector<16x1xi32>
        %gather3A_604 = vector.shape_cast %broadcast_in_dim3A_603 : vector<16x1xi32> to vector<16xi32>
        %gather3A_605 = tpu.dynamic_gather %add3A_599[%gather3A_604] in [0] : vector<16xf32>, vector<16xi32> -> vector<16xf32>
        %add3A_606 = arith.addf %add3A_599, %gather3A_605 : vector<16xf32>
        %xor3A_607 = arith.constant 2 : i32
        %xor3A_608 = vector.broadcast %xor3A_607 : i32 to vector<16xi32>
        %xor3A_609 = arith.xori %iota3A_592, %xor3A_608 : vector<16xi32>
        %broadcast_in_dim3A_610 = vector.shape_cast %xor3A_609 : vector<16xi32> to vector<16x1xi32>
        %gather3A_611 = vector.shape_cast %broadcast_in_dim3A_610 : vector<16x1xi32> to vector<16xi32>
        %gather3A_612 = tpu.dynamic_gather %add3A_606[%gather3A_611] in [0] : vector<16xf32>, vector<16xi32> -> vector<16xf32>
        %add3A_613 = arith.addf %add3A_606, %gather3A_612 : vector<16xf32>
        %xor3A_614 = arith.constant 1 : i32
        %xor3A_615 = vector.broadcast %xor3A_614 : i32 to vector<16xi32>
        %xor3A_616 = arith.xori %iota3A_592, %xor3A_615 : vector<16xi32>
        %broadcast_in_dim3A_617 = vector.shape_cast %xor3A_616 : vector<16xi32> to vector<16x1xi32>
        %gather3A_618 = vector.shape_cast %broadcast_in_dim3A_617 : vector<16x1xi32> to vector<16xi32>
        %gather3A_619 = tpu.dynamic_gather %add3A_613[%gather3A_618] in [0] : vector<16xf32>, vector<16xi32> -> vector<16xf32>
        %add3A_620 = arith.addf %add3A_613, %gather3A_619 : vector<16xf32>
        %max3A_621 = arith.constant 1.000000e-24 : f32
        %max3A_622 = vector.broadcast %max3A_621 : f32 to vector<16xf32>
        %max3A_623 = arith.maximumf %add3A_620, %max3A_622 : vector<16xf32>
        %bitcast_convert_type3A_624 = tpu.bitcast %max3A_623 : vector<16xf32> -> vector<16xi32>
        %shift_right_logical3A_625 = arith.constant 1 : i32
        %shift_right_logical3A_626 = vector.broadcast %shift_right_logical3A_625 : i32 to vector<16xi32>
        %shift_right_logical3A_627 = arith.shrui %bitcast_convert_type3A_624, %shift_right_logical3A_626 : vector<16xi32>
        %sub3A_628 = arith.constant 1597463007 : i32
        %sub3A_629 = vector.broadcast %sub3A_628 : i32 to vector<16xi32>
        %sub3A_630 = arith.subi %sub3A_629, %shift_right_logical3A_627 : vector<16xi32>
        %bitcast_convert_type3A_631 = tpu.bitcast %sub3A_630 : vector<16xi32> -> vector<16xf32>
        %mul3A_632 = arith.constant 5.000000e-01 : f32
        %mul3A_633 = vector.broadcast %mul3A_632 : f32 to vector<16xf32>
        %mul3A_634 = arith.mulf %max3A_623, %mul3A_633 : vector<16xf32>
        %mul3A_635 = arith.mulf %mul3A_634, %bitcast_convert_type3A_631 : vector<16xf32>
        %mul3A_636 = arith.mulf %mul3A_635, %bitcast_convert_type3A_631 : vector<16xf32>
        %sub3A_637 = arith.constant 1.500000e+00 : f32
        %sub3A_638 = vector.broadcast %sub3A_637 : f32 to vector<16xf32>
        %sub3A_639 = arith.subf %sub3A_638, %mul3A_636 : vector<16xf32>
        %mul3A_640 = arith.mulf %bitcast_convert_type3A_631, %sub3A_639 : vector<16xf32>
        %mul3A_641 = arith.mulf %mul3A_634, %mul3A_640 : vector<16xf32>
        %mul3A_642 = arith.mulf %mul3A_641, %mul3A_640 : vector<16xf32>
        %sub3A_643 = arith.constant 1.500000e+00 : f32
        %sub3A_644 = vector.broadcast %sub3A_643 : f32 to vector<16xf32>
        %sub3A_645 = arith.subf %sub3A_644, %mul3A_642 : vector<16xf32>
        %mul3A_646 = arith.mulf %mul3A_640, %sub3A_645 : vector<16xf32>
        %mul3A_647 = arith.constant 8.000000e+00 : f32
        %mul3A_648 = vector.broadcast %mul3A_647 : f32 to vector<16xf32>
        %mul3A_649 = arith.mulf %mul3A_646, %mul3A_648 : vector<16xf32>
        %mul3A_650 = arith.mulf %get3A_560, %mul3A_649 : vector<16xf32>
        %swap3A_651 = arith.constant 0 : i32
        %swap3A_652 = arith.constant 0 : i32
        %swap3A_653 = tpu.memref_slice %arg6[%scan3A_251, %swap3A_651, %swap3A_652] : memref<4x128x64xf32, #tpu.memory_space<vmem>> -> memref<1x128x64xf32, #tpu.memory_space<vmem>>
        %swap3A_654 = tpu.memref_squeeze %swap3A_653 : memref<1x128x64xf32, #tpu.memory_space<vmem>> -> memref<128x64xf32, #tpu.memory_space<vmem>>
        %swap3A_655 = arith.index_cast %add3A_552 : i32 to index
        %swap3A_656 = arith.constant 0 : index
        %swap3A_657 = tpu.vector_load %swap3A_654[%swap3A_655, %swap3A_656] {strides = array<i32>} : memref<128x64xf32, #tpu.memory_space<vmem>>, vector<1x16xf32>,
        %swap3A_658 = vector.shape_cast %swap3A_657 : vector<1x16xf32> to vector<16xf32>
        %swap3A_659 = vector.shape_cast %mul3A_650 : vector<16xf32> to vector<1x16xf32>
        tpu.vector_store %swap3A_654[%swap3A_655, %swap3A_656], %swap3A_659 {strides = array<i32>} : memref<128x64xf32, #tpu.memory_space<vmem>>, vector<1x16xf32>,
        %mul3A_660 = arith.mulf %get3A_568, %mul3A_649 : vector<16xf32>
        %swap3A_661 = arith.constant 0 : i32
        %swap3A_662 = arith.constant 0 : i32
        %swap3A_663 = tpu.memref_slice %arg6[%scan3A_251, %swap3A_661, %swap3A_662] : memref<4x128x64xf32, #tpu.memory_space<vmem>> -> memref<1x128x64xf32, #tpu.memory_space<vmem>>
        %swap3A_664 = tpu.memref_squeeze %swap3A_663 : memref<1x128x64xf32, #tpu.memory_space<vmem>> -> memref<128x64xf32, #tpu.memory_space<vmem>>
        %swap3A_665 = arith.index_cast %add3A_552 : i32 to index
        %swap3A_666 = arith.constant 16 : index
        %swap3A_667 = tpu.vector_load %swap3A_664[%swap3A_665, %swap3A_666] {strides = array<i32>} : memref<128x64xf32, #tpu.memory_space<vmem>>, vector<1x16xf32>,
        %swap3A_668 = vector.shape_cast %swap3A_667 : vector<1x16xf32> to vector<16xf32>
        %swap3A_669 = vector.shape_cast %mul3A_660 : vector<16xf32> to vector<1x16xf32>
        tpu.vector_store %swap3A_664[%swap3A_665, %swap3A_666], %swap3A_669 {strides = array<i32>} : memref<128x64xf32, #tpu.memory_space<vmem>>, vector<1x16xf32>,
        %mul3A_670 = arith.mulf %get3A_576, %mul3A_649 : vector<16xf32>
        %swap3A_671 = arith.constant 0 : i32
        %swap3A_672 = arith.constant 0 : i32
        %swap3A_673 = tpu.memref_slice %arg6[%scan3A_251, %swap3A_671, %swap3A_672] : memref<4x128x64xf32, #tpu.memory_space<vmem>> -> memref<1x128x64xf32, #tpu.memory_space<vmem>>
        %swap3A_674 = tpu.memref_squeeze %swap3A_673 : memref<1x128x64xf32, #tpu.memory_space<vmem>> -> memref<128x64xf32, #tpu.memory_space<vmem>>
        %swap3A_675 = arith.index_cast %add3A_552 : i32 to index
        %swap3A_676 = arith.constant 32 : index
        %swap3A_677 = tpu.vector_load %swap3A_674[%swap3A_675, %swap3A_676] {strides = array<i32>} : memref<128x64xf32, #tpu.memory_space<vmem>>, vector<1x16xf32>,
        %swap3A_678 = vector.shape_cast %swap3A_677 : vector<1x16xf32> to vector<16xf32>
        %swap3A_679 = vector.shape_cast %mul3A_670 : vector<16xf32> to vector<1x16xf32>
        tpu.vector_store %swap3A_674[%swap3A_675, %swap3A_676], %swap3A_679 {strides = array<i32>} : memref<128x64xf32, #tpu.memory_space<vmem>>, vector<1x16xf32>,
        %mul3A_680 = arith.mulf %get3A_584, %mul3A_649 : vector<16xf32>
        %swap3A_681 = arith.constant 0 : i32
        %swap3A_682 = arith.constant 0 : i32
        %swap3A_683 = tpu.memref_slice %arg6[%scan3A_251, %swap3A_681, %swap3A_682] : memref<4x128x64xf32, #tpu.memory_space<vmem>> -> memref<1x128x64xf32, #tpu.memory_space<vmem>>
        %swap3A_684 = tpu.memref_squeeze %swap3A_683 : memref<1x128x64xf32, #tpu.memory_space<vmem>> -> memref<128x64xf32, #tpu.memory_space<vmem>>
        %swap3A_685 = arith.index_cast %add3A_552 : i32 to index
        %swap3A_686 = arith.constant 48 : index
        %swap3A_687 = tpu.vector_load %swap3A_684[%swap3A_685, %swap3A_686] {strides = array<i32>} : memref<128x64xf32, #tpu.memory_space<vmem>>, vector<1x16xf32>,
        %swap3A_688 = vector.shape_cast %swap3A_687 : vector<1x16xf32> to vector<16xf32>
        %swap3A_689 = vector.shape_cast %mul3A_680 : vector<16xf32> to vector<1x16xf32>
        tpu.vector_store %swap3A_684[%swap3A_685, %swap3A_686], %swap3A_689 {strides = array<i32>} : memref<128x64xf32, #tpu.memory_space<vmem>>, vector<1x16xf32>,
        %mul3A_690 = arith.constant 4 : i32
        %mul3A_691 = arith.muli %scan3A_276, %mul3A_690 : i32
        %add3A_692 = arith.constant 3 : i32
        %add3A_693 = arith.addi %mul3A_691, %add3A_692 : i32
        %get3A_694 = arith.constant 0 : i32
        %get3A_695 = arith.constant 0 : i32
        %get3A_696 = tpu.memref_slice %arg6[%scan3A_251, %get3A_694, %get3A_695] : memref<4x128x64xf32, #tpu.memory_space<vmem>> -> memref<1x128x64xf32, #tpu.memory_space<vmem>>
        %get3A_697 = tpu.memref_squeeze %get3A_696 : memref<1x128x64xf32, #tpu.memory_space<vmem>> -> memref<128x64xf32, #tpu.memory_space<vmem>>
        %get3A_698 = arith.index_cast %add3A_693 : i32 to index
        %get3A_699 = arith.constant 0 : index
        %get3A_700 = tpu.vector_load %get3A_697[%get3A_698, %get3A_699] {strides = array<i32>} : memref<128x64xf32, #tpu.memory_space<vmem>>, vector<1x16xf32>,
        %get3A_701 = vector.shape_cast %get3A_700 : vector<1x16xf32> to vector<16xf32>
        %get3A_702 = arith.constant 0 : i32
        %get3A_703 = arith.constant 0 : i32
        %get3A_704 = tpu.memref_slice %arg6[%scan3A_251, %get3A_702, %get3A_703] : memref<4x128x64xf32, #tpu.memory_space<vmem>> -> memref<1x128x64xf32, #tpu.memory_space<vmem>>
        %get3A_705 = tpu.memref_squeeze %get3A_704 : memref<1x128x64xf32, #tpu.memory_space<vmem>> -> memref<128x64xf32, #tpu.memory_space<vmem>>
        %get3A_706 = arith.index_cast %add3A_693 : i32 to index
        %get3A_707 = arith.constant 16 : index
        %get3A_708 = tpu.vector_load %get3A_705[%get3A_706, %get3A_707] {strides = array<i32>} : memref<128x64xf32, #tpu.memory_space<vmem>>, vector<1x16xf32>,
        %get3A_709 = vector.shape_cast %get3A_708 : vector<1x16xf32> to vector<16xf32>
        %get3A_710 = arith.constant 0 : i32
        %get3A_711 = arith.constant 0 : i32
        %get3A_712 = tpu.memref_slice %arg6[%scan3A_251, %get3A_710, %get3A_711] : memref<4x128x64xf32, #tpu.memory_space<vmem>> -> memref<1x128x64xf32, #tpu.memory_space<vmem>>
        %get3A_713 = tpu.memref_squeeze %get3A_712 : memref<1x128x64xf32, #tpu.memory_space<vmem>> -> memref<128x64xf32, #tpu.memory_space<vmem>>
        %get3A_714 = arith.index_cast %add3A_693 : i32 to index
        %get3A_715 = arith.constant 32 : index
        %get3A_716 = tpu.vector_load %get3A_713[%get3A_714, %get3A_715] {strides = array<i32>} : memref<128x64xf32, #tpu.memory_space<vmem>>, vector<1x16xf32>,
        %get3A_717 = vector.shape_cast %get3A_716 : vector<1x16xf32> to vector<16xf32>
        %get3A_718 = arith.constant 0 : i32
        %get3A_719 = arith.constant 0 : i32
        %get3A_720 = tpu.memref_slice %arg6[%scan3A_251, %get3A_718, %get3A_719] : memref<4x128x64xf32, #tpu.memory_space<vmem>> -> memref<1x128x64xf32, #tpu.memory_space<vmem>>
        %get3A_721 = tpu.memref_squeeze %get3A_720 : memref<1x128x64xf32, #tpu.memory_space<vmem>> -> memref<128x64xf32, #tpu.memory_space<vmem>>
        %get3A_722 = arith.index_cast %add3A_693 : i32 to index
        %get3A_723 = arith.constant 48 : index
        %get3A_724 = tpu.vector_load %get3A_721[%get3A_722, %get3A_723] {strides = array<i32>} : memref<128x64xf32, #tpu.memory_space<vmem>>, vector<1x16xf32>,
        %get3A_725 = vector.shape_cast %get3A_724 : vector<1x16xf32> to vector<16xf32>
        %mul3A_726 = arith.mulf %get3A_701, %get3A_701 : vector<16xf32>
        %mul3A_727 = arith.mulf %get3A_709, %get3A_709 : vector<16xf32>
        %add3A_728 = arith.addf %mul3A_726, %mul3A_727 : vector<16xf32>
        %mul3A_729 = arith.mulf %get3A_717, %get3A_717 : vector<16xf32>
        %add3A_730 = arith.addf %add3A_728, %mul3A_729 : vector<16xf32>
        %mul3A_731 = arith.mulf %get3A_725, %get3A_725 : vector<16xf32>
        %add3A_732 = arith.addf %add3A_730, %mul3A_731 : vector<16xf32>
        %iota3A_733 = tpu.iota {dimensions = array<i32: 0>} : vector<16xi32>
        %xor3A_734 = arith.constant 8 : i32
        %xor3A_735 = vector.broadcast %xor3A_734 : i32 to vector<16xi32>
        %xor3A_736 = arith.xori %iota3A_733, %xor3A_735 : vector<16xi32>
        %broadcast_in_dim3A_737 = vector.shape_cast %xor3A_736 : vector<16xi32> to vector<16x1xi32>
        %gather3A_738 = vector.shape_cast %broadcast_in_dim3A_737 : vector<16x1xi32> to vector<16xi32>
        %gather3A_739 = tpu.dynamic_gather %add3A_732[%gather3A_738] in [0] : vector<16xf32>, vector<16xi32> -> vector<16xf32>
        %add3A_740 = arith.addf %add3A_732, %gather3A_739 : vector<16xf32>
        %xor3A_741 = arith.constant 4 : i32
        %xor3A_742 = vector.broadcast %xor3A_741 : i32 to vector<16xi32>
        %xor3A_743 = arith.xori %iota3A_733, %xor3A_742 : vector<16xi32>
        %broadcast_in_dim3A_744 = vector.shape_cast %xor3A_743 : vector<16xi32> to vector<16x1xi32>
        %gather3A_745 = vector.shape_cast %broadcast_in_dim3A_744 : vector<16x1xi32> to vector<16xi32>
        %gather3A_746 = tpu.dynamic_gather %add3A_740[%gather3A_745] in [0] : vector<16xf32>, vector<16xi32> -> vector<16xf32>
        %add3A_747 = arith.addf %add3A_740, %gather3A_746 : vector<16xf32>
        %xor3A_748 = arith.constant 2 : i32
        %xor3A_749 = vector.broadcast %xor3A_748 : i32 to vector<16xi32>
        %xor3A_750 = arith.xori %iota3A_733, %xor3A_749 : vector<16xi32>
        %broadcast_in_dim3A_751 = vector.shape_cast %xor3A_750 : vector<16xi32> to vector<16x1xi32>
        %gather3A_752 = vector.shape_cast %broadcast_in_dim3A_751 : vector<16x1xi32> to vector<16xi32>
        %gather3A_753 = tpu.dynamic_gather %add3A_747[%gather3A_752] in [0] : vector<16xf32>, vector<16xi32> -> vector<16xf32>
        %add3A_754 = arith.addf %add3A_747, %gather3A_753 : vector<16xf32>
        %xor3A_755 = arith.constant 1 : i32
        %xor3A_756 = vector.broadcast %xor3A_755 : i32 to vector<16xi32>
        %xor3A_757 = arith.xori %iota3A_733, %xor3A_756 : vector<16xi32>
        %broadcast_in_dim3A_758 = vector.shape_cast %xor3A_757 : vector<16xi32> to vector<16x1xi32>
        %gather3A_759 = vector.shape_cast %broadcast_in_dim3A_758 : vector<16x1xi32> to vector<16xi32>
        %gather3A_760 = tpu.dynamic_gather %add3A_754[%gather3A_759] in [0] : vector<16xf32>, vector<16xi32> -> vector<16xf32>
        %add3A_761 = arith.addf %add3A_754, %gather3A_760 : vector<16xf32>
        %max3A_762 = arith.constant 1.000000e-24 : f32
        %max3A_763 = vector.broadcast %max3A_762 : f32 to vector<16xf32>
        %max3A_764 = arith.maximumf %add3A_761, %max3A_763 : vector<16xf32>
        %bitcast_convert_type3A_765 = tpu.bitcast %max3A_764 : vector<16xf32> -> vector<16xi32>
        %shift_right_logical3A_766 = arith.constant 1 : i32
        %shift_right_logical3A_767 = vector.broadcast %shift_right_logical3A_766 : i32 to vector<16xi32>
        %shift_right_logical3A_768 = arith.shrui %bitcast_convert_type3A_765, %shift_right_logical3A_767 : vector<16xi32>
        %sub3A_769 = arith.constant 1597463007 : i32
        %sub3A_770 = vector.broadcast %sub3A_769 : i32 to vector<16xi32>
        %sub3A_771 = arith.subi %sub3A_770, %shift_right_logical3A_768 : vector<16xi32>
        %bitcast_convert_type3A_772 = tpu.bitcast %sub3A_771 : vector<16xi32> -> vector<16xf32>
        %mul3A_773 = arith.constant 5.000000e-01 : f32
        %mul3A_774 = vector.broadcast %mul3A_773 : f32 to vector<16xf32>
        %mul3A_775 = arith.mulf %max3A_764, %mul3A_774 : vector<16xf32>
        %mul3A_776 = arith.mulf %mul3A_775, %bitcast_convert_type3A_772 : vector<16xf32>
        %mul3A_777 = arith.mulf %mul3A_776, %bitcast_convert_type3A_772 : vector<16xf32>
        %sub3A_778 = arith.constant 1.500000e+00 : f32
        %sub3A_779 = vector.broadcast %sub3A_778 : f32 to vector<16xf32>
        %sub3A_780 = arith.subf %sub3A_779, %mul3A_777 : vector<16xf32>
        %mul3A_781 = arith.mulf %bitcast_convert_type3A_772, %sub3A_780 : vector<16xf32>
        %mul3A_782 = arith.mulf %mul3A_775, %mul3A_781 : vector<16xf32>
        %mul3A_783 = arith.mulf %mul3A_782, %mul3A_781 : vector<16xf32>
        %sub3A_784 = arith.constant 1.500000e+00 : f32
        %sub3A_785 = vector.broadcast %sub3A_784 : f32 to vector<16xf32>
        %sub3A_786 = arith.subf %sub3A_785, %mul3A_783 : vector<16xf32>
        %mul3A_787 = arith.mulf %mul3A_781, %sub3A_786 : vector<16xf32>
        %mul3A_788 = arith.constant 8.000000e+00 : f32
        %mul3A_789 = vector.broadcast %mul3A_788 : f32 to vector<16xf32>
        %mul3A_790 = arith.mulf %mul3A_787, %mul3A_789 : vector<16xf32>
        %mul3A_791 = arith.mulf %get3A_701, %mul3A_790 : vector<16xf32>
        %swap3A_792 = arith.constant 0 : i32
        %swap3A_793 = arith.constant 0 : i32
        %swap3A_794 = tpu.memref_slice %arg6[%scan3A_251, %swap3A_792, %swap3A_793] : memref<4x128x64xf32, #tpu.memory_space<vmem>> -> memref<1x128x64xf32, #tpu.memory_space<vmem>>
        %swap3A_795 = tpu.memref_squeeze %swap3A_794 : memref<1x128x64xf32, #tpu.memory_space<vmem>> -> memref<128x64xf32, #tpu.memory_space<vmem>>
        %swap3A_796 = arith.index_cast %add3A_693 : i32 to index
        %swap3A_797 = arith.constant 0 : index
        %swap3A_798 = tpu.vector_load %swap3A_795[%swap3A_796, %swap3A_797] {strides = array<i32>} : memref<128x64xf32, #tpu.memory_space<vmem>>, vector<1x16xf32>,
        %swap3A_799 = vector.shape_cast %swap3A_798 : vector<1x16xf32> to vector<16xf32>
        %swap3A_800 = vector.shape_cast %mul3A_791 : vector<16xf32> to vector<1x16xf32>
        tpu.vector_store %swap3A_795[%swap3A_796, %swap3A_797], %swap3A_800 {strides = array<i32>} : memref<128x64xf32, #tpu.memory_space<vmem>>, vector<1x16xf32>,
        %mul3A_801 = arith.mulf %get3A_709, %mul3A_790 : vector<16xf32>
        %swap3A_802 = arith.constant 0 : i32
        %swap3A_803 = arith.constant 0 : i32
        %swap3A_804 = tpu.memref_slice %arg6[%scan3A_251, %swap3A_802, %swap3A_803] : memref<4x128x64xf32, #tpu.memory_space<vmem>> -> memref<1x128x64xf32, #tpu.memory_space<vmem>>
        %swap3A_805 = tpu.memref_squeeze %swap3A_804 : memref<1x128x64xf32, #tpu.memory_space<vmem>> -> memref<128x64xf32, #tpu.memory_space<vmem>>
        %swap3A_806 = arith.index_cast %add3A_693 : i32 to index
        %swap3A_807 = arith.constant 16 : index
        %swap3A_808 = tpu.vector_load %swap3A_805[%swap3A_806, %swap3A_807] {strides = array<i32>} : memref<128x64xf32, #tpu.memory_space<vmem>>, vector<1x16xf32>,
        %swap3A_809 = vector.shape_cast %swap3A_808 : vector<1x16xf32> to vector<16xf32>
        %swap3A_810 = vector.shape_cast %mul3A_801 : vector<16xf32> to vector<1x16xf32>
        tpu.vector_store %swap3A_805[%swap3A_806, %swap3A_807], %swap3A_810 {strides = array<i32>} : memref<128x64xf32, #tpu.memory_space<vmem>>, vector<1x16xf32>,
        %mul3A_811 = arith.mulf %get3A_717, %mul3A_790 : vector<16xf32>
        %swap3A_812 = arith.constant 0 : i32
        %swap3A_813 = arith.constant 0 : i32
        %swap3A_814 = tpu.memref_slice %arg6[%scan3A_251, %swap3A_812, %swap3A_813] : memref<4x128x64xf32, #tpu.memory_space<vmem>> -> memref<1x128x64xf32, #tpu.memory_space<vmem>>
        %swap3A_815 = tpu.memref_squeeze %swap3A_814 : memref<1x128x64xf32, #tpu.memory_space<vmem>> -> memref<128x64xf32, #tpu.memory_space<vmem>>
        %swap3A_816 = arith.index_cast %add3A_693 : i32 to index
        %swap3A_817 = arith.constant 32 : index
        %swap3A_818 = tpu.vector_load %swap3A_815[%swap3A_816, %swap3A_817] {strides = array<i32>} : memref<128x64xf32, #tpu.memory_space<vmem>>, vector<1x16xf32>,
        %swap3A_819 = vector.shape_cast %swap3A_818 : vector<1x16xf32> to vector<16xf32>
        %swap3A_820 = vector.shape_cast %mul3A_811 : vector<16xf32> to vector<1x16xf32>
        tpu.vector_store %swap3A_815[%swap3A_816, %swap3A_817], %swap3A_820 {strides = array<i32>} : memref<128x64xf32, #tpu.memory_space<vmem>>, vector<1x16xf32>,
        %mul3A_821 = arith.mulf %get3A_725, %mul3A_790 : vector<16xf32>
        %swap3A_822 = arith.constant 0 : i32
        %swap3A_823 = arith.constant 0 : i32
        %swap3A_824 = tpu.memref_slice %arg6[%scan3A_251, %swap3A_822, %swap3A_823] : memref<4x128x64xf32, #tpu.memory_space<vmem>> -> memref<1x128x64xf32, #tpu.memory_space<vmem>>
        %swap3A_825 = tpu.memref_squeeze %swap3A_824 : memref<1x128x64xf32, #tpu.memory_space<vmem>> -> memref<128x64xf32, #tpu.memory_space<vmem>>
        %swap3A_826 = arith.index_cast %add3A_693 : i32 to index
        %swap3A_827 = arith.constant 48 : index
        %swap3A_828 = tpu.vector_load %swap3A_825[%swap3A_826, %swap3A_827] {strides = array<i32>} : memref<128x64xf32, #tpu.memory_space<vmem>>, vector<1x16xf32>,
        %swap3A_829 = vector.shape_cast %swap3A_828 : vector<1x16xf32> to vector<16xf32>
        %swap3A_830 = vector.shape_cast %mul3A_821 : vector<16xf32> to vector<1x16xf32>
        tpu.vector_store %swap3A_825[%swap3A_826, %swap3A_827], %swap3A_830 {strides = array<i32>} : memref<128x64xf32, #tpu.memory_space<vmem>>, vector<1x16xf32>,
      }
      %scan3A_256 = arith.constant 32 : i32
      %mul3A_257 = arith.constant 128 : i32
      %mul3A_258 = arith.muli %add3A_228, %mul3A_257 : i32
      %add3A_259 = arith.addi %mul3A_2, %mul3A_258 : i32
      %dma_start3A_260 = arith.constant 3 : i32
      %dma_start3A_261 = arith.constant 3 : i32
      %dma_start3A_262 = arith.constant 0 : i32
      %dma_start3A_263 = arith.constant 0 : i32
      %dma_start3A_264 = tpu.memref_slice %arg6[%dma_start3A_260, %dma_start3A_262, %dma_start3A_263] : memref<4x128x64xf32, #tpu.memory_space<vmem>> -> memref<1x128x64xf32, #tpu.memory_space<vmem>>
      %dma_start3A_265 = tpu.memref_squeeze %dma_start3A_264 : memref<1x128x64xf32, #tpu.memory_space<vmem>> -> memref<128x64xf32, #tpu.memory_space<vmem>>
      %dma_start3A_266 = arith.constant 0 : i32
      %dma_start3A_267 = tpu.memref_slice %arg4[%add3A_259, %dma_start3A_266] : memref<819200x64xf32, #tpu.memory_space<hbm>> -> memref<128x64xf32, #tpu.memory_space<hbm>>
      %dma_start3A_268 = tpu.memref_slice %arg8[%dma_start3A_261] : memref<4x!tpu.dma_semaphore, #tpu.memory_space<semaphore_mem>> -> memref<1x!tpu.dma_semaphore, #tpu.memory_space<semaphore_mem>>
      %dma_start3A_269 = tpu.memref_squeeze %dma_start3A_268 : memref<1x!tpu.dma_semaphore, #tpu.memory_space<semaphore_mem>> -> memref<!tpu.dma_semaphore, #tpu.memory_space<semaphore_mem>>
      %dma_start3A_270 = arith.constant 0 : i32
      %dma_start3A_271 = tpu.memref_slice %arg4[%add3A_259, %dma_start3A_270] : memref<819200x64xf32, #tpu.memory_space<hbm>> -> memref<128x64xf32, #tpu.memory_space<hbm>>
      %dma_start3A_272 = arith.constant 0 : i32
      %dma_start3A_273 = arith.constant 0 : i32
      %dma_start3A_274 = tpu.memref_slice %arg6[%dma_start3A_260, %dma_start3A_272, %dma_start3A_273] : memref<4x128x64xf32, #tpu.memory_space<vmem>> -> memref<1x128x64xf32, #tpu.memory_space<vmem>>
      %dma_start3A_275 = tpu.memref_squeeze %dma_start3A_274 : memref<1x128x64xf32, #tpu.memory_space<vmem>> -> memref<128x64xf32, #tpu.memory_space<vmem>>
      tpu.enqueue_dma source(%dma_start3A_275 : memref<128x64xf32, #tpu.memory_space<vmem>>) target(%dma_start3A_271 : memref<128x64xf32, #tpu.memory_space<hbm>>) target_semaphore(%dma_start3A_269 : memref<!tpu.dma_semaphore, #tpu.memory_space<semaphore_mem>>)
    }
    %scan3A_38 = arith.constant 50 : i32
    %add3A_39 = arith.constant 25344 : i32
    %add3A_40 = arith.addi %mul3A_2, %add3A_39 : i32
    %dma_wait3A = arith.constant 2 : i32
    %dma_wait3A_41 = arith.constant 2 : i32
    %dma_wait3A_42 = arith.constant 0 : i32
    %dma_wait3A_43 = arith.constant 0 : i32
    %dma_wait3A_44 = tpu.memref_slice %arg6[%dma_wait3A, %dma_wait3A_42, %dma_wait3A_43] : memref<4x128x64xf32, #tpu.memory_space<vmem>> -> memref<1x128x64xf32, #tpu.memory_space<vmem>>
    %dma_wait3A_45 = tpu.memref_squeeze %dma_wait3A_44 : memref<1x128x64xf32, #tpu.memory_space<vmem>> -> memref<128x64xf32, #tpu.memory_space<vmem>>
    %dma_wait3A_46 = arith.constant 0 : i32
    %dma_wait3A_47 = tpu.memref_slice %arg4[%add3A_40, %dma_wait3A_46] : memref<819200x64xf32, #tpu.memory_space<hbm>> -> memref<128x64xf32, #tpu.memory_space<hbm>>
    %dma_wait3A_48 = tpu.memref_slice %arg8[%dma_wait3A_41] : memref<4x!tpu.dma_semaphore, #tpu.memory_space<semaphore_mem>> -> memref<1x!tpu.dma_semaphore, #tpu.memory_space<semaphore_mem>>
    %dma_wait3A_49 = tpu.memref_squeeze %dma_wait3A_48 : memref<1x!tpu.dma_semaphore, #tpu.memory_space<semaphore_mem>> -> memref<!tpu.dma_semaphore, #tpu.memory_space<semaphore_mem>>
    %dma_wait3A_50 = arith.constant 0 : i32
    %dma_wait3A_51 = tpu.memref_slice %arg4[%add3A_40, %dma_wait3A_50] : memref<819200x64xf32, #tpu.memory_space<hbm>> -> memref<128x64xf32, #tpu.memory_space<hbm>>
    %dma_wait3A_52 = arith.constant 0 : i32
    %dma_wait3A_53 = arith.constant 0 : i32
    %dma_wait3A_54 = tpu.memref_slice %arg6[%dma_wait3A, %dma_wait3A_52, %dma_wait3A_53] : memref<4x128x64xf32, #tpu.memory_space<vmem>> -> memref<1x128x64xf32, #tpu.memory_space<vmem>>
    %dma_wait3A_55 = tpu.memref_squeeze %dma_wait3A_54 : memref<1x128x64xf32, #tpu.memory_space<vmem>> -> memref<128x64xf32, #tpu.memory_space<vmem>>
    tpu.wait_dma2 semaphore(%dma_wait3A_49 : memref<!tpu.dma_semaphore, #tpu.memory_space<semaphore_mem>>) src(%dma_wait3A_55 : memref<128x64xf32, #tpu.memory_space<vmem>>) dst(%dma_wait3A_51 : memref<128x64xf32, #tpu.memory_space<hbm>>)
    %add3A_56 = arith.constant 25472 : i32
    %add3A_57 = arith.addi %mul3A_2, %add3A_56 : i32
    %dma_wait3A_58 = arith.constant 3 : i32
    %dma_wait3A_59 = arith.constant 3 : i32
    %dma_wait3A_60 = arith.constant 0 : i32
    %dma_wait3A_61 = arith.constant 0 : i32
    %dma_wait3A_62 = tpu.memref_slice %arg6[%dma_wait3A_58, %dma_wait3A_60, %dma_wait3A_61] : memref<4x128x64xf32, #tpu.memory_space<vmem>> -> memref<1x128x64xf32, #tpu.memory_space<vmem>>
    %dma_wait3A_63 = tpu.memref_squeeze %dma_wait3A_62 : memref<1x128x64xf32, #tpu.memory_space<vmem>> -> memref<128x64xf32, #tpu.memory_space<vmem>>
    %dma_wait3A_64 = arith.constant 0 : i32
    %dma_wait3A_65 = tpu.memref_slice %arg4[%add3A_57, %dma_wait3A_64] : memref<819200x64xf32, #tpu.memory_space<hbm>> -> memref<128x64xf32, #tpu.memory_space<hbm>>
    %dma_wait3A_66 = tpu.memref_slice %arg8[%dma_wait3A_59] : memref<4x!tpu.dma_semaphore, #tpu.memory_space<semaphore_mem>> -> memref<1x!tpu.dma_semaphore, #tpu.memory_space<semaphore_mem>>
    %dma_wait3A_67 = tpu.memref_squeeze %dma_wait3A_66 : memref<1x!tpu.dma_semaphore, #tpu.memory_space<semaphore_mem>> -> memref<!tpu.dma_semaphore, #tpu.memory_space<semaphore_mem>>
    %dma_wait3A_68 = arith.constant 0 : i32
    %dma_wait3A_69 = tpu.memref_slice %arg4[%add3A_57, %dma_wait3A_68] : memref<819200x64xf32, #tpu.memory_space<hbm>> -> memref<128x64xf32, #tpu.memory_space<hbm>>
    %dma_wait3A_70 = arith.constant 0 : i32
    %dma_wait3A_71 = arith.constant 0 : i32
    %dma_wait3A_72 = tpu.memref_slice %arg6[%dma_wait3A_58, %dma_wait3A_70, %dma_wait3A_71] : memref<4x128x64xf32, #tpu.memory_space<vmem>> -> memref<1x128x64xf32, #tpu.memory_space<vmem>>
    %dma_wait3A_73 = tpu.memref_squeeze %dma_wait3A_72 : memref<1x128x64xf32, #tpu.memory_space<vmem>> -> memref<128x64xf32, #tpu.memory_space<vmem>>
    tpu.wait_dma2 semaphore(%dma_wait3A_67 : memref<!tpu.dma_semaphore, #tpu.memory_space<semaphore_mem>>) src(%dma_wait3A_73 : memref<128x64xf32, #tpu.memory_space<vmem>>) dst(%dma_wait3A_69 : memref<128x64xf32, #tpu.memory_space<hbm>>)
    return
  }
}

</mosaic_0001>

<sc_bundles>
// kernel: _lookup_normalize.3.cloned.1.call-start
scs
__scs_entry_jumppad:
0x0: {  	(pc) =	sbr.rel $0x88, $3  }
0x1: {  	(tag) =	ssettag $0x0;
	lr =	simm.s32 $0x1  }
0x2: {  	[smem:$0x3F9F] =	sst lr;
	_ =	strace $0xD0000000  }
0x3: {  	_ = 	snop  }
0x4: {  	_ = 	snop  }
0x5: {  	_ = 	snop  }
0x6: {  	_ = 	snop  }
0x7: {  	_ = 	snop  }
__scs_overlays_trampoline_lowered:
0x8: {  	[smem:$0x3FAE] =	sst s0  }
0x9: {  	[smem:$0x3FAF] =	sst s1  }
0xa: {  	[smem:$0x3FB0] =	sst s2  }
0xb: {  	[smem:$0x3FB1] =	sst s3  }
0xc: {  	[smem:$0x3FB2] =	sst s4  }
0xd: {  	[smem:$0x3FB3] =	sst s5  }
0xe: {  	[smem:$0x3FB4] =	sst s6  }
0xf: {  	[smem:$0x3FB5] =	sst s7  }
0x10: {  	[smem:$0x3FB6] =	sst s8  }
0x11: {  	[smem:$0x3FB7] =	sst s9;
	s0 =	simm.s32 @!p0 $0x0  }
0x12: {  	s1 =	sld [smem:$0x3F9D];
	s0 =	simm.s32 @p0 $0x1  }
0x13: {  	[smem:$0x3FB8] =	sst s0;
	s0 =	simm.s32 @!p1 $0x0  }
0x14: {  	s2 =	sld [smem:$0x3F9C];
	s0 =	simm.s32 @p1 $0x1  }
0x15: {  	[smem:$0x3FB9] =	sst s0;
	s0 =	simm.s32 @!p2 $0x0  }
0x16: {  	s3 =	sld [smem:$0x3FDB];
	s0 =	simm.s32 @p2 $0x1  }
0x17: {  	s4 =	simm.s32 $0x1BF5;
	[smem:$0x3FBB] =	sst s0  }
0x18: {  	s0 =	sld [smem:$0x3F9E];
	_ =	swait.ge [sflag:s4], $0x0  }
0x19: {  	s7 =	sld [smem:$0x3F9F]  }
0x1a: {  	s8 =	sadd.s32 $0xFFFFE003, lr  }
0x1b: {  	s9 =	sadd.s32 $0xFFFFFEF7, lr;
	s5 =	simm.s32 $0xFFFFFFFF;
	p2 =	slt.u32 s8, $0xFFFFF086  }
0x1c: {  	p1 =	slt.u32 s9, $0xF7A;
	s5 =	simm.s32 @!p2 $0x0  }
0x1d: {  	s5 =	simm.s32 @p1 $0x1;
	p0 =	seq.s32 s7, s2  }
0x1e: {  	s7 =	smul.u32 @!p0 $0xF7A, s2;
	p2 =	seq.s32 @!p0 s5, $0x0  }
0x1f: {  	s9 =	smul.u32 $0xF7A, s1;
	s8 =	simm.s32 @!p0 $0x1BF5;
	p2 =	por !p2, p0  }
0x20: {  	[sflag:s8] =	ssyncset.s32 @!p0 $0xFFFFF086;
	s6 =	sadd.s32 @!p0 s3, s7;
	s7 =	simm.s32 @!p0 $0x108  }
0x21: {  	s3 =	sadd.s32 s3, s9;
	s6 =	sadd.s32 @!p0 $0x88, s6;
	s7 =	simm.s32 @p2 $0x1082  }
0x22: {  	[simem:s7], [sflag:s8] =	dma.local @!p0 [hbm:s6], $0xF7A  }
0x23: {  	s9 =	sor.u32 $0xD0000000, s2;
	s6 =	simm.s32 $0x108;
	_ =	swait.ge @!p0 [sflag:s8], $0x0  }
0x24: {  	s3 =	sadd.s32 $0x88, s3;
	s6 =	simm.s32 @!p1 $0x1082;
	[sflag:s4] =	ssyncset.s32 $0xFFFFF086  }
0x25: {  	[simem:s6], [sflag:s4] =	dma.local [hbm:s3], $0xF7A  }
0x26: {  	[smem:$0x3F9F] =	sst s1;
	(tag) =	ssettag s2;
	_ =	strace s9  }
0x27: {  	s1 =	sld [smem:$0x3FAF]  }
0x28: {  	s2 =	sld [smem:$0x3FB0]  }
0x29: {  	s4 =	sld [smem:$0x3FB2]  }
0x2a: {  	p0 =	seq.s32 s5, $0x0;
	s5 =	sld [smem:$0x3FB3]  }
0x2b: {  	s6 =	sld [smem:$0x3FB4]  }
0x2c: {  	s7 =	sld [smem:$0x3FB5]  }
0x2d: {  	s3 =	simm.s32 $0x108;
	s8 =	sld [smem:$0x3FB6]  }
0x2e: {  	s3 =	simm.s32 @!p0 $0x1082;
	s9 =	sld [smem:$0x3FB7]  }
0x2f: {  	lr =	sadd.s32 s0, s3;
	s0 =	sld [smem:$0x3FAE]  }
0x30: {  	s3 =	sld [smem:$0x3FB1]  }
0x31: {  	[smem:$0x3FBA] =	sst s10  }
0x32: {  	s10 =	sld [smem:$0x3FB8];
	_ =	sdelay $0x3  }
0x33: {  	p0 =	seq.s32 s10, $0x1;
	s10 =	sld [smem:$0x3FBA];
	_ =	sdelay $0x3  }
0x34: {  	[smem:$0x3FBA] =	sst s10  }
0x35: {  	s10 =	sld [smem:$0x3FB9];
	_ =	sdelay $0x3  }
0x36: {  	p1 =	seq.s32 s10, $0x1;
	s10 =	sld [smem:$0x3FBA];
	_ =	sdelay $0x3  }
0x37: {  	[smem:$0x3FBA] =	sst s10  }
0x38: {  	s10 =	sld [smem:$0x3FBB]  }
0x39: {  	_ = 	snop;
	(pc) =	sbr.ind lr, $3  }
0x3a: {  	_ = 	snop  }
0x3b: {  	_ = 	snop  }
0x3c: {  	p2 =	seq.s32 s10, $0x1;
	s10 =	sld [smem:$0x3FBA]  }
0x3d: {  	_ =	shalt  }
0x3e: {  	_ =	shalt  }
0x3f: {  	_ =	shalt  }
0x40: {  	_ =	shalt  }
0x41: {  	_ =	shalt  }
0x42: {  	_ =	shalt  }
0x43: {  	_ =	shalt  }
0x44: {  	_ =	shalt  }
0x45: {  	_ =	shalt  }
0x46: {  	_ =	shalt  }
0x47: {  	_ =	shalt  }
0x48: {  	_ =	shalt  }
0x49: {  	_ =	shalt  }
0x4a: {  	_ =	shalt  }
0x4b: {  	_ =	shalt  }
0x4c: {  	_ =	shalt  }
0x4d: {  	_ =	shalt  }
0x4e: {  	_ =	shalt  }
0x4f: {  	_ =	shalt  }
0x50: {  	_ =	shalt  }
0x51: {  	_ =	shalt  }
0x52: {  	_ =	shalt  }
0x53: {  	_ =	shalt  }
0x54: {  	_ =	shalt  }
0x55: {  	_ =	shalt  }
0x56: {  	_ =	shalt  }
0x57: {  	_ =	shalt  }
0x58: {  	_ =	shalt  }
0x59: {  	_ =	shalt  }
0x5a: {  	_ =	shalt  }
0x5b: {  	_ =	shalt  }
0x5c: {  	_ =	shalt  }
0x5d: {  	_ =	shalt  }
0x5e: {  	_ =	shalt  }
0x5f: {  	_ =	shalt  }
0x60: {  	_ =	shalt  }
0x61: {  	_ =	shalt  }
0x62: {  	_ =	shalt  }
0x63: {  	_ =	shalt  }
0x64: {  	_ =	shalt  }
0x65: {  	_ =	shalt  }
0x66: {  	_ =	shalt  }
0x67: {  	_ =	shalt  }
0x68: {  	_ =	shalt  }
0x69: {  	_ =	shalt  }
0x6a: {  	_ =	shalt  }
0x6b: {  	_ =	shalt  }
0x6c: {  	_ =	shalt  }
0x6d: {  	_ =	shalt  }
0x6e: {  	_ =	shalt  }
0x6f: {  	_ =	shalt  }
0x70: {  	_ =	shalt  }
0x71: {  	_ =	shalt  }
0x72: {  	_ =	shalt  }
0x73: {  	_ =	shalt  }
0x74: {  	_ =	shalt  }
0x75: {  	_ =	shalt  }
0x76: {  	_ =	shalt  }
0x77: {  	_ =	shalt  }
0x78: {  	_ =	shalt  }
0x79: {  	_ =	shalt  }
0x7a: {  	_ =	shalt  }
0x7b: {  	_ =	shalt  }
0x7c: {  	_ =	shalt  }
0x7d: {  	_ =	shalt  }
0x7e: {  	_ =	shalt  }
0x7f: {  	_ =	shalt  }
0x80: {  	_ =	shalt  }
0x81: {  	_ =	shalt  }
0x82: {  	_ =	shalt  }
0x83: {  	_ =	shalt  }
0x84: {  	_ =	shalt  }
0x85: {  	_ =	shalt  }
0x86: {  	_ =	shalt  }
0x87: {  	_ =	shalt  }
.Lfunc_end0:
.L_simem_size_0:
called_computation.1_lowered:
.L_overlay_start_0:
0x88: {  	s2 =	sld [smem:$0x3FD9]  }
0x89: {  	s3 =	sld [smem:$0x3FFE];
	_ =	sdelay $0x1  }
0x8a: {  	s1 =	srdreg.scid  }
0x8b: {  	s0 =	sand.u32 $0x1, s1  }
0x8c: {  	s17 =	sshll.u32 s0, $0xA;
	s2 =	sadd.s32 s3, s2  }
0x8d: {  	s2 =	sadd.s32 s2, s17  }
0x8e: {  	[smem:$0x3FC6] =	sst s2  }
0x8f: {  	_ = 	snop  }
0x90: {  	s2 =	sld [smem:$0x3FC9]  }
0x91: {  	s18 =	sld [smem:$0x3FD0];
	(tm) =	ssettm $0x1  }
0x92: {  	s4 =	sld [smem:$0x3FFB];
	_ =	sdelay $0x3  }
0x93: {  	_ =	strace s4  }
0x94: {  	s4 =	sld [smem:$0x3FFC];
	_ =	sdelay $0x3  }
0x95: {  	_ =	strace s4  }
0x96: {  	s4 =	sld [smem:$0x3FFD];
	_ =	sdelay $0x3  }
0x97: {  	_ =	strace s4  }
0x98: {  	_ =	strace $0x8FFFFFFF  }
0x99: {  	s19 =	sld [smem:$0x3FDB];
	_ =	sdelay $0x1  }
0x9a: {  	s5 =	simm.s32 $_scs_section_size  }
0x9b: {  	s6 =	simm.s32 $_size__tile_overlayer_lowered;
	s7 =	simm.s32 $_tile_overlayer_lowered  }
0x9c: {  	s22 =	simm.s32 $0x1BFF;
	s21 =	sshll.u32 s7, $0x1;
	s4 =	sadd.s32 s5, s19  }
0x9d: {  	s8 =	simm.s32 $0x0;
	s20 =	sshll.u32 s6, $0x1;
	s6 =	sadd.s32 s21, s4  }
0x9e: {  	[timem:s8], [sflag:s22] =	dma.local [hbm:s6], s20  }
0x9f: {  	_ =	swait.ge [sflag:s22], s20  }
0xa0: {  	s5 =	ssub.s32 $0x0, s20;
	[sflag:s22] =	ssyncset.done $0x0  }
0xa1: {  	[sflag:s22] =	ssyncadd.s32 s5;
	_ =	sdelay $0x1  }
0xa2: {  	s23 =	simm.s32 $0x1B8B  }
0xa3: {  	_ =	swait.ge [sflag:s23], $0x1  }
0xa4: {  	[sflag:s23] =	ssyncset.done $0x0  }
0xa5: {  	s25 =	simm.s32 $0x1B8E;
	s24 =	sld [smem:$0x3FFE];
	[sflag:s23] =	ssyncadd.s32 $0xFFFFFFFF  }
0xa6: {  	s26 =	simm.s32 $execute0_lowered;
	[smem:$0x3FD2] =	sst s25  }
0xa7: {  	s6 =	sshll.u32 s26, $0x1;
	_ =	strace $0x80000046;
	[dreg:$0x1] =	wrdreg $0xFFFFFFFF  }
0xa8: {  	s28 =	simm.s32 $_size_execute0_lowered;
	s4 =	sadd.s32 s4, s6;
	[dreg:$0x0] =	wrdreg $0x0  }
0xa9: {  	s6 =	sshll.u32 s28, $0x1;
	[dreg:$0x2] =	wrdreg s4  }
0xaa: {  	[dreg:$0x3] =	wrdreg s6  }
0xab: {  	[dreg:$0x4] =	wrdreg $0xC0  }
0xac: {  	_ =	task [dreg:s8], $0x5FFFF  }
0xad: {  	[dreg:$0x1] =	wrdreg $0xFFFFFFFF  }
0xae: {  	[dreg:$0x0] =	wrdreg $0x60  }
0xaf: {  	[dreg:$0x2] =	wrdreg s2  }
0xb0: {  	[dreg:$0x3] =	wrdreg s24  }
0xb1: {  	[dreg:$0x4] =	wrdreg s18  }
0xb2: {  	[dreg:$0x5] =	wrdreg $0x9  }
0xb3: {  	_ =	task.clear_ibuf [dreg:s8], $0x6FFFF;
	_ =	strace $0x90000046  }
0xb4: {  	s29 =	simm.s32 $0x9;
	_ =	strace $0x80000048  }
0xb5: {  	_ =	swait.ge [sflag:s29], $0x1  }
0xb6: {  	[sflag:s29] =	ssyncadd.s32 $0xFFFFFFFF  }
0xb7: {  	_ =	strace $0x90000048  }
0xb8: {  	_ =	sfence  }
0xb9: {  	s30 =	sld [smem:$0x0];
	_ =	sdelay $0x2  }
0xba: {  	s31 =	sshll.u32 s1, $0xD;
	s1 =	sshrl.u32 s1, $0x2  }
0xbb: {  	s3 =	sand.u32 $0x4000, s31;
	s1 =	sadd.s32 s1, s30  }
0xbc: {  	s0 =	sor.u32 s3, s0;
	s1 =	sshll.u32 s1, $0x11  }
0xbd: {  	s0 =	sor.u32 s1, s0  }
0xbe: {  	s0 =	sadd.s32 $0x8F2B, s0  }
0xbf: {  	[sflag:s0] =	ssyncadd.remote.s32 $0x1  }
0xc0: {  	_ =	sfence.sel $0xFFFF  }
0xc1: {  	[dreg:$0x0] =	wrdreg $0xFFFFFFFF;
	(pc) =	sbr.abs _section_cstart, $3  }
0xc2: {  	[dreg:$0x1] =	wrdreg $0xFFFFFFFF  }
0xc3: {  	_ =	task.clear_ibuf [dreg:s8], $0x2FFFF;
	_ =	strace $0x9FFFFFFF  }
0xc4: {  	(tm) =	ssettm $0x7FFFFFFF  }
0xc5: {  	_ =	shalt  }
tec
execute0_lowered:
.L_overlay_start_1:
0x0: {  	(tag) =	ssettag $0x1  }
0x1: {  	s1 =	srdreg.scid;
	v0 =	vimm.s32 $0xFEDCBA98  }
0x2: {  	s0 =	stileid.u32;
	s5 =	rddreg [dreg:$0x0];
	v1 =	vimm.s32 $0x76543210;
	v2 =	vimm.s32 $0xBA98FEDC;
	v3 =	vimm.s32 $0x32107654  }
0x3: {  	s4 =	rddreg [dreg:$0x1];
	s2 =	simm.s32 $0x0;
	v4 =	vimm.s32 $0xDCFE98BA;
	v5 =	vimm.s32 $0x54761032;
	s11 =	simm.s32 $0x6400  }
0x4: {  	v6 =	vimm.s32 $0xEFCDAB89;
	v7 =	vimm.s32 $0x67452301;
	s12 =	simm.s32 $0x8400;
	s13 =	simm.s32 $0xA400;
	s14 =	simm.s32 $0x1  }
0x5: {  	s15 =	simm.s32 $0xC400;
	s16 =	simm.s32 $0x2;
	s17 =	simm.s32 $0x3;
	v0 =	vunpack.c.l.s4.s8 v0;
	v1 =	vunpack.c.l.s4.s8 v1;
	v2 =	vunpack.c.l.s4.s8 v2  }
0x6: {  	s18 =	simm.s32 $0x4;
	s19 =	simm.s32 $0x7;
	s20 =	simm.s32 $0x8;
	v3 =	vunpack.c.l.s4.s8 v3;
	v4 =	vunpack.c.l.s4.s8 v4;
	v5 =	vunpack.c.l.s4.s8 v5  }
0x7: {  	s3 =	sand.u32 $0x1, s1;
	s31 =	sshll.u32 s0, $0x1;
	s1 =	rddreg [dreg:$0x2];
	v6 =	vunpack.c.l.s4.s8 v6;
	v7 =	vunpack.c.l.s4.s8 v7;
	v0 =	vunpack.c.0.s8.s32 v0  }
0x8: {  	s21 =	simm.s32 $0x0;
	[smem:$0x7FF] =	sst s2;
	s6 =	sor.u32 s3, s31;
	v2 =	vunpack.c.0.s8.s32 v2;
	v3 =	vunpack.c.0.s8.s32 v3;
	v4 =	vunpack.c.0.s8.s32 v4  }
0x9: {  	s4 =	sadd.s32 $0xF44800, s4;
	s8 =	ssub.s32 $0x2, s3;
	s7 =	smul.u32 $0xC80, s6;
	v5 =	vunpack.c.0.s8.s32 v5;
	v6 =	vunpack.c.0.s8.s32 v6;
	v7 =	vunpack.c.0.s8.s32 v7  }
0xa: {  	s3 =	rddreg [dreg:$0x3];
	s9 =	smul.u32 $0x32000, s6;
	s10 =	sshrl.u32 s8, $0x1;
	v1 =	vunpack.c.0.s8.s32 v1;
	v2 =	vcombine.low v3, v2  }
0xb: {  	_ =	strace $0x80000047;
	s6 =	smul.u32 $0x190000, s6;
	s8 =	ssub.s32 s8, s10;
	v3 =	vcombine.low v5, v4;
	v4 =	vcombine.low v7, v6;
	v0 =	vand.u32 $0xF, v0  }
0xc: {  	s10 =	simm.s32 $0x80;
	s5 =	sadd.s32 s5, s7;
	s9 =	sadd.s32 s9, s1;
	v0 =	vcombine.low v0, v1  }
0xd: {  	s7 =	smax.u32 s8, $0x1;
	s8 =	sadd.s32 $0x400, s9;
	s9 =	simm.s32 $0x9;
	v1 =	vand.u32 $0xF, v2;
	v2 =	vand.u32 $0xF, v3;
	v3 =	vand.u32 $0xF, v4  }
.LBB2_1:
0xe: {  	[tilespmem:s2], [sflag:$0x9] =	stream.linear.gather [hbm4b:s5+s2], $0x6400, $0x38;
	[tilespmem:$0xE400] =	vst v63  }
0xf: {  	_ =	swait.ge [sflag:s9], $0x6400  }
0x10: {  	[sflag:s9] =	ssyncset.done $0x0  }
0x11: {  	s22 =	simm.s32 $0x0;
	s23 =	simm.s32 $0x40;
	[sflag:s9] =	ssyncadd.s32 $0xFFFF9C00  }
.LBB2_2:
0x12: {  	p0 =	sne.s32 s23, $0x18FC0;
	v4 =	vld [tilespmem:s22+$0x0];
	_ =	sdelay $0x3  }
.Ltmp0:
0x13: {  	(pc) =	sbr.rel @p0 .LBB2_2-.Ltmp0, $4  }
0x14: {  	v5 =	vshll.u32 v4, $0x1  }
0x15: {  	vm0 =	vgt.s32 v4, $0x7A1FF;
	v4 =	vadd.s32 $0xFFF0BC01, v5  }
0x16: {  	v4 =	vsel vm0, v4, v5  }
0x17: {  	[tilespmem:s22+$0x0] =	vst v4;
	s22 =	sshra.s32 s23, $0x2;
	s23 =	sadd.s32 $0x40, s23  }
0x18: {  	v4 =	vld [tilespmem:s22+$0x0];
	_ =	sdelay $0x4  }
0x19: {  	v5 =	vshll.u32 v4, $0x1  }
0x1a: {  	vm0 =	vgt.s32 v4, $0x7A1FF;
	v4 =	vadd.s32 $0xFFF0BC01, v5  }
0x1b: {  	v4 =	vsel vm0, v4, v5  }
0x1c: {  	[tilespmem:s22+$0x0] =	vst v4;
	s22 =	simm.s32 $0x0  }
0x1d: {  	[tilespmem:s11], [sflag:$0x1] =	stream.indirect.gather [hbm4b:s4+s10], $0x40, s22, s10, $0xb8;
	[tilespmem:$0xE400] =	vst v63  }
0x1e: {  	_ = 	snop  }
0x1f: {  	[tilespmem:s12], [sflag:$0x2] =	stream.indirect.gather [hbm4b:s4+s10], $0x40, s10, s10, $0xb8;
	[tilespmem:$0xE400] =	vst v63  }
.LBB2_4:
0x20: {  	p0 =	seq.s32 s22, $0x0  }
0x21: {  	s24 =	sshll.u32 s22, $0x2;
	s25 =	simm.s32 @!p0 $0x7  }
0x22: {  	s23 =	sor.u32 $0x2, s24;
	_ =	swait.ge @!p0 [sflag:s25], $0x2000  }
0x23: {  	s26 =	sshll.u32 s23, $0x7;
	[sflag:s25] =	ssyncset.done @!p0 $0x0  }
0x24: {  	s31 =	sand.u32 $0x3FFFFF80, s26;
	[sflag:s25] =	ssyncadd.s32 @!p0 $0xFFFFE000  }
0x25: {  	[tilespmem:s13], [sflag:$0x3] =	stream.indirect.gather [hbm4b:s4+s10], $0x40, s31, s10, $0xb8;
	[tilespmem:$0xE400] =	vst v63  }
0x26: {  	_ =	swait.ge [sflag:s14], $0x2000  }
0x27: {  	[sflag:s14] =	ssyncset.done $0x0  }
0x28: {  	s25 =	simm.s32 $0x0;
	[sflag:s14] =	ssyncadd.s32 $0xFFFFE000  }
0x29: {  	v6 =	vld [tilespmem:s25+$0x6440]  }
0x2a: {  	v15 =	vld [tilespmem:s25+$0x6450];
	_ =	sdelay $0x1  }
0x2b: {  	v12 =	vld [tilespmem:s25+$0x6460];
	_ =	sdelay $0x1  }
0x2c: {  	v4 =	vld [tilespmem:s25+$0x6470]  }
0x2d: {  	v5 =	vmul.f32 v6, v6;
	v7 =	vmul.f32 v15, v15;
	_ =	sdelay $0x1  }
0x2e: {  	v5 =	vadd.f32 v7, v5;
	v7 =	vmul.f32 v12, v12;
	_ =	sdelay $0x1  }
0x2f: {  	v8 =	vmul.f32 v4, v4;
	v5 =	vadd.f32 v7, v5;
	_ =	sdelay $0x1  }
0x30: {  	v5 =	vadd.f32 v8, v5  }
0x31: {  	v11 =	vld [tilespmem:s25+$0x6480]  }
0x32: {  	v7 =	vld [tilespmem:s25+$0x6490];
	v8 =	vperm.xlane v5, v0;
	_ =	sdelay $0x1  }
0x33: {  	v9 =	vld [tilespmem:s25+$0x64A0];
	v13 =	vadd.f32 v5, v8  }
0x34: {  	v10 =	vld [tilespmem:s25+$0x6410]  }
0x35: {  	v5 =	vld [tilespmem:s25+$0x64B0];
	v14 =	vperm.xlane v13, v1  }
0x36: {  	v16 =	vmul.f32 v11, v11;
	v17 =	vmul.f32 v7, v7;
	v8 =	vld [tilespmem:s25+$0x6400]  }
0x37: {  	v13 =	vadd.f32 v13, v14  }
0x38: {  	v17 =	vadd.f32 v17, v16;
	v16 =	vld [tilespmem:s25+$0x6420];
	v14 =	vmul.f32 v9, v9  }
0x39: {  	v19 =	vperm.xlane v13, v2  }
0x3a: {  	v18 =	vld [tilespmem:s25+$0x6430];
	v20 =	vmul.f32 v5, v5;
	v14 =	vadd.f32 v14, v17  }
0x3b: {  	v21 =	vmul.f32 v10, v10;
	v17 =	vmul.f32 v8, v8;
	v19 =	vadd.f32 v13, v19  }
0x3c: {  	v20 =	vadd.f32 v20, v14;
	v13 =	vld [tilespmem:s25+$0x64C0]  }
0x3d: {  	v22 =	vmul.f32 v16, v16;
	v21 =	vadd.f32 v21, v17;
	v17 =	vld [tilespmem:s25+$0x64D0];
	v23 =	vperm.xlane v19, v3  }
0x3e: {  	v24 =	vperm.xlane v20, v0  }
0x3f: {  	v14 =	vld [tilespmem:s25+$0x64E0];
	v21 =	vadd.f32 v22, v21;
	v22 =	vmul.f32 v18, v18;
	v19 =	vadd.f32 v19, v23  }
0x40: {  	v20 =	vadd.f32 v20, v24  }
0x41: {  	v21 =	vadd.f32 v22, v21;
	v23 =	vmul.f32 v13, v13;
	v22 =	vmax.f32 v19, $1.000000020e-24;
	v19 =	vld [tilespmem:s25+$0x64F0]  }
0x42: {  	v25 =	vmul.f32 v17, v17;
	v24 =	vshrl.u32 v22, $0x1;
	v22 =	vmul.f32 $5.000000000e-01, v22  }
0x43: {  	v26 =	vperm.xlane v21, v0;
	v27 =	vperm.xlane v20, v1;
	v24 =	vsub.s32 $0x5F3759DF, v24  }
0x44: {  	v23 =	vadd.f32 v25, v23;
	v25 =	vmul.f32 v14, v14;
	v28 =	vmul.f32 v24, v22  }
0x45: {  	v21 =	vadd.f32 v21, v26;
	v20 =	vadd.f32 v20, v27  }
0x46: {  	v23 =	vadd.f32 v25, v23;
	v26 =	vmul.f32 v24, v28;
	v25 =	vmul.f32 v19, v19  }
0x47: {  	v27 =	vperm.xlane v21, v1;
	v28 =	vperm.xlane v20, v2  }
0x48: {  	v26 =	vsub.f32 $1.500000000e+00, v26;
	v23 =	vadd.f32 v25, v23  }
0x49: {  	v21 =	vadd.f32 v21, v27;
	v20 =	vadd.f32 v20, v28  }
0x4a: {  	v24 =	vmul.f32 v24, v26;
	v25 =	vperm.xlane v23, v0  }
0x4b: {  	v26 =	vperm.xlane v21, v2;
	v27 =	vperm.xlane v20, v3  }
0x4c: {  	v22 =	vmul.f32 v24, v22;
	v23 =	vadd.f32 v23, v25  }
0x4d: {  	v21 =	vadd.f32 v21, v26;
	v20 =	vadd.f32 v20, v27  }
0x4e: {  	v22 =	vmul.f32 v22, v24  }
0x4f: {  	v25 =	vperm.xlane v21, v3;
	v20 =	vmax.f32 v20, $1.000000020e-24;
	v26 =	vperm.xlane v23, v1  }
0x50: {  	v27 =	vsub.f32 $1.500000000e+00, v22;
	v22 =	vshrl.u32 v20, $0x1;
	v20 =	vmul.f32 $5.000000000e-01, v20  }
0x51: {  	v21 =	vadd.f32 v21, v25;
	v23 =	vadd.f32 v23, v26;
	v22 =	vsub.s32 $0x5F3759DF, v22  }
0x52: {  	v26 =	vmul.f32 v27, v24;
	v28 =	vmul.f32 v22, v20  }
0x53: {  	v25 =	vmax.f32 v21, $1.000000020e-24;
	v24 =	vperm.xlane v23, v2  }
0x54: {  	s26 =	simm.s32 $0x400;
	v27 =	vshrl.u32 v25, $0x1;
	v21 =	vmul.f32 $8.000000000e+00, v26;
	v26 =	vmul.f32 v22, v28  }
.LBB2_5:
0x55: {  	p1 =	sne.s32 s26, $0x7C00;
	v27 =	vsub.s32 $0x5F3759DF, v27;
	v25 =	vmul.f32 $5.000000000e-01, v25;
	s28 =	smov.u32 s26;
	s26 =	sadd.s32 $0x400, s26  }
0x56: {  	v23 =	vadd.f32 v23, v24;
	v15 =	vmul.f32 v21, v15;
	v26 =	vsub.f32 $1.500000000e+00, v26  }
0x57: {  	v6 =	vmul.f32 v21, v6;
	v24 =	vmul.f32 v27, v25  }
0x58: {  	v12 =	vmul.f32 v21, v12;
	[tilespmem:s25+$0x6450] =	vst v15;
	v15 =	vperm.xlane v23, v3  }
0x59: {  	s28 =	sshra.s32 s28, $0x2;
	v22 =	vmul.f32 v22, v26;
	v24 =	vmul.f32 v27, v24;
	[tilespmem:s25+$0x6440] =	vst v6  }
0x5a: {  	v4 =	vmul.f32 v21, v4;
	v6 =	vld [tilespmem:s28+$0x6440];
	[tilespmem:s25+$0x6460] =	vst v12;
	v21 =	vadd.f32 v23, v15  }
0x5b: {  	v20 =	vmul.f32 v22, v20;
	v15 =	vld [tilespmem:s28+$0x6450];
	v23 =	vsub.f32 $1.500000000e+00, v24  }
0x5c: {  	v12 =	vld [tilespmem:s28+$0x6460];
	[tilespmem:s25+$0x6470] =	vst v4;
	v21 =	vmax.f32 v21, $1.000000020e-24  }
0x5d: {  	v20 =	vmul.f32 v20, v22;
	v4 =	vld [tilespmem:s28+$0x6470];
	v24 =	vshrl.u32 v21, $0x1;
	v21 =	vmul.f32 $5.000000000e-01, v21  }
0x5e: {  	v23 =	vmul.f32 v27, v23;
	v24 =	vsub.s32 $0x5F3759DF, v24  }
0x5f: {  	v20 =	vsub.f32 $1.500000000e+00, v20;
	v26 =	vmul.f32 v24, v21  }
0x60: {  	v27 =	vmul.f32 v6, v6;
	v25 =	vmul.f32 v23, v25  }
0x61: {  	v20 =	vmul.f32 v20, v22;
	v22 =	vmul.f32 v24, v26  }
0x62: {  	v26 =	vmul.f32 v15, v15;
	v25 =	vmul.f32 v25, v23  }
0x63: {  	v28 =	vmul.f32 v4, v4;
	v20 =	vmul.f32 $8.000000000e+00, v20;
	v22 =	vsub.f32 $1.500000000e+00, v22  }
0x64: {  	v26 =	vadd.f32 v26, v27;
	v27 =	vmul.f32 v12, v12;
	v25 =	vsub.f32 $1.500000000e+00, v25  }
0x65: {  	v11 =	vmul.f32 v20, v11;
	v22 =	vmul.f32 v24, v22  }
0x66: {  	v7 =	vmul.f32 v20, v7;
	v24 =	vadd.f32 v27, v26;
	v23 =	vmul.f32 v25, v23  }
0x67: {  	v9 =	vmul.f32 v20, v9;
	[tilespmem:s25+$0x6480] =	vst v11;
	v21 =	vmul.f32 v22, v21  }
0x68: {  	v5 =	vmul.f32 v20, v5;
	v24 =	vadd.f32 v28, v24;
	v23 =	vmul.f32 $8.000000000e+00, v23;
	v11 =	vld [tilespmem:s28+$0x6480];
	[tilespmem:s25+$0x6490] =	vst v7  }
0x69: {  	v7 =	vld [tilespmem:s28+$0x6490];
	[tilespmem:s25+$0x64A0] =	vst v9;
	v20 =	vmul.f32 v21, v22  }
0x6a: {  	v21 =	vperm.xlane v24, v0;
	v8 =	vmul.f32 v23, v8;
	v9 =	vld [tilespmem:s28+$0x64A0];
	[tilespmem:s25+$0x64B0] =	vst v5  }
0x6b: {  	v10 =	vmul.f32 v23, v10;
	v16 =	vmul.f32 v23, v16;
	v5 =	vld [tilespmem:s28+$0x64B0];
	v20 =	vsub.f32 $1.500000000e+00, v20  }
0x6c: {  	v18 =	vmul.f32 v23, v18;
	v21 =	vadd.f32 v24, v21;
	[tilespmem:s25+$0x6400] =	vst v8  }
0x6d: {  	v23 =	vmul.f32 v11, v11;
	[tilespmem:s25+$0x6420] =	vst v16;
	v16 =	vmul.f32 v20, v22  }
0x6e: {  	v20 =	vperm.xlane v21, v1;
	v8 =	vld [tilespmem:s28+$0x6400];
	v22 =	vmul.f32 v7, v7;
	[tilespmem:s25+$0x6410] =	vst v10  }
0x6f: {  	v10 =	vld [tilespmem:s28+$0x6410];
	v24 =	vmul.f32 v9, v9;
	[tilespmem:s25+$0x6430] =	vst v18;
	v25 =	vmul.f32 $8.000000000e+00, v16  }
0x70: {  	v20 =	vadd.f32 v21, v20;
	v18 =	vadd.f32 v22, v23;
	v21 =	vmul.f32 v5, v5  }
0x71: {  	v16 =	vld [tilespmem:s28+$0x6420];
	v13 =	vmul.f32 v25, v13;
	v17 =	vmul.f32 v25, v17  }
0x72: {  	v22 =	vperm.xlane v20, v2;
	v19 =	vmul.f32 v25, v19;
	v23 =	vadd.f32 v24, v18  }
0x73: {  	v14 =	vmul.f32 v25, v14;
	v18 =	vld [tilespmem:s28+$0x6430];
	v24 =	vmul.f32 v8, v8;
	[tilespmem:s25+$0x64C0] =	vst v13  }
0x74: {  	v20 =	vadd.f32 v20, v22;
	v25 =	vmul.f32 v10, v10;
	v21 =	vadd.f32 v21, v23;
	v13 =	vld [tilespmem:s28+$0x64C0];
	[tilespmem:s25+$0x64F0] =	vst v19  }
0x75: {  	[tilespmem:s25+$0x64D0] =	vst v17  }
0x76: {  	v23 =	vperm.xlane v20, v3;
	v19 =	vadd.f32 v25, v24;
	v22 =	vmul.f32 v16, v16;
	v17 =	vld [tilespmem:s28+$0x64D0];
	[tilespmem:s25+$0x64E0] =	vst v14;
	s25 =	smov.u32 s28  }
0x77: {  	v24 =	vperm.xlane v21, v0;
	v14 =	vld [tilespmem:s25+$0x64E0]  }
0x78: {  	v20 =	vadd.f32 v20, v23;
	v19 =	vadd.f32 v22, v19;
	v22 =	vmul.f32 v18, v18  }
0x79: {  	v21 =	vadd.f32 v21, v24  }
0x7a: {  	v20 =	vmax.f32 v20, $1.000000020e-24;
	v23 =	vmul.f32 v13, v13;
	v22 =	vadd.f32 v22, v19;
	v19 =	vld [tilespmem:s25+$0x64F0]  }
0x7b: {  	v24 =	vshrl.u32 v20, $0x1;
	v20 =	vmul.f32 $5.000000000e-01, v20;
	v25 =	vmul.f32 v17, v17  }
0x7c: {  	v27 =	vperm.xlane v21, v1;
	v24 =	vsub.s32 $0x5F3759DF, v24;
	v26 =	vperm.xlane v22, v0  }
0x7d: {  	v28 =	vmul.f32 v24, v20;
	v23 =	vadd.f32 v25, v23;
	v25 =	vmul.f32 v14, v14  }
0x7e: {  	v21 =	vadd.f32 v21, v27;
	v22 =	vadd.f32 v22, v26  }
0x7f: {  	v26 =	vmul.f32 v24, v28;
	v23 =	vadd.f32 v25, v23;
	v25 =	vmul.f32 v19, v19  }
0x80: {  	v28 =	vperm.xlane v21, v2;
	v27 =	vperm.xlane v22, v1  }
0x81: {  	v26 =	vsub.f32 $1.500000000e+00, v26;
	v23 =	vadd.f32 v25, v23  }
0x82: {  	v21 =	vadd.f32 v21, v28;
	v22 =	vadd.f32 v22, v27  }
0x83: {  	v24 =	vmul.f32 v24, v26;
	v25 =	vperm.xlane v23, v0  }
0x84: {  	v27 =	vperm.xlane v21, v3;
	v26 =	vperm.xlane v22, v2  }
0x85: {  	v20 =	vmul.f32 v24, v20;
	v23 =	vadd.f32 v23, v25  }
0x86: {  	v21 =	vadd.f32 v21, v27;
	v22 =	vadd.f32 v22, v26  }
0x87: {  	v20 =	vmul.f32 v20, v24  }
0x88: {  	v21 =	vmax.f32 v21, $1.000000020e-24;
	v26 =	vperm.xlane v23, v1;
	v25 =	vperm.xlane v22, v3  }
.Ltmp1:
0x89: {  	v28 =	vshrl.u32 v21, $0x1;
	v27 =	vsub.f32 $1.500000000e+00, v20;
	v20 =	vmul.f32 $5.000000000e-01, v21;
	(pc) =	sbr.rel @p1 .LBB2_5-.Ltmp1, $4  }
0x8a: {  	v23 =	vadd.f32 v23, v26;
	v21 =	vadd.f32 v22, v25;
	v22 =	vsub.s32 $0x5F3759DF, v28  }
0x8b: {  	v26 =	vmul.f32 v27, v24;
	v28 =	vmul.f32 v22, v20  }
0x8c: {  	v24 =	vperm.xlane v23, v2;
	v25 =	vmax.f32 v21, $1.000000020e-24  }
0x8d: {  	v21 =	vmul.f32 $8.000000000e+00, v26;
	v27 =	vshrl.u32 v25, $0x1;
	v26 =	vmul.f32 v22, v28  }
0x8e: {  	v23 =	vadd.f32 v23, v24;
	_ =	sdelay $0x1  }
0x8f: {  	v24 =	vperm.xlane v23, v3  }
0x90: {  	v25 =	vmul.f32 $5.000000000e-01, v25  }
0x91: {  	v27 =	vsub.s32 $0x5F3759DF, v27;
	v26 =	vsub.f32 $1.500000000e+00, v26;
	v23 =	vadd.f32 v23, v24  }
0x92: {  	v24 =	vmul.f32 v27, v25  }
0x93: {  	v22 =	vmul.f32 v22, v26;
	v23 =	vmax.f32 v23, $1.000000020e-24  }
0x94: {  	v24 =	vmul.f32 v27, v24;
	v26 =	vshrl.u32 v23, $0x1;
	v23 =	vmul.f32 $5.000000000e-01, v23  }
0x95: {  	v20 =	vmul.f32 v22, v20;
	v26 =	vsub.s32 $0x5F3759DF, v26  }
0x96: {  	v24 =	vsub.f32 $1.500000000e+00, v24;
	v28 =	vmul.f32 v26, v23  }
0x97: {  	v20 =	vmul.f32 v20, v22  }
0x98: {  	v24 =	vmul.f32 v27, v24;
	v27 =	vmul.f32 v26, v28  }
0x99: {  	v20 =	vsub.f32 $1.500000000e+00, v20  }
0x9a: {  	v25 =	vmul.f32 v24, v25;
	v27 =	vsub.f32 $1.500000000e+00, v27  }
0x9b: {  	v15 =	vmul.f32 v21, v15;
	v20 =	vmul.f32 v20, v22  }
0x9c: {  	v22 =	vmul.f32 v25, v24;
	v25 =	vmul.f32 v26, v27  }
0x9d: {  	v6 =	vmul.f32 v21, v6;
	v20 =	vmul.f32 $8.000000000e+00, v20  }
0x9e: {  	v12 =	vmul.f32 v21, v12;
	[tilespmem:s25+$0x6450] =	vst v15;
	v15 =	vsub.f32 $1.500000000e+00, v22;
	v22 =	vmul.f32 v25, v23  }
0x9f: {  	v4 =	vmul.f32 v21, v4;
	[tilespmem:s25+$0x6440] =	vst v6;
	v6 =	vmul.f32 v20, v11  }
0xa0: {  	[tilespmem:s25+$0x6460] =	vst v12;
	v11 =	vmul.f32 v15, v24;
	v12 =	vmul.f32 v22, v25  }
0xa1: {  	[tilespmem:s25+$0x6470] =	vst v4;
	v4 =	vmul.f32 v20, v7  }
0xa2: {  	[tilespmem:s25+$0x6480] =	vst v6;
	v6 =	vmul.f32 v20, v9;
	v7 =	vmul.f32 $8.000000000e+00, v11;
	v9 =	vsub.f32 $1.500000000e+00, v12  }
0xa3: {  	[tilespmem:s25+$0x6490] =	vst v4;
	v4 =	vmul.f32 v20, v5  }
0xa4: {  	[tilespmem:s25+$0x64A0] =	vst v6;
	v5 =	vmul.f32 v7, v8;
	v6 =	vmul.f32 v9, v25  }
0xa5: {  	[tilespmem:s25+$0x64B0] =	vst v4;
	v4 =	vmul.f32 v7, v16  }
0xa6: {  	v8 =	vmul.f32 v7, v10;
	[tilespmem:s25+$0x6400] =	vst v5;
	v5 =	vmul.f32 $8.000000000e+00, v6  }
0xa7: {  	[tilespmem:s25+$0x6420] =	vst v4;
	v6 =	vmul.f32 v7, v18  }
0xa8: {  	[tilespmem:s25+$0x6410] =	vst v8;
	v4 =	vmul.f32 v5, v13  }
0xa9: {  	[tilespmem:s25+$0x6430] =	vst v6;
	v6 =	vmul.f32 v5, v19  }
0xaa: {  	s26 =	sshll.u32 s22, $0xF;
	v7 =	vmul.f32 v5, v17;
	[tilespmem:s25+$0x64C0] =	vst v4  }
0xab: {  	s26 =	sadd.s32 s6, s26;
	v4 =	vmul.f32 v5, v14;
	[tilespmem:s25+$0x64F0] =	vst v6  }
0xac: {  	s26 =	sshrl.u32 s26, $0x3;
	[tilespmem:s25+$0x64D0] =	vst v7  }
0xad: {  	s29 =	sadd.s32 s1, s26;
	[tilespmem:s25+$0x64E0] =	vst v4;
	s25 =	simm.s32 @!p0 $0x8  }
0xae: {  	[hbm4b:s29+s2] =	stream.linear.scatter [tilespmem:s11], [sflag:$0x5], $0x2000, $0x38;
	[tilespmem:$0xE400] =	vst v63  }
0xaf: {  	s24 =	sor.u32 $0x3, s24;
	_ =	swait.ge @!p0 [sflag:s25], $0x2000  }
0xb0: {  	s30 =	sshll.u32 s24, $0x7;
	[sflag:s25] =	ssyncset.done @!p0 $0x0  }
0xb1: {  	s31 =	sand.u32 $0x3FFFFF80, s30;
	[sflag:s25] =	ssyncadd.s32 @!p0 $0xFFFFE000  }
0xb2: {  	[tilespmem:s15], [sflag:$0x4] =	stream.indirect.gather [hbm4b:s4+s10], $0x40, s31, s10, $0xb8;
	[tilespmem:$0xE400] =	vst v63  }
0xb3: {  	_ =	swait.ge [sflag:s16], $0x2000  }
0xb4: {  	[sflag:s16] =	ssyncset.done $0x0  }
0xb5: {  	s25 =	simm.s32 $0x0;
	[sflag:s16] =	ssyncadd.s32 $0xFFFFE000  }
0xb6: {  	v6 =	vld [tilespmem:s25+$0x8440]  }
0xb7: {  	v15 =	vld [tilespmem:s25+$0x8450];
	_ =	sdelay $0x1  }
0xb8: {  	v12 =	vld [tilespmem:s25+$0x8460];
	_ =	sdelay $0x1  }
0xb9: {  	v4 =	vld [tilespmem:s25+$0x8470]  }
0xba: {  	v5 =	vmul.f32 v6, v6;
	v7 =	vmul.f32 v15, v15;
	_ =	sdelay $0x1  }
0xbb: {  	v5 =	vadd.f32 v7, v5;
	v7 =	vmul.f32 v12, v12;
	_ =	sdelay $0x1  }
0xbc: {  	v8 =	vmul.f32 v4, v4;
	v5 =	vadd.f32 v7, v5;
	_ =	sdelay $0x1  }
0xbd: {  	v5 =	vadd.f32 v8, v5  }
0xbe: {  	v11 =	vld [tilespmem:s25+$0x8480]  }
0xbf: {  	v7 =	vld [tilespmem:s25+$0x8490];
	v8 =	vperm.xlane v5, v0;
	_ =	sdelay $0x1  }
0xc0: {  	v9 =	vld [tilespmem:s25+$0x84A0];
	v13 =	vadd.f32 v5, v8  }
0xc1: {  	v10 =	vld [tilespmem:s25+$0x8410]  }
0xc2: {  	v5 =	vld [tilespmem:s25+$0x84B0];
	v14 =	vperm.xlane v13, v1  }
0xc3: {  	v16 =	vmul.f32 v11, v11;
	v17 =	vmul.f32 v7, v7;
	v8 =	vld [tilespmem:s25+$0x8400]  }
0xc4: {  	v13 =	vadd.f32 v13, v14  }
0xc5: {  	v17 =	vadd.f32 v17, v16;
	v16 =	vld [tilespmem:s25+$0x8420];
	v14 =	vmul.f32 v9, v9  }
0xc6: {  	v19 =	vperm.xlane v13, v2  }
0xc7: {  	v18 =	vld [tilespmem:s25+$0x8430];
	v20 =	vmul.f32 v5, v5;
	v14 =	vadd.f32 v14, v17  }
0xc8: {  	v21 =	vmul.f32 v10, v10;
	v17 =	vmul.f32 v8, v8;
	v19 =	vadd.f32 v13, v19  }
0xc9: {  	v20 =	vadd.f32 v20, v14;
	v13 =	vld [tilespmem:s25+$0x84C0]  }
0xca: {  	v22 =	vmul.f32 v16, v16;
	v21 =	vadd.f32 v21, v17;
	v17 =	vld [tilespmem:s25+$0x84D0];
	v23 =	vperm.xlane v19, v3  }
0xcb: {  	v24 =	vperm.xlane v20, v0  }
0xcc: {  	v14 =	vld [tilespmem:s25+$0x84E0];
	v21 =	vadd.f32 v22, v21;
	v22 =	vmul.f32 v18, v18;
	v19 =	vadd.f32 v19, v23  }
0xcd: {  	v20 =	vadd.f32 v20, v24  }
0xce: {  	v21 =	vadd.f32 v22, v21;
	v23 =	vmul.f32 v13, v13;
	v22 =	vmax.f32 v19, $1.000000020e-24;
	v19 =	vld [tilespmem:s25+$0x84F0]  }
0xcf: {  	v25 =	vmul.f32 v17, v17;
	v24 =	vshrl.u32 v22, $0x1;
	v22 =	vmul.f32 $5.000000000e-01, v22  }
0xd0: {  	v26 =	vperm.xlane v21, v0;
	v27 =	vperm.xlane v20, v1;
	v24 =	vsub.s32 $0x5F3759DF, v24  }
0xd1: {  	v23 =	vadd.f32 v25, v23;
	v25 =	vmul.f32 v14, v14;
	v28 =	vmul.f32 v24, v22  }
0xd2: {  	v21 =	vadd.f32 v21, v26;
	v20 =	vadd.f32 v20, v27  }
0xd3: {  	v23 =	vadd.f32 v25, v23;
	v26 =	vmul.f32 v24, v28;
	v25 =	vmul.f32 v19, v19  }
0xd4: {  	v27 =	vperm.xlane v21, v1;
	v28 =	vperm.xlane v20, v2  }
0xd5: {  	v26 =	vsub.f32 $1.500000000e+00, v26;
	v23 =	vadd.f32 v25, v23  }
0xd6: {  	v21 =	vadd.f32 v21, v27;
	v20 =	vadd.f32 v20, v28  }
0xd7: {  	v24 =	vmul.f32 v24, v26;
	v25 =	vperm.xlane v23, v0  }
0xd8: {  	v26 =	vperm.xlane v21, v2;
	v27 =	vperm.xlane v20, v3  }
0xd9: {  	v22 =	vmul.f32 v24, v22;
	v23 =	vadd.f32 v23, v25  }
0xda: {  	v21 =	vadd.f32 v21, v26;
	v20 =	vadd.f32 v20, v27  }
0xdb: {  	v22 =	vmul.f32 v22, v24  }
0xdc: {  	v25 =	vperm.xlane v21, v3;
	v20 =	vmax.f32 v20, $1.000000020e-24;
	v26 =	vperm.xlane v23, v1  }
0xdd: {  	v27 =	vsub.f32 $1.500000000e+00, v22;
	v22 =	vshrl.u32 v20, $0x1;
	v20 =	vmul.f32 $5.000000000e-01, v20  }
0xde: {  	v21 =	vadd.f32 v21, v25;
	v23 =	vadd.f32 v23, v26;
	v22 =	vsub.s32 $0x5F3759DF, v22  }
0xdf: {  	v26 =	vmul.f32 v27, v24;
	v28 =	vmul.f32 v22, v20  }
0xe0: {  	v25 =	vmax.f32 v21, $1.000000020e-24;
	v24 =	vperm.xlane v23, v2  }
0xe1: {  	s26 =	simm.s32 $0x400;
	v27 =	vshrl.u32 v25, $0x1;
	v21 =	vmul.f32 $8.000000000e+00, v26;
	v26 =	vmul.f32 v22, v28  }
.LBB2_7:
0xe2: {  	p0 =	sne.s32 s26, $0x7C00;
	v27 =	vsub.s32 $0x5F3759DF, v27;
	v25 =	vmul.f32 $5.000000000e-01, v25;
	s28 =	smov.u32 s26;
	s26 =	sadd.s32 $0x400, s26  }
0xe3: {  	v23 =	vadd.f32 v23, v24;
	v15 =	vmul.f32 v21, v15;
	v26 =	vsub.f32 $1.500000000e+00, v26  }
0xe4: {  	v6 =	vmul.f32 v21, v6;
	v24 =	vmul.f32 v27, v25  }
0xe5: {  	v12 =	vmul.f32 v21, v12;
	[tilespmem:s25+$0x8450] =	vst v15;
	v15 =	vperm.xlane v23, v3  }
0xe6: {  	s28 =	sshra.s32 s28, $0x2;
	v22 =	vmul.f32 v22, v26;
	v24 =	vmul.f32 v27, v24;
	[tilespmem:s25+$0x8440] =	vst v6  }
0xe7: {  	v4 =	vmul.f32 v21, v4;
	v6 =	vld [tilespmem:s28+$0x8440];
	[tilespmem:s25+$0x8460] =	vst v12;
	v21 =	vadd.f32 v23, v15  }
0xe8: {  	v20 =	vmul.f32 v22, v20;
	v15 =	vld [tilespmem:s28+$0x8450];
	v23 =	vsub.f32 $1.500000000e+00, v24  }
0xe9: {  	v12 =	vld [tilespmem:s28+$0x8460];
	[tilespmem:s25+$0x8470] =	vst v4;
	v21 =	vmax.f32 v21, $1.000000020e-24  }
0xea: {  	v20 =	vmul.f32 v20, v22;
	v4 =	vld [tilespmem:s28+$0x8470];
	v24 =	vshrl.u32 v21, $0x1;
	v21 =	vmul.f32 $5.000000000e-01, v21  }
0xeb: {  	v23 =	vmul.f32 v27, v23;
	v24 =	vsub.s32 $0x5F3759DF, v24  }
0xec: {  	v20 =	vsub.f32 $1.500000000e+00, v20;
	v26 =	vmul.f32 v24, v21  }
0xed: {  	v27 =	vmul.f32 v6, v6;
	v25 =	vmul.f32 v23, v25  }
0xee: {  	v20 =	vmul.f32 v20, v22;
	v22 =	vmul.f32 v24, v26  }
0xef: {  	v26 =	vmul.f32 v15, v15;
	v25 =	vmul.f32 v25, v23  }
0xf0: {  	v28 =	vmul.f32 v4, v4;
	v20 =	vmul.f32 $8.000000000e+00, v20;
	v22 =	vsub.f32 $1.500000000e+00, v22  }
0xf1: {  	v26 =	vadd.f32 v26, v27;
	v27 =	vmul.f32 v12, v12;
	v25 =	vsub.f32 $1.500000000e+00, v25  }
0xf2: {  	v11 =	vmul.f32 v20, v11;
	v22 =	vmul.f32 v24, v22  }
0xf3: {  	v7 =	vmul.f32 v20, v7;
	v24 =	vadd.f32 v27, v26;
	v23 =	vmul.f32 v25, v23  }
0xf4: {  	v9 =	vmul.f32 v20, v9;
	[tilespmem:s25+$0x8480] =	vst v11;
	v21 =	vmul.f32 v22, v21  }
0xf5: {  	v5 =	vmul.f32 v20, v5;
	v24 =	vadd.f32 v28, v24;
	v23 =	vmul.f32 $8.000000000e+00, v23;
	v11 =	vld [tilespmem:s28+$0x8480];
	[tilespmem:s25+$0x8490] =	vst v7  }
0xf6: {  	v7 =	vld [tilespmem:s28+$0x8490];
	[tilespmem:s25+$0x84A0] =	vst v9;
	v20 =	vmul.f32 v21, v22  }
0xf7: {  	v21 =	vperm.xlane v24, v0;
	v8 =	vmul.f32 v23, v8;
	v9 =	vld [tilespmem:s28+$0x84A0];
	[tilespmem:s25+$0x84B0] =	vst v5  }
0xf8: {  	v10 =	vmul.f32 v23, v10;
	v16 =	vmul.f32 v23, v16;
	v5 =	vld [tilespmem:s28+$0x84B0];
	v20 =	vsub.f32 $1.500000000e+00, v20  }
0xf9: {  	v18 =	vmul.f32 v23, v18;
	v21 =	vadd.f32 v24, v21;
	[tilespmem:s25+$0x8400] =	vst v8  }
0xfa: {  	v23 =	vmul.f32 v11, v11;
	[tilespmem:s25+$0x8420] =	vst v16;
	v16 =	vmul.f32 v20, v22  }
0xfb: {  	v20 =	vperm.xlane v21, v1;
	v8 =	vld [tilespmem:s28+$0x8400];
	v22 =	vmul.f32 v7, v7;
	[tilespmem:s25+$0x8410] =	vst v10  }
0xfc: {  	v10 =	vld [tilespmem:s28+$0x8410];
	v24 =	vmul.f32 v9, v9;
	[tilespmem:s25+$0x8430] =	vst v18;
	v25 =	vmul.f32 $8.000000000e+00, v16  }
0xfd: {  	v20 =	vadd.f32 v21, v20;
	v18 =	vadd.f32 v22, v23;
	v21 =	vmul.f32 v5, v5  }
0xfe: {  	v16 =	vld [tilespmem:s28+$0x8420];
	v13 =	vmul.f32 v25, v13;
	v17 =	vmul.f32 v25, v17  }
0xff: {  	v22 =	vperm.xlane v20, v2;
	v19 =	vmul.f32 v25, v19;
	v23 =	vadd.f32 v24, v18  }
0x100: {  	v14 =	vmul.f32 v25, v14;
	v18 =	vld [tilespmem:s28+$0x8430];
	v24 =	vmul.f32 v8, v8;
	[tilespmem:s25+$0x84C0] =	vst v13  }
0x101: {  	v20 =	vadd.f32 v20, v22;
	v25 =	vmul.f32 v10, v10;
	v21 =	vadd.f32 v21, v23;
	v13 =	vld [tilespmem:s28+$0x84C0];
	[tilespmem:s25+$0x84F0] =	vst v19  }
0x102: {  	[tilespmem:s25+$0x84D0] =	vst v17  }
0x103: {  	v23 =	vperm.xlane v20, v3;
	v19 =	vadd.f32 v25, v24;
	v22 =	vmul.f32 v16, v16;
	v17 =	vld [tilespmem:s28+$0x84D0];
	[tilespmem:s25+$0x84E0] =	vst v14;
	s25 =	smov.u32 s28  }
0x104: {  	v24 =	vperm.xlane v21, v0;
	v14 =	vld [tilespmem:s25+$0x84E0]  }
0x105: {  	v20 =	vadd.f32 v20, v23;
	v19 =	vadd.f32 v22, v19;
	v22 =	vmul.f32 v18, v18  }
0x106: {  	v21 =	vadd.f32 v21, v24  }
0x107: {  	v20 =	vmax.f32 v20, $1.000000020e-24;
	v23 =	vmul.f32 v13, v13;
	v22 =	vadd.f32 v22, v19;
	v19 =	vld [tilespmem:s25+$0x84F0]  }
0x108: {  	v24 =	vshrl.u32 v20, $0x1;
	v20 =	vmul.f32 $5.000000000e-01, v20;
	v25 =	vmul.f32 v17, v17  }
0x109: {  	v27 =	vperm.xlane v21, v1;
	v24 =	vsub.s32 $0x5F3759DF, v24;
	v26 =	vperm.xlane v22, v0  }
0x10a: {  	v28 =	vmul.f32 v24, v20;
	v23 =	vadd.f32 v25, v23;
	v25 =	vmul.f32 v14, v14  }
0x10b: {  	v21 =	vadd.f32 v21, v27;
	v22 =	vadd.f32 v22, v26  }
0x10c: {  	v26 =	vmul.f32 v24, v28;
	v23 =	vadd.f32 v25, v23;
	v25 =	vmul.f32 v19, v19  }
0x10d: {  	v28 =	vperm.xlane v21, v2;
	v27 =	vperm.xlane v22, v1  }
0x10e: {  	v26 =	vsub.f32 $1.500000000e+00, v26;
	v23 =	vadd.f32 v25, v23  }
0x10f: {  	v21 =	vadd.f32 v21, v28;
	v22 =	vadd.f32 v22, v27  }
0x110: {  	v24 =	vmul.f32 v24, v26;
	v25 =	vperm.xlane v23, v0  }
0x111: {  	v27 =	vperm.xlane v21, v3;
	v26 =	vperm.xlane v22, v2  }
0x112: {  	v20 =	vmul.f32 v24, v20;
	v23 =	vadd.f32 v23, v25  }
0x113: {  	v21 =	vadd.f32 v21, v27;
	v22 =	vadd.f32 v22, v26  }
0x114: {  	v20 =	vmul.f32 v20, v24  }
0x115: {  	v21 =	vmax.f32 v21, $1.000000020e-24;
	v26 =	vperm.xlane v23, v1;
	v25 =	vperm.xlane v22, v3  }
.Ltmp2:
0x116: {  	v28 =	vshrl.u32 v21, $0x1;
	v27 =	vsub.f32 $1.500000000e+00, v20;
	v20 =	vmul.f32 $5.000000000e-01, v21;
	(pc) =	sbr.rel @p0 .LBB2_7-.Ltmp2, $4  }
0x117: {  	v23 =	vadd.f32 v23, v26;
	v21 =	vadd.f32 v22, v25;
	v22 =	vsub.s32 $0x5F3759DF, v28  }
0x118: {  	v26 =	vmul.f32 v27, v24;
	v28 =	vmul.f32 v22, v20  }
0x119: {  	v24 =	vperm.xlane v23, v2;
	v25 =	vmax.f32 v21, $1.000000020e-24  }
0x11a: {  	v21 =	vmul.f32 $8.000000000e+00, v26;
	v27 =	vshrl.u32 v25, $0x1;
	v26 =	vmul.f32 v22, v28  }
0x11b: {  	v23 =	vadd.f32 v23, v24;
	_ =	sdelay $0x1  }
0x11c: {  	v24 =	vperm.xlane v23, v3  }
0x11d: {  	v25 =	vmul.f32 $5.000000000e-01, v25  }
0x11e: {  	v27 =	vsub.s32 $0x5F3759DF, v27;
	v26 =	vsub.f32 $1.500000000e+00, v26;
	v23 =	vadd.f32 v23, v24  }
0x11f: {  	v24 =	vmul.f32 v27, v25  }
0x120: {  	v22 =	vmul.f32 v22, v26;
	v23 =	vmax.f32 v23, $1.000000020e-24  }
0x121: {  	v24 =	vmul.f32 v27, v24;
	v26 =	vshrl.u32 v23, $0x1;
	v23 =	vmul.f32 $5.000000000e-01, v23  }
0x122: {  	v20 =	vmul.f32 v22, v20;
	v26 =	vsub.s32 $0x5F3759DF, v26  }
0x123: {  	v24 =	vsub.f32 $1.500000000e+00, v24;
	v28 =	vmul.f32 v26, v23  }
0x124: {  	v20 =	vmul.f32 v20, v22  }
0x125: {  	v24 =	vmul.f32 v27, v24;
	v27 =	vmul.f32 v26, v28  }
0x126: {  	v20 =	vsub.f32 $1.500000000e+00, v20  }
0x127: {  	v25 =	vmul.f32 v24, v25;
	v27 =	vsub.f32 $1.500000000e+00, v27  }
0x128: {  	v15 =	vmul.f32 v21, v15;
	v20 =	vmul.f32 v20, v22  }
0x129: {  	v22 =	vmul.f32 v25, v24;
	v25 =	vmul.f32 v26, v27  }
0x12a: {  	v6 =	vmul.f32 v21, v6;
	v20 =	vmul.f32 $8.000000000e+00, v20  }
0x12b: {  	v12 =	vmul.f32 v21, v12;
	[tilespmem:s25+$0x8450] =	vst v15;
	v15 =	vsub.f32 $1.500000000e+00, v22;
	v22 =	vmul.f32 v25, v23  }
0x12c: {  	v4 =	vmul.f32 v21, v4;
	[tilespmem:s25+$0x8440] =	vst v6;
	v6 =	vmul.f32 v20, v11  }
0x12d: {  	[tilespmem:s25+$0x8460] =	vst v12;
	v11 =	vmul.f32 v15, v24;
	v12 =	vmul.f32 v22, v25  }
0x12e: {  	[tilespmem:s25+$0x8470] =	vst v4;
	v4 =	vmul.f32 v20, v7  }
0x12f: {  	[tilespmem:s25+$0x8480] =	vst v6;
	v6 =	vmul.f32 v20, v9;
	v7 =	vmul.f32 $8.000000000e+00, v11;
	v9 =	vsub.f32 $1.500000000e+00, v12  }
0x130: {  	[tilespmem:s25+$0x8490] =	vst v4;
	v4 =	vmul.f32 v20, v5  }
0x131: {  	[tilespmem:s25+$0x84A0] =	vst v6;
	v5 =	vmul.f32 v7, v8;
	v6 =	vmul.f32 v9, v25  }
0x132: {  	[tilespmem:s25+$0x84B0] =	vst v4;
	v4 =	vmul.f32 v7, v16  }
0x133: {  	v8 =	vmul.f32 v7, v10;
	[tilespmem:s25+$0x8400] =	vst v5;
	v5 =	vmul.f32 $8.000000000e+00, v6  }
0x134: {  	[tilespmem:s25+$0x8420] =	vst v4;
	v6 =	vmul.f32 v7, v18  }
0x135: {  	[tilespmem:s25+$0x8410] =	vst v8;
	v4 =	vmul.f32 v5, v13  }
0x136: {  	[tilespmem:s25+$0x8430] =	vst v6;
	v6 =	vmul.f32 v5, v19  }
0x137: {  	v7 =	vmul.f32 v5, v17;
	[tilespmem:s25+$0x84C0] =	vst v4  }
0x138: {  	v4 =	vmul.f32 v5, v14;
	[tilespmem:s25+$0x84F0] =	vst v6  }
0x139: {  	s26 =	sshll.u32 s22, $0xC;
	p0 =	seq.s32 s22, $0x31;
	[tilespmem:s25+$0x84D0] =	vst v7  }
0x13a: {  	s31 =	sadd.s32 s8, s26;
	[tilespmem:s25+$0x84E0] =	vst v4;
	s25 =	simm.s32 @!p0 $0x5  }
0x13b: {  	[hbm4b:s31+s2] =	stream.linear.scatter [tilespmem:s12], [sflag:$0x6], $0x2000, $0x38;
	[tilespmem:$0xE400] =	vst v63  }
0x13c: {  	_ =	swait.ge @!p0 [sflag:s25], $0x2000  }
0x13d: {  	s26 =	sshll.u32 @!p0 s22, $0x9;
	[sflag:s25] =	ssyncset.done @!p0 $0x0  }
0x13e: {  	[sflag:s25] =	ssyncadd.s32 @!p0 $0xFFFFE000;
	s25 =	sand.u32 @!p0 $0x3FFFFE00, s26  }
0x13f: {  	s28 =	simm.s32 @!p0 $0x80;
	s29 =	simm.s32 @!p0 $0x6400;
	s26 =	sadd.s32 @!p0 $0x200, s25  }
0x140: {  	[tilespmem:s29], [sflag:$0x1] =	stream.indirect.gather @!p0 [hbm4b:s4+s28], $0x40, s26, s28, $0xb8;
	[tilespmem:$0xE400] =	vst v63  }
0x141: {  	_ =	swait.ge [sflag:s17], $0x2000  }
0x142: {  	[sflag:s17] =	ssyncset.done $0x0  }
0x143: {  	s26 =	simm.s32 $0x0;
	[sflag:s17] =	ssyncadd.s32 $0xFFFFE000  }
0x144: {  	v6 =	vld [tilespmem:s26+$0xA440]  }
0x145: {  	v15 =	vld [tilespmem:s26+$0xA450];
	_ =	sdelay $0x1  }
0x146: {  	v12 =	vld [tilespmem:s26+$0xA460];
	_ =	sdelay $0x1  }
0x147: {  	v4 =	vld [tilespmem:s26+$0xA470]  }
0x148: {  	v5 =	vmul.f32 v6, v6;
	v7 =	vmul.f32 v15, v15;
	_ =	sdelay $0x1  }
0x149: {  	v5 =	vadd.f32 v7, v5;
	v7 =	vmul.f32 v12, v12;
	_ =	sdelay $0x1  }
0x14a: {  	v8 =	vmul.f32 v4, v4;
	v5 =	vadd.f32 v7, v5;
	_ =	sdelay $0x1  }
0x14b: {  	v5 =	vadd.f32 v8, v5  }
0x14c: {  	v11 =	vld [tilespmem:s26+$0xA480]  }
0x14d: {  	v7 =	vld [tilespmem:s26+$0xA490];
	v8 =	vperm.xlane v5, v0;
	_ =	sdelay $0x1  }
0x14e: {  	v9 =	vld [tilespmem:s26+$0xA4A0];
	v13 =	vadd.f32 v5, v8  }
0x14f: {  	v10 =	vld [tilespmem:s26+$0xA410]  }
0x150: {  	v5 =	vld [tilespmem:s26+$0xA4B0];
	v14 =	vperm.xlane v13, v1  }
0x151: {  	v16 =	vmul.f32 v11, v11;
	v17 =	vmul.f32 v7, v7;
	v8 =	vld [tilespmem:s26+$0xA400]  }
0x152: {  	v13 =	vadd.f32 v13, v14  }
0x153: {  	v17 =	vadd.f32 v17, v16;
	v16 =	vld [tilespmem:s26+$0xA420];
	v14 =	vmul.f32 v9, v9  }
0x154: {  	v19 =	vperm.xlane v13, v2  }
0x155: {  	v18 =	vld [tilespmem:s26+$0xA430];
	v20 =	vmul.f32 v5, v5;
	v14 =	vadd.f32 v14, v17  }
0x156: {  	v21 =	vmul.f32 v10, v10;
	v17 =	vmul.f32 v8, v8;
	v19 =	vadd.f32 v13, v19  }
0x157: {  	v20 =	vadd.f32 v20, v14;
	v13 =	vld [tilespmem:s26+$0xA4C0]  }
0x158: {  	v22 =	vmul.f32 v16, v16;
	v21 =	vadd.f32 v21, v17;
	v17 =	vld [tilespmem:s26+$0xA4D0];
	v23 =	vperm.xlane v19, v3  }
0x159: {  	v24 =	vperm.xlane v20, v0  }
0x15a: {  	v14 =	vld [tilespmem:s26+$0xA4E0];
	v21 =	vadd.f32 v22, v21;
	v22 =	vmul.f32 v18, v18;
	v19 =	vadd.f32 v19, v23  }
0x15b: {  	v20 =	vadd.f32 v20, v24  }
0x15c: {  	v21 =	vadd.f32 v22, v21;
	v23 =	vmul.f32 v13, v13;
	v22 =	vmax.f32 v19, $1.000000020e-24;
	v19 =	vld [tilespmem:s26+$0xA4F0]  }
0x15d: {  	v25 =	vmul.f32 v17, v17;
	v24 =	vshrl.u32 v22, $0x1;
	v22 =	vmul.f32 $5.000000000e-01, v22  }
0x15e: {  	v26 =	vperm.xlane v21, v0;
	v27 =	vperm.xlane v20, v1;
	v24 =	vsub.s32 $0x5F3759DF, v24  }
0x15f: {  	v23 =	vadd.f32 v25, v23;
	v25 =	vmul.f32 v14, v14;
	v28 =	vmul.f32 v24, v22  }
0x160: {  	v21 =	vadd.f32 v21, v26;
	v20 =	vadd.f32 v20, v27  }
0x161: {  	v23 =	vadd.f32 v25, v23;
	v26 =	vmul.f32 v24, v28;
	v25 =	vmul.f32 v19, v19  }
0x162: {  	v27 =	vperm.xlane v21, v1;
	v28 =	vperm.xlane v20, v2  }
0x163: {  	v26 =	vsub.f32 $1.500000000e+00, v26;
	v23 =	vadd.f32 v25, v23  }
0x164: {  	v21 =	vadd.f32 v21, v27;
	v20 =	vadd.f32 v20, v28  }
0x165: {  	v24 =	vmul.f32 v24, v26;
	v25 =	vperm.xlane v23, v0  }
0x166: {  	v26 =	vperm.xlane v21, v2;
	v27 =	vperm.xlane v20, v3  }
0x167: {  	v22 =	vmul.f32 v24, v22;
	v23 =	vadd.f32 v23, v25  }
0x168: {  	v21 =	vadd.f32 v21, v26;
	v20 =	vadd.f32 v20, v27  }
0x169: {  	v22 =	vmul.f32 v22, v24  }
0x16a: {  	v25 =	vperm.xlane v21, v3;
	v20 =	vmax.f32 v20, $1.000000020e-24;
	v26 =	vperm.xlane v23, v1  }
0x16b: {  	v27 =	vsub.f32 $1.500000000e+00, v22;
	v22 =	vshrl.u32 v20, $0x1;
	v20 =	vmul.f32 $5.000000000e-01, v20  }
0x16c: {  	v21 =	vadd.f32 v21, v25;
	v23 =	vadd.f32 v23, v26;
	v22 =	vsub.s32 $0x5F3759DF, v22  }
0x16d: {  	v26 =	vmul.f32 v27, v24;
	v28 =	vmul.f32 v22, v20  }
0x16e: {  	v25 =	vmax.f32 v21, $1.000000020e-24;
	v24 =	vperm.xlane v23, v2  }
0x16f: {  	s28 =	simm.s32 $0x400;
	v27 =	vshrl.u32 v25, $0x1;
	v21 =	vmul.f32 $8.000000000e+00, v26;
	v26 =	vmul.f32 v22, v28  }
.LBB2_9:
0x170: {  	p1 =	sne.s32 s28, $0x7C00;
	v27 =	vsub.s32 $0x5F3759DF, v27;
	v25 =	vmul.f32 $5.000000000e-01, v25;
	s29 =	smov.u32 s28;
	s28 =	sadd.s32 $0x400, s28  }
0x171: {  	v23 =	vadd.f32 v23, v24;
	v15 =	vmul.f32 v21, v15;
	v26 =	vsub.f32 $1.500000000e+00, v26  }
0x172: {  	v6 =	vmul.f32 v21, v6;
	v24 =	vmul.f32 v27, v25  }
0x173: {  	v12 =	vmul.f32 v21, v12;
	[tilespmem:s26+$0xA450] =	vst v15;
	v15 =	vperm.xlane v23, v3  }
0x174: {  	s29 =	sshra.s32 s29, $0x2;
	v22 =	vmul.f32 v22, v26;
	v24 =	vmul.f32 v27, v24;
	[tilespmem:s26+$0xA440] =	vst v6  }
0x175: {  	v4 =	vmul.f32 v21, v4;
	v6 =	vld [tilespmem:s29+$0xA440];
	[tilespmem:s26+$0xA460] =	vst v12;
	v21 =	vadd.f32 v23, v15  }
0x176: {  	v20 =	vmul.f32 v22, v20;
	v15 =	vld [tilespmem:s29+$0xA450];
	v23 =	vsub.f32 $1.500000000e+00, v24  }
0x177: {  	v12 =	vld [tilespmem:s29+$0xA460];
	[tilespmem:s26+$0xA470] =	vst v4;
	v21 =	vmax.f32 v21, $1.000000020e-24  }
0x178: {  	v20 =	vmul.f32 v20, v22;
	v4 =	vld [tilespmem:s29+$0xA470];
	v24 =	vshrl.u32 v21, $0x1;
	v21 =	vmul.f32 $5.000000000e-01, v21  }
0x179: {  	v23 =	vmul.f32 v27, v23;
	v24 =	vsub.s32 $0x5F3759DF, v24  }
0x17a: {  	v20 =	vsub.f32 $1.500000000e+00, v20;
	v26 =	vmul.f32 v24, v21  }
0x17b: {  	v27 =	vmul.f32 v6, v6;
	v25 =	vmul.f32 v23, v25  }
0x17c: {  	v20 =	vmul.f32 v20, v22;
	v22 =	vmul.f32 v24, v26  }
0x17d: {  	v26 =	vmul.f32 v15, v15;
	v25 =	vmul.f32 v25, v23  }
0x17e: {  	v28 =	vmul.f32 v4, v4;
	v20 =	vmul.f32 $8.000000000e+00, v20;
	v22 =	vsub.f32 $1.500000000e+00, v22  }
0x17f: {  	v26 =	vadd.f32 v26, v27;
	v27 =	vmul.f32 v12, v12;
	v25 =	vsub.f32 $1.500000000e+00, v25  }
0x180: {  	v11 =	vmul.f32 v20, v11;
	v22 =	vmul.f32 v24, v22  }
0x181: {  	v7 =	vmul.f32 v20, v7;
	v24 =	vadd.f32 v27, v26;
	v23 =	vmul.f32 v25, v23  }
0x182: {  	v9 =	vmul.f32 v20, v9;
	[tilespmem:s26+$0xA480] =	vst v11;
	v21 =	vmul.f32 v22, v21  }
0x183: {  	v5 =	vmul.f32 v20, v5;
	v24 =	vadd.f32 v28, v24;
	v23 =	vmul.f32 $8.000000000e+00, v23;
	v11 =	vld [tilespmem:s29+$0xA480];
	[tilespmem:s26+$0xA490] =	vst v7  }
0x184: {  	v7 =	vld [tilespmem:s29+$0xA490];
	[tilespmem:s26+$0xA4A0] =	vst v9;
	v20 =	vmul.f32 v21, v22  }
0x185: {  	v21 =	vperm.xlane v24, v0;
	v8 =	vmul.f32 v23, v8;
	v9 =	vld [tilespmem:s29+$0xA4A0];
	[tilespmem:s26+$0xA4B0] =	vst v5  }
0x186: {  	v10 =	vmul.f32 v23, v10;
	v16 =	vmul.f32 v23, v16;
	v5 =	vld [tilespmem:s29+$0xA4B0];
	v20 =	vsub.f32 $1.500000000e+00, v20  }
0x187: {  	v18 =	vmul.f32 v23, v18;
	v21 =	vadd.f32 v24, v21;
	[tilespmem:s26+$0xA400] =	vst v8  }
0x188: {  	v23 =	vmul.f32 v11, v11;
	[tilespmem:s26+$0xA420] =	vst v16;
	v16 =	vmul.f32 v20, v22  }
0x189: {  	v20 =	vperm.xlane v21, v1;
	v8 =	vld [tilespmem:s29+$0xA400];
	v22 =	vmul.f32 v7, v7;
	[tilespmem:s26+$0xA410] =	vst v10  }
0x18a: {  	v10 =	vld [tilespmem:s29+$0xA410];
	v24 =	vmul.f32 v9, v9;
	[tilespmem:s26+$0xA430] =	vst v18;
	v25 =	vmul.f32 $8.000000000e+00, v16  }
0x18b: {  	v20 =	vadd.f32 v21, v20;
	v18 =	vadd.f32 v22, v23;
	v21 =	vmul.f32 v5, v5  }
0x18c: {  	v16 =	vld [tilespmem:s29+$0xA420];
	v13 =	vmul.f32 v25, v13;
	v17 =	vmul.f32 v25, v17  }
0x18d: {  	v22 =	vperm.xlane v20, v2;
	v19 =	vmul.f32 v25, v19;
	v23 =	vadd.f32 v24, v18  }
0x18e: {  	v14 =	vmul.f32 v25, v14;
	v18 =	vld [tilespmem:s29+$0xA430];
	v24 =	vmul.f32 v8, v8;
	[tilespmem:s26+$0xA4C0] =	vst v13  }
0x18f: {  	v20 =	vadd.f32 v20, v22;
	v25 =	vmul.f32 v10, v10;
	v21 =	vadd.f32 v21, v23;
	v13 =	vld [tilespmem:s29+$0xA4C0];
	[tilespmem:s26+$0xA4F0] =	vst v19  }
0x190: {  	[tilespmem:s26+$0xA4D0] =	vst v17  }
0x191: {  	v23 =	vperm.xlane v20, v3;
	v19 =	vadd.f32 v25, v24;
	v22 =	vmul.f32 v16, v16;
	v17 =	vld [tilespmem:s29+$0xA4D0];
	[tilespmem:s26+$0xA4E0] =	vst v14;
	s26 =	smov.u32 s29  }
0x192: {  	v24 =	vperm.xlane v21, v0;
	v14 =	vld [tilespmem:s26+$0xA4E0]  }
0x193: {  	v20 =	vadd.f32 v20, v23;
	v19 =	vadd.f32 v22, v19;
	v22 =	vmul.f32 v18, v18  }
0x194: {  	v21 =	vadd.f32 v21, v24  }
0x195: {  	v20 =	vmax.f32 v20, $1.000000020e-24;
	v23 =	vmul.f32 v13, v13;
	v22 =	vadd.f32 v22, v19;
	v19 =	vld [tilespmem:s26+$0xA4F0]  }
0x196: {  	v24 =	vshrl.u32 v20, $0x1;
	v20 =	vmul.f32 $5.000000000e-01, v20;
	v25 =	vmul.f32 v17, v17  }
0x197: {  	v27 =	vperm.xlane v21, v1;
	v24 =	vsub.s32 $0x5F3759DF, v24;
	v26 =	vperm.xlane v22, v0  }
0x198: {  	v28 =	vmul.f32 v24, v20;
	v23 =	vadd.f32 v25, v23;
	v25 =	vmul.f32 v14, v14  }
0x199: {  	v21 =	vadd.f32 v21, v27;
	v22 =	vadd.f32 v22, v26  }
0x19a: {  	v26 =	vmul.f32 v24, v28;
	v23 =	vadd.f32 v25, v23;
	v25 =	vmul.f32 v19, v19  }
0x19b: {  	v28 =	vperm.xlane v21, v2;
	v27 =	vperm.xlane v22, v1  }
0x19c: {  	v26 =	vsub.f32 $1.500000000e+00, v26;
	v23 =	vadd.f32 v25, v23  }
0x19d: {  	v21 =	vadd.f32 v21, v28;
	v22 =	vadd.f32 v22, v27  }
0x19e: {  	v24 =	vmul.f32 v24, v26;
	v25 =	vperm.xlane v23, v0  }
0x19f: {  	v27 =	vperm.xlane v21, v3;
	v26 =	vperm.xlane v22, v2  }
0x1a0: {  	v20 =	vmul.f32 v24, v20;
	v23 =	vadd.f32 v23, v25  }
0x1a1: {  	v21 =	vadd.f32 v21, v27;
	v22 =	vadd.f32 v22, v26  }
0x1a2: {  	v20 =	vmul.f32 v20, v24  }
0x1a3: {  	v21 =	vmax.f32 v21, $1.000000020e-24;
	v26 =	vperm.xlane v23, v1;
	v25 =	vperm.xlane v22, v3  }
.Ltmp3:
0x1a4: {  	v28 =	vshrl.u32 v21, $0x1;
	v27 =	vsub.f32 $1.500000000e+00, v20;
	v20 =	vmul.f32 $5.000000000e-01, v21;
	(pc) =	sbr.rel @p1 .LBB2_9-.Ltmp3, $4  }
0x1a5: {  	v23 =	vadd.f32 v23, v26;
	v21 =	vadd.f32 v22, v25;
	v22 =	vsub.s32 $0x5F3759DF, v28  }
0x1a6: {  	v26 =	vmul.f32 v27, v24;
	v28 =	vmul.f32 v22, v20  }
0x1a7: {  	v24 =	vperm.xlane v23, v2;
	v25 =	vmax.f32 v21, $1.000000020e-24  }
0x1a8: {  	v21 =	vmul.f32 $8.000000000e+00, v26;
	v27 =	vshrl.u32 v25, $0x1;
	v26 =	vmul.f32 v22, v28  }
0x1a9: {  	v23 =	vadd.f32 v23, v24;
	_ =	sdelay $0x1  }
0x1aa: {  	v24 =	vperm.xlane v23, v3  }
0x1ab: {  	v25 =	vmul.f32 $5.000000000e-01, v25  }
0x1ac: {  	v27 =	vsub.s32 $0x5F3759DF, v27;
	v26 =	vsub.f32 $1.500000000e+00, v26;
	v23 =	vadd.f32 v23, v24  }
0x1ad: {  	v24 =	vmul.f32 v27, v25  }
0x1ae: {  	v22 =	vmul.f32 v22, v26;
	v23 =	vmax.f32 v23, $1.000000020e-24  }
0x1af: {  	v24 =	vmul.f32 v27, v24;
	v26 =	vshrl.u32 v23, $0x1;
	v23 =	vmul.f32 $5.000000000e-01, v23  }
0x1b0: {  	v20 =	vmul.f32 v22, v20;
	v26 =	vsub.s32 $0x5F3759DF, v26  }
0x1b1: {  	v24 =	vsub.f32 $1.500000000e+00, v24;
	v28 =	vmul.f32 v26, v23  }
0x1b2: {  	v20 =	vmul.f32 v20, v22  }
0x1b3: {  	v24 =	vmul.f32 v27, v24;
	v27 =	vmul.f32 v26, v28  }
0x1b4: {  	v20 =	vsub.f32 $1.500000000e+00, v20  }
0x1b5: {  	v25 =	vmul.f32 v24, v25;
	v27 =	vsub.f32 $1.500000000e+00, v27  }
0x1b6: {  	v15 =	vmul.f32 v21, v15;
	v20 =	vmul.f32 v20, v22  }
0x1b7: {  	v22 =	vmul.f32 v25, v24;
	v25 =	vmul.f32 v26, v27  }
0x1b8: {  	v6 =	vmul.f32 v21, v6;
	v20 =	vmul.f32 $8.000000000e+00, v20  }
0x1b9: {  	v12 =	vmul.f32 v21, v12;
	[tilespmem:s26+$0xA450] =	vst v15;
	v15 =	vsub.f32 $1.500000000e+00, v22;
	v22 =	vmul.f32 v25, v23  }
0x1ba: {  	v4 =	vmul.f32 v21, v4;
	[tilespmem:s26+$0xA440] =	vst v6;
	v6 =	vmul.f32 v20, v11  }
0x1bb: {  	[tilespmem:s26+$0xA460] =	vst v12;
	v11 =	vmul.f32 v15, v24;
	v12 =	vmul.f32 v22, v25  }
0x1bc: {  	[tilespmem:s26+$0xA470] =	vst v4;
	v4 =	vmul.f32 v20, v7  }
0x1bd: {  	[tilespmem:s26+$0xA480] =	vst v6;
	v6 =	vmul.f32 v20, v9;
	v7 =	vmul.f32 $8.000000000e+00, v11;
	v9 =	vsub.f32 $1.500000000e+00, v12  }
0x1be: {  	[tilespmem:s26+$0xA490] =	vst v4;
	v4 =	vmul.f32 v20, v5  }
0x1bf: {  	[tilespmem:s26+$0xA4A0] =	vst v6;
	v5 =	vmul.f32 v7, v8;
	v6 =	vmul.f32 v9, v25  }
0x1c0: {  	[tilespmem:s26+$0xA4B0] =	vst v4;
	v4 =	vmul.f32 v7, v16  }
0x1c1: {  	v8 =	vmul.f32 v7, v10;
	[tilespmem:s26+$0xA400] =	vst v5;
	v5 =	vmul.f32 $8.000000000e+00, v6  }
0x1c2: {  	[tilespmem:s26+$0xA420] =	vst v4;
	v6 =	vmul.f32 v7, v18  }
0x1c3: {  	[tilespmem:s26+$0xA410] =	vst v8;
	v4 =	vmul.f32 v5, v13  }
0x1c4: {  	[tilespmem:s26+$0xA430] =	vst v6;
	v6 =	vmul.f32 v5, v19  }
0x1c5: {  	s23 =	sshll.u32 s23, $0xD;
	v7 =	vmul.f32 v5, v17;
	[tilespmem:s26+$0xA4C0] =	vst v4  }
0x1c6: {  	s23 =	sadd.s32 s6, s23;
	v4 =	vmul.f32 v5, v14;
	[tilespmem:s26+$0xA4F0] =	vst v6  }
0x1c7: {  	s23 =	sshrl.u32 s23, $0x3;
	[tilespmem:s26+$0xA4D0] =	vst v7  }
0x1c8: {  	s23 =	sadd.s32 s1, s23;
	[tilespmem:s26+$0xA4E0] =	vst v4  }
0x1c9: {  	[hbm4b:s23+s2] =	stream.linear.scatter [tilespmem:s13], [sflag:$0x7], $0x2000, $0x38;
	[tilespmem:$0xE400] =	vst v63  }
0x1ca: {  	s23 =	simm.s32 @!p0 $0x6  }
0x1cb: {  	_ =	swait.ge @!p0 [sflag:s23], $0x2000  }
0x1cc: {  	s26 =	simm.s32 @!p0 $0x8400;
	[sflag:s23] =	ssyncset.done @!p0 $0x0  }
0x1cd: {  	[sflag:s23] =	ssyncadd.s32 @!p0 $0xFFFFE000;
	s23 =	sadd.s32 @!p0 $0x280, s25;
	s25 =	simm.s32 @!p0 $0x80  }
0x1ce: {  	[tilespmem:s26], [sflag:$0x2] =	stream.indirect.gather @!p0 [hbm4b:s4+s25], $0x40, s23, s25, $0xb8;
	[tilespmem:$0xE400] =	vst v63  }
0x1cf: {  	_ =	swait.ge [sflag:s18], $0x2000  }
0x1d0: {  	[sflag:s18] =	ssyncset.done $0x0  }
0x1d1: {  	s23 =	simm.s32 $0x0;
	[sflag:s18] =	ssyncadd.s32 $0xFFFFE000  }
0x1d2: {  	v6 =	vld [tilespmem:s23+$0xC440]  }
0x1d3: {  	v15 =	vld [tilespmem:s23+$0xC450];
	_ =	sdelay $0x1  }
0x1d4: {  	v12 =	vld [tilespmem:s23+$0xC460];
	_ =	sdelay $0x1  }
0x1d5: {  	v4 =	vld [tilespmem:s23+$0xC470]  }
0x1d6: {  	v5 =	vmul.f32 v6, v6;
	v7 =	vmul.f32 v15, v15;
	_ =	sdelay $0x1  }
0x1d7: {  	v5 =	vadd.f32 v7, v5;
	v7 =	vmul.f32 v12, v12;
	_ =	sdelay $0x1  }
0x1d8: {  	v8 =	vmul.f32 v4, v4;
	v5 =	vadd.f32 v7, v5;
	_ =	sdelay $0x1  }
0x1d9: {  	v5 =	vadd.f32 v8, v5  }
0x1da: {  	v11 =	vld [tilespmem:s23+$0xC480]  }
0x1db: {  	v7 =	vld [tilespmem:s23+$0xC490];
	v8 =	vperm.xlane v5, v0;
	_ =	sdelay $0x1  }
0x1dc: {  	v9 =	vld [tilespmem:s23+$0xC4A0];
	v13 =	vadd.f32 v5, v8  }
0x1dd: {  	v10 =	vld [tilespmem:s23+$0xC410]  }
0x1de: {  	v5 =	vld [tilespmem:s23+$0xC4B0];
	v14 =	vperm.xlane v13, v1  }
0x1df: {  	v16 =	vmul.f32 v11, v11;
	v17 =	vmul.f32 v7, v7;
	v8 =	vld [tilespmem:s23+$0xC400]  }
0x1e0: {  	v13 =	vadd.f32 v13, v14  }
0x1e1: {  	v17 =	vadd.f32 v17, v16;
	v16 =	vld [tilespmem:s23+$0xC420];
	v14 =	vmul.f32 v9, v9  }
0x1e2: {  	v19 =	vperm.xlane v13, v2  }
0x1e3: {  	v18 =	vld [tilespmem:s23+$0xC430];
	v20 =	vmul.f32 v5, v5;
	v14 =	vadd.f32 v14, v17  }
0x1e4: {  	v21 =	vmul.f32 v10, v10;
	v17 =	vmul.f32 v8, v8;
	v19 =	vadd.f32 v13, v19  }
0x1e5: {  	v20 =	vadd.f32 v20, v14;
	v13 =	vld [tilespmem:s23+$0xC4C0]  }
0x1e6: {  	v22 =	vmul.f32 v16, v16;
	v21 =	vadd.f32 v21, v17;
	v17 =	vld [tilespmem:s23+$0xC4D0];
	v23 =	vperm.xlane v19, v3  }
0x1e7: {  	v24 =	vperm.xlane v20, v0  }
0x1e8: {  	v14 =	vld [tilespmem:s23+$0xC4E0];
	v21 =	vadd.f32 v22, v21;
	v22 =	vmul.f32 v18, v18;
	v19 =	vadd.f32 v19, v23  }
0x1e9: {  	v20 =	vadd.f32 v20, v24  }
0x1ea: {  	v21 =	vadd.f32 v22, v21;
	v23 =	vmul.f32 v13, v13;
	v22 =	vmax.f32 v19, $1.000000020e-24;
	v19 =	vld [tilespmem:s23+$0xC4F0]  }
0x1eb: {  	v25 =	vmul.f32 v17, v17;
	v24 =	vshrl.u32 v22, $0x1;
	v22 =	vmul.f32 $5.000000000e-01, v22  }
0x1ec: {  	v26 =	vperm.xlane v21, v0;
	v27 =	vperm.xlane v20, v1;
	v24 =	vsub.s32 $0x5F3759DF, v24  }
0x1ed: {  	v23 =	vadd.f32 v25, v23;
	v25 =	vmul.f32 v14, v14;
	v28 =	vmul.f32 v24, v22  }
0x1ee: {  	v21 =	vadd.f32 v21, v26;
	v20 =	vadd.f32 v20, v27  }
0x1ef: {  	v23 =	vadd.f32 v25, v23;
	v26 =	vmul.f32 v24, v28;
	v25 =	vmul.f32 v19, v19  }
0x1f0: {  	v27 =	vperm.xlane v21, v1;
	v28 =	vperm.xlane v20, v2  }
0x1f1: {  	v26 =	vsub.f32 $1.500000000e+00, v26;
	v23 =	vadd.f32 v25, v23  }
0x1f2: {  	v21 =	vadd.f32 v21, v27;
	v20 =	vadd.f32 v20, v28  }
0x1f3: {  	v24 =	vmul.f32 v24, v26;
	v25 =	vperm.xlane v23, v0  }
0x1f4: {  	v26 =	vperm.xlane v21, v2;
	v27 =	vperm.xlane v20, v3  }
0x1f5: {  	v22 =	vmul.f32 v24, v22;
	v23 =	vadd.f32 v23, v25  }
0x1f6: {  	v21 =	vadd.f32 v21, v26;
	v20 =	vadd.f32 v20, v27  }
0x1f7: {  	v22 =	vmul.f32 v22, v24  }
0x1f8: {  	v25 =	vperm.xlane v21, v3;
	v20 =	vmax.f32 v20, $1.000000020e-24;
	v26 =	vperm.xlane v23, v1  }
0x1f9: {  	v27 =	vsub.f32 $1.500000000e+00, v22;
	v22 =	vshrl.u32 v20, $0x1;
	v20 =	vmul.f32 $5.000000000e-01, v20  }
0x1fa: {  	v21 =	vadd.f32 v21, v25;
	v23 =	vadd.f32 v23, v26;
	v22 =	vsub.s32 $0x5F3759DF, v22  }
0x1fb: {  	v26 =	vmul.f32 v27, v24;
	v28 =	vmul.f32 v22, v20  }
0x1fc: {  	v25 =	vmax.f32 v21, $1.000000020e-24;
	v24 =	vperm.xlane v23, v2  }
0x1fd: {  	s25 =	simm.s32 $0x400;
	v27 =	vshrl.u32 v25, $0x1;
	v21 =	vmul.f32 $8.000000000e+00, v26;
	v26 =	vmul.f32 v22, v28  }
.LBB2_11:
0x1fe: {  	p0 =	sne.s32 s25, $0x7C00;
	v27 =	vsub.s32 $0x5F3759DF, v27;
	v25 =	vmul.f32 $5.000000000e-01, v25;
	s26 =	smov.u32 s25;
	s25 =	sadd.s32 $0x400, s25  }
0x1ff: {  	v23 =	vadd.f32 v23, v24;
	v15 =	vmul.f32 v21, v15;
	v26 =	vsub.f32 $1.500000000e+00, v26  }
0x200: {  	v6 =	vmul.f32 v21, v6;
	v24 =	vmul.f32 v27, v25  }
0x201: {  	v12 =	vmul.f32 v21, v12;
	[tilespmem:s23+$0xC450] =	vst v15;
	v15 =	vperm.xlane v23, v3  }
0x202: {  	s26 =	sshra.s32 s26, $0x2;
	v22 =	vmul.f32 v22, v26;
	v24 =	vmul.f32 v27, v24;
	[tilespmem:s23+$0xC440] =	vst v6  }
0x203: {  	v4 =	vmul.f32 v21, v4;
	v6 =	vld [tilespmem:s26+$0xC440];
	[tilespmem:s23+$0xC460] =	vst v12;
	v21 =	vadd.f32 v23, v15  }
0x204: {  	v20 =	vmul.f32 v22, v20;
	v15 =	vld [tilespmem:s26+$0xC450];
	v23 =	vsub.f32 $1.500000000e+00, v24  }
0x205: {  	v12 =	vld [tilespmem:s26+$0xC460];
	[tilespmem:s23+$0xC470] =	vst v4;
	v21 =	vmax.f32 v21, $1.000000020e-24  }
0x206: {  	v20 =	vmul.f32 v20, v22;
	v4 =	vld [tilespmem:s26+$0xC470];
	v24 =	vshrl.u32 v21, $0x1;
	v21 =	vmul.f32 $5.000000000e-01, v21  }
0x207: {  	v23 =	vmul.f32 v27, v23;
	v24 =	vsub.s32 $0x5F3759DF, v24  }
0x208: {  	v20 =	vsub.f32 $1.500000000e+00, v20;
	v26 =	vmul.f32 v24, v21  }
0x209: {  	v27 =	vmul.f32 v6, v6;
	v25 =	vmul.f32 v23, v25  }
0x20a: {  	v20 =	vmul.f32 v20, v22;
	v22 =	vmul.f32 v24, v26  }
0x20b: {  	v26 =	vmul.f32 v15, v15;
	v25 =	vmul.f32 v25, v23  }
0x20c: {  	v28 =	vmul.f32 v4, v4;
	v20 =	vmul.f32 $8.000000000e+00, v20;
	v22 =	vsub.f32 $1.500000000e+00, v22  }
0x20d: {  	v26 =	vadd.f32 v26, v27;
	v27 =	vmul.f32 v12, v12;
	v25 =	vsub.f32 $1.500000000e+00, v25  }
0x20e: {  	v11 =	vmul.f32 v20, v11;
	v22 =	vmul.f32 v24, v22  }
0x20f: {  	v7 =	vmul.f32 v20, v7;
	v24 =	vadd.f32 v27, v26;
	v23 =	vmul.f32 v25, v23  }
0x210: {  	v9 =	vmul.f32 v20, v9;
	[tilespmem:s23+$0xC480] =	vst v11;
	v21 =	vmul.f32 v22, v21  }
0x211: {  	v5 =	vmul.f32 v20, v5;
	v24 =	vadd.f32 v28, v24;
	v23 =	vmul.f32 $8.000000000e+00, v23;
	v11 =	vld [tilespmem:s26+$0xC480];
	[tilespmem:s23+$0xC490] =	vst v7  }
0x212: {  	v7 =	vld [tilespmem:s26+$0xC490];
	[tilespmem:s23+$0xC4A0] =	vst v9;
	v20 =	vmul.f32 v21, v22  }
0x213: {  	v21 =	vperm.xlane v24, v0;
	v8 =	vmul.f32 v23, v8;
	v9 =	vld [tilespmem:s26+$0xC4A0];
	[tilespmem:s23+$0xC4B0] =	vst v5  }
0x214: {  	v10 =	vmul.f32 v23, v10;
	v16 =	vmul.f32 v23, v16;
	v5 =	vld [tilespmem:s26+$0xC4B0];
	v20 =	vsub.f32 $1.500000000e+00, v20  }
0x215: {  	v18 =	vmul.f32 v23, v18;
	v21 =	vadd.f32 v24, v21;
	[tilespmem:s23+$0xC400] =	vst v8  }
0x216: {  	v23 =	vmul.f32 v11, v11;
	[tilespmem:s23+$0xC420] =	vst v16;
	v16 =	vmul.f32 v20, v22  }
0x217: {  	v20 =	vperm.xlane v21, v1;
	v8 =	vld [tilespmem:s26+$0xC400];
	v22 =	vmul.f32 v7, v7;
	[tilespmem:s23+$0xC410] =	vst v10  }
0x218: {  	v10 =	vld [tilespmem:s26+$0xC410];
	v24 =	vmul.f32 v9, v9;
	[tilespmem:s23+$0xC430] =	vst v18;
	v25 =	vmul.f32 $8.000000000e+00, v16  }
0x219: {  	v20 =	vadd.f32 v21, v20;
	v18 =	vadd.f32 v22, v23;
	v21 =	vmul.f32 v5, v5  }
0x21a: {  	v16 =	vld [tilespmem:s26+$0xC420];
	v13 =	vmul.f32 v25, v13;
	v17 =	vmul.f32 v25, v17  }
0x21b: {  	v22 =	vperm.xlane v20, v2;
	v19 =	vmul.f32 v25, v19;
	v23 =	vadd.f32 v24, v18  }
0x21c: {  	v14 =	vmul.f32 v25, v14;
	v18 =	vld [tilespmem:s26+$0xC430];
	v24 =	vmul.f32 v8, v8;
	[tilespmem:s23+$0xC4C0] =	vst v13  }
0x21d: {  	v20 =	vadd.f32 v20, v22;
	v25 =	vmul.f32 v10, v10;
	v21 =	vadd.f32 v21, v23;
	v13 =	vld [tilespmem:s26+$0xC4C0];
	[tilespmem:s23+$0xC4F0] =	vst v19  }
0x21e: {  	[tilespmem:s23+$0xC4D0] =	vst v17  }
0x21f: {  	v23 =	vperm.xlane v20, v3;
	v19 =	vadd.f32 v25, v24;
	v22 =	vmul.f32 v16, v16;
	v17 =	vld [tilespmem:s26+$0xC4D0];
	[tilespmem:s23+$0xC4E0] =	vst v14;
	s23 =	smov.u32 s26  }
0x220: {  	v24 =	vperm.xlane v21, v0;
	v14 =	vld [tilespmem:s23+$0xC4E0]  }
0x221: {  	v20 =	vadd.f32 v20, v23;
	v19 =	vadd.f32 v22, v19;
	v22 =	vmul.f32 v18, v18  }
0x222: {  	v21 =	vadd.f32 v21, v24  }
0x223: {  	v20 =	vmax.f32 v20, $1.000000020e-24;
	v23 =	vmul.f32 v13, v13;
	v22 =	vadd.f32 v22, v19;
	v19 =	vld [tilespmem:s23+$0xC4F0]  }
0x224: {  	v24 =	vshrl.u32 v20, $0x1;
	v20 =	vmul.f32 $5.000000000e-01, v20;
	v25 =	vmul.f32 v17, v17  }
0x225: {  	v27 =	vperm.xlane v21, v1;
	v24 =	vsub.s32 $0x5F3759DF, v24;
	v26 =	vperm.xlane v22, v0  }
0x226: {  	v28 =	vmul.f32 v24, v20;
	v23 =	vadd.f32 v25, v23;
	v25 =	vmul.f32 v14, v14  }
0x227: {  	v21 =	vadd.f32 v21, v27;
	v22 =	vadd.f32 v22, v26  }
0x228: {  	v26 =	vmul.f32 v24, v28;
	v23 =	vadd.f32 v25, v23;
	v25 =	vmul.f32 v19, v19  }
0x229: {  	v28 =	vperm.xlane v21, v2;
	v27 =	vperm.xlane v22, v1  }
0x22a: {  	v26 =	vsub.f32 $1.500000000e+00, v26;
	v23 =	vadd.f32 v25, v23  }
0x22b: {  	v21 =	vadd.f32 v21, v28;
	v22 =	vadd.f32 v22, v27  }
0x22c: {  	v24 =	vmul.f32 v24, v26;
	v25 =	vperm.xlane v23, v0  }
0x22d: {  	v27 =	vperm.xlane v21, v3;
	v26 =	vperm.xlane v22, v2  }
0x22e: {  	v20 =	vmul.f32 v24, v20;
	v23 =	vadd.f32 v23, v25  }
0x22f: {  	v21 =	vadd.f32 v21, v27;
	v22 =	vadd.f32 v22, v26  }
0x230: {  	v20 =	vmul.f32 v20, v24  }
0x231: {  	v21 =	vmax.f32 v21, $1.000000020e-24;
	v26 =	vperm.xlane v23, v1;
	v25 =	vperm.xlane v22, v3  }
.Ltmp4:
0x232: {  	v28 =	vshrl.u32 v21, $0x1;
	v27 =	vsub.f32 $1.500000000e+00, v20;
	v20 =	vmul.f32 $5.000000000e-01, v21;
	(pc) =	sbr.rel @p0 .LBB2_11-.Ltmp4, $4  }
0x233: {  	v23 =	vadd.f32 v23, v26;
	v21 =	vadd.f32 v22, v25;
	v22 =	vsub.s32 $0x5F3759DF, v28  }
0x234: {  	v26 =	vmul.f32 v27, v24;
	v28 =	vmul.f32 v22, v20  }
0x235: {  	v24 =	vperm.xlane v23, v2;
	v25 =	vmax.f32 v21, $1.000000020e-24  }
0x236: {  	v21 =	vmul.f32 $8.000000000e+00, v26;
	v27 =	vshrl.u32 v25, $0x1;
	v26 =	vmul.f32 v22, v28  }
0x237: {  	v23 =	vadd.f32 v23, v24;
	_ =	sdelay $0x1  }
0x238: {  	v24 =	vperm.xlane v23, v3  }
0x239: {  	v25 =	vmul.f32 $5.000000000e-01, v25  }
0x23a: {  	v27 =	vsub.s32 $0x5F3759DF, v27;
	v26 =	vsub.f32 $1.500000000e+00, v26;
	v23 =	vadd.f32 v23, v24  }
0x23b: {  	v46 =	vmul.f32 v27, v25  }
0x23c: {  	v22 =	vmul.f32 v22, v26;
	v23 =	vmax.f32 v23, $1.000000020e-24  }
0x23d: {  	v24 =	vmul.f32 v27, v46;
	v47 =	vshrl.u32 v23, $0x1;
	v23 =	vmul.f32 $5.000000000e-01, v23  }
0x23e: {  	v20 =	vmul.f32 v22, v20;
	v26 =	vsub.s32 $0x5F3759DF, v47  }
0x23f: {  	v24 =	vsub.f32 $1.500000000e+00, v24;
	v28 =	vmul.f32 v26, v23  }
0x240: {  	v20 =	vmul.f32 v20, v22  }
0x241: {  	v24 =	vmul.f32 v27, v24;
	v48 =	vmul.f32 v26, v28  }
0x242: {  	v20 =	vsub.f32 $1.500000000e+00, v20  }
0x243: {  	v25 =	vmul.f32 v24, v25;
	v27 =	vsub.f32 $1.500000000e+00, v48  }
0x244: {  	v15 =	vmul.f32 v21, v15;
	v20 =	vmul.f32 v20, v22  }
0x245: {  	v49 =	vmul.f32 v25, v24;
	v50 =	vmul.f32 v26, v27  }
0x246: {  	v6 =	vmul.f32 v21, v6;
	v20 =	vmul.f32 $8.000000000e+00, v20  }
0x247: {  	v12 =	vmul.f32 v21, v12;
	[tilespmem:s23+$0xC450] =	vst v15;
	v51 =	vsub.f32 $1.500000000e+00, v49;
	v52 =	vmul.f32 v50, v23  }
0x248: {  	v4 =	vmul.f32 v21, v4;
	[tilespmem:s23+$0xC440] =	vst v6;
	v53 =	vmul.f32 v20, v11  }
0x249: {  	[tilespmem:s23+$0xC460] =	vst v12;
	v54 =	vmul.f32 v51, v24;
	v55 =	vmul.f32 v52, v50  }
0x24a: {  	[tilespmem:s23+$0xC470] =	vst v4;
	v4 =	vmul.f32 v20, v7  }
0x24b: {  	v56 =	vmul.f32 v20, v9;
	[tilespmem:s23+$0xC480] =	vst v53;
	v57 =	vmul.f32 $8.000000000e+00, v54;
	v58 =	vsub.f32 $1.500000000e+00, v55  }
0x24c: {  	[tilespmem:s23+$0xC490] =	vst v4;
	v4 =	vmul.f32 v20, v5  }
0x24d: {  	[tilespmem:s23+$0xC4A0] =	vst v56;
	v5 =	vmul.f32 v57, v8;
	v59 =	vmul.f32 v58, v50  }
0x24e: {  	[tilespmem:s23+$0xC4B0] =	vst v4;
	v4 =	vmul.f32 v57, v16  }
0x24f: {  	v60 =	vmul.f32 v57, v10;
	[tilespmem:s23+$0xC400] =	vst v5;
	v5 =	vmul.f32 $8.000000000e+00, v59  }
0x250: {  	v61 =	vmul.f32 v57, v18;
	[tilespmem:s23+$0xC420] =	vst v4  }
0x251: {  	s22 =	sadd.s32 $0x1, s22;
	[tilespmem:s23+$0xC410] =	vst v60;
	v4 =	vmul.f32 v5, v13  }
0x252: {  	p0 =	sne.s32 s22, $0x32;
	[tilespmem:s23+$0xC430] =	vst v61;
	v62 =	vmul.f32 v5, v19  }
.Ltmp5:
0x253: {  	s24 =	sshll.u32 s24, $0xD;
	v63 =	vmul.f32 v5, v17;
	[tilespmem:s23+$0xC4C0] =	vst v4;
	(pc) =	sbr.rel @p0 .LBB2_4-.Ltmp5, $4  }
0x254: {  	s24 =	sadd.s32 s6, s24;
	v4 =	vmul.f32 v5, v14;
	[tilespmem:s23+$0xC4F0] =	vst v62  }
0x255: {  	s24 =	sshrl.u32 s24, $0x3;
	[tilespmem:s23+$0xC4D0] =	vst v63  }
0x256: {  	s31 =	sadd.s32 s1, s24;
	[tilespmem:s23+$0xC4E0] =	vst v4  }
0x257: {  	[hbm4b:s31+s2] =	stream.linear.scatter [tilespmem:s15], [sflag:$0x8], $0x2000, $0x38;
	[tilespmem:$0xE400] =	vst v63  }
0x258: {  	s21 =	sadd.s32 $0x1, s21  }
0x259: {  	_ =	swait.ge [sflag:s19], $0x2000;
	p0 =	sne.s32 s21, s7  }
.Ltmp6:
0x25a: {  	[sflag:s19] =	ssyncset.done $0x0;
	(pc) =	sbr.rel @p0 .LBB2_1-.Ltmp6, $4  }
0x25b: {  	[sflag:s19] =	ssyncadd.s32 $0xFFFFE000  }
0x25c: {  	_ =	swait.ge [sflag:s20], $0x2000  }
0x25d: {  	[sflag:s20] =	ssyncset.done $0x0  }
0x25e: {  	[sflag:s20] =	ssyncadd.s32 $0xFFFFE000  }
0x25f: {  	_ =	sfence.sel $0x180000  }
0x260: {  	[bflag:$0x0] =	sbarrier.arrive $0xFFFF  }
0x261: {  	p0 =	sne.s32 s0, $0x0;
	_ =	strace $0x90000047  }
0x262: {  	s0 =	sadd.s32 @!p0 $0x100000, s3;
	[bflag:$0x2] =	sbarrier.arrive $0xFFFF  }
0x263: {  	[sflag:s0] =	ssyncadd.tile.s32 @!p0 $0x1;
	_ =	shalt  }
.Lfunc_end2:
_tile_overlayer_lowered:
.L_overlay_start_2:
0x264: {  	(tag) =	ssettag $0x2  }
0x265: {  	s0 =	rddreg [dreg:$0x0];
	s2 =	stileid.u32  }
0x266: {  	s1 =	rddreg [dreg:$0x1];
	p0 =	sne.s32 s2, $0x0  }
0x267: {  	s3 =	rddreg [dreg:$0x2];
	[bflag:$0x3] =	sbarrier.arrive $0xFFFF;
	s2 =	simm.s32 @!p0 $0x1C09  }
0x268: {  	[timem:s3], [sflag:s2] =	dma.local @!p0 [hbm:s0], s1  }
0x269: {  	s0 =	simm.s32 @!p0 $0x9  }
0x26a: {  	_ =	swait.ge @!p0 [sflag:s0], s1  }
0x26b: {  	s1 =	ssub.s32 @!p0 $0x0, s1;
	[sflag:s0] =	ssyncset.done @!p0 $0x0  }
0x26c: {  	[sflag:s0] =	ssyncadd.s32 @!p0 s1  }
0x26d: {  	[bflag:$0x3] =	sbarrier.arrive $0xFFFF  }
0x26e: {  	_ =	shalt  }

// kernel: sparse-core-data-format-call.cloned.1.call-start
scs
called_computation_lowered:
.L_overlay_start_0:
0x0: {  	s2 =	sld [smem:$0x3FD9]  }
0x1: {  	s3 =	sld [smem:$0x3FFE];
	_ =	sdelay $0x1  }
0x2: {  	s1 =	srdreg.scid  }
0x3: {  	s0 =	sand.u32 $0x1, s1  }
0x4: {  	s18 =	sshll.u32 s0, $0xA;
	s2 =	sadd.s32 s3, s2  }
0x5: {  	s2 =	sadd.s32 s2, s18  }
0x6: {  	[smem:$0x3FC6] =	sst s2  }
0x7: {  	_ = 	snop  }
0x8: {  	s2 =	sld [smem:$0x3FD0];
	(tm) =	ssettm $0x1  }
0x9: {  	s19 =	sld [smem:$0x3FFB];
	_ =	sdelay $0x3  }
0xa: {  	_ =	strace s19  }
0xb: {  	s3 =	sld [smem:$0x3FFC];
	_ =	sdelay $0x3  }
0xc: {  	_ =	strace s3  }
0xd: {  	s3 =	sld [smem:$0x3FFD];
	_ =	sdelay $0x3  }
0xe: {  	_ =	strace s3  }
0xf: {  	_ =	strace $0x8FFFFFFF  }
0x10: {  	s20 =	sld [smem:$0x3FDB];
	_ =	sdelay $0x1  }
0x11: {  	s4 =	simm.s32 $_scs_section_size  }
0x12: {  	s5 =	simm.s32 $_size__tile_overlayer_lowered;
	s6 =	simm.s32 $_tile_overlayer_lowered  }
0x13: {  	s23 =	simm.s32 $0x1BFF;
	s22 =	sshll.u32 s6, $0x1;
	s3 =	sadd.s32 s4, s20  }
0x14: {  	s7 =	simm.s32 $0x0;
	s21 =	sshll.u32 s5, $0x1;
	s5 =	sadd.s32 s22, s3  }
0x15: {  	[timem:s7], [sflag:s23] =	dma.local [hbm:s5], s21  }
0x16: {  	_ =	swait.ge [sflag:s23], s21  }
0x17: {  	s4 =	ssub.s32 $0x0, s21;
	[sflag:s23] =	ssyncset.done $0x0  }
0x18: {  	[sflag:s23] =	ssyncadd.s32 s4;
	_ =	sdelay $0x1  }
0x19: {  	s24 =	simm.s32 $0x1B8B  }
0x1a: {  	_ =	swait.ge [sflag:s24], $0x1  }
0x1b: {  	[sflag:s24] =	ssyncset.done $0x0  }
0x1c: {  	s26 =	simm.s32 $0x1B8E;
	s25 =	sld [smem:$0x3FFE];
	[sflag:s24] =	ssyncadd.s32 $0xFFFFFFFF  }
0x1d: {  	s27 =	simm.s32 $execute0_lowered;
	[smem:$0x3FD2] =	sst s26  }
0x1e: {  	s5 =	sshll.u32 s27, $0x1;
	_ =	strace $0x80000049;
	[dreg:$0x1] =	wrdreg $0xFFFFFFFF  }
0x1f: {  	s28 =	simm.s32 $_size_execute0_lowered;
	s3 =	sadd.s32 s3, s5;
	[dreg:$0x0] =	wrdreg $0x0  }
0x20: {  	s5 =	sshll.u32 s28, $0x1;
	[dreg:$0x2] =	wrdreg s3  }
0x21: {  	[dreg:$0x3] =	wrdreg s5  }
0x22: {  	[dreg:$0x4] =	wrdreg $0xC0  }
0x23: {  	_ =	task [dreg:s7], $0x5FFFF  }
0x24: {  	[dreg:$0x1] =	wrdreg $0xFFFFFFFF  }
0x25: {  	[dreg:$0x0] =	wrdreg $0x60  }
0x26: {  	[dreg:$0x2] =	wrdreg s25  }
0x27: {  	[dreg:$0x3] =	wrdreg s2  }
0x28: {  	[dreg:$0x4] =	wrdreg $0x9  }
0x29: {  	_ =	task.clear_ibuf [dreg:s7], $0x5FFFF;
	_ =	strace $0x90000049  }
0x2a: {  	s29 =	simm.s32 $0x9;
	_ =	strace $0x8000004B  }
0x2b: {  	_ =	swait.ge [sflag:s29], $0x1  }
0x2c: {  	[sflag:s29] =	ssyncadd.s32 $0xFFFFFFFF  }
0x2d: {  	_ =	strace $0x9000004B  }
0x2e: {  	_ =	sfence  }
0x2f: {  	s30 =	sld [smem:$0x0];
	_ =	sdelay $0x2  }
0x30: {  	s31 =	sshll.u32 s1, $0xD;
	s1 =	sshrl.u32 s1, $0x2  }
0x31: {  	s3 =	sand.u32 $0x4000, s31;
	s1 =	sadd.s32 s1, s30  }
0x32: {  	s0 =	sor.u32 s3, s0;
	s1 =	sshll.u32 s1, $0x11  }
0x33: {  	s0 =	sor.u32 s1, s0  }
0x34: {  	s0 =	sadd.s32 $0x8F2B, s0  }
0x35: {  	[sflag:s0] =	ssyncadd.remote.s32 $0x1  }
0x36: {  	_ =	sfence.sel $0xFFFF  }
0x37: {  	[dreg:$0x0] =	wrdreg $0xFFFFFFFF;
	(pc) =	sbr.abs _section_cstart, $3  }
0x38: {  	[dreg:$0x1] =	wrdreg $0xFFFFFFFF  }
0x39: {  	_ =	task.clear_ibuf [dreg:s7], $0x2FFFF;
	_ =	strace $0x9FFFFFFF  }
0x3a: {  	(tm) =	ssettm $0x7FFFFFFF  }
0x3b: {  	_ =	shalt  }
tec
execute0_lowered:
.L_overlay_start_1:
0x0: {  	(tag) =	ssettag $0x1  }
0x1: {  	s0 =	srdreg.scid  }
0x2: {  	s1 =	sshll.u32 s0, $0x4  }
0x3: {  	s4 =	rddreg [dreg:$0x0];
	s0 =	stileid.u32;
	s1 =	sand.u32 $0x10, s1  }
0x4: {  	s2 =	rddreg [dreg:$0x1];
	s7 =	simm.s32 $0x1;
	s1 =	sor.u32 s0, s1  }
0x5: {  	s8 =	simm.s32 $0x2;
	s11 =	simm.s32 $0x0;
	s3 =	sshll.u32 s1, $0x7  }
0x6: {  	s10 =	simm.s32 $0x0;
	s4 =	sadd.s32 $0x800, s4;
	s6 =	ssub.s32 $0xC8000, s3  }
.Ltmp0:
0x7: {  	s1 =	rddreg [dreg:$0x2];
	s5 =	sand.u32 $0xF80, s6;
	(pc) =	sbr.rel .LBB1_1-.Ltmp0, $4  }
0x8: {  	_ =	strace $0x8000004A;
	s9 =	smov.u32 s3;
	p0 =	sne.s32 s5, $0x0  }
0x9: {  	s6 =	sshrl.u32 s6, $0xC;
	s5 =	simm.s32 $0x1;
	s7 =	simm.s32 @!p0 $0x0  }
0xa: {  	[sflag:s5] =	ssyncpa.u1 $0x0;
	p0 =	por $0x0, $0x0;
	s6 =	sadd.s32 s7, s6  }
0xb: {  	[sflag:s8] =	ssyncpa.u1 $0x0;
	s8 =	simm.s32 $0x640000;
	s7 =	sadd.s32 $0x1, s6  }
.LBB1_4:
0xc: {  	s14 =	sshll.u32 s11, $0x3  }
0xd: {  	s30 =	sand.u32 $0x7F, s11;
	s15 =	sand.u32 $0xFFFFFC00, s14  }
0xe: {  	s11 =	sor.u32 s30, s15  }
0xf: {  	s15 =	smulhi.u32 $0x51EB851F, s11  }
0x10: {  	s14 =	smulhi.u32 $0x51EB851F, s14  }
0x11: {  	s15 =	sshrl.u32 s15, $0x12  }
0x12: {  	s14 =	sshrl.u32 s14, $0x12;
	s15 =	smul.u32 $0xC8000, s15  }
0x13: {  	s14 =	sand.u32 $0x3F, s14  }
0x14: {  	s14 =	smul.u32 $0x19000, s14;
	s11 =	ssub.s32 s11, s15  }
0x15: {  	[tilespmem:s13+$0x810 ss:$0x81] =	vst.msk $0xffff, v2;
	s15 =	sand.u32 $0x7, s11  }
0x16: {  	[tilespmem:s13+$0x1020 ss:$0x81] =	vst.msk $0xffff, v0;
	s14 =	sadd.s32 s2, s14;
	s11 =	sshrl.u32 s11, $0x3;
	s15 =	sshll.u32 s15, $0x12  }
0x17: {  	[tilespmem:s13+$0x0 ss:$0x81] =	vst.msk $0xffff, v1;
	s11 =	sadd.s32 s11, s14;
	s31 =	sor.u32 $0x400, s15  }
0x18: {  	[hbm4b:s11+s31] =	stream.strided.scatter [tilespmem:s12], [sflag:$0x2], $0x2000, s8, s31, $0x20;
	[tilespmem:$0x8080] =	vst v63  }
.LBB1_5:
0x19: {  	s13 =	sadd.s32 $0x1000, s9  }
0x1a: {  	p2 =	sgt.s32 s13, $0xC7FFF  }
0x1b: {  	s13 =	smov.u32 @p2 s3;
	p2 =	sne.s32 s10, s7  }
.Ltmp1:
0x1c: {  	p1 =	slt.u32 s10, $0x2;
	(pc) =	sbr.rel @!p2 .LBB1_6-.Ltmp1, $4  }
0x1d: {  	s12 =	simm.s32 @!p1 $0x2  }
0x1e: {  	s14 =	sadd.s32 $0x1, s10;
	_ =	swait.ge @!p1 [sflag:s12], $0x2000  }
0x1f: {  	s11 =	smov.u32 s9;
	p0 =	por !p0, !p0;
	[sflag:s12] =	ssyncset.done @!p1 $0x0  }
0x20: {  	s10 =	smov.u32 s14;
	s9 =	smov.u32 s13;
	[sflag:s12] =	ssyncadd.s32 @!p1 $0xFFFFE000  }
.LBB1_1:
0x21: {  	p1 =	sge.u32 s10, s6  }
0x22: {  	s12 =	sand.u32 @!p1 $0x1FFFFFF, s9  }
0x23: {  	s13 =	smulhi.u32 @!p1 $0x147AE15, s12;
	_ =	sdelay $0x1  }
0x24: {  	s13 =	sshrl.u32 @!p1 s13, $0xC  }
0x25: {  	s13 =	smul.u32 @!p1 $0xC8000, s13;
	_ =	sdelay $0x1  }
0x26: {  	s31 =	sadd.s32 $0xFFFFFFFF, s10;
	s14 =	sxor.u32 @!p1 $0xFFFFFFFF, s10;
	s12 =	ssub.s32 @!p1 s12, s13  }
0x27: {  	s15 =	simm.s32 @!p1 $0x80;
	s14 =	sshll.u32 @!p1 s14, $0xD;
	s12 =	sshll.u32 @!p1 s12, $0x4  }
0x28: {  	s13 =	sand.u32 @!p1 $0x2000, s14;
	s14 =	simm.s32 @!p1 $0x40;
	s12 =	sadd.s32 @!p1 s4, s12  }
0x29: {  	[tilespmem:s13], [sflag:$0x1] =	stream.strided.gather @!p1 [hbm4b:s12+s14], $0x2000, s15, s14, $0x38;
	[tilespmem:$0x8080] =	vst v63  }
0x2a: {  	p1 =	sge.u32 s31, s6  }
.Ltmp2:
0x2b: {  	_ = 	snop;
	(pc) =	sbr.rel @p1 .LBB1_5-.Ltmp2, $1  }
0x2c: {  	_ =	sdelay $0x3  }
0x2d: {  	s12 =	simm.s32 $0x1  }
0x2e: {  	_ =	swait.ge [sflag:s5], $0x2000;
	s12 =	simm.s32 @!p0 $0x0  }
0x2f: {  	[sflag:s5] =	ssyncset.done $0x0;
	s13 =	sshll.u32 s12, $0xD  }
0x30: {  	[sflag:s5] =	ssyncadd.s32 $0xFFFFE000;
	s16 =	sor.u32 $0x20, s13  }
0x31: {  	s12 =	smul.u32 $0x8100, s12;
	v3 =	vld [tilespmem:s16+$0x10]  }
0x32: {  	s30 =	sand.u32 $0x1, s10;
	v2 =	vld [tilespmem:s16+$0xFFFFFFF0]  }
0x33: {  	s13 =	smul.u32 $0x8100, s30;
	s12 =	sshrl.u32 s12, $0x2;
	v0 =	vld [tilespmem:s16+$0x0]  }
0x34: {  	v1 =	vld [tilespmem:s16+$0xFFFFFFE0];
	s14 =	sor.u32 $0x4000, s12  }
0x35: {  	s31 =	sshrl.u32 s13, $0x2;
	s13 =	sadd.s32 $0x0, s14  }
0x36: {  	s15 =	simm.s32 $0x4;
	s16 =	sadd.s32 $0x40, s16;
	s12 =	sor.u32 $0x4000, s31;
	[tilespmem:s13+$0x1830 ss:$0x81] =	vst.msk $0xffff, v3  }
.LBB1_3:
0x37: {  	v3 =	vld [tilespmem:s16+$0x10];
	p1 =	sne.s32 s15, $0x1FC;
	[tilespmem:s13+$0x810 ss:$0x81] =	vst.msk $0xffff, v2;
	s17 =	smov.u32 s15;
	s15 =	sadd.s32 $0x4, s15  }
.Ltmp3:
0x38: {  	v2 =	vld [tilespmem:s16+$0xFFFFFFF0];
	[tilespmem:s13+$0x1020 ss:$0x81] =	vst.msk $0xffff, v0;
	(pc) =	sbr.rel @p1 .LBB1_3-.Ltmp3, $4  }
0x39: {  	v0 =	vld [tilespmem:s16+$0x0];
	[tilespmem:s13+$0x0 ss:$0x81] =	vst.msk $0xffff, v1  }
0x3a: {  	s13 =	sshra.s32 s17, $0x2;
	v1 =	vld [tilespmem:s16+$0xFFFFFFE0]  }
0x3b: {  	s13 =	sadd.s32 s13, s14  }
0x3c: {  	s16 =	sadd.s32 $0x40, s16;
	[tilespmem:s13+$0x1830 ss:$0x81] =	vst.msk $0xffff, v3  }
.Ltmp4:
0x3d: {  	_ = 	snop;
	(pc) =	sbr.rel .LBB1_4-.Ltmp4, $1  }
0x3e: {  	_ =	sdelay $0x3  }
.LBB1_6:
0x3f: {  	_ =	sfence.sel $0x180000  }
0x40: {  	s2 =	simm.s32 $0x1;
	[bflag:$0x0] =	sbarrier.arrive $0xFFFF  }
0x41: {  	s31 =	simm.s32 $0x2;
	[sflag:s2] =	ssyncpa.u1 $0x1  }
0x42: {  	[sflag:s31] =	ssyncpa.u1 $0x1  }
0x43: {  	p0 =	sne.s32 s0, $0x0;
	_ =	strace $0x9000004A  }
0x44: {  	s0 =	sadd.s32 @!p0 $0x100000, s1;
	[bflag:$0x2] =	sbarrier.arrive $0xFFFF  }
0x45: {  	[sflag:s0] =	ssyncadd.tile.s32 @!p0 $0x1;
	_ =	shalt  }
.Lfunc_end1:
_tile_overlayer_lowered:
.L_overlay_start_2:
0x46: {  	(tag) =	ssettag $0x2  }
0x47: {  	s0 =	rddreg [dreg:$0x0];
	s2 =	stileid.u32  }
0x48: {  	s1 =	rddreg [dreg:$0x1];
	p0 =	sne.s32 s2, $0x0  }
0x49: {  	s3 =	rddreg [dreg:$0x2];
	[bflag:$0x3] =	sbarrier.arrive $0xFFFF;
	s2 =	simm.s32 @!p0 $0x1C01  }
0x4a: {  	[timem:s3], [sflag:s2] =	dma.local @!p0 [hbm:s0], s1  }
0x4b: {  	s0 =	simm.s32 @!p0 $0x1  }
0x4c: {  	_ =	swait.ge @!p0 [sflag:s0], s1  }
0x4d: {  	s1 =	ssub.s32 @!p0 $0x0, s1;
	[sflag:s0] =	ssyncset.done @!p0 $0x0  }
0x4e: {  	[sflag:s0] =	ssyncadd.s32 @!p0 s1  }
0x4f: {  	[bflag:$0x3] =	sbarrier.arrive $0xFFFF  }
0x50: {  	_ =	shalt  }

</sc_bundles>
